<compile_context>
chip_gen: v7x
topology: tpu7x:2x2x1
jax: 0.10.2.dev20260603
libtpu: 0.0.44.dev20260713+nightly
codegen_flags: <defaults>
</compile_context>

<pallas_src>
import functools

import jax
import jax.numpy as jnp
from jax import lax
from jax.experimental import pallas as pl
from jax.experimental.pallas import tpu as pltpu
from jax.experimental.pallas import tpu_sc as plsc


def kernel(indices, table, discrete_indices, offsets):
    B, S = indices.shape
    V, D = table.shape
    P = discrete_indices.shape[0]

    info = plsc.get_sparse_core_info()
    NC, NS, L = info.num_cores, info.num_subcores, info.num_lanes
    NW = NC * NS
    DG = D // 8
    BT = B // 128
    BW = B // NW
    TW = BW // 128
    NT = S * DG * TW
    SD = D + 1
    assert B % (128 * NW) == 0 and D % 8 == 0

    mesh = plsc.VectorSubcoreMesh(core_axis_name="c", subcore_axis_name="s")

    @functools.partial(
        pl.kernel,
        mesh=mesh,
        out_type=jax.ShapeDtypeStruct((S, DG, BT, 8, 128), jnp.float32),
        compiler_params=pltpu.CompilerParams(
            use_tc_tiling_on_sc=False, needs_layout_passes=False
        ),
        scratch_types=[
            pltpu.VMEM((S, BW), jnp.int32),
            pltpu.VMEM((128,), jnp.int32),
            pltpu.VMEM((P,), jnp.int32),
            pltpu.VMEM((P, D), jnp.float32),
            pltpu.VMEM(((P + 16) * SD,), jnp.float32),
            pltpu.VMEM((8, 8, 128), jnp.float32),
            pltpu.SemaphoreType.DMA,
            pltpu.SemaphoreType.DMA,
            pltpu.SemaphoreType.DMA,
        ],
    )
    def run(idxt_hbm, table_hbm, disc_hbm, offs_hbm, out_hbm,
            pk_v, offs_v, disc_v, sub_v, subp_v, ring_v, gsem, sem0, sem1):
        wid = lax.axis_index("c") * NS + lax.axis_index("s")
        b0 = wid * BW
        lane = lax.iota(jnp.int32, L)

        idx_cp = pltpu.async_copy(idxt_hbm.at[:, pl.ds(b0, BW)], pk_v, gsem)
        pltpu.sync_copy(disc_hbm, disc_v)
        pltpu.sync_copy(offs_hbm, offs_v.at[pl.ds(0, S)])

        sub_cp = pltpu.async_copy(table_hbm.at[disc_v], sub_v, gsem)

        idx_cp.wait()
        sub_cp.wait()

        def restride(p, _):
            for k in range(D // L):
                subp_v[pl.ds(p * SD + k * L, L)] = sub_v[p, pl.ds(k * L, L)]
            return 0

        lax.fori_loop(0, P, restride, 0, unroll=4)

        def tile_loop(i, _):
            s = i // (DG * TW)
            rem = i % (DG * TW)
            dg = rem // TW
            t = rem % TW
            slot = i % 8

            @pl.when(jnp.logical_and(i >= 8, i % 2 == 0))
            def _wait0():
                pltpu.make_async_copy(
                    ring_v.at[0], out_hbm.at[0, 0, 0], sem0
                ).wait()

            @pl.when(jnp.logical_and(i >= 8, i % 2 == 1))
            def _wait1():
                pltpu.make_async_copy(
                    ring_v.at[0], out_hbm.at[0, 0, 0], sem1
                ).wait()

            off = plsc.load_gather(offs_v, [jnp.full((L,), s, jnp.int32)])
            wbase = (off + lane) * SD + dg * 8
            w = [plsc.load_gather(subp_v, [wbase + dsub])
                 for dsub in range(8)]
            for b16 in range(8):
                r = pk_v[s, pl.ds(t * 128 + b16 * 16, L)]
                for dsub in range(8):
                    vals = lax.gather(
                        w[dsub], r[:, None],
                        lax.GatherDimensionNumbers(
                            offset_dims=(),
                            collapsed_slice_dims=(0,),
                            start_index_map=(0,),
                        ),
                        slice_sizes=(1,),
                        mode=lax.GatherScatterMode.PROMISE_IN_BOUNDS,
                    )
                    ring_v[slot, dsub, pl.ds(b16 * 16, L)] = vals

            @pl.when(i % 2 == 0)
            def _go0():
                pltpu.make_async_copy(
                    ring_v.at[slot],
                    out_hbm.at[s, dg, b0 // 128 + t],
                    sem0,
                ).start()

            @pl.when(i % 2 == 1)
            def _go1():
                pltpu.make_async_copy(
                    ring_v.at[slot],
                    out_hbm.at[s, dg, b0 // 128 + t],
                    sem1,
                ).start()

            return 0

        lax.fori_loop(0, NT, tile_loop, 0, unroll=4)

        for sem in (sem0, sem0, sem0, sem0, sem1, sem1, sem1, sem1):
            pltpu.make_async_copy(
                ring_v.at[0], out_hbm.at[0, 0, 0], sem
            ).wait()

    out5 = run(
        jnp.swapaxes(indices, 0, 1), table, discrete_indices, offsets
    )
    return out5.transpose(2, 4, 0, 1, 3).reshape(B, S, D)

# --- scband reference (transcript-rebuilt; emitter-appended) ---
"""Pipeline reference for scband-discrete-selector-1400159339149 (READ-ONLY COPY).

The authoritative reference and input builder live on the scoring server;
editing this copy changes nothing except your own understanding.
"""

import jax, jax.numpy as jnp
import numpy as np

NUM_SETS = 26
SET_LEN = 10
VOCAB = 100000
EMBED_DIM = 64
BATCH = 16384


def setup_inputs(seed: int = 0) -> dict:
    key = jax.random.key(seed)
    k1, k2 = jax.random.split(key)
    indices = jax.random.randint(k1, (BATCH, NUM_SETS), 0, SET_LEN, dtype=jnp.int32)
    table = jax.random.normal(k2, (VOCAB, EMBED_DIM), dtype=jnp.float32)
    # flattened discrete indices: set i maps its SET_LEN local ids to rows [i*1000, i*1000+SET_LEN)
    discrete_indices = jnp.asarray(
        np.concatenate([np.arange(SET_LEN) + i * 1000 for i in range(NUM_SETS)]),
        dtype=jnp.int32,
    )
    # exclusive cumsum of set lengths
    offsets = jnp.asarray(np.arange(NUM_SETS) * SET_LEN, dtype=jnp.int32)
    return {"indices": indices, "table": table, "discrete_indices": discrete_indices, "offsets": offsets}


def reference(indices, table, discrete_indices, offsets):
    # DiscreteSelector.embed
    # indices: [B, num_discrete_sets] local ids per set
    packed = indices + offsets[None, :]                 # shift into packed space
    embed_idx = jnp.take(discrete_indices, packed, axis=0)  # gather row ids in the embedding table
    out = jnp.take(table, embed_idx, axis=0)            # embedding lookup -> [B, num_sets, embed_dim]
    return out

if __name__ == "__main__":
    import jax
    _d = setup_inputs()
    print(jax.jit(kernel)(*tuple(_d.values())))

</pallas_src>

<mosaic_0001>
#map = affine_map<(d0, d1) -> (0, 0)>
#map1 = affine_map<(d0, d1) -> (0)>
#map2 = affine_map<(d0, d1) -> (0, 0, 0, 0, 0)>
module attributes {stable_mosaic.version = 14 : i64} {
  func.func @run(%arg0: i32, %arg1: i32, %arg2: memref<26x16384xi32, #tpu.memory_space<hbm>>, %arg3: memref<100000x64xf32, #tpu.memory_space<hbm>>, %arg4: memref<260xi32, #tpu.memory_space<hbm>>, %arg5: memref<26xi32, #tpu.memory_space<hbm>>, %arg6: memref<26x8x128x8x128xf32, #tpu.memory_space<hbm>>, %arg7: memref<26x512xi32, #tpu.memory_space<vmem>>, %arg8: memref<128xi32, #tpu.memory_space<vmem>>, %arg9: memref<260xi32, #tpu.memory_space<vmem>>, %arg10: memref<260x64xf32, #tpu.memory_space<vmem>>, %arg11: memref<17940xf32, #tpu.memory_space<vmem>>, %arg12: memref<8x8x128xf32, #tpu.memory_space<vmem>>, %arg13: memref<!tpu.dma_semaphore, #tpu.memory_space<semaphore_mem>>, %arg14: memref<!tpu.dma_semaphore, #tpu.memory_space<semaphore_mem>>, %arg15: memref<!tpu.dma_semaphore, #tpu.memory_space<semaphore_mem>>) attributes {dimension_semantics = [#tpu.dimension_semantics<core_parallel>, #tpu.dimension_semantics<subcore_parallel>], iteration_bounds = array<i64: 2, 16>, scalar_prefetch = 0 : i64, scratch_operands = 9 : i64, tpu.core_type = #tpu.core_type<sc_vector_subcore>, window_params = [{transform_indices = #map}, {transform_indices = #map}, {transform_indices = #map1}, {transform_indices = #map1}, {transform_indices = #map2}]} {
    %mul3A = arith.constant 16 : i32
    %mul3A_0 = arith.muli %arg0, %mul3A : i32
    %add3A = arith.addi %mul3A_0, %arg1 : i32
    %mul3A_1 = arith.constant 512 : i32
    %mul3A_2 = arith.muli %add3A, %mul3A_1 : i32
    %iota3A = tpu.iota {dimensions = array<i32: 0>} : vector<16xi32>
    %dma_start3A = arith.constant 0 : i32
    %dma_start3A_3 = tpu.memref_slice %arg2[%dma_start3A, %mul3A_2] : memref<26x16384xi32, #tpu.memory_space<hbm>> -> memref<26x512xi32, #tpu.memory_space<hbm>>
    %dma_start3A_4 = arith.constant 0 : i32
    %dma_start3A_5 = tpu.memref_slice %arg2[%dma_start3A_4, %mul3A_2] : memref<26x16384xi32, #tpu.memory_space<hbm>> -> memref<26x512xi32, #tpu.memory_space<hbm>>
    tpu.enqueue_dma source(%dma_start3A_5 : memref<26x512xi32, #tpu.memory_space<hbm>>) target(%arg7 : memref<26x512xi32, #tpu.memory_space<vmem>>) target_semaphore(%arg13 : memref<!tpu.dma_semaphore, #tpu.memory_space<semaphore_mem>>)
    "tpu.region"() ({
      %run_scoped3A = tpu.sem_alloc : memref<!tpu.dma_semaphore, #tpu.memory_space<semaphore_mem>>
      tpu.enqueue_dma source(%arg4 : memref<260xi32, #tpu.memory_space<hbm>>) target(%arg9 : memref<260xi32, #tpu.memory_space<vmem>>) target_semaphore(%run_scoped3A : memref<!tpu.dma_semaphore, #tpu.memory_space<semaphore_mem>>)
      tpu.wait_dma2 semaphore(%run_scoped3A : memref<!tpu.dma_semaphore, #tpu.memory_space<semaphore_mem>>) src(%arg4 : memref<260xi32, #tpu.memory_space<hbm>>) dst(%arg9 : memref<260xi32, #tpu.memory_space<vmem>>)
      tpu.yield
    }) : () -> ()
    "tpu.region"() ({
      %run_scoped3A = tpu.sem_alloc : memref<!tpu.dma_semaphore, #tpu.memory_space<semaphore_mem>>
      %dma_start3A_188 = arith.constant 0 : i32
      %dma_start3A_189 = tpu.memref_slice %arg8[%dma_start3A_188] : memref<128xi32, #tpu.memory_space<vmem>> -> memref<26xi32, #tpu.memory_space<vmem>>
      %dma_start3A_190 = arith.constant 0 : i32
      %dma_start3A_191 = tpu.memref_slice %arg8[%dma_start3A_190] : memref<128xi32, #tpu.memory_space<vmem>> -> memref<26xi32, #tpu.memory_space<vmem>>
      tpu.enqueue_dma source(%arg5 : memref<26xi32, #tpu.memory_space<hbm>>) target(%dma_start3A_191 : memref<26xi32, #tpu.memory_space<vmem>>) target_semaphore(%run_scoped3A : memref<!tpu.dma_semaphore, #tpu.memory_space<semaphore_mem>>)
      %dma_wait3A_192 = arith.constant 0 : i32
      %dma_wait3A_193 = tpu.memref_slice %arg8[%dma_wait3A_192] : memref<128xi32, #tpu.memory_space<vmem>> -> memref<26xi32, #tpu.memory_space<vmem>>
      %dma_wait3A_194 = arith.constant 0 : i32
      %dma_wait3A_195 = tpu.memref_slice %arg8[%dma_wait3A_194] : memref<128xi32, #tpu.memory_space<vmem>> -> memref<26xi32, #tpu.memory_space<vmem>>
      tpu.wait_dma2 semaphore(%run_scoped3A : memref<!tpu.dma_semaphore, #tpu.memory_space<semaphore_mem>>) src(%arg5 : memref<26xi32, #tpu.memory_space<hbm>>) dst(%dma_wait3A_195 : memref<26xi32, #tpu.memory_space<vmem>>)
      tpu.yield
    }) : () -> ()
    %dma_start3A_6 = arith.constant 0 : i32
    %dma_start3A_7 = arith.constant 0 : i32
    %dma_start3A_8 = tpu.memref_slice %arg3[%dma_start3A_6, %dma_start3A_7] : memref<100000x64xf32, #tpu.memory_space<hbm>> -> memref<100000x64xf32, #tpu.memory_space<hbm>>
    tpu.enqueue_indirect_dma source(%dma_start3A_8 : memref<100000x64xf32, #tpu.memory_space<hbm>>) target(%arg10 : memref<260x64xf32, #tpu.memory_space<vmem>>) offsets(%arg9 : memref<260xi32, #tpu.memory_space<vmem>>) semaphore(%arg13 : memref<!tpu.dma_semaphore, #tpu.memory_space<semaphore_mem>>)
    %dma_wait3A = arith.constant 0 : i32
    %dma_wait3A_9 = tpu.memref_slice %arg2[%dma_wait3A, %mul3A_2] : memref<26x16384xi32, #tpu.memory_space<hbm>> -> memref<26x512xi32, #tpu.memory_space<hbm>>
    %dma_wait3A_10 = arith.constant 0 : i32
    %dma_wait3A_11 = tpu.memref_slice %arg2[%dma_wait3A_10, %mul3A_2] : memref<26x16384xi32, #tpu.memory_space<hbm>> -> memref<26x512xi32, #tpu.memory_space<hbm>>
    tpu.wait_dma2 semaphore(%arg13 : memref<!tpu.dma_semaphore, #tpu.memory_space<semaphore_mem>>) src(%dma_wait3A_11 : memref<26x512xi32, #tpu.memory_space<hbm>>) dst(%arg7 : memref<26x512xi32, #tpu.memory_space<vmem>>)
    %dma_wait3A_12 = arith.constant 0 : i32
    %dma_wait3A_13 = arith.constant 0 : i32
    %dma_wait3A_14 = tpu.memref_slice %arg3[%dma_wait3A_12, %dma_wait3A_13] : memref<100000x64xf32, #tpu.memory_space<hbm>> -> memref<100000x64xf32, #tpu.memory_space<hbm>>
    tpu.wait_indirect_dma semaphore(%arg13 : memref<!tpu.dma_semaphore, #tpu.memory_space<semaphore_mem>>) src(%dma_wait3A_14 : memref<100000x64xf32, #tpu.memory_space<hbm>>) dst(%arg10 : memref<260x64xf32, #tpu.memory_space<vmem>>)
    %scan3A = arith.constant 0 : i32
    %scan3A_15 = arith.constant 0 : i32
    %scan3A_16 = arith.constant 260 : i32
    %scan3A_17 = arith.addi %scan3A_15, %scan3A_16 : i32
    %scan3A_18 = arith.constant 4 : i32
    %scan3A_19 = scf.for %scan3A_188 = %scan3A_15 to %scan3A_17 step %scan3A_18 iter_args(%scan3A_189 = %scan3A) -> (i32)  : i32 {
      %get3A = arith.index_cast %scan3A_188 : i32 to index
      %get3A_190 = arith.constant 0 : index
      %get3A_191 = tpu.vector_load %arg10[%get3A, %get3A_190] {strides = array<i32>} : memref<260x64xf32, #tpu.memory_space<vmem>>, vector<16xf32>,
      %mul3A_192 = arith.constant 65 : i32
      %mul3A_193 = arith.muli %scan3A_188, %mul3A_192 : i32
      %add3A_194 = arith.constant 0 : i32
      %add3A_195 = arith.addi %mul3A_193, %add3A_194 : i32
      %swap3A = arith.index_cast %add3A_195 : i32 to index
      %swap3A_196 = tpu.vector_load %arg11[%swap3A] {strides = array<i32>} : memref<17940xf32, #tpu.memory_space<vmem>>, vector<16xf32>,
      tpu.vector_store %arg11[%swap3A], %get3A_191 {strides = array<i32>} : memref<17940xf32, #tpu.memory_space<vmem>>, vector<16xf32>,
      %get3A_197 = arith.index_cast %scan3A_188 : i32 to index
      %get3A_198 = arith.constant 16 : index
      %get3A_199 = tpu.vector_load %arg10[%get3A_197, %get3A_198] {strides = array<i32>} : memref<260x64xf32, #tpu.memory_space<vmem>>, vector<16xf32>,
      %mul3A_200 = arith.constant 65 : i32
      %mul3A_201 = arith.muli %scan3A_188, %mul3A_200 : i32
      %add3A_202 = arith.constant 16 : i32
      %add3A_203 = arith.addi %mul3A_201, %add3A_202 : i32
      %swap3A_204 = arith.index_cast %add3A_203 : i32 to index
      %swap3A_205 = tpu.vector_load %arg11[%swap3A_204] {strides = array<i32>} : memref<17940xf32, #tpu.memory_space<vmem>>, vector<16xf32>,
      tpu.vector_store %arg11[%swap3A_204], %get3A_199 {strides = array<i32>} : memref<17940xf32, #tpu.memory_space<vmem>>, vector<16xf32>,
      %get3A_206 = arith.index_cast %scan3A_188 : i32 to index
      %get3A_207 = arith.constant 32 : index
      %get3A_208 = tpu.vector_load %arg10[%get3A_206, %get3A_207] {strides = array<i32>} : memref<260x64xf32, #tpu.memory_space<vmem>>, vector<16xf32>,
      %mul3A_209 = arith.constant 65 : i32
      %mul3A_210 = arith.muli %scan3A_188, %mul3A_209 : i32
      %add3A_211 = arith.constant 32 : i32
      %add3A_212 = arith.addi %mul3A_210, %add3A_211 : i32
      %swap3A_213 = arith.index_cast %add3A_212 : i32 to index
      %swap3A_214 = tpu.vector_load %arg11[%swap3A_213] {strides = array<i32>} : memref<17940xf32, #tpu.memory_space<vmem>>, vector<16xf32>,
      tpu.vector_store %arg11[%swap3A_213], %get3A_208 {strides = array<i32>} : memref<17940xf32, #tpu.memory_space<vmem>>, vector<16xf32>,
      %get3A_215 = arith.index_cast %scan3A_188 : i32 to index
      %get3A_216 = arith.constant 48 : index
      %get3A_217 = tpu.vector_load %arg10[%get3A_215, %get3A_216] {strides = array<i32>} : memref<260x64xf32, #tpu.memory_space<vmem>>, vector<16xf32>,
      %mul3A_218 = arith.constant 65 : i32
      %mul3A_219 = arith.muli %scan3A_188, %mul3A_218 : i32
      %add3A_220 = arith.constant 48 : i32
      %add3A_221 = arith.addi %mul3A_219, %add3A_220 : i32
      %swap3A_222 = arith.index_cast %add3A_221 : i32 to index
      %swap3A_223 = tpu.vector_load %arg11[%swap3A_222] {strides = array<i32>} : memref<17940xf32, #tpu.memory_space<vmem>>, vector<16xf32>,
      tpu.vector_store %arg11[%swap3A_222], %get3A_217 {strides = array<i32>} : memref<17940xf32, #tpu.memory_space<vmem>>, vector<16xf32>,
      %scan3A_224 = arith.constant 0 : i32
      %scan3A_225 = arith.constant 1 : i32
      %scan3A_226 = arith.addi %scan3A_188, %scan3A_225 : i32
      %get3A_227 = arith.index_cast %scan3A_226 : i32 to index
      %get3A_228 = arith.constant 0 : index
      %get3A_229 = tpu.vector_load %arg10[%get3A_227, %get3A_228] {strides = array<i32>} : memref<260x64xf32, #tpu.memory_space<vmem>>, vector<16xf32>,
      %mul3A_230 = arith.constant 65 : i32
      %mul3A_231 = arith.muli %scan3A_226, %mul3A_230 : i32
      %add3A_232 = arith.constant 0 : i32
      %add3A_233 = arith.addi %mul3A_231, %add3A_232 : i32
      %swap3A_234 = arith.index_cast %add3A_233 : i32 to index
      %swap3A_235 = tpu.vector_load %arg11[%swap3A_234] {strides = array<i32>} : memref<17940xf32, #tpu.memory_space<vmem>>, vector<16xf32>,
      tpu.vector_store %arg11[%swap3A_234], %get3A_229 {strides = array<i32>} : memref<17940xf32, #tpu.memory_space<vmem>>, vector<16xf32>,
      %get3A_236 = arith.index_cast %scan3A_226 : i32 to index
      %get3A_237 = arith.constant 16 : index
      %get3A_238 = tpu.vector_load %arg10[%get3A_236, %get3A_237] {strides = array<i32>} : memref<260x64xf32, #tpu.memory_space<vmem>>, vector<16xf32>,
      %mul3A_239 = arith.constant 65 : i32
      %mul3A_240 = arith.muli %scan3A_226, %mul3A_239 : i32
      %add3A_241 = arith.constant 16 : i32
      %add3A_242 = arith.addi %mul3A_240, %add3A_241 : i32
      %swap3A_243 = arith.index_cast %add3A_242 : i32 to index
      %swap3A_244 = tpu.vector_load %arg11[%swap3A_243] {strides = array<i32>} : memref<17940xf32, #tpu.memory_space<vmem>>, vector<16xf32>,
      tpu.vector_store %arg11[%swap3A_243], %get3A_238 {strides = array<i32>} : memref<17940xf32, #tpu.memory_space<vmem>>, vector<16xf32>,
      %get3A_245 = arith.index_cast %scan3A_226 : i32 to index
      %get3A_246 = arith.constant 32 : index
      %get3A_247 = tpu.vector_load %arg10[%get3A_245, %get3A_246] {strides = array<i32>} : memref<260x64xf32, #tpu.memory_space<vmem>>, vector<16xf32>,
      %mul3A_248 = arith.constant 65 : i32
      %mul3A_249 = arith.muli %scan3A_226, %mul3A_248 : i32
      %add3A_250 = arith.constant 32 : i32
      %add3A_251 = arith.addi %mul3A_249, %add3A_250 : i32
      %swap3A_252 = arith.index_cast %add3A_251 : i32 to index
      %swap3A_253 = tpu.vector_load %arg11[%swap3A_252] {strides = array<i32>} : memref<17940xf32, #tpu.memory_space<vmem>>, vector<16xf32>,
      tpu.vector_store %arg11[%swap3A_252], %get3A_247 {strides = array<i32>} : memref<17940xf32, #tpu.memory_space<vmem>>, vector<16xf32>,
      %get3A_254 = arith.index_cast %scan3A_226 : i32 to index
      %get3A_255 = arith.constant 48 : index
      %get3A_256 = tpu.vector_load %arg10[%get3A_254, %get3A_255] {strides = array<i32>} : memref<260x64xf32, #tpu.memory_space<vmem>>, vector<16xf32>,
      %mul3A_257 = arith.constant 65 : i32
      %mul3A_258 = arith.muli %scan3A_226, %mul3A_257 : i32
      %add3A_259 = arith.constant 48 : i32
      %add3A_260 = arith.addi %mul3A_258, %add3A_259 : i32
      %swap3A_261 = arith.index_cast %add3A_260 : i32 to index
      %swap3A_262 = tpu.vector_load %arg11[%swap3A_261] {strides = array<i32>} : memref<17940xf32, #tpu.memory_space<vmem>>, vector<16xf32>,
      tpu.vector_store %arg11[%swap3A_261], %get3A_256 {strides = array<i32>} : memref<17940xf32, #tpu.memory_space<vmem>>, vector<16xf32>,
      %scan3A_263 = arith.constant 0 : i32
      %scan3A_264 = arith.constant 2 : i32
      %scan3A_265 = arith.addi %scan3A_188, %scan3A_264 : i32
      %get3A_266 = arith.index_cast %scan3A_265 : i32 to index
      %get3A_267 = arith.constant 0 : index
      %get3A_268 = tpu.vector_load %arg10[%get3A_266, %get3A_267] {strides = array<i32>} : memref<260x64xf32, #tpu.memory_space<vmem>>, vector<16xf32>,
      %mul3A_269 = arith.constant 65 : i32
      %mul3A_270 = arith.muli %scan3A_265, %mul3A_269 : i32
      %add3A_271 = arith.constant 0 : i32
      %add3A_272 = arith.addi %mul3A_270, %add3A_271 : i32
      %swap3A_273 = arith.index_cast %add3A_272 : i32 to index
      %swap3A_274 = tpu.vector_load %arg11[%swap3A_273] {strides = array<i32>} : memref<17940xf32, #tpu.memory_space<vmem>>, vector<16xf32>,
      tpu.vector_store %arg11[%swap3A_273], %get3A_268 {strides = array<i32>} : memref<17940xf32, #tpu.memory_space<vmem>>, vector<16xf32>,
      %get3A_275 = arith.index_cast %scan3A_265 : i32 to index
      %get3A_276 = arith.constant 16 : index
      %get3A_277 = tpu.vector_load %arg10[%get3A_275, %get3A_276] {strides = array<i32>} : memref<260x64xf32, #tpu.memory_space<vmem>>, vector<16xf32>,
      %mul3A_278 = arith.constant 65 : i32
      %mul3A_279 = arith.muli %scan3A_265, %mul3A_278 : i32
      %add3A_280 = arith.constant 16 : i32
      %add3A_281 = arith.addi %mul3A_279, %add3A_280 : i32
      %swap3A_282 = arith.index_cast %add3A_281 : i32 to index
      %swap3A_283 = tpu.vector_load %arg11[%swap3A_282] {strides = array<i32>} : memref<17940xf32, #tpu.memory_space<vmem>>, vector<16xf32>,
      tpu.vector_store %arg11[%swap3A_282], %get3A_277 {strides = array<i32>} : memref<17940xf32, #tpu.memory_space<vmem>>, vector<16xf32>,
      %get3A_284 = arith.index_cast %scan3A_265 : i32 to index
      %get3A_285 = arith.constant 32 : index
      %get3A_286 = tpu.vector_load %arg10[%get3A_284, %get3A_285] {strides = array<i32>} : memref<260x64xf32, #tpu.memory_space<vmem>>, vector<16xf32>,
      %mul3A_287 = arith.constant 65 : i32
      %mul3A_288 = arith.muli %scan3A_265, %mul3A_287 : i32
      %add3A_289 = arith.constant 32 : i32
      %add3A_290 = arith.addi %mul3A_288, %add3A_289 : i32
      %swap3A_291 = arith.index_cast %add3A_290 : i32 to index
      %swap3A_292 = tpu.vector_load %arg11[%swap3A_291] {strides = array<i32>} : memref<17940xf32, #tpu.memory_space<vmem>>, vector<16xf32>,
      tpu.vector_store %arg11[%swap3A_291], %get3A_286 {strides = array<i32>} : memref<17940xf32, #tpu.memory_space<vmem>>, vector<16xf32>,
      %get3A_293 = arith.index_cast %scan3A_265 : i32 to index
      %get3A_294 = arith.constant 48 : index
      %get3A_295 = tpu.vector_load %arg10[%get3A_293, %get3A_294] {strides = array<i32>} : memref<260x64xf32, #tpu.memory_space<vmem>>, vector<16xf32>,
      %mul3A_296 = arith.constant 65 : i32
      %mul3A_297 = arith.muli %scan3A_265, %mul3A_296 : i32
      %add3A_298 = arith.constant 48 : i32
      %add3A_299 = arith.addi %mul3A_297, %add3A_298 : i32
      %swap3A_300 = arith.index_cast %add3A_299 : i32 to index
      %swap3A_301 = tpu.vector_load %arg11[%swap3A_300] {strides = array<i32>} : memref<17940xf32, #tpu.memory_space<vmem>>, vector<16xf32>,
      tpu.vector_store %arg11[%swap3A_300], %get3A_295 {strides = array<i32>} : memref<17940xf32, #tpu.memory_space<vmem>>, vector<16xf32>,
      %scan3A_302 = arith.constant 0 : i32
      %scan3A_303 = arith.constant 3 : i32
      %scan3A_304 = arith.addi %scan3A_188, %scan3A_303 : i32
      %get3A_305 = arith.index_cast %scan3A_304 : i32 to index
      %get3A_306 = arith.constant 0 : index
      %get3A_307 = tpu.vector_load %arg10[%get3A_305, %get3A_306] {strides = array<i32>} : memref<260x64xf32, #tpu.memory_space<vmem>>, vector<16xf32>,
      %mul3A_308 = arith.constant 65 : i32
      %mul3A_309 = arith.muli %scan3A_304, %mul3A_308 : i32
      %add3A_310 = arith.constant 0 : i32
      %add3A_311 = arith.addi %mul3A_309, %add3A_310 : i32
      %swap3A_312 = arith.index_cast %add3A_311 : i32 to index
      %swap3A_313 = tpu.vector_load %arg11[%swap3A_312] {strides = array<i32>} : memref<17940xf32, #tpu.memory_space<vmem>>, vector<16xf32>,
      tpu.vector_store %arg11[%swap3A_312], %get3A_307 {strides = array<i32>} : memref<17940xf32, #tpu.memory_space<vmem>>, vector<16xf32>,
      %get3A_314 = arith.index_cast %scan3A_304 : i32 to index
      %get3A_315 = arith.constant 16 : index
      %get3A_316 = tpu.vector_load %arg10[%get3A_314, %get3A_315] {strides = array<i32>} : memref<260x64xf32, #tpu.memory_space<vmem>>, vector<16xf32>,
      %mul3A_317 = arith.constant 65 : i32
      %mul3A_318 = arith.muli %scan3A_304, %mul3A_317 : i32
      %add3A_319 = arith.constant 16 : i32
      %add3A_320 = arith.addi %mul3A_318, %add3A_319 : i32
      %swap3A_321 = arith.index_cast %add3A_320 : i32 to index
      %swap3A_322 = tpu.vector_load %arg11[%swap3A_321] {strides = array<i32>} : memref<17940xf32, #tpu.memory_space<vmem>>, vector<16xf32>,
      tpu.vector_store %arg11[%swap3A_321], %get3A_316 {strides = array<i32>} : memref<17940xf32, #tpu.memory_space<vmem>>, vector<16xf32>,
      %get3A_323 = arith.index_cast %scan3A_304 : i32 to index
      %get3A_324 = arith.constant 32 : index
      %get3A_325 = tpu.vector_load %arg10[%get3A_323, %get3A_324] {strides = array<i32>} : memref<260x64xf32, #tpu.memory_space<vmem>>, vector<16xf32>,
      %mul3A_326 = arith.constant 65 : i32
      %mul3A_327 = arith.muli %scan3A_304, %mul3A_326 : i32
      %add3A_328 = arith.constant 32 : i32
      %add3A_329 = arith.addi %mul3A_327, %add3A_328 : i32
      %swap3A_330 = arith.index_cast %add3A_329 : i32 to index
      %swap3A_331 = tpu.vector_load %arg11[%swap3A_330] {strides = array<i32>} : memref<17940xf32, #tpu.memory_space<vmem>>, vector<16xf32>,
      tpu.vector_store %arg11[%swap3A_330], %get3A_325 {strides = array<i32>} : memref<17940xf32, #tpu.memory_space<vmem>>, vector<16xf32>,
      %get3A_332 = arith.index_cast %scan3A_304 : i32 to index
      %get3A_333 = arith.constant 48 : index
      %get3A_334 = tpu.vector_load %arg10[%get3A_332, %get3A_333] {strides = array<i32>} : memref<260x64xf32, #tpu.memory_space<vmem>>, vector<16xf32>,
      %mul3A_335 = arith.constant 65 : i32
      %mul3A_336 = arith.muli %scan3A_304, %mul3A_335 : i32
      %add3A_337 = arith.constant 48 : i32
      %add3A_338 = arith.addi %mul3A_336, %add3A_337 : i32
      %swap3A_339 = arith.index_cast %add3A_338 : i32 to index
      %swap3A_340 = tpu.vector_load %arg11[%swap3A_339] {strides = array<i32>} : memref<17940xf32, #tpu.memory_space<vmem>>, vector<16xf32>,
      tpu.vector_store %arg11[%swap3A_339], %get3A_334 {strides = array<i32>} : memref<17940xf32, #tpu.memory_space<vmem>>, vector<16xf32>,
      %scan3A_341 = arith.constant 0 : i32
      scf.yield %scan3A_341 : i32
    }
    %scan3A_20 = arith.constant 260 : i32
    %scan3A_21 = arith.constant 0 : i32
    %scan3A_22 = arith.constant 0 : i32
    %scan3A_23 = arith.constant 832 : i32
    %scan3A_24 = arith.addi %scan3A_22, %scan3A_23 : i32
    %scan3A_25 = arith.constant 4 : i32
    %scan3A_26 = scf.for %scan3A_188 = %scan3A_22 to %scan3A_24 step %scan3A_25 iter_args(%scan3A_189 = %scan3A_21) -> (i32)  : i32 {
      %jit3A = arith.constant 32 : i32
      %div3A = arith.divsi %scan3A_188, %jit3A : i32
      %sign3A = arith.constant 0 : i32
      %sign3A_190 = arith.cmpi sgt, %scan3A_188, %sign3A : i32
      %sign3A_191 = arith.extui %sign3A_190 : i1 to i32
      %sign3A_192 = arith.constant 0 : i32
      %sign3A_193 = arith.cmpi slt, %scan3A_188, %sign3A_192 : i32
      %sign3A_194 = arith.extui %sign3A_193 : i1 to i32
      %sign3A_195 = arith.subi %sign3A_191, %sign3A_194 : i32
      %sign3A_196 = arith.constant 0 : i32
      %sign3A_197 = arith.cmpi sgt, %jit3A, %sign3A_196 : i32
      %sign3A_198 = arith.extui %sign3A_197 : i1 to i32
      %sign3A_199 = arith.constant 0 : i32
      %sign3A_200 = arith.cmpi slt, %jit3A, %sign3A_199 : i32
      %sign3A_201 = arith.extui %sign3A_200 : i1 to i32
      %sign3A_202 = arith.subi %sign3A_198, %sign3A_201 : i32
      %ne3A = arith.cmpi ne, %sign3A_195, %sign3A_202 : i32
      %rem3A = arith.remsi %scan3A_188, %jit3A : i32
      %ne3A_203 = arith.constant 0 : i32
      %ne3A_204 = arith.cmpi ne, %rem3A, %ne3A_203 : i32
      %and3A = arith.andi %ne3A, %ne3A_204 : i1
      %sub3A = arith.constant 1 : i32
      %sub3A_205 = arith.subi %div3A, %sub3A : i32
      %select_n3A = arith.select %and3A, %sub3A_205, %div3A : i32
      %jit3A_206 = arith.constant 32 : i32
      %eq3A = arith.constant 0 : i32
      %eq3A_207 = arith.cmpi eq, %jit3A_206, %eq3A : i32
      %jit3A_208 = arith.constant 1 : i32
      %select_n3A_209 = arith.select %eq3A_207, %jit3A_208, %jit3A_206 : i32
      %rem3A_210 = arith.remsi %scan3A_188, %select_n3A_209 : i32
      %ne3A_211 = arith.constant 0 : i32
      %ne3A_212 = arith.cmpi ne, %rem3A_210, %ne3A_211 : i32
      %lt3A = arith.constant 0 : i32
      %lt3A_213 = arith.cmpi slt, %rem3A_210, %lt3A : i32
      %lt3A_214 = arith.constant 0 : i32
      %lt3A_215 = arith.cmpi slt, %select_n3A_209, %lt3A_214 : i32
      %ne3A_216 = arith.xori %lt3A_213, %lt3A_215 : i1
      %and3A_217 = arith.andi %ne3A_216, %ne3A_212 : i1
      %add3A_218 = arith.addi %rem3A_210, %select_n3A_209 : i32
      %select_n3A_219 = arith.select %and3A_217, %add3A_218, %rem3A_210 : i32
      %jit3A_220 = arith.constant 4 : i32
      %div3A_221 = arith.divsi %select_n3A_219, %jit3A_220 : i32
      %sign3A_222 = arith.constant 0 : i32
      %sign3A_223 = arith.cmpi sgt, %select_n3A_219, %sign3A_222 : i32
      %sign3A_224 = arith.extui %sign3A_223 : i1 to i32
      %sign3A_225 = arith.constant 0 : i32
      %sign3A_226 = arith.cmpi slt, %select_n3A_219, %sign3A_225 : i32
      %sign3A_227 = arith.extui %sign3A_226 : i1 to i32
      %sign3A_228 = arith.subi %sign3A_224, %sign3A_227 : i32
      %sign3A_229 = arith.constant 0 : i32
      %sign3A_230 = arith.cmpi sgt, %jit3A_220, %sign3A_229 : i32
      %sign3A_231 = arith.extui %sign3A_230 : i1 to i32
      %sign3A_232 = arith.constant 0 : i32
      %sign3A_233 = arith.cmpi slt, %jit3A_220, %sign3A_232 : i32
      %sign3A_234 = arith.extui %sign3A_233 : i1 to i32
      %sign3A_235 = arith.subi %sign3A_231, %sign3A_234 : i32
      %ne3A_236 = arith.cmpi ne, %sign3A_228, %sign3A_235 : i32
      %rem3A_237 = arith.remsi %select_n3A_219, %jit3A_220 : i32
      %ne3A_238 = arith.constant 0 : i32
      %ne3A_239 = arith.cmpi ne, %rem3A_237, %ne3A_238 : i32
      %and3A_240 = arith.andi %ne3A_236, %ne3A_239 : i1
      %sub3A_241 = arith.constant 1 : i32
      %sub3A_242 = arith.subi %div3A_221, %sub3A_241 : i32
      %select_n3A_243 = arith.select %and3A_240, %sub3A_242, %div3A_221 : i32
      %jit3A_244 = arith.constant 4 : i32
      %eq3A_245 = arith.constant 0 : i32
      %eq3A_246 = arith.cmpi eq, %jit3A_244, %eq3A_245 : i32
      %jit3A_247 = arith.constant 1 : i32
      %select_n3A_248 = arith.select %eq3A_246, %jit3A_247, %jit3A_244 : i32
      %rem3A_249 = arith.remsi %select_n3A_219, %select_n3A_248 : i32
      %ne3A_250 = arith.constant 0 : i32
      %ne3A_251 = arith.cmpi ne, %rem3A_249, %ne3A_250 : i32
      %lt3A_252 = arith.constant 0 : i32
      %lt3A_253 = arith.cmpi slt, %rem3A_249, %lt3A_252 : i32
      %lt3A_254 = arith.constant 0 : i32
      %lt3A_255 = arith.cmpi slt, %select_n3A_248, %lt3A_254 : i32
      %ne3A_256 = arith.xori %lt3A_253, %lt3A_255 : i1
      %and3A_257 = arith.andi %ne3A_256, %ne3A_251 : i1
      %add3A_258 = arith.addi %rem3A_249, %select_n3A_248 : i32
      %select_n3A_259 = arith.select %and3A_257, %add3A_258, %rem3A_249 : i32
      %jit3A_260 = arith.constant 8 : i32
      %eq3A_261 = arith.constant 0 : i32
      %eq3A_262 = arith.cmpi eq, %jit3A_260, %eq3A_261 : i32
      %jit3A_263 = arith.constant 1 : i32
      %select_n3A_264 = arith.select %eq3A_262, %jit3A_263, %jit3A_260 : i32
      %rem3A_265 = arith.remsi %scan3A_188, %select_n3A_264 : i32
      %ne3A_266 = arith.constant 0 : i32
      %ne3A_267 = arith.cmpi ne, %rem3A_265, %ne3A_266 : i32
      %lt3A_268 = arith.constant 0 : i32
      %lt3A_269 = arith.cmpi slt, %rem3A_265, %lt3A_268 : i32
      %lt3A_270 = arith.constant 0 : i32
      %lt3A_271 = arith.cmpi slt, %select_n3A_264, %lt3A_270 : i32
      %ne3A_272 = arith.xori %lt3A_269, %lt3A_271 : i1
      %and3A_273 = arith.andi %ne3A_272, %ne3A_267 : i1
      %add3A_274 = arith.addi %rem3A_265, %select_n3A_264 : i32
      %select_n3A_275 = arith.select %and3A_273, %add3A_274, %rem3A_265 : i32
      %ge3A = arith.constant 8 : i32
      %ge3A_276 = arith.cmpi sge, %scan3A_188, %ge3A : i32
      %jit3A_277 = arith.constant 2 : i32
      %eq3A_278 = arith.constant 0 : i32
      %eq3A_279 = arith.cmpi eq, %jit3A_277, %eq3A_278 : i32
      %jit3A_280 = arith.constant 1 : i32
      %select_n3A_281 = arith.select %eq3A_279, %jit3A_280, %jit3A_277 : i32
      %rem3A_282 = arith.remsi %scan3A_188, %select_n3A_281 : i32
      %ne3A_283 = arith.constant 0 : i32
      %ne3A_284 = arith.cmpi ne, %rem3A_282, %ne3A_283 : i32
      %lt3A_285 = arith.constant 0 : i32
      %lt3A_286 = arith.cmpi slt, %rem3A_282, %lt3A_285 : i32
      %lt3A_287 = arith.constant 0 : i32
      %lt3A_288 = arith.cmpi slt, %select_n3A_281, %lt3A_287 : i32
      %ne3A_289 = arith.xori %lt3A_286, %lt3A_288 : i1
      %and3A_290 = arith.andi %ne3A_289, %ne3A_284 : i1
      %add3A_291 = arith.addi %rem3A_282, %select_n3A_281 : i32
      %select_n3A_292 = arith.select %and3A_290, %add3A_291, %rem3A_282 : i32
      %eq3A_293 = arith.constant 0 : i32
      %eq3A_294 = arith.cmpi eq, %select_n3A_292, %eq3A_293 : i32
      %and3A_295 = arith.andi %ge3A_276, %eq3A_294 : i1
      %convert_element_type3A = arith.extui %and3A_295 : i1 to i32
      %cond3A = arith.constant 0 : i32
      %cond3A_296 = arith.cmpi ne, %convert_element_type3A, %cond3A : i32
      scf.if %cond3A_296 {
        %dma_wait3A_3367 = arith.constant 0 : i32
        %dma_wait3A_3368 = arith.constant 0 : i32
        %dma_wait3A_3369 = arith.constant 0 : i32
        %dma_wait3A_3370 = arith.constant 0 : i32
        %dma_wait3A_3371 = arith.constant 0 : i32
        %dma_wait3A_3372 = arith.constant 0 : i32
        %dma_wait3A_3373 = tpu.memref_slice %arg12[%dma_wait3A_3367, %dma_wait3A_3371, %dma_wait3A_3372] : memref<8x8x128xf32, #tpu.memory_space<vmem>> -> memref<1x8x128xf32, #tpu.memory_space<vmem>>
        %dma_wait3A_3374 = tpu.memref_squeeze %dma_wait3A_3373 : memref<1x8x128xf32, #tpu.memory_space<vmem>> -> memref<8x128xf32, #tpu.memory_space<vmem>>
        %dma_wait3A_3375 = arith.constant 0 : i32
        %dma_wait3A_3376 = arith.constant 0 : i32
        %dma_wait3A_3377 = tpu.memref_slice %arg6[%dma_wait3A_3368, %dma_wait3A_3369, %dma_wait3A_3370, %dma_wait3A_3375, %dma_wait3A_3376] : memref<26x8x128x8x128xf32, #tpu.memory_space<hbm>> -> memref<1x1x1x8x128xf32, #tpu.memory_space<hbm>>
        %dma_wait3A_3378 = tpu.memref_squeeze %dma_wait3A_3377 : memref<1x1x1x8x128xf32, #tpu.memory_space<hbm>> -> memref<8x128xf32, #tpu.memory_space<hbm>>
        %dma_wait3A_3379 = arith.constant 0 : i32
        %dma_wait3A_3380 = arith.constant 0 : i32
        %dma_wait3A_3381 = tpu.memref_slice %arg6[%dma_wait3A_3368, %dma_wait3A_3369, %dma_wait3A_3370, %dma_wait3A_3379, %dma_wait3A_3380] : memref<26x8x128x8x128xf32, #tpu.memory_space<hbm>> -> memref<1x1x1x8x128xf32, #tpu.memory_space<hbm>>
        %dma_wait3A_3382 = tpu.memref_squeeze %dma_wait3A_3381 : memref<1x1x1x8x128xf32, #tpu.memory_space<hbm>> -> memref<8x128xf32, #tpu.memory_space<hbm>>
        %dma_wait3A_3383 = arith.constant 0 : i32
        %dma_wait3A_3384 = arith.constant 0 : i32
        %dma_wait3A_3385 = tpu.memref_slice %arg12[%dma_wait3A_3367, %dma_wait3A_3383, %dma_wait3A_3384] : memref<8x8x128xf32, #tpu.memory_space<vmem>> -> memref<1x8x128xf32, #tpu.memory_space<vmem>>
        %dma_wait3A_3386 = tpu.memref_squeeze %dma_wait3A_3385 : memref<1x8x128xf32, #tpu.memory_space<vmem>> -> memref<8x128xf32, #tpu.memory_space<vmem>>
        tpu.wait_dma2 semaphore(%arg14 : memref<!tpu.dma_semaphore, #tpu.memory_space<semaphore_mem>>) src(%dma_wait3A_3386 : memref<8x128xf32, #tpu.memory_space<vmem>>) dst(%dma_wait3A_3382 : memref<8x128xf32, #tpu.memory_space<hbm>>)
      } else {
      }
      %ge3A_297 = arith.constant 8 : i32
      %ge3A_298 = arith.cmpi sge, %scan3A_188, %ge3A_297 : i32
      %jit3A_299 = arith.constant 2 : i32
      %eq3A_300 = arith.constant 0 : i32
      %eq3A_301 = arith.cmpi eq, %jit3A_299, %eq3A_300 : i32
      %jit3A_302 = arith.constant 1 : i32
      %select_n3A_303 = arith.select %eq3A_301, %jit3A_302, %jit3A_299 : i32
      %rem3A_304 = arith.remsi %scan3A_188, %select_n3A_303 : i32
      %ne3A_305 = arith.constant 0 : i32
      %ne3A_306 = arith.cmpi ne, %rem3A_304, %ne3A_305 : i32
      %lt3A_307 = arith.constant 0 : i32
      %lt3A_308 = arith.cmpi slt, %rem3A_304, %lt3A_307 : i32
      %lt3A_309 = arith.constant 0 : i32
      %lt3A_310 = arith.cmpi slt, %select_n3A_303, %lt3A_309 : i32
      %ne3A_311 = arith.xori %lt3A_308, %lt3A_310 : i1
      %and3A_312 = arith.andi %ne3A_311, %ne3A_306 : i1
      %add3A_313 = arith.addi %rem3A_304, %select_n3A_303 : i32
      %select_n3A_314 = arith.select %and3A_312, %add3A_313, %rem3A_304 : i32
      %eq3A_315 = arith.constant 1 : i32
      %eq3A_316 = arith.cmpi eq, %select_n3A_314, %eq3A_315 : i32
      %and3A_317 = arith.andi %ge3A_298, %eq3A_316 : i1
      %convert_element_type3A_318 = arith.extui %and3A_317 : i1 to i32
      %cond3A_319 = arith.constant 0 : i32
      %cond3A_320 = arith.cmpi ne, %convert_element_type3A_318, %cond3A_319 : i32
      scf.if %cond3A_320 {
        %dma_wait3A_3367 = arith.constant 0 : i32
        %dma_wait3A_3368 = arith.constant 0 : i32
        %dma_wait3A_3369 = arith.constant 0 : i32
        %dma_wait3A_3370 = arith.constant 0 : i32
        %dma_wait3A_3371 = arith.constant 0 : i32
        %dma_wait3A_3372 = arith.constant 0 : i32
        %dma_wait3A_3373 = tpu.memref_slice %arg12[%dma_wait3A_3367, %dma_wait3A_3371, %dma_wait3A_3372] : memref<8x8x128xf32, #tpu.memory_space<vmem>> -> memref<1x8x128xf32, #tpu.memory_space<vmem>>
        %dma_wait3A_3374 = tpu.memref_squeeze %dma_wait3A_3373 : memref<1x8x128xf32, #tpu.memory_space<vmem>> -> memref<8x128xf32, #tpu.memory_space<vmem>>
        %dma_wait3A_3375 = arith.constant 0 : i32
        %dma_wait3A_3376 = arith.constant 0 : i32
        %dma_wait3A_3377 = tpu.memref_slice %arg6[%dma_wait3A_3368, %dma_wait3A_3369, %dma_wait3A_3370, %dma_wait3A_3375, %dma_wait3A_3376] : memref<26x8x128x8x128xf32, #tpu.memory_space<hbm>> -> memref<1x1x1x8x128xf32, #tpu.memory_space<hbm>>
        %dma_wait3A_3378 = tpu.memref_squeeze %dma_wait3A_3377 : memref<1x1x1x8x128xf32, #tpu.memory_space<hbm>> -> memref<8x128xf32, #tpu.memory_space<hbm>>
        %dma_wait3A_3379 = arith.constant 0 : i32
        %dma_wait3A_3380 = arith.constant 0 : i32
        %dma_wait3A_3381 = tpu.memref_slice %arg6[%dma_wait3A_3368, %dma_wait3A_3369, %dma_wait3A_3370, %dma_wait3A_3379, %dma_wait3A_3380] : memref<26x8x128x8x128xf32, #tpu.memory_space<hbm>> -> memref<1x1x1x8x128xf32, #tpu.memory_space<hbm>>
        %dma_wait3A_3382 = tpu.memref_squeeze %dma_wait3A_3381 : memref<1x1x1x8x128xf32, #tpu.memory_space<hbm>> -> memref<8x128xf32, #tpu.memory_space<hbm>>
        %dma_wait3A_3383 = arith.constant 0 : i32
        %dma_wait3A_3384 = arith.constant 0 : i32
        %dma_wait3A_3385 = tpu.memref_slice %arg12[%dma_wait3A_3367, %dma_wait3A_3383, %dma_wait3A_3384] : memref<8x8x128xf32, #tpu.memory_space<vmem>> -> memref<1x8x128xf32, #tpu.memory_space<vmem>>
        %dma_wait3A_3386 = tpu.memref_squeeze %dma_wait3A_3385 : memref<1x8x128xf32, #tpu.memory_space<vmem>> -> memref<8x128xf32, #tpu.memory_space<vmem>>
        tpu.wait_dma2 semaphore(%arg15 : memref<!tpu.dma_semaphore, #tpu.memory_space<semaphore_mem>>) src(%dma_wait3A_3386 : memref<8x128xf32, #tpu.memory_space<vmem>>) dst(%dma_wait3A_3382 : memref<8x128xf32, #tpu.memory_space<hbm>>)
      } else {
      }
      %broadcast_in_dim3A = vector.broadcast %select_n3A : i32 to vector<16xi32>
      %gather3A = tpu.vector_load_idx %arg8[%broadcast_in_dim3A] : memref<128xi32, #tpu.memory_space<vmem>>[vector<16xi32>], vector<16xi32>,
      %add3A_321 = arith.addi %gather3A, %iota3A : vector<16xi32>
      %mul3A_322 = arith.constant 65 : i32
      %mul3A_323 = vector.broadcast %mul3A_322 : i32 to vector<16xi32>
      %mul3A_324 = arith.muli %add3A_321, %mul3A_323 : vector<16xi32>
      %mul3A_325 = arith.constant 8 : i32
      %mul3A_326 = arith.muli %select_n3A_243, %mul3A_325 : i32
      %add3A_327 = vector.broadcast %mul3A_326 : i32 to vector<16xi32>
      %add3A_328 = arith.addi %mul3A_324, %add3A_327 : vector<16xi32>
      %add3A_329 = arith.constant 0 : i32
      %add3A_330 = vector.broadcast %add3A_329 : i32 to vector<16xi32>
      %add3A_331 = arith.addi %add3A_328, %add3A_330 : vector<16xi32>
      %gather3A_332 = tpu.vector_load_idx %arg11[%add3A_331] : memref<17940xf32, #tpu.memory_space<vmem>>[vector<16xi32>], vector<16xf32>,
      %add3A_333 = arith.constant 1 : i32
      %add3A_334 = vector.broadcast %add3A_333 : i32 to vector<16xi32>
      %add3A_335 = arith.addi %add3A_328, %add3A_334 : vector<16xi32>
      %gather3A_336 = tpu.vector_load_idx %arg11[%add3A_335] : memref<17940xf32, #tpu.memory_space<vmem>>[vector<16xi32>], vector<16xf32>,
      %add3A_337 = arith.constant 2 : i32
      %add3A_338 = vector.broadcast %add3A_337 : i32 to vector<16xi32>
      %add3A_339 = arith.addi %add3A_328, %add3A_338 : vector<16xi32>
      %gather3A_340 = tpu.vector_load_idx %arg11[%add3A_339] : memref<17940xf32, #tpu.memory_space<vmem>>[vector<16xi32>], vector<16xf32>,
      %add3A_341 = arith.constant 3 : i32
      %add3A_342 = vector.broadcast %add3A_341 : i32 to vector<16xi32>
      %add3A_343 = arith.addi %add3A_328, %add3A_342 : vector<16xi32>
      %gather3A_344 = tpu.vector_load_idx %arg11[%add3A_343] : memref<17940xf32, #tpu.memory_space<vmem>>[vector<16xi32>], vector<16xf32>,
      %add3A_345 = arith.constant 4 : i32
      %add3A_346 = vector.broadcast %add3A_345 : i32 to vector<16xi32>
      %add3A_347 = arith.addi %add3A_328, %add3A_346 : vector<16xi32>
      %gather3A_348 = tpu.vector_load_idx %arg11[%add3A_347] : memref<17940xf32, #tpu.memory_space<vmem>>[vector<16xi32>], vector<16xf32>,
      %add3A_349 = arith.constant 5 : i32
      %add3A_350 = vector.broadcast %add3A_349 : i32 to vector<16xi32>
      %add3A_351 = arith.addi %add3A_328, %add3A_350 : vector<16xi32>
      %gather3A_352 = tpu.vector_load_idx %arg11[%add3A_351] : memref<17940xf32, #tpu.memory_space<vmem>>[vector<16xi32>], vector<16xf32>,
      %add3A_353 = arith.constant 6 : i32
      %add3A_354 = vector.broadcast %add3A_353 : i32 to vector<16xi32>
      %add3A_355 = arith.addi %add3A_328, %add3A_354 : vector<16xi32>
      %gather3A_356 = tpu.vector_load_idx %arg11[%add3A_355] : memref<17940xf32, #tpu.memory_space<vmem>>[vector<16xi32>], vector<16xf32>,
      %add3A_357 = arith.constant 7 : i32
      %add3A_358 = vector.broadcast %add3A_357 : i32 to vector<16xi32>
      %add3A_359 = arith.addi %add3A_328, %add3A_358 : vector<16xi32>
      %gather3A_360 = tpu.vector_load_idx %arg11[%add3A_359] : memref<17940xf32, #tpu.memory_space<vmem>>[vector<16xi32>], vector<16xf32>,
      %mul3A_361 = arith.constant 128 : i32
      %mul3A_362 = arith.muli %select_n3A_259, %mul3A_361 : i32
      %add3A_363 = arith.constant 0 : i32
      %add3A_364 = arith.addi %mul3A_362, %add3A_363 : i32
      %get3A = arith.index_cast %select_n3A : i32 to index
      %get3A_365 = arith.index_cast %add3A_364 : i32 to index
      %get3A_366 = tpu.vector_load %arg7[%get3A, %get3A_365] {strides = array<i32>} : memref<26x512xi32, #tpu.memory_space<vmem>>, vector<16xi32>,
      %broadcast_in_dim3A_367 = vector.shape_cast %get3A_366 : vector<16xi32> to vector<16x1xi32>
      %gather3A_368 = vector.shape_cast %broadcast_in_dim3A_367 : vector<16x1xi32> to vector<16xi32>
      %gather3A_369 = tpu.dynamic_gather %gather3A_332[%gather3A_368] in [0] : vector<16xf32>, vector<16xi32> -> vector<16xf32>
      %swap3A = arith.constant 0 : i32
      %swap3A_370 = arith.index_cast %select_n3A_275 : i32 to index
      %swap3A_371 = arith.index_cast %swap3A : i32 to index
      %swap3A_372 = arith.constant 0 : index
      %swap3A_373 = tpu.vector_load %arg12[%swap3A_370, %swap3A_371, %swap3A_372] {strides = array<i32>} : memref<8x8x128xf32, #tpu.memory_space<vmem>>, vector<16xf32>,
      tpu.vector_store %arg12[%swap3A_370, %swap3A_371, %swap3A_372], %gather3A_369 {strides = array<i32>} : memref<8x8x128xf32, #tpu.memory_space<vmem>>, vector<16xf32>,
      %broadcast_in_dim3A_374 = vector.shape_cast %get3A_366 : vector<16xi32> to vector<16x1xi32>
      %gather3A_375 = vector.shape_cast %broadcast_in_dim3A_374 : vector<16x1xi32> to vector<16xi32>
      %gather3A_376 = tpu.dynamic_gather %gather3A_336[%gather3A_375] in [0] : vector<16xf32>, vector<16xi32> -> vector<16xf32>
      %swap3A_377 = arith.constant 1 : i32
      %swap3A_378 = arith.index_cast %select_n3A_275 : i32 to index
      %swap3A_379 = arith.index_cast %swap3A_377 : i32 to index
      %swap3A_380 = arith.constant 0 : index
      %swap3A_381 = tpu.vector_load %arg12[%swap3A_378, %swap3A_379, %swap3A_380] {strides = array<i32>} : memref<8x8x128xf32, #tpu.memory_space<vmem>>, vector<16xf32>,
      tpu.vector_store %arg12[%swap3A_378, %swap3A_379, %swap3A_380], %gather3A_376 {strides = array<i32>} : memref<8x8x128xf32, #tpu.memory_space<vmem>>, vector<16xf32>,
      %broadcast_in_dim3A_382 = vector.shape_cast %get3A_366 : vector<16xi32> to vector<16x1xi32>
      %gather3A_383 = vector.shape_cast %broadcast_in_dim3A_382 : vector<16x1xi32> to vector<16xi32>
      %gather3A_384 = tpu.dynamic_gather %gather3A_340[%gather3A_383] in [0] : vector<16xf32>, vector<16xi32> -> vector<16xf32>
      %swap3A_385 = arith.constant 2 : i32
      %swap3A_386 = arith.index_cast %select_n3A_275 : i32 to index
      %swap3A_387 = arith.index_cast %swap3A_385 : i32 to index
      %swap3A_388 = arith.constant 0 : index
      %swap3A_389 = tpu.vector_load %arg12[%swap3A_386, %swap3A_387, %swap3A_388] {strides = array<i32>} : memref<8x8x128xf32, #tpu.memory_space<vmem>>, vector<16xf32>,
      tpu.vector_store %arg12[%swap3A_386, %swap3A_387, %swap3A_388], %gather3A_384 {strides = array<i32>} : memref<8x8x128xf32, #tpu.memory_space<vmem>>, vector<16xf32>,
      %broadcast_in_dim3A_390 = vector.shape_cast %get3A_366 : vector<16xi32> to vector<16x1xi32>
      %gather3A_391 = vector.shape_cast %broadcast_in_dim3A_390 : vector<16x1xi32> to vector<16xi32>
      %gather3A_392 = tpu.dynamic_gather %gather3A_344[%gather3A_391] in [0] : vector<16xf32>, vector<16xi32> -> vector<16xf32>
      %swap3A_393 = arith.constant 3 : i32
      %swap3A_394 = arith.index_cast %select_n3A_275 : i32 to index
      %swap3A_395 = arith.index_cast %swap3A_393 : i32 to index
      %swap3A_396 = arith.constant 0 : index
      %swap3A_397 = tpu.vector_load %arg12[%swap3A_394, %swap3A_395, %swap3A_396] {strides = array<i32>} : memref<8x8x128xf32, #tpu.memory_space<vmem>>, vector<16xf32>,
      tpu.vector_store %arg12[%swap3A_394, %swap3A_395, %swap3A_396], %gather3A_392 {strides = array<i32>} : memref<8x8x128xf32, #tpu.memory_space<vmem>>, vector<16xf32>,
      %broadcast_in_dim3A_398 = vector.shape_cast %get3A_366 : vector<16xi32> to vector<16x1xi32>
      %gather3A_399 = vector.shape_cast %broadcast_in_dim3A_398 : vector<16x1xi32> to vector<16xi32>
      %gather3A_400 = tpu.dynamic_gather %gather3A_348[%gather3A_399] in [0] : vector<16xf32>, vector<16xi32> -> vector<16xf32>
      %swap3A_401 = arith.constant 4 : i32
      %swap3A_402 = arith.index_cast %select_n3A_275 : i32 to index
      %swap3A_403 = arith.index_cast %swap3A_401 : i32 to index
      %swap3A_404 = arith.constant 0 : index
      %swap3A_405 = tpu.vector_load %arg12[%swap3A_402, %swap3A_403, %swap3A_404] {strides = array<i32>} : memref<8x8x128xf32, #tpu.memory_space<vmem>>, vector<16xf32>,
      tpu.vector_store %arg12[%swap3A_402, %swap3A_403, %swap3A_404], %gather3A_400 {strides = array<i32>} : memref<8x8x128xf32, #tpu.memory_space<vmem>>, vector<16xf32>,
      %broadcast_in_dim3A_406 = vector.shape_cast %get3A_366 : vector<16xi32> to vector<16x1xi32>
      %gather3A_407 = vector.shape_cast %broadcast_in_dim3A_406 : vector<16x1xi32> to vector<16xi32>
      %gather3A_408 = tpu.dynamic_gather %gather3A_352[%gather3A_407] in [0] : vector<16xf32>, vector<16xi32> -> vector<16xf32>
      %swap3A_409 = arith.constant 5 : i32
      %swap3A_410 = arith.index_cast %select_n3A_275 : i32 to index
      %swap3A_411 = arith.index_cast %swap3A_409 : i32 to index
      %swap3A_412 = arith.constant 0 : index
      %swap3A_413 = tpu.vector_load %arg12[%swap3A_410, %swap3A_411, %swap3A_412] {strides = array<i32>} : memref<8x8x128xf32, #tpu.memory_space<vmem>>, vector<16xf32>,
      tpu.vector_store %arg12[%swap3A_410, %swap3A_411, %swap3A_412], %gather3A_408 {strides = array<i32>} : memref<8x8x128xf32, #tpu.memory_space<vmem>>, vector<16xf32>,
      %broadcast_in_dim3A_414 = vector.shape_cast %get3A_366 : vector<16xi32> to vector<16x1xi32>
      %gather3A_415 = vector.shape_cast %broadcast_in_dim3A_414 : vector<16x1xi32> to vector<16xi32>
      %gather3A_416 = tpu.dynamic_gather %gather3A_356[%gather3A_415] in [0] : vector<16xf32>, vector<16xi32> -> vector<16xf32>
      %swap3A_417 = arith.constant 6 : i32
      %swap3A_418 = arith.index_cast %select_n3A_275 : i32 to index
      %swap3A_419 = arith.index_cast %swap3A_417 : i32 to index
      %swap3A_420 = arith.constant 0 : index
      %swap3A_421 = tpu.vector_load %arg12[%swap3A_418, %swap3A_419, %swap3A_420] {strides = array<i32>} : memref<8x8x128xf32, #tpu.memory_space<vmem>>, vector<16xf32>,
      tpu.vector_store %arg12[%swap3A_418, %swap3A_419, %swap3A_420], %gather3A_416 {strides = array<i32>} : memref<8x8x128xf32, #tpu.memory_space<vmem>>, vector<16xf32>,
      %broadcast_in_dim3A_422 = vector.shape_cast %get3A_366 : vector<16xi32> to vector<16x1xi32>
      %gather3A_423 = vector.shape_cast %broadcast_in_dim3A_422 : vector<16x1xi32> to vector<16xi32>
      %gather3A_424 = tpu.dynamic_gather %gather3A_360[%gather3A_423] in [0] : vector<16xf32>, vector<16xi32> -> vector<16xf32>
      %swap3A_425 = arith.constant 7 : i32
      %swap3A_426 = arith.index_cast %select_n3A_275 : i32 to index
      %swap3A_427 = arith.index_cast %swap3A_425 : i32 to index
      %swap3A_428 = arith.constant 0 : index
      %swap3A_429 = tpu.vector_load %arg12[%swap3A_426, %swap3A_427, %swap3A_428] {strides = array<i32>} : memref<8x8x128xf32, #tpu.memory_space<vmem>>, vector<16xf32>,
      tpu.vector_store %arg12[%swap3A_426, %swap3A_427, %swap3A_428], %gather3A_424 {strides = array<i32>} : memref<8x8x128xf32, #tpu.memory_space<vmem>>, vector<16xf32>,
      %mul3A_430 = arith.constant 128 : i32
      %mul3A_431 = arith.muli %select_n3A_259, %mul3A_430 : i32
      %add3A_432 = arith.constant 16 : i32
      %add3A_433 = arith.addi %mul3A_431, %add3A_432 : i32
      %get3A_434 = arith.index_cast %select_n3A : i32 to index
      %get3A_435 = arith.index_cast %add3A_433 : i32 to index
      %get3A_436 = tpu.vector_load %arg7[%get3A_434, %get3A_435] {strides = array<i32>} : memref<26x512xi32, #tpu.memory_space<vmem>>, vector<16xi32>,
      %broadcast_in_dim3A_437 = vector.shape_cast %get3A_436 : vector<16xi32> to vector<16x1xi32>
      %gather3A_438 = vector.shape_cast %broadcast_in_dim3A_437 : vector<16x1xi32> to vector<16xi32>
      %gather3A_439 = tpu.dynamic_gather %gather3A_332[%gather3A_438] in [0] : vector<16xf32>, vector<16xi32> -> vector<16xf32>
      %swap3A_440 = arith.constant 0 : i32
      %swap3A_441 = arith.index_cast %select_n3A_275 : i32 to index
      %swap3A_442 = arith.index_cast %swap3A_440 : i32 to index
      %swap3A_443 = arith.constant 16 : index
      %swap3A_444 = tpu.vector_load %arg12[%swap3A_441, %swap3A_442, %swap3A_443] {strides = array<i32>} : memref<8x8x128xf32, #tpu.memory_space<vmem>>, vector<16xf32>,
      tpu.vector_store %arg12[%swap3A_441, %swap3A_442, %swap3A_443], %gather3A_439 {strides = array<i32>} : memref<8x8x128xf32, #tpu.memory_space<vmem>>, vector<16xf32>,
      %broadcast_in_dim3A_445 = vector.shape_cast %get3A_436 : vector<16xi32> to vector<16x1xi32>
      %gather3A_446 = vector.shape_cast %broadcast_in_dim3A_445 : vector<16x1xi32> to vector<16xi32>
      %gather3A_447 = tpu.dynamic_gather %gather3A_336[%gather3A_446] in [0] : vector<16xf32>, vector<16xi32> -> vector<16xf32>
      %swap3A_448 = arith.constant 1 : i32
      %swap3A_449 = arith.index_cast %select_n3A_275 : i32 to index
      %swap3A_450 = arith.index_cast %swap3A_448 : i32 to index
      %swap3A_451 = arith.constant 16 : index
      %swap3A_452 = tpu.vector_load %arg12[%swap3A_449, %swap3A_450, %swap3A_451] {strides = array<i32>} : memref<8x8x128xf32, #tpu.memory_space<vmem>>, vector<16xf32>,
      tpu.vector_store %arg12[%swap3A_449, %swap3A_450, %swap3A_451], %gather3A_447 {strides = array<i32>} : memref<8x8x128xf32, #tpu.memory_space<vmem>>, vector<16xf32>,
      %broadcast_in_dim3A_453 = vector.shape_cast %get3A_436 : vector<16xi32> to vector<16x1xi32>
      %gather3A_454 = vector.shape_cast %broadcast_in_dim3A_453 : vector<16x1xi32> to vector<16xi32>
      %gather3A_455 = tpu.dynamic_gather %gather3A_340[%gather3A_454] in [0] : vector<16xf32>, vector<16xi32> -> vector<16xf32>
      %swap3A_456 = arith.constant 2 : i32
      %swap3A_457 = arith.index_cast %select_n3A_275 : i32 to index
      %swap3A_458 = arith.index_cast %swap3A_456 : i32 to index
      %swap3A_459 = arith.constant 16 : index
      %swap3A_460 = tpu.vector_load %arg12[%swap3A_457, %swap3A_458, %swap3A_459] {strides = array<i32>} : memref<8x8x128xf32, #tpu.memory_space<vmem>>, vector<16xf32>,
      tpu.vector_store %arg12[%swap3A_457, %swap3A_458, %swap3A_459], %gather3A_455 {strides = array<i32>} : memref<8x8x128xf32, #tpu.memory_space<vmem>>, vector<16xf32>,
      %broadcast_in_dim3A_461 = vector.shape_cast %get3A_436 : vector<16xi32> to vector<16x1xi32>
      %gather3A_462 = vector.shape_cast %broadcast_in_dim3A_461 : vector<16x1xi32> to vector<16xi32>
      %gather3A_463 = tpu.dynamic_gather %gather3A_344[%gather3A_462] in [0] : vector<16xf32>, vector<16xi32> -> vector<16xf32>
      %swap3A_464 = arith.constant 3 : i32
      %swap3A_465 = arith.index_cast %select_n3A_275 : i32 to index
      %swap3A_466 = arith.index_cast %swap3A_464 : i32 to index
      %swap3A_467 = arith.constant 16 : index
      %swap3A_468 = tpu.vector_load %arg12[%swap3A_465, %swap3A_466, %swap3A_467] {strides = array<i32>} : memref<8x8x128xf32, #tpu.memory_space<vmem>>, vector<16xf32>,
      tpu.vector_store %arg12[%swap3A_465, %swap3A_466, %swap3A_467], %gather3A_463 {strides = array<i32>} : memref<8x8x128xf32, #tpu.memory_space<vmem>>, vector<16xf32>,
      %broadcast_in_dim3A_469 = vector.shape_cast %get3A_436 : vector<16xi32> to vector<16x1xi32>
      %gather3A_470 = vector.shape_cast %broadcast_in_dim3A_469 : vector<16x1xi32> to vector<16xi32>
      %gather3A_471 = tpu.dynamic_gather %gather3A_348[%gather3A_470] in [0] : vector<16xf32>, vector<16xi32> -> vector<16xf32>
      %swap3A_472 = arith.constant 4 : i32
      %swap3A_473 = arith.index_cast %select_n3A_275 : i32 to index
      %swap3A_474 = arith.index_cast %swap3A_472 : i32 to index
      %swap3A_475 = arith.constant 16 : index
      %swap3A_476 = tpu.vector_load %arg12[%swap3A_473, %swap3A_474, %swap3A_475] {strides = array<i32>} : memref<8x8x128xf32, #tpu.memory_space<vmem>>, vector<16xf32>,
      tpu.vector_store %arg12[%swap3A_473, %swap3A_474, %swap3A_475], %gather3A_471 {strides = array<i32>} : memref<8x8x128xf32, #tpu.memory_space<vmem>>, vector<16xf32>,
      %broadcast_in_dim3A_477 = vector.shape_cast %get3A_436 : vector<16xi32> to vector<16x1xi32>
      %gather3A_478 = vector.shape_cast %broadcast_in_dim3A_477 : vector<16x1xi32> to vector<16xi32>
      %gather3A_479 = tpu.dynamic_gather %gather3A_352[%gather3A_478] in [0] : vector<16xf32>, vector<16xi32> -> vector<16xf32>
      %swap3A_480 = arith.constant 5 : i32
      %swap3A_481 = arith.index_cast %select_n3A_275 : i32 to index
      %swap3A_482 = arith.index_cast %swap3A_480 : i32 to index
      %swap3A_483 = arith.constant 16 : index
      %swap3A_484 = tpu.vector_load %arg12[%swap3A_481, %swap3A_482, %swap3A_483] {strides = array<i32>} : memref<8x8x128xf32, #tpu.memory_space<vmem>>, vector<16xf32>,
      tpu.vector_store %arg12[%swap3A_481, %swap3A_482, %swap3A_483], %gather3A_479 {strides = array<i32>} : memref<8x8x128xf32, #tpu.memory_space<vmem>>, vector<16xf32>,
      %broadcast_in_dim3A_485 = vector.shape_cast %get3A_436 : vector<16xi32> to vector<16x1xi32>
      %gather3A_486 = vector.shape_cast %broadcast_in_dim3A_485 : vector<16x1xi32> to vector<16xi32>
      %gather3A_487 = tpu.dynamic_gather %gather3A_356[%gather3A_486] in [0] : vector<16xf32>, vector<16xi32> -> vector<16xf32>
      %swap3A_488 = arith.constant 6 : i32
      %swap3A_489 = arith.index_cast %select_n3A_275 : i32 to index
      %swap3A_490 = arith.index_cast %swap3A_488 : i32 to index
      %swap3A_491 = arith.constant 16 : index
      %swap3A_492 = tpu.vector_load %arg12[%swap3A_489, %swap3A_490, %swap3A_491] {strides = array<i32>} : memref<8x8x128xf32, #tpu.memory_space<vmem>>, vector<16xf32>,
      tpu.vector_store %arg12[%swap3A_489, %swap3A_490, %swap3A_491], %gather3A_487 {strides = array<i32>} : memref<8x8x128xf32, #tpu.memory_space<vmem>>, vector<16xf32>,
      %broadcast_in_dim3A_493 = vector.shape_cast %get3A_436 : vector<16xi32> to vector<16x1xi32>
      %gather3A_494 = vector.shape_cast %broadcast_in_dim3A_493 : vector<16x1xi32> to vector<16xi32>
      %gather3A_495 = tpu.dynamic_gather %gather3A_360[%gather3A_494] in [0] : vector<16xf32>, vector<16xi32> -> vector<16xf32>
      %swap3A_496 = arith.constant 7 : i32
      %swap3A_497 = arith.index_cast %select_n3A_275 : i32 to index
      %swap3A_498 = arith.index_cast %swap3A_496 : i32 to index
      %swap3A_499 = arith.constant 16 : index
      %swap3A_500 = tpu.vector_load %arg12[%swap3A_497, %swap3A_498, %swap3A_499] {strides = array<i32>} : memref<8x8x128xf32, #tpu.memory_space<vmem>>, vector<16xf32>,
      tpu.vector_store %arg12[%swap3A_497, %swap3A_498, %swap3A_499], %gather3A_495 {strides = array<i32>} : memref<8x8x128xf32, #tpu.memory_space<vmem>>, vector<16xf32>,
      %mul3A_501 = arith.constant 128 : i32
      %mul3A_502 = arith.muli %select_n3A_259, %mul3A_501 : i32
      %add3A_503 = arith.constant 32 : i32
      %add3A_504 = arith.addi %mul3A_502, %add3A_503 : i32
      %get3A_505 = arith.index_cast %select_n3A : i32 to index
      %get3A_506 = arith.index_cast %add3A_504 : i32 to index
      %get3A_507 = tpu.vector_load %arg7[%get3A_505, %get3A_506] {strides = array<i32>} : memref<26x512xi32, #tpu.memory_space<vmem>>, vector<16xi32>,
      %broadcast_in_dim3A_508 = vector.shape_cast %get3A_507 : vector<16xi32> to vector<16x1xi32>
      %gather3A_509 = vector.shape_cast %broadcast_in_dim3A_508 : vector<16x1xi32> to vector<16xi32>
      %gather3A_510 = tpu.dynamic_gather %gather3A_332[%gather3A_509] in [0] : vector<16xf32>, vector<16xi32> -> vector<16xf32>
      %swap3A_511 = arith.constant 0 : i32
      %swap3A_512 = arith.index_cast %select_n3A_275 : i32 to index
      %swap3A_513 = arith.index_cast %swap3A_511 : i32 to index
      %swap3A_514 = arith.constant 32 : index
      %swap3A_515 = tpu.vector_load %arg12[%swap3A_512, %swap3A_513, %swap3A_514] {strides = array<i32>} : memref<8x8x128xf32, #tpu.memory_space<vmem>>, vector<16xf32>,
      tpu.vector_store %arg12[%swap3A_512, %swap3A_513, %swap3A_514], %gather3A_510 {strides = array<i32>} : memref<8x8x128xf32, #tpu.memory_space<vmem>>, vector<16xf32>,
      %broadcast_in_dim3A_516 = vector.shape_cast %get3A_507 : vector<16xi32> to vector<16x1xi32>
      %gather3A_517 = vector.shape_cast %broadcast_in_dim3A_516 : vector<16x1xi32> to vector<16xi32>
      %gather3A_518 = tpu.dynamic_gather %gather3A_336[%gather3A_517] in [0] : vector<16xf32>, vector<16xi32> -> vector<16xf32>
      %swap3A_519 = arith.constant 1 : i32
      %swap3A_520 = arith.index_cast %select_n3A_275 : i32 to index
      %swap3A_521 = arith.index_cast %swap3A_519 : i32 to index
      %swap3A_522 = arith.constant 32 : index
      %swap3A_523 = tpu.vector_load %arg12[%swap3A_520, %swap3A_521, %swap3A_522] {strides = array<i32>} : memref<8x8x128xf32, #tpu.memory_space<vmem>>, vector<16xf32>,
      tpu.vector_store %arg12[%swap3A_520, %swap3A_521, %swap3A_522], %gather3A_518 {strides = array<i32>} : memref<8x8x128xf32, #tpu.memory_space<vmem>>, vector<16xf32>,
      %broadcast_in_dim3A_524 = vector.shape_cast %get3A_507 : vector<16xi32> to vector<16x1xi32>
      %gather3A_525 = vector.shape_cast %broadcast_in_dim3A_524 : vector<16x1xi32> to vector<16xi32>
      %gather3A_526 = tpu.dynamic_gather %gather3A_340[%gather3A_525] in [0] : vector<16xf32>, vector<16xi32> -> vector<16xf32>
      %swap3A_527 = arith.constant 2 : i32
      %swap3A_528 = arith.index_cast %select_n3A_275 : i32 to index
      %swap3A_529 = arith.index_cast %swap3A_527 : i32 to index
      %swap3A_530 = arith.constant 32 : index
      %swap3A_531 = tpu.vector_load %arg12[%swap3A_528, %swap3A_529, %swap3A_530] {strides = array<i32>} : memref<8x8x128xf32, #tpu.memory_space<vmem>>, vector<16xf32>,
      tpu.vector_store %arg12[%swap3A_528, %swap3A_529, %swap3A_530], %gather3A_526 {strides = array<i32>} : memref<8x8x128xf32, #tpu.memory_space<vmem>>, vector<16xf32>,
      %broadcast_in_dim3A_532 = vector.shape_cast %get3A_507 : vector<16xi32> to vector<16x1xi32>
      %gather3A_533 = vector.shape_cast %broadcast_in_dim3A_532 : vector<16x1xi32> to vector<16xi32>
      %gather3A_534 = tpu.dynamic_gather %gather3A_344[%gather3A_533] in [0] : vector<16xf32>, vector<16xi32> -> vector<16xf32>
      %swap3A_535 = arith.constant 3 : i32
      %swap3A_536 = arith.index_cast %select_n3A_275 : i32 to index
      %swap3A_537 = arith.index_cast %swap3A_535 : i32 to index
      %swap3A_538 = arith.constant 32 : index
      %swap3A_539 = tpu.vector_load %arg12[%swap3A_536, %swap3A_537, %swap3A_538] {strides = array<i32>} : memref<8x8x128xf32, #tpu.memory_space<vmem>>, vector<16xf32>,
      tpu.vector_store %arg12[%swap3A_536, %swap3A_537, %swap3A_538], %gather3A_534 {strides = array<i32>} : memref<8x8x128xf32, #tpu.memory_space<vmem>>, vector<16xf32>,
      %broadcast_in_dim3A_540 = vector.shape_cast %get3A_507 : vector<16xi32> to vector<16x1xi32>
      %gather3A_541 = vector.shape_cast %broadcast_in_dim3A_540 : vector<16x1xi32> to vector<16xi32>
      %gather3A_542 = tpu.dynamic_gather %gather3A_348[%gather3A_541] in [0] : vector<16xf32>, vector<16xi32> -> vector<16xf32>
      %swap3A_543 = arith.constant 4 : i32
      %swap3A_544 = arith.index_cast %select_n3A_275 : i32 to index
      %swap3A_545 = arith.index_cast %swap3A_543 : i32 to index
      %swap3A_546 = arith.constant 32 : index
      %swap3A_547 = tpu.vector_load %arg12[%swap3A_544, %swap3A_545, %swap3A_546] {strides = array<i32>} : memref<8x8x128xf32, #tpu.memory_space<vmem>>, vector<16xf32>,
      tpu.vector_store %arg12[%swap3A_544, %swap3A_545, %swap3A_546], %gather3A_542 {strides = array<i32>} : memref<8x8x128xf32, #tpu.memory_space<vmem>>, vector<16xf32>,
      %broadcast_in_dim3A_548 = vector.shape_cast %get3A_507 : vector<16xi32> to vector<16x1xi32>
      %gather3A_549 = vector.shape_cast %broadcast_in_dim3A_548 : vector<16x1xi32> to vector<16xi32>
      %gather3A_550 = tpu.dynamic_gather %gather3A_352[%gather3A_549] in [0] : vector<16xf32>, vector<16xi32> -> vector<16xf32>
      %swap3A_551 = arith.constant 5 : i32
      %swap3A_552 = arith.index_cast %select_n3A_275 : i32 to index
      %swap3A_553 = arith.index_cast %swap3A_551 : i32 to index
      %swap3A_554 = arith.constant 32 : index
      %swap3A_555 = tpu.vector_load %arg12[%swap3A_552, %swap3A_553, %swap3A_554] {strides = array<i32>} : memref<8x8x128xf32, #tpu.memory_space<vmem>>, vector<16xf32>,
      tpu.vector_store %arg12[%swap3A_552, %swap3A_553, %swap3A_554], %gather3A_550 {strides = array<i32>} : memref<8x8x128xf32, #tpu.memory_space<vmem>>, vector<16xf32>,
      %broadcast_in_dim3A_556 = vector.shape_cast %get3A_507 : vector<16xi32> to vector<16x1xi32>
      %gather3A_557 = vector.shape_cast %broadcast_in_dim3A_556 : vector<16x1xi32> to vector<16xi32>
      %gather3A_558 = tpu.dynamic_gather %gather3A_356[%gather3A_557] in [0] : vector<16xf32>, vector<16xi32> -> vector<16xf32>
      %swap3A_559 = arith.constant 6 : i32
      %swap3A_560 = arith.index_cast %select_n3A_275 : i32 to index
      %swap3A_561 = arith.index_cast %swap3A_559 : i32 to index
      %swap3A_562 = arith.constant 32 : index
      %swap3A_563 = tpu.vector_load %arg12[%swap3A_560, %swap3A_561, %swap3A_562] {strides = array<i32>} : memref<8x8x128xf32, #tpu.memory_space<vmem>>, vector<16xf32>,
      tpu.vector_store %arg12[%swap3A_560, %swap3A_561, %swap3A_562], %gather3A_558 {strides = array<i32>} : memref<8x8x128xf32, #tpu.memory_space<vmem>>, vector<16xf32>,
      %broadcast_in_dim3A_564 = vector.shape_cast %get3A_507 : vector<16xi32> to vector<16x1xi32>
      %gather3A_565 = vector.shape_cast %broadcast_in_dim3A_564 : vector<16x1xi32> to vector<16xi32>
      %gather3A_566 = tpu.dynamic_gather %gather3A_360[%gather3A_565] in [0] : vector<16xf32>, vector<16xi32> -> vector<16xf32>
      %swap3A_567 = arith.constant 7 : i32
      %swap3A_568 = arith.index_cast %select_n3A_275 : i32 to index
      %swap3A_569 = arith.index_cast %swap3A_567 : i32 to index
      %swap3A_570 = arith.constant 32 : index
      %swap3A_571 = tpu.vector_load %arg12[%swap3A_568, %swap3A_569, %swap3A_570] {strides = array<i32>} : memref<8x8x128xf32, #tpu.memory_space<vmem>>, vector<16xf32>,
      tpu.vector_store %arg12[%swap3A_568, %swap3A_569, %swap3A_570], %gather3A_566 {strides = array<i32>} : memref<8x8x128xf32, #tpu.memory_space<vmem>>, vector<16xf32>,
      %mul3A_572 = arith.constant 128 : i32
      %mul3A_573 = arith.muli %select_n3A_259, %mul3A_572 : i32
      %add3A_574 = arith.constant 48 : i32
      %add3A_575 = arith.addi %mul3A_573, %add3A_574 : i32
      %get3A_576 = arith.index_cast %select_n3A : i32 to index
      %get3A_577 = arith.index_cast %add3A_575 : i32 to index
      %get3A_578 = tpu.vector_load %arg7[%get3A_576, %get3A_577] {strides = array<i32>} : memref<26x512xi32, #tpu.memory_space<vmem>>, vector<16xi32>,
      %broadcast_in_dim3A_579 = vector.shape_cast %get3A_578 : vector<16xi32> to vector<16x1xi32>
      %gather3A_580 = vector.shape_cast %broadcast_in_dim3A_579 : vector<16x1xi32> to vector<16xi32>
      %gather3A_581 = tpu.dynamic_gather %gather3A_332[%gather3A_580] in [0] : vector<16xf32>, vector<16xi32> -> vector<16xf32>
      %swap3A_582 = arith.constant 0 : i32
      %swap3A_583 = arith.index_cast %select_n3A_275 : i32 to index
      %swap3A_584 = arith.index_cast %swap3A_582 : i32 to index
      %swap3A_585 = arith.constant 48 : index
      %swap3A_586 = tpu.vector_load %arg12[%swap3A_583, %swap3A_584, %swap3A_585] {strides = array<i32>} : memref<8x8x128xf32, #tpu.memory_space<vmem>>, vector<16xf32>,
      tpu.vector_store %arg12[%swap3A_583, %swap3A_584, %swap3A_585], %gather3A_581 {strides = array<i32>} : memref<8x8x128xf32, #tpu.memory_space<vmem>>, vector<16xf32>,
      %broadcast_in_dim3A_587 = vector.shape_cast %get3A_578 : vector<16xi32> to vector<16x1xi32>
      %gather3A_588 = vector.shape_cast %broadcast_in_dim3A_587 : vector<16x1xi32> to vector<16xi32>
      %gather3A_589 = tpu.dynamic_gather %gather3A_336[%gather3A_588] in [0] : vector<16xf32>, vector<16xi32> -> vector<16xf32>
      %swap3A_590 = arith.constant 1 : i32
      %swap3A_591 = arith.index_cast %select_n3A_275 : i32 to index
      %swap3A_592 = arith.index_cast %swap3A_590 : i32 to index
      %swap3A_593 = arith.constant 48 : index
      %swap3A_594 = tpu.vector_load %arg12[%swap3A_591, %swap3A_592, %swap3A_593] {strides = array<i32>} : memref<8x8x128xf32, #tpu.memory_space<vmem>>, vector<16xf32>,
      tpu.vector_store %arg12[%swap3A_591, %swap3A_592, %swap3A_593], %gather3A_589 {strides = array<i32>} : memref<8x8x128xf32, #tpu.memory_space<vmem>>, vector<16xf32>,
      %broadcast_in_dim3A_595 = vector.shape_cast %get3A_578 : vector<16xi32> to vector<16x1xi32>
      %gather3A_596 = vector.shape_cast %broadcast_in_dim3A_595 : vector<16x1xi32> to vector<16xi32>
      %gather3A_597 = tpu.dynamic_gather %gather3A_340[%gather3A_596] in [0] : vector<16xf32>, vector<16xi32> -> vector<16xf32>
      %swap3A_598 = arith.constant 2 : i32
      %swap3A_599 = arith.index_cast %select_n3A_275 : i32 to index
      %swap3A_600 = arith.index_cast %swap3A_598 : i32 to index
      %swap3A_601 = arith.constant 48 : index
      %swap3A_602 = tpu.vector_load %arg12[%swap3A_599, %swap3A_600, %swap3A_601] {strides = array<i32>} : memref<8x8x128xf32, #tpu.memory_space<vmem>>, vector<16xf32>,
      tpu.vector_store %arg12[%swap3A_599, %swap3A_600, %swap3A_601], %gather3A_597 {strides = array<i32>} : memref<8x8x128xf32, #tpu.memory_space<vmem>>, vector<16xf32>,
      %broadcast_in_dim3A_603 = vector.shape_cast %get3A_578 : vector<16xi32> to vector<16x1xi32>
      %gather3A_604 = vector.shape_cast %broadcast_in_dim3A_603 : vector<16x1xi32> to vector<16xi32>
      %gather3A_605 = tpu.dynamic_gather %gather3A_344[%gather3A_604] in [0] : vector<16xf32>, vector<16xi32> -> vector<16xf32>
      %swap3A_606 = arith.constant 3 : i32
      %swap3A_607 = arith.index_cast %select_n3A_275 : i32 to index
      %swap3A_608 = arith.index_cast %swap3A_606 : i32 to index
      %swap3A_609 = arith.constant 48 : index
      %swap3A_610 = tpu.vector_load %arg12[%swap3A_607, %swap3A_608, %swap3A_609] {strides = array<i32>} : memref<8x8x128xf32, #tpu.memory_space<vmem>>, vector<16xf32>,
      tpu.vector_store %arg12[%swap3A_607, %swap3A_608, %swap3A_609], %gather3A_605 {strides = array<i32>} : memref<8x8x128xf32, #tpu.memory_space<vmem>>, vector<16xf32>,
      %broadcast_in_dim3A_611 = vector.shape_cast %get3A_578 : vector<16xi32> to vector<16x1xi32>
      %gather3A_612 = vector.shape_cast %broadcast_in_dim3A_611 : vector<16x1xi32> to vector<16xi32>
      %gather3A_613 = tpu.dynamic_gather %gather3A_348[%gather3A_612] in [0] : vector<16xf32>, vector<16xi32> -> vector<16xf32>
      %swap3A_614 = arith.constant 4 : i32
      %swap3A_615 = arith.index_cast %select_n3A_275 : i32 to index
      %swap3A_616 = arith.index_cast %swap3A_614 : i32 to index
      %swap3A_617 = arith.constant 48 : index
      %swap3A_618 = tpu.vector_load %arg12[%swap3A_615, %swap3A_616, %swap3A_617] {strides = array<i32>} : memref<8x8x128xf32, #tpu.memory_space<vmem>>, vector<16xf32>,
      tpu.vector_store %arg12[%swap3A_615, %swap3A_616, %swap3A_617], %gather3A_613 {strides = array<i32>} : memref<8x8x128xf32, #tpu.memory_space<vmem>>, vector<16xf32>,
      %broadcast_in_dim3A_619 = vector.shape_cast %get3A_578 : vector<16xi32> to vector<16x1xi32>
      %gather3A_620 = vector.shape_cast %broadcast_in_dim3A_619 : vector<16x1xi32> to vector<16xi32>
      %gather3A_621 = tpu.dynamic_gather %gather3A_352[%gather3A_620] in [0] : vector<16xf32>, vector<16xi32> -> vector<16xf32>
      %swap3A_622 = arith.constant 5 : i32
      %swap3A_623 = arith.index_cast %select_n3A_275 : i32 to index
      %swap3A_624 = arith.index_cast %swap3A_622 : i32 to index
      %swap3A_625 = arith.constant 48 : index
      %swap3A_626 = tpu.vector_load %arg12[%swap3A_623, %swap3A_624, %swap3A_625] {strides = array<i32>} : memref<8x8x128xf32, #tpu.memory_space<vmem>>, vector<16xf32>,
      tpu.vector_store %arg12[%swap3A_623, %swap3A_624, %swap3A_625], %gather3A_621 {strides = array<i32>} : memref<8x8x128xf32, #tpu.memory_space<vmem>>, vector<16xf32>,
      %broadcast_in_dim3A_627 = vector.shape_cast %get3A_578 : vector<16xi32> to vector<16x1xi32>
      %gather3A_628 = vector.shape_cast %broadcast_in_dim3A_627 : vector<16x1xi32> to vector<16xi32>
      %gather3A_629 = tpu.dynamic_gather %gather3A_356[%gather3A_628] in [0] : vector<16xf32>, vector<16xi32> -> vector<16xf32>
      %swap3A_630 = arith.constant 6 : i32
      %swap3A_631 = arith.index_cast %select_n3A_275 : i32 to index
      %swap3A_632 = arith.index_cast %swap3A_630 : i32 to index
      %swap3A_633 = arith.constant 48 : index
      %swap3A_634 = tpu.vector_load %arg12[%swap3A_631, %swap3A_632, %swap3A_633] {strides = array<i32>} : memref<8x8x128xf32, #tpu.memory_space<vmem>>, vector<16xf32>,
      tpu.vector_store %arg12[%swap3A_631, %swap3A_632, %swap3A_633], %gather3A_629 {strides = array<i32>} : memref<8x8x128xf32, #tpu.memory_space<vmem>>, vector<16xf32>,
      %broadcast_in_dim3A_635 = vector.shape_cast %get3A_578 : vector<16xi32> to vector<16x1xi32>
      %gather3A_636 = vector.shape_cast %broadcast_in_dim3A_635 : vector<16x1xi32> to vector<16xi32>
      %gather3A_637 = tpu.dynamic_gather %gather3A_360[%gather3A_636] in [0] : vector<16xf32>, vector<16xi32> -> vector<16xf32>
      %swap3A_638 = arith.constant 7 : i32
      %swap3A_639 = arith.index_cast %select_n3A_275 : i32 to index
      %swap3A_640 = arith.index_cast %swap3A_638 : i32 to index
      %swap3A_641 = arith.constant 48 : index
      %swap3A_642 = tpu.vector_load %arg12[%swap3A_639, %swap3A_640, %swap3A_641] {strides = array<i32>} : memref<8x8x128xf32, #tpu.memory_space<vmem>>, vector<16xf32>,
      tpu.vector_store %arg12[%swap3A_639, %swap3A_640, %swap3A_641], %gather3A_637 {strides = array<i32>} : memref<8x8x128xf32, #tpu.memory_space<vmem>>, vector<16xf32>,
      %mul3A_643 = arith.constant 128 : i32
      %mul3A_644 = arith.muli %select_n3A_259, %mul3A_643 : i32
      %add3A_645 = arith.constant 64 : i32
      %add3A_646 = arith.addi %mul3A_644, %add3A_645 : i32
      %get3A_647 = arith.index_cast %select_n3A : i32 to index
      %get3A_648 = arith.index_cast %add3A_646 : i32 to index
      %get3A_649 = tpu.vector_load %arg7[%get3A_647, %get3A_648] {strides = array<i32>} : memref<26x512xi32, #tpu.memory_space<vmem>>, vector<16xi32>,
      %broadcast_in_dim3A_650 = vector.shape_cast %get3A_649 : vector<16xi32> to vector<16x1xi32>
      %gather3A_651 = vector.shape_cast %broadcast_in_dim3A_650 : vector<16x1xi32> to vector<16xi32>
      %gather3A_652 = tpu.dynamic_gather %gather3A_332[%gather3A_651] in [0] : vector<16xf32>, vector<16xi32> -> vector<16xf32>
      %swap3A_653 = arith.constant 0 : i32
      %swap3A_654 = arith.index_cast %select_n3A_275 : i32 to index
      %swap3A_655 = arith.index_cast %swap3A_653 : i32 to index
      %swap3A_656 = arith.constant 64 : index
      %swap3A_657 = tpu.vector_load %arg12[%swap3A_654, %swap3A_655, %swap3A_656] {strides = array<i32>} : memref<8x8x128xf32, #tpu.memory_space<vmem>>, vector<16xf32>,
      tpu.vector_store %arg12[%swap3A_654, %swap3A_655, %swap3A_656], %gather3A_652 {strides = array<i32>} : memref<8x8x128xf32, #tpu.memory_space<vmem>>, vector<16xf32>,
      %broadcast_in_dim3A_658 = vector.shape_cast %get3A_649 : vector<16xi32> to vector<16x1xi32>
      %gather3A_659 = vector.shape_cast %broadcast_in_dim3A_658 : vector<16x1xi32> to vector<16xi32>
      %gather3A_660 = tpu.dynamic_gather %gather3A_336[%gather3A_659] in [0] : vector<16xf32>, vector<16xi32> -> vector<16xf32>
      %swap3A_661 = arith.constant 1 : i32
      %swap3A_662 = arith.index_cast %select_n3A_275 : i32 to index
      %swap3A_663 = arith.index_cast %swap3A_661 : i32 to index
      %swap3A_664 = arith.constant 64 : index
      %swap3A_665 = tpu.vector_load %arg12[%swap3A_662, %swap3A_663, %swap3A_664] {strides = array<i32>} : memref<8x8x128xf32, #tpu.memory_space<vmem>>, vector<16xf32>,
      tpu.vector_store %arg12[%swap3A_662, %swap3A_663, %swap3A_664], %gather3A_660 {strides = array<i32>} : memref<8x8x128xf32, #tpu.memory_space<vmem>>, vector<16xf32>,
      %broadcast_in_dim3A_666 = vector.shape_cast %get3A_649 : vector<16xi32> to vector<16x1xi32>
      %gather3A_667 = vector.shape_cast %broadcast_in_dim3A_666 : vector<16x1xi32> to vector<16xi32>
      %gather3A_668 = tpu.dynamic_gather %gather3A_340[%gather3A_667] in [0] : vector<16xf32>, vector<16xi32> -> vector<16xf32>
      %swap3A_669 = arith.constant 2 : i32
      %swap3A_670 = arith.index_cast %select_n3A_275 : i32 to index
      %swap3A_671 = arith.index_cast %swap3A_669 : i32 to index
      %swap3A_672 = arith.constant 64 : index
      %swap3A_673 = tpu.vector_load %arg12[%swap3A_670, %swap3A_671, %swap3A_672] {strides = array<i32>} : memref<8x8x128xf32, #tpu.memory_space<vmem>>, vector<16xf32>,
      tpu.vector_store %arg12[%swap3A_670, %swap3A_671, %swap3A_672], %gather3A_668 {strides = array<i32>} : memref<8x8x128xf32, #tpu.memory_space<vmem>>, vector<16xf32>,
      %broadcast_in_dim3A_674 = vector.shape_cast %get3A_649 : vector<16xi32> to vector<16x1xi32>
      %gather3A_675 = vector.shape_cast %broadcast_in_dim3A_674 : vector<16x1xi32> to vector<16xi32>
      %gather3A_676 = tpu.dynamic_gather %gather3A_344[%gather3A_675] in [0] : vector<16xf32>, vector<16xi32> -> vector<16xf32>
      %swap3A_677 = arith.constant 3 : i32
      %swap3A_678 = arith.index_cast %select_n3A_275 : i32 to index
      %swap3A_679 = arith.index_cast %swap3A_677 : i32 to index
      %swap3A_680 = arith.constant 64 : index
      %swap3A_681 = tpu.vector_load %arg12[%swap3A_678, %swap3A_679, %swap3A_680] {strides = array<i32>} : memref<8x8x128xf32, #tpu.memory_space<vmem>>, vector<16xf32>,
      tpu.vector_store %arg12[%swap3A_678, %swap3A_679, %swap3A_680], %gather3A_676 {strides = array<i32>} : memref<8x8x128xf32, #tpu.memory_space<vmem>>, vector<16xf32>,
      %broadcast_in_dim3A_682 = vector.shape_cast %get3A_649 : vector<16xi32> to vector<16x1xi32>
      %gather3A_683 = vector.shape_cast %broadcast_in_dim3A_682 : vector<16x1xi32> to vector<16xi32>
      %gather3A_684 = tpu.dynamic_gather %gather3A_348[%gather3A_683] in [0] : vector<16xf32>, vector<16xi32> -> vector<16xf32>
      %swap3A_685 = arith.constant 4 : i32
      %swap3A_686 = arith.index_cast %select_n3A_275 : i32 to index
      %swap3A_687 = arith.index_cast %swap3A_685 : i32 to index
      %swap3A_688 = arith.constant 64 : index
      %swap3A_689 = tpu.vector_load %arg12[%swap3A_686, %swap3A_687, %swap3A_688] {strides = array<i32>} : memref<8x8x128xf32, #tpu.memory_space<vmem>>, vector<16xf32>,
      tpu.vector_store %arg12[%swap3A_686, %swap3A_687, %swap3A_688], %gather3A_684 {strides = array<i32>} : memref<8x8x128xf32, #tpu.memory_space<vmem>>, vector<16xf32>,
      %broadcast_in_dim3A_690 = vector.shape_cast %get3A_649 : vector<16xi32> to vector<16x1xi32>
      %gather3A_691 = vector.shape_cast %broadcast_in_dim3A_690 : vector<16x1xi32> to vector<16xi32>
      %gather3A_692 = tpu.dynamic_gather %gather3A_352[%gather3A_691] in [0] : vector<16xf32>, vector<16xi32> -> vector<16xf32>
      %swap3A_693 = arith.constant 5 : i32
      %swap3A_694 = arith.index_cast %select_n3A_275 : i32 to index
      %swap3A_695 = arith.index_cast %swap3A_693 : i32 to index
      %swap3A_696 = arith.constant 64 : index
      %swap3A_697 = tpu.vector_load %arg12[%swap3A_694, %swap3A_695, %swap3A_696] {strides = array<i32>} : memref<8x8x128xf32, #tpu.memory_space<vmem>>, vector<16xf32>,
      tpu.vector_store %arg12[%swap3A_694, %swap3A_695, %swap3A_696], %gather3A_692 {strides = array<i32>} : memref<8x8x128xf32, #tpu.memory_space<vmem>>, vector<16xf32>,
      %broadcast_in_dim3A_698 = vector.shape_cast %get3A_649 : vector<16xi32> to vector<16x1xi32>
      %gather3A_699 = vector.shape_cast %broadcast_in_dim3A_698 : vector<16x1xi32> to vector<16xi32>
      %gather3A_700 = tpu.dynamic_gather %gather3A_356[%gather3A_699] in [0] : vector<16xf32>, vector<16xi32> -> vector<16xf32>
      %swap3A_701 = arith.constant 6 : i32
      %swap3A_702 = arith.index_cast %select_n3A_275 : i32 to index
      %swap3A_703 = arith.index_cast %swap3A_701 : i32 to index
      %swap3A_704 = arith.constant 64 : index
      %swap3A_705 = tpu.vector_load %arg12[%swap3A_702, %swap3A_703, %swap3A_704] {strides = array<i32>} : memref<8x8x128xf32, #tpu.memory_space<vmem>>, vector<16xf32>,
      tpu.vector_store %arg12[%swap3A_702, %swap3A_703, %swap3A_704], %gather3A_700 {strides = array<i32>} : memref<8x8x128xf32, #tpu.memory_space<vmem>>, vector<16xf32>,
      %broadcast_in_dim3A_706 = vector.shape_cast %get3A_649 : vector<16xi32> to vector<16x1xi32>
      %gather3A_707 = vector.shape_cast %broadcast_in_dim3A_706 : vector<16x1xi32> to vector<16xi32>
      %gather3A_708 = tpu.dynamic_gather %gather3A_360[%gather3A_707] in [0] : vector<16xf32>, vector<16xi32> -> vector<16xf32>
      %swap3A_709 = arith.constant 7 : i32
      %swap3A_710 = arith.index_cast %select_n3A_275 : i32 to index
      %swap3A_711 = arith.index_cast %swap3A_709 : i32 to index
      %swap3A_712 = arith.constant 64 : index
      %swap3A_713 = tpu.vector_load %arg12[%swap3A_710, %swap3A_711, %swap3A_712] {strides = array<i32>} : memref<8x8x128xf32, #tpu.memory_space<vmem>>, vector<16xf32>,
      tpu.vector_store %arg12[%swap3A_710, %swap3A_711, %swap3A_712], %gather3A_708 {strides = array<i32>} : memref<8x8x128xf32, #tpu.memory_space<vmem>>, vector<16xf32>,
      %mul3A_714 = arith.constant 128 : i32
      %mul3A_715 = arith.muli %select_n3A_259, %mul3A_714 : i32
      %add3A_716 = arith.constant 80 : i32
      %add3A_717 = arith.addi %mul3A_715, %add3A_716 : i32
      %get3A_718 = arith.index_cast %select_n3A : i32 to index
      %get3A_719 = arith.index_cast %add3A_717 : i32 to index
      %get3A_720 = tpu.vector_load %arg7[%get3A_718, %get3A_719] {strides = array<i32>} : memref<26x512xi32, #tpu.memory_space<vmem>>, vector<16xi32>,
      %broadcast_in_dim3A_721 = vector.shape_cast %get3A_720 : vector<16xi32> to vector<16x1xi32>
      %gather3A_722 = vector.shape_cast %broadcast_in_dim3A_721 : vector<16x1xi32> to vector<16xi32>
      %gather3A_723 = tpu.dynamic_gather %gather3A_332[%gather3A_722] in [0] : vector<16xf32>, vector<16xi32> -> vector<16xf32>
      %swap3A_724 = arith.constant 0 : i32
      %swap3A_725 = arith.index_cast %select_n3A_275 : i32 to index
      %swap3A_726 = arith.index_cast %swap3A_724 : i32 to index
      %swap3A_727 = arith.constant 80 : index
      %swap3A_728 = tpu.vector_load %arg12[%swap3A_725, %swap3A_726, %swap3A_727] {strides = array<i32>} : memref<8x8x128xf32, #tpu.memory_space<vmem>>, vector<16xf32>,
      tpu.vector_store %arg12[%swap3A_725, %swap3A_726, %swap3A_727], %gather3A_723 {strides = array<i32>} : memref<8x8x128xf32, #tpu.memory_space<vmem>>, vector<16xf32>,
      %broadcast_in_dim3A_729 = vector.shape_cast %get3A_720 : vector<16xi32> to vector<16x1xi32>
      %gather3A_730 = vector.shape_cast %broadcast_in_dim3A_729 : vector<16x1xi32> to vector<16xi32>
      %gather3A_731 = tpu.dynamic_gather %gather3A_336[%gather3A_730] in [0] : vector<16xf32>, vector<16xi32> -> vector<16xf32>
      %swap3A_732 = arith.constant 1 : i32
      %swap3A_733 = arith.index_cast %select_n3A_275 : i32 to index
      %swap3A_734 = arith.index_cast %swap3A_732 : i32 to index
      %swap3A_735 = arith.constant 80 : index
      %swap3A_736 = tpu.vector_load %arg12[%swap3A_733, %swap3A_734, %swap3A_735] {strides = array<i32>} : memref<8x8x128xf32, #tpu.memory_space<vmem>>, vector<16xf32>,
      tpu.vector_store %arg12[%swap3A_733, %swap3A_734, %swap3A_735], %gather3A_731 {strides = array<i32>} : memref<8x8x128xf32, #tpu.memory_space<vmem>>, vector<16xf32>,
      %broadcast_in_dim3A_737 = vector.shape_cast %get3A_720 : vector<16xi32> to vector<16x1xi32>
      %gather3A_738 = vector.shape_cast %broadcast_in_dim3A_737 : vector<16x1xi32> to vector<16xi32>
      %gather3A_739 = tpu.dynamic_gather %gather3A_340[%gather3A_738] in [0] : vector<16xf32>, vector<16xi32> -> vector<16xf32>
      %swap3A_740 = arith.constant 2 : i32
      %swap3A_741 = arith.index_cast %select_n3A_275 : i32 to index
      %swap3A_742 = arith.index_cast %swap3A_740 : i32 to index
      %swap3A_743 = arith.constant 80 : index
      %swap3A_744 = tpu.vector_load %arg12[%swap3A_741, %swap3A_742, %swap3A_743] {strides = array<i32>} : memref<8x8x128xf32, #tpu.memory_space<vmem>>, vector<16xf32>,
      tpu.vector_store %arg12[%swap3A_741, %swap3A_742, %swap3A_743], %gather3A_739 {strides = array<i32>} : memref<8x8x128xf32, #tpu.memory_space<vmem>>, vector<16xf32>,
      %broadcast_in_dim3A_745 = vector.shape_cast %get3A_720 : vector<16xi32> to vector<16x1xi32>
      %gather3A_746 = vector.shape_cast %broadcast_in_dim3A_745 : vector<16x1xi32> to vector<16xi32>
      %gather3A_747 = tpu.dynamic_gather %gather3A_344[%gather3A_746] in [0] : vector<16xf32>, vector<16xi32> -> vector<16xf32>
      %swap3A_748 = arith.constant 3 : i32
      %swap3A_749 = arith.index_cast %select_n3A_275 : i32 to index
      %swap3A_750 = arith.index_cast %swap3A_748 : i32 to index
      %swap3A_751 = arith.constant 80 : index
      %swap3A_752 = tpu.vector_load %arg12[%swap3A_749, %swap3A_750, %swap3A_751] {strides = array<i32>} : memref<8x8x128xf32, #tpu.memory_space<vmem>>, vector<16xf32>,
      tpu.vector_store %arg12[%swap3A_749, %swap3A_750, %swap3A_751], %gather3A_747 {strides = array<i32>} : memref<8x8x128xf32, #tpu.memory_space<vmem>>, vector<16xf32>,
      %broadcast_in_dim3A_753 = vector.shape_cast %get3A_720 : vector<16xi32> to vector<16x1xi32>
      %gather3A_754 = vector.shape_cast %broadcast_in_dim3A_753 : vector<16x1xi32> to vector<16xi32>
      %gather3A_755 = tpu.dynamic_gather %gather3A_348[%gather3A_754] in [0] : vector<16xf32>, vector<16xi32> -> vector<16xf32>
      %swap3A_756 = arith.constant 4 : i32
      %swap3A_757 = arith.index_cast %select_n3A_275 : i32 to index
      %swap3A_758 = arith.index_cast %swap3A_756 : i32 to index
      %swap3A_759 = arith.constant 80 : index
      %swap3A_760 = tpu.vector_load %arg12[%swap3A_757, %swap3A_758, %swap3A_759] {strides = array<i32>} : memref<8x8x128xf32, #tpu.memory_space<vmem>>, vector<16xf32>,
      tpu.vector_store %arg12[%swap3A_757, %swap3A_758, %swap3A_759], %gather3A_755 {strides = array<i32>} : memref<8x8x128xf32, #tpu.memory_space<vmem>>, vector<16xf32>,
      %broadcast_in_dim3A_761 = vector.shape_cast %get3A_720 : vector<16xi32> to vector<16x1xi32>
      %gather3A_762 = vector.shape_cast %broadcast_in_dim3A_761 : vector<16x1xi32> to vector<16xi32>
      %gather3A_763 = tpu.dynamic_gather %gather3A_352[%gather3A_762] in [0] : vector<16xf32>, vector<16xi32> -> vector<16xf32>
      %swap3A_764 = arith.constant 5 : i32
      %swap3A_765 = arith.index_cast %select_n3A_275 : i32 to index
      %swap3A_766 = arith.index_cast %swap3A_764 : i32 to index
      %swap3A_767 = arith.constant 80 : index
      %swap3A_768 = tpu.vector_load %arg12[%swap3A_765, %swap3A_766, %swap3A_767] {strides = array<i32>} : memref<8x8x128xf32, #tpu.memory_space<vmem>>, vector<16xf32>,
      tpu.vector_store %arg12[%swap3A_765, %swap3A_766, %swap3A_767], %gather3A_763 {strides = array<i32>} : memref<8x8x128xf32, #tpu.memory_space<vmem>>, vector<16xf32>,
      %broadcast_in_dim3A_769 = vector.shape_cast %get3A_720 : vector<16xi32> to vector<16x1xi32>
      %gather3A_770 = vector.shape_cast %broadcast_in_dim3A_769 : vector<16x1xi32> to vector<16xi32>
      %gather3A_771 = tpu.dynamic_gather %gather3A_356[%gather3A_770] in [0] : vector<16xf32>, vector<16xi32> -> vector<16xf32>
      %swap3A_772 = arith.constant 6 : i32
      %swap3A_773 = arith.index_cast %select_n3A_275 : i32 to index
      %swap3A_774 = arith.index_cast %swap3A_772 : i32 to index
      %swap3A_775 = arith.constant 80 : index
      %swap3A_776 = tpu.vector_load %arg12[%swap3A_773, %swap3A_774, %swap3A_775] {strides = array<i32>} : memref<8x8x128xf32, #tpu.memory_space<vmem>>, vector<16xf32>,
      tpu.vector_store %arg12[%swap3A_773, %swap3A_774, %swap3A_775], %gather3A_771 {strides = array<i32>} : memref<8x8x128xf32, #tpu.memory_space<vmem>>, vector<16xf32>,
      %broadcast_in_dim3A_777 = vector.shape_cast %get3A_720 : vector<16xi32> to vector<16x1xi32>
      %gather3A_778 = vector.shape_cast %broadcast_in_dim3A_777 : vector<16x1xi32> to vector<16xi32>
      %gather3A_779 = tpu.dynamic_gather %gather3A_360[%gather3A_778] in [0] : vector<16xf32>, vector<16xi32> -> vector<16xf32>
      %swap3A_780 = arith.constant 7 : i32
      %swap3A_781 = arith.index_cast %select_n3A_275 : i32 to index
      %swap3A_782 = arith.index_cast %swap3A_780 : i32 to index
      %swap3A_783 = arith.constant 80 : index
      %swap3A_784 = tpu.vector_load %arg12[%swap3A_781, %swap3A_782, %swap3A_783] {strides = array<i32>} : memref<8x8x128xf32, #tpu.memory_space<vmem>>, vector<16xf32>,
      tpu.vector_store %arg12[%swap3A_781, %swap3A_782, %swap3A_783], %gather3A_779 {strides = array<i32>} : memref<8x8x128xf32, #tpu.memory_space<vmem>>, vector<16xf32>,
      %mul3A_785 = arith.constant 128 : i32
      %mul3A_786 = arith.muli %select_n3A_259, %mul3A_785 : i32
      %add3A_787 = arith.constant 96 : i32
      %add3A_788 = arith.addi %mul3A_786, %add3A_787 : i32
      %get3A_789 = arith.index_cast %select_n3A : i32 to index
      %get3A_790 = arith.index_cast %add3A_788 : i32 to index
      %get3A_791 = tpu.vector_load %arg7[%get3A_789, %get3A_790] {strides = array<i32>} : memref<26x512xi32, #tpu.memory_space<vmem>>, vector<16xi32>,
      %broadcast_in_dim3A_792 = vector.shape_cast %get3A_791 : vector<16xi32> to vector<16x1xi32>
      %gather3A_793 = vector.shape_cast %broadcast_in_dim3A_792 : vector<16x1xi32> to vector<16xi32>
      %gather3A_794 = tpu.dynamic_gather %gather3A_332[%gather3A_793] in [0] : vector<16xf32>, vector<16xi32> -> vector<16xf32>
      %swap3A_795 = arith.constant 0 : i32
      %swap3A_796 = arith.index_cast %select_n3A_275 : i32 to index
      %swap3A_797 = arith.index_cast %swap3A_795 : i32 to index
      %swap3A_798 = arith.constant 96 : index
      %swap3A_799 = tpu.vector_load %arg12[%swap3A_796, %swap3A_797, %swap3A_798] {strides = array<i32>} : memref<8x8x128xf32, #tpu.memory_space<vmem>>, vector<16xf32>,
      tpu.vector_store %arg12[%swap3A_796, %swap3A_797, %swap3A_798], %gather3A_794 {strides = array<i32>} : memref<8x8x128xf32, #tpu.memory_space<vmem>>, vector<16xf32>,
      %broadcast_in_dim3A_800 = vector.shape_cast %get3A_791 : vector<16xi32> to vector<16x1xi32>
      %gather3A_801 = vector.shape_cast %broadcast_in_dim3A_800 : vector<16x1xi32> to vector<16xi32>
      %gather3A_802 = tpu.dynamic_gather %gather3A_336[%gather3A_801] in [0] : vector<16xf32>, vector<16xi32> -> vector<16xf32>
      %swap3A_803 = arith.constant 1 : i32
      %swap3A_804 = arith.index_cast %select_n3A_275 : i32 to index
      %swap3A_805 = arith.index_cast %swap3A_803 : i32 to index
      %swap3A_806 = arith.constant 96 : index
      %swap3A_807 = tpu.vector_load %arg12[%swap3A_804, %swap3A_805, %swap3A_806] {strides = array<i32>} : memref<8x8x128xf32, #tpu.memory_space<vmem>>, vector<16xf32>,
      tpu.vector_store %arg12[%swap3A_804, %swap3A_805, %swap3A_806], %gather3A_802 {strides = array<i32>} : memref<8x8x128xf32, #tpu.memory_space<vmem>>, vector<16xf32>,
      %broadcast_in_dim3A_808 = vector.shape_cast %get3A_791 : vector<16xi32> to vector<16x1xi32>
      %gather3A_809 = vector.shape_cast %broadcast_in_dim3A_808 : vector<16x1xi32> to vector<16xi32>
      %gather3A_810 = tpu.dynamic_gather %gather3A_340[%gather3A_809] in [0] : vector<16xf32>, vector<16xi32> -> vector<16xf32>
      %swap3A_811 = arith.constant 2 : i32
      %swap3A_812 = arith.index_cast %select_n3A_275 : i32 to index
      %swap3A_813 = arith.index_cast %swap3A_811 : i32 to index
      %swap3A_814 = arith.constant 96 : index
      %swap3A_815 = tpu.vector_load %arg12[%swap3A_812, %swap3A_813, %swap3A_814] {strides = array<i32>} : memref<8x8x128xf32, #tpu.memory_space<vmem>>, vector<16xf32>,
      tpu.vector_store %arg12[%swap3A_812, %swap3A_813, %swap3A_814], %gather3A_810 {strides = array<i32>} : memref<8x8x128xf32, #tpu.memory_space<vmem>>, vector<16xf32>,
      %broadcast_in_dim3A_816 = vector.shape_cast %get3A_791 : vector<16xi32> to vector<16x1xi32>
      %gather3A_817 = vector.shape_cast %broadcast_in_dim3A_816 : vector<16x1xi32> to vector<16xi32>
      %gather3A_818 = tpu.dynamic_gather %gather3A_344[%gather3A_817] in [0] : vector<16xf32>, vector<16xi32> -> vector<16xf32>
      %swap3A_819 = arith.constant 3 : i32
      %swap3A_820 = arith.index_cast %select_n3A_275 : i32 to index
      %swap3A_821 = arith.index_cast %swap3A_819 : i32 to index
      %swap3A_822 = arith.constant 96 : index
      %swap3A_823 = tpu.vector_load %arg12[%swap3A_820, %swap3A_821, %swap3A_822] {strides = array<i32>} : memref<8x8x128xf32, #tpu.memory_space<vmem>>, vector<16xf32>,
      tpu.vector_store %arg12[%swap3A_820, %swap3A_821, %swap3A_822], %gather3A_818 {strides = array<i32>} : memref<8x8x128xf32, #tpu.memory_space<vmem>>, vector<16xf32>,
      %broadcast_in_dim3A_824 = vector.shape_cast %get3A_791 : vector<16xi32> to vector<16x1xi32>
      %gather3A_825 = vector.shape_cast %broadcast_in_dim3A_824 : vector<16x1xi32> to vector<16xi32>
      %gather3A_826 = tpu.dynamic_gather %gather3A_348[%gather3A_825] in [0] : vector<16xf32>, vector<16xi32> -> vector<16xf32>
      %swap3A_827 = arith.constant 4 : i32
      %swap3A_828 = arith.index_cast %select_n3A_275 : i32 to index
      %swap3A_829 = arith.index_cast %swap3A_827 : i32 to index
      %swap3A_830 = arith.constant 96 : index
      %swap3A_831 = tpu.vector_load %arg12[%swap3A_828, %swap3A_829, %swap3A_830] {strides = array<i32>} : memref<8x8x128xf32, #tpu.memory_space<vmem>>, vector<16xf32>,
      tpu.vector_store %arg12[%swap3A_828, %swap3A_829, %swap3A_830], %gather3A_826 {strides = array<i32>} : memref<8x8x128xf32, #tpu.memory_space<vmem>>, vector<16xf32>,
      %broadcast_in_dim3A_832 = vector.shape_cast %get3A_791 : vector<16xi32> to vector<16x1xi32>
      %gather3A_833 = vector.shape_cast %broadcast_in_dim3A_832 : vector<16x1xi32> to vector<16xi32>
      %gather3A_834 = tpu.dynamic_gather %gather3A_352[%gather3A_833] in [0] : vector<16xf32>, vector<16xi32> -> vector<16xf32>
      %swap3A_835 = arith.constant 5 : i32
      %swap3A_836 = arith.index_cast %select_n3A_275 : i32 to index
      %swap3A_837 = arith.index_cast %swap3A_835 : i32 to index
      %swap3A_838 = arith.constant 96 : index
      %swap3A_839 = tpu.vector_load %arg12[%swap3A_836, %swap3A_837, %swap3A_838] {strides = array<i32>} : memref<8x8x128xf32, #tpu.memory_space<vmem>>, vector<16xf32>,
      tpu.vector_store %arg12[%swap3A_836, %swap3A_837, %swap3A_838], %gather3A_834 {strides = array<i32>} : memref<8x8x128xf32, #tpu.memory_space<vmem>>, vector<16xf32>,
      %broadcast_in_dim3A_840 = vector.shape_cast %get3A_791 : vector<16xi32> to vector<16x1xi32>
      %gather3A_841 = vector.shape_cast %broadcast_in_dim3A_840 : vector<16x1xi32> to vector<16xi32>
      %gather3A_842 = tpu.dynamic_gather %gather3A_356[%gather3A_841] in [0] : vector<16xf32>, vector<16xi32> -> vector<16xf32>
      %swap3A_843 = arith.constant 6 : i32
      %swap3A_844 = arith.index_cast %select_n3A_275 : i32 to index
      %swap3A_845 = arith.index_cast %swap3A_843 : i32 to index
      %swap3A_846 = arith.constant 96 : index
      %swap3A_847 = tpu.vector_load %arg12[%swap3A_844, %swap3A_845, %swap3A_846] {strides = array<i32>} : memref<8x8x128xf32, #tpu.memory_space<vmem>>, vector<16xf32>,
      tpu.vector_store %arg12[%swap3A_844, %swap3A_845, %swap3A_846], %gather3A_842 {strides = array<i32>} : memref<8x8x128xf32, #tpu.memory_space<vmem>>, vector<16xf32>,
      %broadcast_in_dim3A_848 = vector.shape_cast %get3A_791 : vector<16xi32> to vector<16x1xi32>
      %gather3A_849 = vector.shape_cast %broadcast_in_dim3A_848 : vector<16x1xi32> to vector<16xi32>
      %gather3A_850 = tpu.dynamic_gather %gather3A_360[%gather3A_849] in [0] : vector<16xf32>, vector<16xi32> -> vector<16xf32>
      %swap3A_851 = arith.constant 7 : i32
      %swap3A_852 = arith.index_cast %select_n3A_275 : i32 to index
      %swap3A_853 = arith.index_cast %swap3A_851 : i32 to index
      %swap3A_854 = arith.constant 96 : index
      %swap3A_855 = tpu.vector_load %arg12[%swap3A_852, %swap3A_853, %swap3A_854] {strides = array<i32>} : memref<8x8x128xf32, #tpu.memory_space<vmem>>, vector<16xf32>,
      tpu.vector_store %arg12[%swap3A_852, %swap3A_853, %swap3A_854], %gather3A_850 {strides = array<i32>} : memref<8x8x128xf32, #tpu.memory_space<vmem>>, vector<16xf32>,
      %mul3A_856 = arith.constant 128 : i32
      %mul3A_857 = arith.muli %select_n3A_259, %mul3A_856 : i32
      %add3A_858 = arith.constant 112 : i32
      %add3A_859 = arith.addi %mul3A_857, %add3A_858 : i32
      %get3A_860 = arith.index_cast %select_n3A : i32 to index
      %get3A_861 = arith.index_cast %add3A_859 : i32 to index
      %get3A_862 = tpu.vector_load %arg7[%get3A_860, %get3A_861] {strides = array<i32>} : memref<26x512xi32, #tpu.memory_space<vmem>>, vector<16xi32>,
      %broadcast_in_dim3A_863 = vector.shape_cast %get3A_862 : vector<16xi32> to vector<16x1xi32>
      %gather3A_864 = vector.shape_cast %broadcast_in_dim3A_863 : vector<16x1xi32> to vector<16xi32>
      %gather3A_865 = tpu.dynamic_gather %gather3A_332[%gather3A_864] in [0] : vector<16xf32>, vector<16xi32> -> vector<16xf32>
      %swap3A_866 = arith.constant 0 : i32
      %swap3A_867 = arith.index_cast %select_n3A_275 : i32 to index
      %swap3A_868 = arith.index_cast %swap3A_866 : i32 to index
      %swap3A_869 = arith.constant 112 : index
      %swap3A_870 = tpu.vector_load %arg12[%swap3A_867, %swap3A_868, %swap3A_869] {strides = array<i32>} : memref<8x8x128xf32, #tpu.memory_space<vmem>>, vector<16xf32>,
      tpu.vector_store %arg12[%swap3A_867, %swap3A_868, %swap3A_869], %gather3A_865 {strides = array<i32>} : memref<8x8x128xf32, #tpu.memory_space<vmem>>, vector<16xf32>,
      %broadcast_in_dim3A_871 = vector.shape_cast %get3A_862 : vector<16xi32> to vector<16x1xi32>
      %gather3A_872 = vector.shape_cast %broadcast_in_dim3A_871 : vector<16x1xi32> to vector<16xi32>
      %gather3A_873 = tpu.dynamic_gather %gather3A_336[%gather3A_872] in [0] : vector<16xf32>, vector<16xi32> -> vector<16xf32>
      %swap3A_874 = arith.constant 1 : i32
      %swap3A_875 = arith.index_cast %select_n3A_275 : i32 to index
      %swap3A_876 = arith.index_cast %swap3A_874 : i32 to index
      %swap3A_877 = arith.constant 112 : index
      %swap3A_878 = tpu.vector_load %arg12[%swap3A_875, %swap3A_876, %swap3A_877] {strides = array<i32>} : memref<8x8x128xf32, #tpu.memory_space<vmem>>, vector<16xf32>,
      tpu.vector_store %arg12[%swap3A_875, %swap3A_876, %swap3A_877], %gather3A_873 {strides = array<i32>} : memref<8x8x128xf32, #tpu.memory_space<vmem>>, vector<16xf32>,
      %broadcast_in_dim3A_879 = vector.shape_cast %get3A_862 : vector<16xi32> to vector<16x1xi32>
      %gather3A_880 = vector.shape_cast %broadcast_in_dim3A_879 : vector<16x1xi32> to vector<16xi32>
      %gather3A_881 = tpu.dynamic_gather %gather3A_340[%gather3A_880] in [0] : vector<16xf32>, vector<16xi32> -> vector<16xf32>
      %swap3A_882 = arith.constant 2 : i32
      %swap3A_883 = arith.index_cast %select_n3A_275 : i32 to index
      %swap3A_884 = arith.index_cast %swap3A_882 : i32 to index
      %swap3A_885 = arith.constant 112 : index
      %swap3A_886 = tpu.vector_load %arg12[%swap3A_883, %swap3A_884, %swap3A_885] {strides = array<i32>} : memref<8x8x128xf32, #tpu.memory_space<vmem>>, vector<16xf32>,
      tpu.vector_store %arg12[%swap3A_883, %swap3A_884, %swap3A_885], %gather3A_881 {strides = array<i32>} : memref<8x8x128xf32, #tpu.memory_space<vmem>>, vector<16xf32>,
      %broadcast_in_dim3A_887 = vector.shape_cast %get3A_862 : vector<16xi32> to vector<16x1xi32>
      %gather3A_888 = vector.shape_cast %broadcast_in_dim3A_887 : vector<16x1xi32> to vector<16xi32>
      %gather3A_889 = tpu.dynamic_gather %gather3A_344[%gather3A_888] in [0] : vector<16xf32>, vector<16xi32> -> vector<16xf32>
      %swap3A_890 = arith.constant 3 : i32
      %swap3A_891 = arith.index_cast %select_n3A_275 : i32 to index
      %swap3A_892 = arith.index_cast %swap3A_890 : i32 to index
      %swap3A_893 = arith.constant 112 : index
      %swap3A_894 = tpu.vector_load %arg12[%swap3A_891, %swap3A_892, %swap3A_893] {strides = array<i32>} : memref<8x8x128xf32, #tpu.memory_space<vmem>>, vector<16xf32>,
      tpu.vector_store %arg12[%swap3A_891, %swap3A_892, %swap3A_893], %gather3A_889 {strides = array<i32>} : memref<8x8x128xf32, #tpu.memory_space<vmem>>, vector<16xf32>,
      %broadcast_in_dim3A_895 = vector.shape_cast %get3A_862 : vector<16xi32> to vector<16x1xi32>
      %gather3A_896 = vector.shape_cast %broadcast_in_dim3A_895 : vector<16x1xi32> to vector<16xi32>
      %gather3A_897 = tpu.dynamic_gather %gather3A_348[%gather3A_896] in [0] : vector<16xf32>, vector<16xi32> -> vector<16xf32>
      %swap3A_898 = arith.constant 4 : i32
      %swap3A_899 = arith.index_cast %select_n3A_275 : i32 to index
      %swap3A_900 = arith.index_cast %swap3A_898 : i32 to index
      %swap3A_901 = arith.constant 112 : index
      %swap3A_902 = tpu.vector_load %arg12[%swap3A_899, %swap3A_900, %swap3A_901] {strides = array<i32>} : memref<8x8x128xf32, #tpu.memory_space<vmem>>, vector<16xf32>,
      tpu.vector_store %arg12[%swap3A_899, %swap3A_900, %swap3A_901], %gather3A_897 {strides = array<i32>} : memref<8x8x128xf32, #tpu.memory_space<vmem>>, vector<16xf32>,
      %broadcast_in_dim3A_903 = vector.shape_cast %get3A_862 : vector<16xi32> to vector<16x1xi32>
      %gather3A_904 = vector.shape_cast %broadcast_in_dim3A_903 : vector<16x1xi32> to vector<16xi32>
      %gather3A_905 = tpu.dynamic_gather %gather3A_352[%gather3A_904] in [0] : vector<16xf32>, vector<16xi32> -> vector<16xf32>
      %swap3A_906 = arith.constant 5 : i32
      %swap3A_907 = arith.index_cast %select_n3A_275 : i32 to index
      %swap3A_908 = arith.index_cast %swap3A_906 : i32 to index
      %swap3A_909 = arith.constant 112 : index
      %swap3A_910 = tpu.vector_load %arg12[%swap3A_907, %swap3A_908, %swap3A_909] {strides = array<i32>} : memref<8x8x128xf32, #tpu.memory_space<vmem>>, vector<16xf32>,
      tpu.vector_store %arg12[%swap3A_907, %swap3A_908, %swap3A_909], %gather3A_905 {strides = array<i32>} : memref<8x8x128xf32, #tpu.memory_space<vmem>>, vector<16xf32>,
      %broadcast_in_dim3A_911 = vector.shape_cast %get3A_862 : vector<16xi32> to vector<16x1xi32>
      %gather3A_912 = vector.shape_cast %broadcast_in_dim3A_911 : vector<16x1xi32> to vector<16xi32>
      %gather3A_913 = tpu.dynamic_gather %gather3A_356[%gather3A_912] in [0] : vector<16xf32>, vector<16xi32> -> vector<16xf32>
      %swap3A_914 = arith.constant 6 : i32
      %swap3A_915 = arith.index_cast %select_n3A_275 : i32 to index
      %swap3A_916 = arith.index_cast %swap3A_914 : i32 to index
      %swap3A_917 = arith.constant 112 : index
      %swap3A_918 = tpu.vector_load %arg12[%swap3A_915, %swap3A_916, %swap3A_917] {strides = array<i32>} : memref<8x8x128xf32, #tpu.memory_space<vmem>>, vector<16xf32>,
      tpu.vector_store %arg12[%swap3A_915, %swap3A_916, %swap3A_917], %gather3A_913 {strides = array<i32>} : memref<8x8x128xf32, #tpu.memory_space<vmem>>, vector<16xf32>,
      %broadcast_in_dim3A_919 = vector.shape_cast %get3A_862 : vector<16xi32> to vector<16x1xi32>
      %gather3A_920 = vector.shape_cast %broadcast_in_dim3A_919 : vector<16x1xi32> to vector<16xi32>
      %gather3A_921 = tpu.dynamic_gather %gather3A_360[%gather3A_920] in [0] : vector<16xf32>, vector<16xi32> -> vector<16xf32>
      %swap3A_922 = arith.constant 7 : i32
      %swap3A_923 = arith.index_cast %select_n3A_275 : i32 to index
      %swap3A_924 = arith.index_cast %swap3A_922 : i32 to index
      %swap3A_925 = arith.constant 112 : index
      %swap3A_926 = tpu.vector_load %arg12[%swap3A_923, %swap3A_924, %swap3A_925] {strides = array<i32>} : memref<8x8x128xf32, #tpu.memory_space<vmem>>, vector<16xf32>,
      tpu.vector_store %arg12[%swap3A_923, %swap3A_924, %swap3A_925], %gather3A_921 {strides = array<i32>} : memref<8x8x128xf32, #tpu.memory_space<vmem>>, vector<16xf32>,
      %jit3A_927 = arith.constant 2 : i32
      %eq3A_928 = arith.constant 0 : i32
      %eq3A_929 = arith.cmpi eq, %jit3A_927, %eq3A_928 : i32
      %jit3A_930 = arith.constant 1 : i32
      %select_n3A_931 = arith.select %eq3A_929, %jit3A_930, %jit3A_927 : i32
      %rem3A_932 = arith.remsi %scan3A_188, %select_n3A_931 : i32
      %ne3A_933 = arith.constant 0 : i32
      %ne3A_934 = arith.cmpi ne, %rem3A_932, %ne3A_933 : i32
      %lt3A_935 = arith.constant 0 : i32
      %lt3A_936 = arith.cmpi slt, %rem3A_932, %lt3A_935 : i32
      %lt3A_937 = arith.constant 0 : i32
      %lt3A_938 = arith.cmpi slt, %select_n3A_931, %lt3A_937 : i32
      %ne3A_939 = arith.xori %lt3A_936, %lt3A_938 : i1
      %and3A_940 = arith.andi %ne3A_939, %ne3A_934 : i1
      %add3A_941 = arith.addi %rem3A_932, %select_n3A_931 : i32
      %select_n3A_942 = arith.select %and3A_940, %add3A_941, %rem3A_932 : i32
      %eq3A_943 = arith.constant 0 : i32
      %eq3A_944 = arith.cmpi eq, %select_n3A_942, %eq3A_943 : i32
      %convert_element_type3A_945 = arith.extui %eq3A_944 : i1 to i32
      %cond3A_946 = arith.constant 0 : i32
      %cond3A_947 = arith.cmpi ne, %convert_element_type3A_945, %cond3A_946 : i32
      scf.if %cond3A_947 {
        %jit3A_3367 = arith.constant 128 : i32
        %div3A_3368 = arith.divsi %mul3A_2, %jit3A_3367 : i32
        %sign3A_3369 = arith.constant 0 : i32
        %sign3A_3370 = arith.cmpi sgt, %mul3A_2, %sign3A_3369 : i32
        %sign3A_3371 = arith.extui %sign3A_3370 : i1 to i32
        %sign3A_3372 = arith.constant 0 : i32
        %sign3A_3373 = arith.cmpi slt, %mul3A_2, %sign3A_3372 : i32
        %sign3A_3374 = arith.extui %sign3A_3373 : i1 to i32
        %sign3A_3375 = arith.subi %sign3A_3371, %sign3A_3374 : i32
        %sign3A_3376 = arith.constant 0 : i32
        %sign3A_3377 = arith.cmpi sgt, %jit3A_3367, %sign3A_3376 : i32
        %sign3A_3378 = arith.extui %sign3A_3377 : i1 to i32
        %sign3A_3379 = arith.constant 0 : i32
        %sign3A_3380 = arith.cmpi slt, %jit3A_3367, %sign3A_3379 : i32
        %sign3A_3381 = arith.extui %sign3A_3380 : i1 to i32
        %sign3A_3382 = arith.subi %sign3A_3378, %sign3A_3381 : i32
        %ne3A_3383 = arith.cmpi ne, %sign3A_3375, %sign3A_3382 : i32
        %rem3A_3384 = arith.remsi %mul3A_2, %jit3A_3367 : i32
        %ne3A_3385 = arith.constant 0 : i32
        %ne3A_3386 = arith.cmpi ne, %rem3A_3384, %ne3A_3385 : i32
        %and3A_3387 = arith.andi %ne3A_3383, %ne3A_3386 : i1
        %sub3A_3388 = arith.constant 1 : i32
        %sub3A_3389 = arith.subi %div3A_3368, %sub3A_3388 : i32
        %select_n3A_3390 = arith.select %and3A_3387, %sub3A_3389, %div3A_3368 : i32
        %add3A_3391 = arith.addi %select_n3A_3390, %select_n3A_259 : i32
        %dma_start3A_3392 = arith.constant 0 : i32
        %dma_start3A_3393 = arith.constant 0 : i32
        %dma_start3A_3394 = tpu.memref_slice %arg12[%select_n3A_275, %dma_start3A_3392, %dma_start3A_3393] : memref<8x8x128xf32, #tpu.memory_space<vmem>> -> memref<1x8x128xf32, #tpu.memory_space<vmem>>
        %dma_start3A_3395 = tpu.memref_squeeze %dma_start3A_3394 : memref<1x8x128xf32, #tpu.memory_space<vmem>> -> memref<8x128xf32, #tpu.memory_space<vmem>>
        %dma_start3A_3396 = arith.constant 0 : i32
        %dma_start3A_3397 = arith.constant 0 : i32
        %dma_start3A_3398 = tpu.memref_slice %arg6[%select_n3A, %select_n3A_243, %add3A_3391, %dma_start3A_3396, %dma_start3A_3397] : memref<26x8x128x8x128xf32, #tpu.memory_space<hbm>> -> memref<1x1x1x8x128xf32, #tpu.memory_space<hbm>>
        %dma_start3A_3399 = tpu.memref_squeeze %dma_start3A_3398 : memref<1x1x1x8x128xf32, #tpu.memory_space<hbm>> -> memref<8x128xf32, #tpu.memory_space<hbm>>
        %dma_start3A_3400 = arith.constant 0 : i32
        %dma_start3A_3401 = arith.constant 0 : i32
        %dma_start3A_3402 = tpu.memref_slice %arg6[%select_n3A, %select_n3A_243, %add3A_3391, %dma_start3A_3400, %dma_start3A_3401] : memref<26x8x128x8x128xf32, #tpu.memory_space<hbm>> -> memref<1x1x1x8x128xf32, #tpu.memory_space<hbm>>
        %dma_start3A_3403 = tpu.memref_squeeze %dma_start3A_3402 : memref<1x1x1x8x128xf32, #tpu.memory_space<hbm>> -> memref<8x128xf32, #tpu.memory_space<hbm>>
        %dma_start3A_3404 = arith.constant 0 : i32
        %dma_start3A_3405 = arith.constant 0 : i32
        %dma_start3A_3406 = tpu.memref_slice %arg12[%select_n3A_275, %dma_start3A_3404, %dma_start3A_3405] : memref<8x8x128xf32, #tpu.memory_space<vmem>> -> memref<1x8x128xf32, #tpu.memory_space<vmem>>
        %dma_start3A_3407 = tpu.memref_squeeze %dma_start3A_3406 : memref<1x8x128xf32, #tpu.memory_space<vmem>> -> memref<8x128xf32, #tpu.memory_space<vmem>>
        tpu.enqueue_dma source(%dma_start3A_3407 : memref<8x128xf32, #tpu.memory_space<vmem>>) target(%dma_start3A_3403 : memref<8x128xf32, #tpu.memory_space<hbm>>) target_semaphore(%arg14 : memref<!tpu.dma_semaphore, #tpu.memory_space<semaphore_mem>>)
      } else {
      }
      %jit3A_948 = arith.constant 2 : i32
      %eq3A_949 = arith.constant 0 : i32
      %eq3A_950 = arith.cmpi eq, %jit3A_948, %eq3A_949 : i32
      %jit3A_951 = arith.constant 1 : i32
      %select_n3A_952 = arith.select %eq3A_950, %jit3A_951, %jit3A_948 : i32
      %rem3A_953 = arith.remsi %scan3A_188, %select_n3A_952 : i32
      %ne3A_954 = arith.constant 0 : i32
      %ne3A_955 = arith.cmpi ne, %rem3A_953, %ne3A_954 : i32
      %lt3A_956 = arith.constant 0 : i32
      %lt3A_957 = arith.cmpi slt, %rem3A_953, %lt3A_956 : i32
      %lt3A_958 = arith.constant 0 : i32
      %lt3A_959 = arith.cmpi slt, %select_n3A_952, %lt3A_958 : i32
      %ne3A_960 = arith.xori %lt3A_957, %lt3A_959 : i1
      %and3A_961 = arith.andi %ne3A_960, %ne3A_955 : i1
      %add3A_962 = arith.addi %rem3A_953, %select_n3A_952 : i32
      %select_n3A_963 = arith.select %and3A_961, %add3A_962, %rem3A_953 : i32
      %eq3A_964 = arith.constant 1 : i32
      %eq3A_965 = arith.cmpi eq, %select_n3A_963, %eq3A_964 : i32
      %convert_element_type3A_966 = arith.extui %eq3A_965 : i1 to i32
      %cond3A_967 = arith.constant 0 : i32
      %cond3A_968 = arith.cmpi ne, %convert_element_type3A_966, %cond3A_967 : i32
      scf.if %cond3A_968 {
        %jit3A_3367 = arith.constant 128 : i32
        %div3A_3368 = arith.divsi %mul3A_2, %jit3A_3367 : i32
        %sign3A_3369 = arith.constant 0 : i32
        %sign3A_3370 = arith.cmpi sgt, %mul3A_2, %sign3A_3369 : i32
        %sign3A_3371 = arith.extui %sign3A_3370 : i1 to i32
        %sign3A_3372 = arith.constant 0 : i32
        %sign3A_3373 = arith.cmpi slt, %mul3A_2, %sign3A_3372 : i32
        %sign3A_3374 = arith.extui %sign3A_3373 : i1 to i32
        %sign3A_3375 = arith.subi %sign3A_3371, %sign3A_3374 : i32
        %sign3A_3376 = arith.constant 0 : i32
        %sign3A_3377 = arith.cmpi sgt, %jit3A_3367, %sign3A_3376 : i32
        %sign3A_3378 = arith.extui %sign3A_3377 : i1 to i32
        %sign3A_3379 = arith.constant 0 : i32
        %sign3A_3380 = arith.cmpi slt, %jit3A_3367, %sign3A_3379 : i32
        %sign3A_3381 = arith.extui %sign3A_3380 : i1 to i32
        %sign3A_3382 = arith.subi %sign3A_3378, %sign3A_3381 : i32
        %ne3A_3383 = arith.cmpi ne, %sign3A_3375, %sign3A_3382 : i32
        %rem3A_3384 = arith.remsi %mul3A_2, %jit3A_3367 : i32
        %ne3A_3385 = arith.constant 0 : i32
        %ne3A_3386 = arith.cmpi ne, %rem3A_3384, %ne3A_3385 : i32
        %and3A_3387 = arith.andi %ne3A_3383, %ne3A_3386 : i1
        %sub3A_3388 = arith.constant 1 : i32
        %sub3A_3389 = arith.subi %div3A_3368, %sub3A_3388 : i32
        %select_n3A_3390 = arith.select %and3A_3387, %sub3A_3389, %div3A_3368 : i32
        %add3A_3391 = arith.addi %select_n3A_3390, %select_n3A_259 : i32
        %dma_start3A_3392 = arith.constant 0 : i32
        %dma_start3A_3393 = arith.constant 0 : i32
        %dma_start3A_3394 = tpu.memref_slice %arg12[%select_n3A_275, %dma_start3A_3392, %dma_start3A_3393] : memref<8x8x128xf32, #tpu.memory_space<vmem>> -> memref<1x8x128xf32, #tpu.memory_space<vmem>>
        %dma_start3A_3395 = tpu.memref_squeeze %dma_start3A_3394 : memref<1x8x128xf32, #tpu.memory_space<vmem>> -> memref<8x128xf32, #tpu.memory_space<vmem>>
        %dma_start3A_3396 = arith.constant 0 : i32
        %dma_start3A_3397 = arith.constant 0 : i32
        %dma_start3A_3398 = tpu.memref_slice %arg6[%select_n3A, %select_n3A_243, %add3A_3391, %dma_start3A_3396, %dma_start3A_3397] : memref<26x8x128x8x128xf32, #tpu.memory_space<hbm>> -> memref<1x1x1x8x128xf32, #tpu.memory_space<hbm>>
        %dma_start3A_3399 = tpu.memref_squeeze %dma_start3A_3398 : memref<1x1x1x8x128xf32, #tpu.memory_space<hbm>> -> memref<8x128xf32, #tpu.memory_space<hbm>>
        %dma_start3A_3400 = arith.constant 0 : i32
        %dma_start3A_3401 = arith.constant 0 : i32
        %dma_start3A_3402 = tpu.memref_slice %arg6[%select_n3A, %select_n3A_243, %add3A_3391, %dma_start3A_3400, %dma_start3A_3401] : memref<26x8x128x8x128xf32, #tpu.memory_space<hbm>> -> memref<1x1x1x8x128xf32, #tpu.memory_space<hbm>>
        %dma_start3A_3403 = tpu.memref_squeeze %dma_start3A_3402 : memref<1x1x1x8x128xf32, #tpu.memory_space<hbm>> -> memref<8x128xf32, #tpu.memory_space<hbm>>
        %dma_start3A_3404 = arith.constant 0 : i32
        %dma_start3A_3405 = arith.constant 0 : i32
        %dma_start3A_3406 = tpu.memref_slice %arg12[%select_n3A_275, %dma_start3A_3404, %dma_start3A_3405] : memref<8x8x128xf32, #tpu.memory_space<vmem>> -> memref<1x8x128xf32, #tpu.memory_space<vmem>>
        %dma_start3A_3407 = tpu.memref_squeeze %dma_start3A_3406 : memref<1x8x128xf32, #tpu.memory_space<vmem>> -> memref<8x128xf32, #tpu.memory_space<vmem>>
        tpu.enqueue_dma source(%dma_start3A_3407 : memref<8x128xf32, #tpu.memory_space<vmem>>) target(%dma_start3A_3403 : memref<8x128xf32, #tpu.memory_space<hbm>>) target_semaphore(%arg15 : memref<!tpu.dma_semaphore, #tpu.memory_space<semaphore_mem>>)
      } else {
      }
      %scan3A_969 = arith.constant 0 : i32
      %scan3A_970 = arith.constant 1 : i32
      %scan3A_971 = arith.addi %scan3A_188, %scan3A_970 : i32
      %jit3A_972 = arith.constant 32 : i32
      %div3A_973 = arith.divsi %scan3A_971, %jit3A_972 : i32
      %sign3A_974 = arith.constant 0 : i32
      %sign3A_975 = arith.cmpi sgt, %scan3A_971, %sign3A_974 : i32
      %sign3A_976 = arith.extui %sign3A_975 : i1 to i32
      %sign3A_977 = arith.constant 0 : i32
      %sign3A_978 = arith.cmpi slt, %scan3A_971, %sign3A_977 : i32
      %sign3A_979 = arith.extui %sign3A_978 : i1 to i32
      %sign3A_980 = arith.subi %sign3A_976, %sign3A_979 : i32
      %sign3A_981 = arith.constant 0 : i32
      %sign3A_982 = arith.cmpi sgt, %jit3A_972, %sign3A_981 : i32
      %sign3A_983 = arith.extui %sign3A_982 : i1 to i32
      %sign3A_984 = arith.constant 0 : i32
      %sign3A_985 = arith.cmpi slt, %jit3A_972, %sign3A_984 : i32
      %sign3A_986 = arith.extui %sign3A_985 : i1 to i32
      %sign3A_987 = arith.subi %sign3A_983, %sign3A_986 : i32
      %ne3A_988 = arith.cmpi ne, %sign3A_980, %sign3A_987 : i32
      %rem3A_989 = arith.remsi %scan3A_971, %jit3A_972 : i32
      %ne3A_990 = arith.constant 0 : i32
      %ne3A_991 = arith.cmpi ne, %rem3A_989, %ne3A_990 : i32
      %and3A_992 = arith.andi %ne3A_988, %ne3A_991 : i1
      %sub3A_993 = arith.constant 1 : i32
      %sub3A_994 = arith.subi %div3A_973, %sub3A_993 : i32
      %select_n3A_995 = arith.select %and3A_992, %sub3A_994, %div3A_973 : i32
      %jit3A_996 = arith.constant 32 : i32
      %eq3A_997 = arith.constant 0 : i32
      %eq3A_998 = arith.cmpi eq, %jit3A_996, %eq3A_997 : i32
      %jit3A_999 = arith.constant 1 : i32
      %select_n3A_1000 = arith.select %eq3A_998, %jit3A_999, %jit3A_996 : i32
      %rem3A_1001 = arith.remsi %scan3A_971, %select_n3A_1000 : i32
      %ne3A_1002 = arith.constant 0 : i32
      %ne3A_1003 = arith.cmpi ne, %rem3A_1001, %ne3A_1002 : i32
      %lt3A_1004 = arith.constant 0 : i32
      %lt3A_1005 = arith.cmpi slt, %rem3A_1001, %lt3A_1004 : i32
      %lt3A_1006 = arith.constant 0 : i32
      %lt3A_1007 = arith.cmpi slt, %select_n3A_1000, %lt3A_1006 : i32
      %ne3A_1008 = arith.xori %lt3A_1005, %lt3A_1007 : i1
      %and3A_1009 = arith.andi %ne3A_1008, %ne3A_1003 : i1
      %add3A_1010 = arith.addi %rem3A_1001, %select_n3A_1000 : i32
      %select_n3A_1011 = arith.select %and3A_1009, %add3A_1010, %rem3A_1001 : i32
      %jit3A_1012 = arith.constant 4 : i32
      %div3A_1013 = arith.divsi %select_n3A_1011, %jit3A_1012 : i32
      %sign3A_1014 = arith.constant 0 : i32
      %sign3A_1015 = arith.cmpi sgt, %select_n3A_1011, %sign3A_1014 : i32
      %sign3A_1016 = arith.extui %sign3A_1015 : i1 to i32
      %sign3A_1017 = arith.constant 0 : i32
      %sign3A_1018 = arith.cmpi slt, %select_n3A_1011, %sign3A_1017 : i32
      %sign3A_1019 = arith.extui %sign3A_1018 : i1 to i32
      %sign3A_1020 = arith.subi %sign3A_1016, %sign3A_1019 : i32
      %sign3A_1021 = arith.constant 0 : i32
      %sign3A_1022 = arith.cmpi sgt, %jit3A_1012, %sign3A_1021 : i32
      %sign3A_1023 = arith.extui %sign3A_1022 : i1 to i32
      %sign3A_1024 = arith.constant 0 : i32
      %sign3A_1025 = arith.cmpi slt, %jit3A_1012, %sign3A_1024 : i32
      %sign3A_1026 = arith.extui %sign3A_1025 : i1 to i32
      %sign3A_1027 = arith.subi %sign3A_1023, %sign3A_1026 : i32
      %ne3A_1028 = arith.cmpi ne, %sign3A_1020, %sign3A_1027 : i32
      %rem3A_1029 = arith.remsi %select_n3A_1011, %jit3A_1012 : i32
      %ne3A_1030 = arith.constant 0 : i32
      %ne3A_1031 = arith.cmpi ne, %rem3A_1029, %ne3A_1030 : i32
      %and3A_1032 = arith.andi %ne3A_1028, %ne3A_1031 : i1
      %sub3A_1033 = arith.constant 1 : i32
      %sub3A_1034 = arith.subi %div3A_1013, %sub3A_1033 : i32
      %select_n3A_1035 = arith.select %and3A_1032, %sub3A_1034, %div3A_1013 : i32
      %jit3A_1036 = arith.constant 4 : i32
      %eq3A_1037 = arith.constant 0 : i32
      %eq3A_1038 = arith.cmpi eq, %jit3A_1036, %eq3A_1037 : i32
      %jit3A_1039 = arith.constant 1 : i32
      %select_n3A_1040 = arith.select %eq3A_1038, %jit3A_1039, %jit3A_1036 : i32
      %rem3A_1041 = arith.remsi %select_n3A_1011, %select_n3A_1040 : i32
      %ne3A_1042 = arith.constant 0 : i32
      %ne3A_1043 = arith.cmpi ne, %rem3A_1041, %ne3A_1042 : i32
      %lt3A_1044 = arith.constant 0 : i32
      %lt3A_1045 = arith.cmpi slt, %rem3A_1041, %lt3A_1044 : i32
      %lt3A_1046 = arith.constant 0 : i32
      %lt3A_1047 = arith.cmpi slt, %select_n3A_1040, %lt3A_1046 : i32
      %ne3A_1048 = arith.xori %lt3A_1045, %lt3A_1047 : i1
      %and3A_1049 = arith.andi %ne3A_1048, %ne3A_1043 : i1
      %add3A_1050 = arith.addi %rem3A_1041, %select_n3A_1040 : i32
      %select_n3A_1051 = arith.select %and3A_1049, %add3A_1050, %rem3A_1041 : i32
      %jit3A_1052 = arith.constant 8 : i32
      %eq3A_1053 = arith.constant 0 : i32
      %eq3A_1054 = arith.cmpi eq, %jit3A_1052, %eq3A_1053 : i32
      %jit3A_1055 = arith.constant 1 : i32
      %select_n3A_1056 = arith.select %eq3A_1054, %jit3A_1055, %jit3A_1052 : i32
      %rem3A_1057 = arith.remsi %scan3A_971, %select_n3A_1056 : i32
      %ne3A_1058 = arith.constant 0 : i32
      %ne3A_1059 = arith.cmpi ne, %rem3A_1057, %ne3A_1058 : i32
      %lt3A_1060 = arith.constant 0 : i32
      %lt3A_1061 = arith.cmpi slt, %rem3A_1057, %lt3A_1060 : i32
      %lt3A_1062 = arith.constant 0 : i32
      %lt3A_1063 = arith.cmpi slt, %select_n3A_1056, %lt3A_1062 : i32
      %ne3A_1064 = arith.xori %lt3A_1061, %lt3A_1063 : i1
      %and3A_1065 = arith.andi %ne3A_1064, %ne3A_1059 : i1
      %add3A_1066 = arith.addi %rem3A_1057, %select_n3A_1056 : i32
      %select_n3A_1067 = arith.select %and3A_1065, %add3A_1066, %rem3A_1057 : i32
      %ge3A_1068 = arith.constant 8 : i32
      %ge3A_1069 = arith.cmpi sge, %scan3A_971, %ge3A_1068 : i32
      %jit3A_1070 = arith.constant 2 : i32
      %eq3A_1071 = arith.constant 0 : i32
      %eq3A_1072 = arith.cmpi eq, %jit3A_1070, %eq3A_1071 : i32
      %jit3A_1073 = arith.constant 1 : i32
      %select_n3A_1074 = arith.select %eq3A_1072, %jit3A_1073, %jit3A_1070 : i32
      %rem3A_1075 = arith.remsi %scan3A_971, %select_n3A_1074 : i32
      %ne3A_1076 = arith.constant 0 : i32
      %ne3A_1077 = arith.cmpi ne, %rem3A_1075, %ne3A_1076 : i32
      %lt3A_1078 = arith.constant 0 : i32
      %lt3A_1079 = arith.cmpi slt, %rem3A_1075, %lt3A_1078 : i32
      %lt3A_1080 = arith.constant 0 : i32
      %lt3A_1081 = arith.cmpi slt, %select_n3A_1074, %lt3A_1080 : i32
      %ne3A_1082 = arith.xori %lt3A_1079, %lt3A_1081 : i1
      %and3A_1083 = arith.andi %ne3A_1082, %ne3A_1077 : i1
      %add3A_1084 = arith.addi %rem3A_1075, %select_n3A_1074 : i32
      %select_n3A_1085 = arith.select %and3A_1083, %add3A_1084, %rem3A_1075 : i32
      %eq3A_1086 = arith.constant 0 : i32
      %eq3A_1087 = arith.cmpi eq, %select_n3A_1085, %eq3A_1086 : i32
      %and3A_1088 = arith.andi %ge3A_1069, %eq3A_1087 : i1
      %convert_element_type3A_1089 = arith.extui %and3A_1088 : i1 to i32
      %cond3A_1090 = arith.constant 0 : i32
      %cond3A_1091 = arith.cmpi ne, %convert_element_type3A_1089, %cond3A_1090 : i32
      scf.if %cond3A_1091 {
        %dma_wait3A_3367 = arith.constant 0 : i32
        %dma_wait3A_3368 = arith.constant 0 : i32
        %dma_wait3A_3369 = arith.constant 0 : i32
        %dma_wait3A_3370 = arith.constant 0 : i32
        %dma_wait3A_3371 = arith.constant 0 : i32
        %dma_wait3A_3372 = arith.constant 0 : i32
        %dma_wait3A_3373 = tpu.memref_slice %arg12[%dma_wait3A_3367, %dma_wait3A_3371, %dma_wait3A_3372] : memref<8x8x128xf32, #tpu.memory_space<vmem>> -> memref<1x8x128xf32, #tpu.memory_space<vmem>>
        %dma_wait3A_3374 = tpu.memref_squeeze %dma_wait3A_3373 : memref<1x8x128xf32, #tpu.memory_space<vmem>> -> memref<8x128xf32, #tpu.memory_space<vmem>>
        %dma_wait3A_3375 = arith.constant 0 : i32
        %dma_wait3A_3376 = arith.constant 0 : i32
        %dma_wait3A_3377 = tpu.memref_slice %arg6[%dma_wait3A_3368, %dma_wait3A_3369, %dma_wait3A_3370, %dma_wait3A_3375, %dma_wait3A_3376] : memref<26x8x128x8x128xf32, #tpu.memory_space<hbm>> -> memref<1x1x1x8x128xf32, #tpu.memory_space<hbm>>
        %dma_wait3A_3378 = tpu.memref_squeeze %dma_wait3A_3377 : memref<1x1x1x8x128xf32, #tpu.memory_space<hbm>> -> memref<8x128xf32, #tpu.memory_space<hbm>>
        %dma_wait3A_3379 = arith.constant 0 : i32
        %dma_wait3A_3380 = arith.constant 0 : i32
        %dma_wait3A_3381 = tpu.memref_slice %arg6[%dma_wait3A_3368, %dma_wait3A_3369, %dma_wait3A_3370, %dma_wait3A_3379, %dma_wait3A_3380] : memref<26x8x128x8x128xf32, #tpu.memory_space<hbm>> -> memref<1x1x1x8x128xf32, #tpu.memory_space<hbm>>
        %dma_wait3A_3382 = tpu.memref_squeeze %dma_wait3A_3381 : memref<1x1x1x8x128xf32, #tpu.memory_space<hbm>> -> memref<8x128xf32, #tpu.memory_space<hbm>>
        %dma_wait3A_3383 = arith.constant 0 : i32
        %dma_wait3A_3384 = arith.constant 0 : i32
        %dma_wait3A_3385 = tpu.memref_slice %arg12[%dma_wait3A_3367, %dma_wait3A_3383, %dma_wait3A_3384] : memref<8x8x128xf32, #tpu.memory_space<vmem>> -> memref<1x8x128xf32, #tpu.memory_space<vmem>>
        %dma_wait3A_3386 = tpu.memref_squeeze %dma_wait3A_3385 : memref<1x8x128xf32, #tpu.memory_space<vmem>> -> memref<8x128xf32, #tpu.memory_space<vmem>>
        tpu.wait_dma2 semaphore(%arg14 : memref<!tpu.dma_semaphore, #tpu.memory_space<semaphore_mem>>) src(%dma_wait3A_3386 : memref<8x128xf32, #tpu.memory_space<vmem>>) dst(%dma_wait3A_3382 : memref<8x128xf32, #tpu.memory_space<hbm>>)
      } else {
      }
      %ge3A_1092 = arith.constant 8 : i32
      %ge3A_1093 = arith.cmpi sge, %scan3A_971, %ge3A_1092 : i32
      %jit3A_1094 = arith.constant 2 : i32
      %eq3A_1095 = arith.constant 0 : i32
      %eq3A_1096 = arith.cmpi eq, %jit3A_1094, %eq3A_1095 : i32
      %jit3A_1097 = arith.constant 1 : i32
      %select_n3A_1098 = arith.select %eq3A_1096, %jit3A_1097, %jit3A_1094 : i32
      %rem3A_1099 = arith.remsi %scan3A_971, %select_n3A_1098 : i32
      %ne3A_1100 = arith.constant 0 : i32
      %ne3A_1101 = arith.cmpi ne, %rem3A_1099, %ne3A_1100 : i32
      %lt3A_1102 = arith.constant 0 : i32
      %lt3A_1103 = arith.cmpi slt, %rem3A_1099, %lt3A_1102 : i32
      %lt3A_1104 = arith.constant 0 : i32
      %lt3A_1105 = arith.cmpi slt, %select_n3A_1098, %lt3A_1104 : i32
      %ne3A_1106 = arith.xori %lt3A_1103, %lt3A_1105 : i1
      %and3A_1107 = arith.andi %ne3A_1106, %ne3A_1101 : i1
      %add3A_1108 = arith.addi %rem3A_1099, %select_n3A_1098 : i32
      %select_n3A_1109 = arith.select %and3A_1107, %add3A_1108, %rem3A_1099 : i32
      %eq3A_1110 = arith.constant 1 : i32
      %eq3A_1111 = arith.cmpi eq, %select_n3A_1109, %eq3A_1110 : i32
      %and3A_1112 = arith.andi %ge3A_1093, %eq3A_1111 : i1
      %convert_element_type3A_1113 = arith.extui %and3A_1112 : i1 to i32
      %cond3A_1114 = arith.constant 0 : i32
      %cond3A_1115 = arith.cmpi ne, %convert_element_type3A_1113, %cond3A_1114 : i32
      scf.if %cond3A_1115 {
        %dma_wait3A_3367 = arith.constant 0 : i32
        %dma_wait3A_3368 = arith.constant 0 : i32
        %dma_wait3A_3369 = arith.constant 0 : i32
        %dma_wait3A_3370 = arith.constant 0 : i32
        %dma_wait3A_3371 = arith.constant 0 : i32
        %dma_wait3A_3372 = arith.constant 0 : i32
        %dma_wait3A_3373 = tpu.memref_slice %arg12[%dma_wait3A_3367, %dma_wait3A_3371, %dma_wait3A_3372] : memref<8x8x128xf32, #tpu.memory_space<vmem>> -> memref<1x8x128xf32, #tpu.memory_space<vmem>>
        %dma_wait3A_3374 = tpu.memref_squeeze %dma_wait3A_3373 : memref<1x8x128xf32, #tpu.memory_space<vmem>> -> memref<8x128xf32, #tpu.memory_space<vmem>>
        %dma_wait3A_3375 = arith.constant 0 : i32
        %dma_wait3A_3376 = arith.constant 0 : i32
        %dma_wait3A_3377 = tpu.memref_slice %arg6[%dma_wait3A_3368, %dma_wait3A_3369, %dma_wait3A_3370, %dma_wait3A_3375, %dma_wait3A_3376] : memref<26x8x128x8x128xf32, #tpu.memory_space<hbm>> -> memref<1x1x1x8x128xf32, #tpu.memory_space<hbm>>
        %dma_wait3A_3378 = tpu.memref_squeeze %dma_wait3A_3377 : memref<1x1x1x8x128xf32, #tpu.memory_space<hbm>> -> memref<8x128xf32, #tpu.memory_space<hbm>>
        %dma_wait3A_3379 = arith.constant 0 : i32
        %dma_wait3A_3380 = arith.constant 0 : i32
        %dma_wait3A_3381 = tpu.memref_slice %arg6[%dma_wait3A_3368, %dma_wait3A_3369, %dma_wait3A_3370, %dma_wait3A_3379, %dma_wait3A_3380] : memref<26x8x128x8x128xf32, #tpu.memory_space<hbm>> -> memref<1x1x1x8x128xf32, #tpu.memory_space<hbm>>
        %dma_wait3A_3382 = tpu.memref_squeeze %dma_wait3A_3381 : memref<1x1x1x8x128xf32, #tpu.memory_space<hbm>> -> memref<8x128xf32, #tpu.memory_space<hbm>>
        %dma_wait3A_3383 = arith.constant 0 : i32
        %dma_wait3A_3384 = arith.constant 0 : i32
        %dma_wait3A_3385 = tpu.memref_slice %arg12[%dma_wait3A_3367, %dma_wait3A_3383, %dma_wait3A_3384] : memref<8x8x128xf32, #tpu.memory_space<vmem>> -> memref<1x8x128xf32, #tpu.memory_space<vmem>>
        %dma_wait3A_3386 = tpu.memref_squeeze %dma_wait3A_3385 : memref<1x8x128xf32, #tpu.memory_space<vmem>> -> memref<8x128xf32, #tpu.memory_space<vmem>>
        tpu.wait_dma2 semaphore(%arg15 : memref<!tpu.dma_semaphore, #tpu.memory_space<semaphore_mem>>) src(%dma_wait3A_3386 : memref<8x128xf32, #tpu.memory_space<vmem>>) dst(%dma_wait3A_3382 : memref<8x128xf32, #tpu.memory_space<hbm>>)
      } else {
      }
      %broadcast_in_dim3A_1116 = vector.broadcast %select_n3A_995 : i32 to vector<16xi32>
      %gather3A_1117 = tpu.vector_load_idx %arg8[%broadcast_in_dim3A_1116] : memref<128xi32, #tpu.memory_space<vmem>>[vector<16xi32>], vector<16xi32>,
      %add3A_1118 = arith.addi %gather3A_1117, %iota3A : vector<16xi32>
      %mul3A_1119 = arith.constant 65 : i32
      %mul3A_1120 = vector.broadcast %mul3A_1119 : i32 to vector<16xi32>
      %mul3A_1121 = arith.muli %add3A_1118, %mul3A_1120 : vector<16xi32>
      %mul3A_1122 = arith.constant 8 : i32
      %mul3A_1123 = arith.muli %select_n3A_1035, %mul3A_1122 : i32
      %add3A_1124 = vector.broadcast %mul3A_1123 : i32 to vector<16xi32>
      %add3A_1125 = arith.addi %mul3A_1121, %add3A_1124 : vector<16xi32>
      %add3A_1126 = arith.constant 0 : i32
      %add3A_1127 = vector.broadcast %add3A_1126 : i32 to vector<16xi32>
      %add3A_1128 = arith.addi %add3A_1125, %add3A_1127 : vector<16xi32>
      %gather3A_1129 = tpu.vector_load_idx %arg11[%add3A_1128] : memref<17940xf32, #tpu.memory_space<vmem>>[vector<16xi32>], vector<16xf32>,
      %add3A_1130 = arith.constant 1 : i32
      %add3A_1131 = vector.broadcast %add3A_1130 : i32 to vector<16xi32>
      %add3A_1132 = arith.addi %add3A_1125, %add3A_1131 : vector<16xi32>
      %gather3A_1133 = tpu.vector_load_idx %arg11[%add3A_1132] : memref<17940xf32, #tpu.memory_space<vmem>>[vector<16xi32>], vector<16xf32>,
      %add3A_1134 = arith.constant 2 : i32
      %add3A_1135 = vector.broadcast %add3A_1134 : i32 to vector<16xi32>
      %add3A_1136 = arith.addi %add3A_1125, %add3A_1135 : vector<16xi32>
      %gather3A_1137 = tpu.vector_load_idx %arg11[%add3A_1136] : memref<17940xf32, #tpu.memory_space<vmem>>[vector<16xi32>], vector<16xf32>,
      %add3A_1138 = arith.constant 3 : i32
      %add3A_1139 = vector.broadcast %add3A_1138 : i32 to vector<16xi32>
      %add3A_1140 = arith.addi %add3A_1125, %add3A_1139 : vector<16xi32>
      %gather3A_1141 = tpu.vector_load_idx %arg11[%add3A_1140] : memref<17940xf32, #tpu.memory_space<vmem>>[vector<16xi32>], vector<16xf32>,
      %add3A_1142 = arith.constant 4 : i32
      %add3A_1143 = vector.broadcast %add3A_1142 : i32 to vector<16xi32>
      %add3A_1144 = arith.addi %add3A_1125, %add3A_1143 : vector<16xi32>
      %gather3A_1145 = tpu.vector_load_idx %arg11[%add3A_1144] : memref<17940xf32, #tpu.memory_space<vmem>>[vector<16xi32>], vector<16xf32>,
      %add3A_1146 = arith.constant 5 : i32
      %add3A_1147 = vector.broadcast %add3A_1146 : i32 to vector<16xi32>
      %add3A_1148 = arith.addi %add3A_1125, %add3A_1147 : vector<16xi32>
      %gather3A_1149 = tpu.vector_load_idx %arg11[%add3A_1148] : memref<17940xf32, #tpu.memory_space<vmem>>[vector<16xi32>], vector<16xf32>,
      %add3A_1150 = arith.constant 6 : i32
      %add3A_1151 = vector.broadcast %add3A_1150 : i32 to vector<16xi32>
      %add3A_1152 = arith.addi %add3A_1125, %add3A_1151 : vector<16xi32>
      %gather3A_1153 = tpu.vector_load_idx %arg11[%add3A_1152] : memref<17940xf32, #tpu.memory_space<vmem>>[vector<16xi32>], vector<16xf32>,
      %add3A_1154 = arith.constant 7 : i32
      %add3A_1155 = vector.broadcast %add3A_1154 : i32 to vector<16xi32>
      %add3A_1156 = arith.addi %add3A_1125, %add3A_1155 : vector<16xi32>
      %gather3A_1157 = tpu.vector_load_idx %arg11[%add3A_1156] : memref<17940xf32, #tpu.memory_space<vmem>>[vector<16xi32>], vector<16xf32>,
      %mul3A_1158 = arith.constant 128 : i32
      %mul3A_1159 = arith.muli %select_n3A_1051, %mul3A_1158 : i32
      %add3A_1160 = arith.constant 0 : i32
      %add3A_1161 = arith.addi %mul3A_1159, %add3A_1160 : i32
      %get3A_1162 = arith.index_cast %select_n3A_995 : i32 to index
      %get3A_1163 = arith.index_cast %add3A_1161 : i32 to index
      %get3A_1164 = tpu.vector_load %arg7[%get3A_1162, %get3A_1163] {strides = array<i32>} : memref<26x512xi32, #tpu.memory_space<vmem>>, vector<16xi32>,
      %broadcast_in_dim3A_1165 = vector.shape_cast %get3A_1164 : vector<16xi32> to vector<16x1xi32>
      %gather3A_1166 = vector.shape_cast %broadcast_in_dim3A_1165 : vector<16x1xi32> to vector<16xi32>
      %gather3A_1167 = tpu.dynamic_gather %gather3A_1129[%gather3A_1166] in [0] : vector<16xf32>, vector<16xi32> -> vector<16xf32>
      %swap3A_1168 = arith.constant 0 : i32
      %swap3A_1169 = arith.index_cast %select_n3A_1067 : i32 to index
      %swap3A_1170 = arith.index_cast %swap3A_1168 : i32 to index
      %swap3A_1171 = arith.constant 0 : index
      %swap3A_1172 = tpu.vector_load %arg12[%swap3A_1169, %swap3A_1170, %swap3A_1171] {strides = array<i32>} : memref<8x8x128xf32, #tpu.memory_space<vmem>>, vector<16xf32>,
      tpu.vector_store %arg12[%swap3A_1169, %swap3A_1170, %swap3A_1171], %gather3A_1167 {strides = array<i32>} : memref<8x8x128xf32, #tpu.memory_space<vmem>>, vector<16xf32>,
      %broadcast_in_dim3A_1173 = vector.shape_cast %get3A_1164 : vector<16xi32> to vector<16x1xi32>
      %gather3A_1174 = vector.shape_cast %broadcast_in_dim3A_1173 : vector<16x1xi32> to vector<16xi32>
      %gather3A_1175 = tpu.dynamic_gather %gather3A_1133[%gather3A_1174] in [0] : vector<16xf32>, vector<16xi32> -> vector<16xf32>
      %swap3A_1176 = arith.constant 1 : i32
      %swap3A_1177 = arith.index_cast %select_n3A_1067 : i32 to index
      %swap3A_1178 = arith.index_cast %swap3A_1176 : i32 to index
      %swap3A_1179 = arith.constant 0 : index
      %swap3A_1180 = tpu.vector_load %arg12[%swap3A_1177, %swap3A_1178, %swap3A_1179] {strides = array<i32>} : memref<8x8x128xf32, #tpu.memory_space<vmem>>, vector<16xf32>,
      tpu.vector_store %arg12[%swap3A_1177, %swap3A_1178, %swap3A_1179], %gather3A_1175 {strides = array<i32>} : memref<8x8x128xf32, #tpu.memory_space<vmem>>, vector<16xf32>,
      %broadcast_in_dim3A_1181 = vector.shape_cast %get3A_1164 : vector<16xi32> to vector<16x1xi32>
      %gather3A_1182 = vector.shape_cast %broadcast_in_dim3A_1181 : vector<16x1xi32> to vector<16xi32>
      %gather3A_1183 = tpu.dynamic_gather %gather3A_1137[%gather3A_1182] in [0] : vector<16xf32>, vector<16xi32> -> vector<16xf32>
      %swap3A_1184 = arith.constant 2 : i32
      %swap3A_1185 = arith.index_cast %select_n3A_1067 : i32 to index
      %swap3A_1186 = arith.index_cast %swap3A_1184 : i32 to index
      %swap3A_1187 = arith.constant 0 : index
      %swap3A_1188 = tpu.vector_load %arg12[%swap3A_1185, %swap3A_1186, %swap3A_1187] {strides = array<i32>} : memref<8x8x128xf32, #tpu.memory_space<vmem>>, vector<16xf32>,
      tpu.vector_store %arg12[%swap3A_1185, %swap3A_1186, %swap3A_1187], %gather3A_1183 {strides = array<i32>} : memref<8x8x128xf32, #tpu.memory_space<vmem>>, vector<16xf32>,
      %broadcast_in_dim3A_1189 = vector.shape_cast %get3A_1164 : vector<16xi32> to vector<16x1xi32>
      %gather3A_1190 = vector.shape_cast %broadcast_in_dim3A_1189 : vector<16x1xi32> to vector<16xi32>
      %gather3A_1191 = tpu.dynamic_gather %gather3A_1141[%gather3A_1190] in [0] : vector<16xf32>, vector<16xi32> -> vector<16xf32>
      %swap3A_1192 = arith.constant 3 : i32
      %swap3A_1193 = arith.index_cast %select_n3A_1067 : i32 to index
      %swap3A_1194 = arith.index_cast %swap3A_1192 : i32 to index
      %swap3A_1195 = arith.constant 0 : index
      %swap3A_1196 = tpu.vector_load %arg12[%swap3A_1193, %swap3A_1194, %swap3A_1195] {strides = array<i32>} : memref<8x8x128xf32, #tpu.memory_space<vmem>>, vector<16xf32>,
      tpu.vector_store %arg12[%swap3A_1193, %swap3A_1194, %swap3A_1195], %gather3A_1191 {strides = array<i32>} : memref<8x8x128xf32, #tpu.memory_space<vmem>>, vector<16xf32>,
      %broadcast_in_dim3A_1197 = vector.shape_cast %get3A_1164 : vector<16xi32> to vector<16x1xi32>
      %gather3A_1198 = vector.shape_cast %broadcast_in_dim3A_1197 : vector<16x1xi32> to vector<16xi32>
      %gather3A_1199 = tpu.dynamic_gather %gather3A_1145[%gather3A_1198] in [0] : vector<16xf32>, vector<16xi32> -> vector<16xf32>
      %swap3A_1200 = arith.constant 4 : i32
      %swap3A_1201 = arith.index_cast %select_n3A_1067 : i32 to index
      %swap3A_1202 = arith.index_cast %swap3A_1200 : i32 to index
      %swap3A_1203 = arith.constant 0 : index
      %swap3A_1204 = tpu.vector_load %arg12[%swap3A_1201, %swap3A_1202, %swap3A_1203] {strides = array<i32>} : memref<8x8x128xf32, #tpu.memory_space<vmem>>, vector<16xf32>,
      tpu.vector_store %arg12[%swap3A_1201, %swap3A_1202, %swap3A_1203], %gather3A_1199 {strides = array<i32>} : memref<8x8x128xf32, #tpu.memory_space<vmem>>, vector<16xf32>,
      %broadcast_in_dim3A_1205 = vector.shape_cast %get3A_1164 : vector<16xi32> to vector<16x1xi32>
      %gather3A_1206 = vector.shape_cast %broadcast_in_dim3A_1205 : vector<16x1xi32> to vector<16xi32>
      %gather3A_1207 = tpu.dynamic_gather %gather3A_1149[%gather3A_1206] in [0] : vector<16xf32>, vector<16xi32> -> vector<16xf32>
      %swap3A_1208 = arith.constant 5 : i32
      %swap3A_1209 = arith.index_cast %select_n3A_1067 : i32 to index
      %swap3A_1210 = arith.index_cast %swap3A_1208 : i32 to index
      %swap3A_1211 = arith.constant 0 : index
      %swap3A_1212 = tpu.vector_load %arg12[%swap3A_1209, %swap3A_1210, %swap3A_1211] {strides = array<i32>} : memref<8x8x128xf32, #tpu.memory_space<vmem>>, vector<16xf32>,
      tpu.vector_store %arg12[%swap3A_1209, %swap3A_1210, %swap3A_1211], %gather3A_1207 {strides = array<i32>} : memref<8x8x128xf32, #tpu.memory_space<vmem>>, vector<16xf32>,
      %broadcast_in_dim3A_1213 = vector.shape_cast %get3A_1164 : vector<16xi32> to vector<16x1xi32>
      %gather3A_1214 = vector.shape_cast %broadcast_in_dim3A_1213 : vector<16x1xi32> to vector<16xi32>
      %gather3A_1215 = tpu.dynamic_gather %gather3A_1153[%gather3A_1214] in [0] : vector<16xf32>, vector<16xi32> -> vector<16xf32>
      %swap3A_1216 = arith.constant 6 : i32
      %swap3A_1217 = arith.index_cast %select_n3A_1067 : i32 to index
      %swap3A_1218 = arith.index_cast %swap3A_1216 : i32 to index
      %swap3A_1219 = arith.constant 0 : index
      %swap3A_1220 = tpu.vector_load %arg12[%swap3A_1217, %swap3A_1218, %swap3A_1219] {strides = array<i32>} : memref<8x8x128xf32, #tpu.memory_space<vmem>>, vector<16xf32>,
      tpu.vector_store %arg12[%swap3A_1217, %swap3A_1218, %swap3A_1219], %gather3A_1215 {strides = array<i32>} : memref<8x8x128xf32, #tpu.memory_space<vmem>>, vector<16xf32>,
      %broadcast_in_dim3A_1221 = vector.shape_cast %get3A_1164 : vector<16xi32> to vector<16x1xi32>
      %gather3A_1222 = vector.shape_cast %broadcast_in_dim3A_1221 : vector<16x1xi32> to vector<16xi32>
      %gather3A_1223 = tpu.dynamic_gather %gather3A_1157[%gather3A_1222] in [0] : vector<16xf32>, vector<16xi32> -> vector<16xf32>
      %swap3A_1224 = arith.constant 7 : i32
      %swap3A_1225 = arith.index_cast %select_n3A_1067 : i32 to index
      %swap3A_1226 = arith.index_cast %swap3A_1224 : i32 to index
      %swap3A_1227 = arith.constant 0 : index
      %swap3A_1228 = tpu.vector_load %arg12[%swap3A_1225, %swap3A_1226, %swap3A_1227] {strides = array<i32>} : memref<8x8x128xf32, #tpu.memory_space<vmem>>, vector<16xf32>,
      tpu.vector_store %arg12[%swap3A_1225, %swap3A_1226, %swap3A_1227], %gather3A_1223 {strides = array<i32>} : memref<8x8x128xf32, #tpu.memory_space<vmem>>, vector<16xf32>,
      %mul3A_1229 = arith.constant 128 : i32
      %mul3A_1230 = arith.muli %select_n3A_1051, %mul3A_1229 : i32
      %add3A_1231 = arith.constant 16 : i32
      %add3A_1232 = arith.addi %mul3A_1230, %add3A_1231 : i32
      %get3A_1233 = arith.index_cast %select_n3A_995 : i32 to index
      %get3A_1234 = arith.index_cast %add3A_1232 : i32 to index
      %get3A_1235 = tpu.vector_load %arg7[%get3A_1233, %get3A_1234] {strides = array<i32>} : memref<26x512xi32, #tpu.memory_space<vmem>>, vector<16xi32>,
      %broadcast_in_dim3A_1236 = vector.shape_cast %get3A_1235 : vector<16xi32> to vector<16x1xi32>
      %gather3A_1237 = vector.shape_cast %broadcast_in_dim3A_1236 : vector<16x1xi32> to vector<16xi32>
      %gather3A_1238 = tpu.dynamic_gather %gather3A_1129[%gather3A_1237] in [0] : vector<16xf32>, vector<16xi32> -> vector<16xf32>
      %swap3A_1239 = arith.constant 0 : i32
      %swap3A_1240 = arith.index_cast %select_n3A_1067 : i32 to index
      %swap3A_1241 = arith.index_cast %swap3A_1239 : i32 to index
      %swap3A_1242 = arith.constant 16 : index
      %swap3A_1243 = tpu.vector_load %arg12[%swap3A_1240, %swap3A_1241, %swap3A_1242] {strides = array<i32>} : memref<8x8x128xf32, #tpu.memory_space<vmem>>, vector<16xf32>,
      tpu.vector_store %arg12[%swap3A_1240, %swap3A_1241, %swap3A_1242], %gather3A_1238 {strides = array<i32>} : memref<8x8x128xf32, #tpu.memory_space<vmem>>, vector<16xf32>,
      %broadcast_in_dim3A_1244 = vector.shape_cast %get3A_1235 : vector<16xi32> to vector<16x1xi32>
      %gather3A_1245 = vector.shape_cast %broadcast_in_dim3A_1244 : vector<16x1xi32> to vector<16xi32>
      %gather3A_1246 = tpu.dynamic_gather %gather3A_1133[%gather3A_1245] in [0] : vector<16xf32>, vector<16xi32> -> vector<16xf32>
      %swap3A_1247 = arith.constant 1 : i32
      %swap3A_1248 = arith.index_cast %select_n3A_1067 : i32 to index
      %swap3A_1249 = arith.index_cast %swap3A_1247 : i32 to index
      %swap3A_1250 = arith.constant 16 : index
      %swap3A_1251 = tpu.vector_load %arg12[%swap3A_1248, %swap3A_1249, %swap3A_1250] {strides = array<i32>} : memref<8x8x128xf32, #tpu.memory_space<vmem>>, vector<16xf32>,
      tpu.vector_store %arg12[%swap3A_1248, %swap3A_1249, %swap3A_1250], %gather3A_1246 {strides = array<i32>} : memref<8x8x128xf32, #tpu.memory_space<vmem>>, vector<16xf32>,
      %broadcast_in_dim3A_1252 = vector.shape_cast %get3A_1235 : vector<16xi32> to vector<16x1xi32>
      %gather3A_1253 = vector.shape_cast %broadcast_in_dim3A_1252 : vector<16x1xi32> to vector<16xi32>
      %gather3A_1254 = tpu.dynamic_gather %gather3A_1137[%gather3A_1253] in [0] : vector<16xf32>, vector<16xi32> -> vector<16xf32>
      %swap3A_1255 = arith.constant 2 : i32
      %swap3A_1256 = arith.index_cast %select_n3A_1067 : i32 to index
      %swap3A_1257 = arith.index_cast %swap3A_1255 : i32 to index
      %swap3A_1258 = arith.constant 16 : index
      %swap3A_1259 = tpu.vector_load %arg12[%swap3A_1256, %swap3A_1257, %swap3A_1258] {strides = array<i32>} : memref<8x8x128xf32, #tpu.memory_space<vmem>>, vector<16xf32>,
      tpu.vector_store %arg12[%swap3A_1256, %swap3A_1257, %swap3A_1258], %gather3A_1254 {strides = array<i32>} : memref<8x8x128xf32, #tpu.memory_space<vmem>>, vector<16xf32>,
      %broadcast_in_dim3A_1260 = vector.shape_cast %get3A_1235 : vector<16xi32> to vector<16x1xi32>
      %gather3A_1261 = vector.shape_cast %broadcast_in_dim3A_1260 : vector<16x1xi32> to vector<16xi32>
      %gather3A_1262 = tpu.dynamic_gather %gather3A_1141[%gather3A_1261] in [0] : vector<16xf32>, vector<16xi32> -> vector<16xf32>
      %swap3A_1263 = arith.constant 3 : i32
      %swap3A_1264 = arith.index_cast %select_n3A_1067 : i32 to index
      %swap3A_1265 = arith.index_cast %swap3A_1263 : i32 to index
      %swap3A_1266 = arith.constant 16 : index
      %swap3A_1267 = tpu.vector_load %arg12[%swap3A_1264, %swap3A_1265, %swap3A_1266] {strides = array<i32>} : memref<8x8x128xf32, #tpu.memory_space<vmem>>, vector<16xf32>,
      tpu.vector_store %arg12[%swap3A_1264, %swap3A_1265, %swap3A_1266], %gather3A_1262 {strides = array<i32>} : memref<8x8x128xf32, #tpu.memory_space<vmem>>, vector<16xf32>,
      %broadcast_in_dim3A_1268 = vector.shape_cast %get3A_1235 : vector<16xi32> to vector<16x1xi32>
      %gather3A_1269 = vector.shape_cast %broadcast_in_dim3A_1268 : vector<16x1xi32> to vector<16xi32>
      %gather3A_1270 = tpu.dynamic_gather %gather3A_1145[%gather3A_1269] in [0] : vector<16xf32>, vector<16xi32> -> vector<16xf32>
      %swap3A_1271 = arith.constant 4 : i32
      %swap3A_1272 = arith.index_cast %select_n3A_1067 : i32 to index
      %swap3A_1273 = arith.index_cast %swap3A_1271 : i32 to index
      %swap3A_1274 = arith.constant 16 : index
      %swap3A_1275 = tpu.vector_load %arg12[%swap3A_1272, %swap3A_1273, %swap3A_1274] {strides = array<i32>} : memref<8x8x128xf32, #tpu.memory_space<vmem>>, vector<16xf32>,
      tpu.vector_store %arg12[%swap3A_1272, %swap3A_1273, %swap3A_1274], %gather3A_1270 {strides = array<i32>} : memref<8x8x128xf32, #tpu.memory_space<vmem>>, vector<16xf32>,
      %broadcast_in_dim3A_1276 = vector.shape_cast %get3A_1235 : vector<16xi32> to vector<16x1xi32>
      %gather3A_1277 = vector.shape_cast %broadcast_in_dim3A_1276 : vector<16x1xi32> to vector<16xi32>
      %gather3A_1278 = tpu.dynamic_gather %gather3A_1149[%gather3A_1277] in [0] : vector<16xf32>, vector<16xi32> -> vector<16xf32>
      %swap3A_1279 = arith.constant 5 : i32
      %swap3A_1280 = arith.index_cast %select_n3A_1067 : i32 to index
      %swap3A_1281 = arith.index_cast %swap3A_1279 : i32 to index
      %swap3A_1282 = arith.constant 16 : index
      %swap3A_1283 = tpu.vector_load %arg12[%swap3A_1280, %swap3A_1281, %swap3A_1282] {strides = array<i32>} : memref<8x8x128xf32, #tpu.memory_space<vmem>>, vector<16xf32>,
      tpu.vector_store %arg12[%swap3A_1280, %swap3A_1281, %swap3A_1282], %gather3A_1278 {strides = array<i32>} : memref<8x8x128xf32, #tpu.memory_space<vmem>>, vector<16xf32>,
      %broadcast_in_dim3A_1284 = vector.shape_cast %get3A_1235 : vector<16xi32> to vector<16x1xi32>
      %gather3A_1285 = vector.shape_cast %broadcast_in_dim3A_1284 : vector<16x1xi32> to vector<16xi32>
      %gather3A_1286 = tpu.dynamic_gather %gather3A_1153[%gather3A_1285] in [0] : vector<16xf32>, vector<16xi32> -> vector<16xf32>
      %swap3A_1287 = arith.constant 6 : i32
      %swap3A_1288 = arith.index_cast %select_n3A_1067 : i32 to index
      %swap3A_1289 = arith.index_cast %swap3A_1287 : i32 to index
      %swap3A_1290 = arith.constant 16 : index
      %swap3A_1291 = tpu.vector_load %arg12[%swap3A_1288, %swap3A_1289, %swap3A_1290] {strides = array<i32>} : memref<8x8x128xf32, #tpu.memory_space<vmem>>, vector<16xf32>,
      tpu.vector_store %arg12[%swap3A_1288, %swap3A_1289, %swap3A_1290], %gather3A_1286 {strides = array<i32>} : memref<8x8x128xf32, #tpu.memory_space<vmem>>, vector<16xf32>,
      %broadcast_in_dim3A_1292 = vector.shape_cast %get3A_1235 : vector<16xi32> to vector<16x1xi32>
      %gather3A_1293 = vector.shape_cast %broadcast_in_dim3A_1292 : vector<16x1xi32> to vector<16xi32>
      %gather3A_1294 = tpu.dynamic_gather %gather3A_1157[%gather3A_1293] in [0] : vector<16xf32>, vector<16xi32> -> vector<16xf32>
      %swap3A_1295 = arith.constant 7 : i32
      %swap3A_1296 = arith.index_cast %select_n3A_1067 : i32 to index
      %swap3A_1297 = arith.index_cast %swap3A_1295 : i32 to index
      %swap3A_1298 = arith.constant 16 : index
      %swap3A_1299 = tpu.vector_load %arg12[%swap3A_1296, %swap3A_1297, %swap3A_1298] {strides = array<i32>} : memref<8x8x128xf32, #tpu.memory_space<vmem>>, vector<16xf32>,
      tpu.vector_store %arg12[%swap3A_1296, %swap3A_1297, %swap3A_1298], %gather3A_1294 {strides = array<i32>} : memref<8x8x128xf32, #tpu.memory_space<vmem>>, vector<16xf32>,
      %mul3A_1300 = arith.constant 128 : i32
      %mul3A_1301 = arith.muli %select_n3A_1051, %mul3A_1300 : i32
      %add3A_1302 = arith.constant 32 : i32
      %add3A_1303 = arith.addi %mul3A_1301, %add3A_1302 : i32
      %get3A_1304 = arith.index_cast %select_n3A_995 : i32 to index
      %get3A_1305 = arith.index_cast %add3A_1303 : i32 to index
      %get3A_1306 = tpu.vector_load %arg7[%get3A_1304, %get3A_1305] {strides = array<i32>} : memref<26x512xi32, #tpu.memory_space<vmem>>, vector<16xi32>,
      %broadcast_in_dim3A_1307 = vector.shape_cast %get3A_1306 : vector<16xi32> to vector<16x1xi32>
      %gather3A_1308 = vector.shape_cast %broadcast_in_dim3A_1307 : vector<16x1xi32> to vector<16xi32>
      %gather3A_1309 = tpu.dynamic_gather %gather3A_1129[%gather3A_1308] in [0] : vector<16xf32>, vector<16xi32> -> vector<16xf32>
      %swap3A_1310 = arith.constant 0 : i32
      %swap3A_1311 = arith.index_cast %select_n3A_1067 : i32 to index
      %swap3A_1312 = arith.index_cast %swap3A_1310 : i32 to index
      %swap3A_1313 = arith.constant 32 : index
      %swap3A_1314 = tpu.vector_load %arg12[%swap3A_1311, %swap3A_1312, %swap3A_1313] {strides = array<i32>} : memref<8x8x128xf32, #tpu.memory_space<vmem>>, vector<16xf32>,
      tpu.vector_store %arg12[%swap3A_1311, %swap3A_1312, %swap3A_1313], %gather3A_1309 {strides = array<i32>} : memref<8x8x128xf32, #tpu.memory_space<vmem>>, vector<16xf32>,
      %broadcast_in_dim3A_1315 = vector.shape_cast %get3A_1306 : vector<16xi32> to vector<16x1xi32>
      %gather3A_1316 = vector.shape_cast %broadcast_in_dim3A_1315 : vector<16x1xi32> to vector<16xi32>
      %gather3A_1317 = tpu.dynamic_gather %gather3A_1133[%gather3A_1316] in [0] : vector<16xf32>, vector<16xi32> -> vector<16xf32>
      %swap3A_1318 = arith.constant 1 : i32
      %swap3A_1319 = arith.index_cast %select_n3A_1067 : i32 to index
      %swap3A_1320 = arith.index_cast %swap3A_1318 : i32 to index
      %swap3A_1321 = arith.constant 32 : index
      %swap3A_1322 = tpu.vector_load %arg12[%swap3A_1319, %swap3A_1320, %swap3A_1321] {strides = array<i32>} : memref<8x8x128xf32, #tpu.memory_space<vmem>>, vector<16xf32>,
      tpu.vector_store %arg12[%swap3A_1319, %swap3A_1320, %swap3A_1321], %gather3A_1317 {strides = array<i32>} : memref<8x8x128xf32, #tpu.memory_space<vmem>>, vector<16xf32>,
      %broadcast_in_dim3A_1323 = vector.shape_cast %get3A_1306 : vector<16xi32> to vector<16x1xi32>
      %gather3A_1324 = vector.shape_cast %broadcast_in_dim3A_1323 : vector<16x1xi32> to vector<16xi32>
      %gather3A_1325 = tpu.dynamic_gather %gather3A_1137[%gather3A_1324] in [0] : vector<16xf32>, vector<16xi32> -> vector<16xf32>
      %swap3A_1326 = arith.constant 2 : i32
      %swap3A_1327 = arith.index_cast %select_n3A_1067 : i32 to index
      %swap3A_1328 = arith.index_cast %swap3A_1326 : i32 to index
      %swap3A_1329 = arith.constant 32 : index
      %swap3A_1330 = tpu.vector_load %arg12[%swap3A_1327, %swap3A_1328, %swap3A_1329] {strides = array<i32>} : memref<8x8x128xf32, #tpu.memory_space<vmem>>, vector<16xf32>,
      tpu.vector_store %arg12[%swap3A_1327, %swap3A_1328, %swap3A_1329], %gather3A_1325 {strides = array<i32>} : memref<8x8x128xf32, #tpu.memory_space<vmem>>, vector<16xf32>,
      %broadcast_in_dim3A_1331 = vector.shape_cast %get3A_1306 : vector<16xi32> to vector<16x1xi32>
      %gather3A_1332 = vector.shape_cast %broadcast_in_dim3A_1331 : vector<16x1xi32> to vector<16xi32>
      %gather3A_1333 = tpu.dynamic_gather %gather3A_1141[%gather3A_1332] in [0] : vector<16xf32>, vector<16xi32> -> vector<16xf32>
      %swap3A_1334 = arith.constant 3 : i32
      %swap3A_1335 = arith.index_cast %select_n3A_1067 : i32 to index
      %swap3A_1336 = arith.index_cast %swap3A_1334 : i32 to index
      %swap3A_1337 = arith.constant 32 : index
      %swap3A_1338 = tpu.vector_load %arg12[%swap3A_1335, %swap3A_1336, %swap3A_1337] {strides = array<i32>} : memref<8x8x128xf32, #tpu.memory_space<vmem>>, vector<16xf32>,
      tpu.vector_store %arg12[%swap3A_1335, %swap3A_1336, %swap3A_1337], %gather3A_1333 {strides = array<i32>} : memref<8x8x128xf32, #tpu.memory_space<vmem>>, vector<16xf32>,
      %broadcast_in_dim3A_1339 = vector.shape_cast %get3A_1306 : vector<16xi32> to vector<16x1xi32>
      %gather3A_1340 = vector.shape_cast %broadcast_in_dim3A_1339 : vector<16x1xi32> to vector<16xi32>
      %gather3A_1341 = tpu.dynamic_gather %gather3A_1145[%gather3A_1340] in [0] : vector<16xf32>, vector<16xi32> -> vector<16xf32>
      %swap3A_1342 = arith.constant 4 : i32
      %swap3A_1343 = arith.index_cast %select_n3A_1067 : i32 to index
      %swap3A_1344 = arith.index_cast %swap3A_1342 : i32 to index
      %swap3A_1345 = arith.constant 32 : index
      %swap3A_1346 = tpu.vector_load %arg12[%swap3A_1343, %swap3A_1344, %swap3A_1345] {strides = array<i32>} : memref<8x8x128xf32, #tpu.memory_space<vmem>>, vector<16xf32>,
      tpu.vector_store %arg12[%swap3A_1343, %swap3A_1344, %swap3A_1345], %gather3A_1341 {strides = array<i32>} : memref<8x8x128xf32, #tpu.memory_space<vmem>>, vector<16xf32>,
      %broadcast_in_dim3A_1347 = vector.shape_cast %get3A_1306 : vector<16xi32> to vector<16x1xi32>
      %gather3A_1348 = vector.shape_cast %broadcast_in_dim3A_1347 : vector<16x1xi32> to vector<16xi32>
      %gather3A_1349 = tpu.dynamic_gather %gather3A_1149[%gather3A_1348] in [0] : vector<16xf32>, vector<16xi32> -> vector<16xf32>
      %swap3A_1350 = arith.constant 5 : i32
      %swap3A_1351 = arith.index_cast %select_n3A_1067 : i32 to index
      %swap3A_1352 = arith.index_cast %swap3A_1350 : i32 to index
      %swap3A_1353 = arith.constant 32 : index
      %swap3A_1354 = tpu.vector_load %arg12[%swap3A_1351, %swap3A_1352, %swap3A_1353] {strides = array<i32>} : memref<8x8x128xf32, #tpu.memory_space<vmem>>, vector<16xf32>,
      tpu.vector_store %arg12[%swap3A_1351, %swap3A_1352, %swap3A_1353], %gather3A_1349 {strides = array<i32>} : memref<8x8x128xf32, #tpu.memory_space<vmem>>, vector<16xf32>,
      %broadcast_in_dim3A_1355 = vector.shape_cast %get3A_1306 : vector<16xi32> to vector<16x1xi32>
      %gather3A_1356 = vector.shape_cast %broadcast_in_dim3A_1355 : vector<16x1xi32> to vector<16xi32>
      %gather3A_1357 = tpu.dynamic_gather %gather3A_1153[%gather3A_1356] in [0] : vector<16xf32>, vector<16xi32> -> vector<16xf32>
      %swap3A_1358 = arith.constant 6 : i32
      %swap3A_1359 = arith.index_cast %select_n3A_1067 : i32 to index
      %swap3A_1360 = arith.index_cast %swap3A_1358 : i32 to index
      %swap3A_1361 = arith.constant 32 : index
      %swap3A_1362 = tpu.vector_load %arg12[%swap3A_1359, %swap3A_1360, %swap3A_1361] {strides = array<i32>} : memref<8x8x128xf32, #tpu.memory_space<vmem>>, vector<16xf32>,
      tpu.vector_store %arg12[%swap3A_1359, %swap3A_1360, %swap3A_1361], %gather3A_1357 {strides = array<i32>} : memref<8x8x128xf32, #tpu.memory_space<vmem>>, vector<16xf32>,
      %broadcast_in_dim3A_1363 = vector.shape_cast %get3A_1306 : vector<16xi32> to vector<16x1xi32>
      %gather3A_1364 = vector.shape_cast %broadcast_in_dim3A_1363 : vector<16x1xi32> to vector<16xi32>
      %gather3A_1365 = tpu.dynamic_gather %gather3A_1157[%gather3A_1364] in [0] : vector<16xf32>, vector<16xi32> -> vector<16xf32>
      %swap3A_1366 = arith.constant 7 : i32
      %swap3A_1367 = arith.index_cast %select_n3A_1067 : i32 to index
      %swap3A_1368 = arith.index_cast %swap3A_1366 : i32 to index
      %swap3A_1369 = arith.constant 32 : index
      %swap3A_1370 = tpu.vector_load %arg12[%swap3A_1367, %swap3A_1368, %swap3A_1369] {strides = array<i32>} : memref<8x8x128xf32, #tpu.memory_space<vmem>>, vector<16xf32>,
      tpu.vector_store %arg12[%swap3A_1367, %swap3A_1368, %swap3A_1369], %gather3A_1365 {strides = array<i32>} : memref<8x8x128xf32, #tpu.memory_space<vmem>>, vector<16xf32>,
      %mul3A_1371 = arith.constant 128 : i32
      %mul3A_1372 = arith.muli %select_n3A_1051, %mul3A_1371 : i32
      %add3A_1373 = arith.constant 48 : i32
      %add3A_1374 = arith.addi %mul3A_1372, %add3A_1373 : i32
      %get3A_1375 = arith.index_cast %select_n3A_995 : i32 to index
      %get3A_1376 = arith.index_cast %add3A_1374 : i32 to index
      %get3A_1377 = tpu.vector_load %arg7[%get3A_1375, %get3A_1376] {strides = array<i32>} : memref<26x512xi32, #tpu.memory_space<vmem>>, vector<16xi32>,
      %broadcast_in_dim3A_1378 = vector.shape_cast %get3A_1377 : vector<16xi32> to vector<16x1xi32>
      %gather3A_1379 = vector.shape_cast %broadcast_in_dim3A_1378 : vector<16x1xi32> to vector<16xi32>
      %gather3A_1380 = tpu.dynamic_gather %gather3A_1129[%gather3A_1379] in [0] : vector<16xf32>, vector<16xi32> -> vector<16xf32>
      %swap3A_1381 = arith.constant 0 : i32
      %swap3A_1382 = arith.index_cast %select_n3A_1067 : i32 to index
      %swap3A_1383 = arith.index_cast %swap3A_1381 : i32 to index
      %swap3A_1384 = arith.constant 48 : index
      %swap3A_1385 = tpu.vector_load %arg12[%swap3A_1382, %swap3A_1383, %swap3A_1384] {strides = array<i32>} : memref<8x8x128xf32, #tpu.memory_space<vmem>>, vector<16xf32>,
      tpu.vector_store %arg12[%swap3A_1382, %swap3A_1383, %swap3A_1384], %gather3A_1380 {strides = array<i32>} : memref<8x8x128xf32, #tpu.memory_space<vmem>>, vector<16xf32>,
      %broadcast_in_dim3A_1386 = vector.shape_cast %get3A_1377 : vector<16xi32> to vector<16x1xi32>
      %gather3A_1387 = vector.shape_cast %broadcast_in_dim3A_1386 : vector<16x1xi32> to vector<16xi32>
      %gather3A_1388 = tpu.dynamic_gather %gather3A_1133[%gather3A_1387] in [0] : vector<16xf32>, vector<16xi32> -> vector<16xf32>
      %swap3A_1389 = arith.constant 1 : i32
      %swap3A_1390 = arith.index_cast %select_n3A_1067 : i32 to index
      %swap3A_1391 = arith.index_cast %swap3A_1389 : i32 to index
      %swap3A_1392 = arith.constant 48 : index
      %swap3A_1393 = tpu.vector_load %arg12[%swap3A_1390, %swap3A_1391, %swap3A_1392] {strides = array<i32>} : memref<8x8x128xf32, #tpu.memory_space<vmem>>, vector<16xf32>,
      tpu.vector_store %arg12[%swap3A_1390, %swap3A_1391, %swap3A_1392], %gather3A_1388 {strides = array<i32>} : memref<8x8x128xf32, #tpu.memory_space<vmem>>, vector<16xf32>,
      %broadcast_in_dim3A_1394 = vector.shape_cast %get3A_1377 : vector<16xi32> to vector<16x1xi32>
      %gather3A_1395 = vector.shape_cast %broadcast_in_dim3A_1394 : vector<16x1xi32> to vector<16xi32>
      %gather3A_1396 = tpu.dynamic_gather %gather3A_1137[%gather3A_1395] in [0] : vector<16xf32>, vector<16xi32> -> vector<16xf32>
      %swap3A_1397 = arith.constant 2 : i32
      %swap3A_1398 = arith.index_cast %select_n3A_1067 : i32 to index
      %swap3A_1399 = arith.index_cast %swap3A_1397 : i32 to index
      %swap3A_1400 = arith.constant 48 : index
      %swap3A_1401 = tpu.vector_load %arg12[%swap3A_1398, %swap3A_1399, %swap3A_1400] {strides = array<i32>} : memref<8x8x128xf32, #tpu.memory_space<vmem>>, vector<16xf32>,
      tpu.vector_store %arg12[%swap3A_1398, %swap3A_1399, %swap3A_1400], %gather3A_1396 {strides = array<i32>} : memref<8x8x128xf32, #tpu.memory_space<vmem>>, vector<16xf32>,
      %broadcast_in_dim3A_1402 = vector.shape_cast %get3A_1377 : vector<16xi32> to vector<16x1xi32>
      %gather3A_1403 = vector.shape_cast %broadcast_in_dim3A_1402 : vector<16x1xi32> to vector<16xi32>
      %gather3A_1404 = tpu.dynamic_gather %gather3A_1141[%gather3A_1403] in [0] : vector<16xf32>, vector<16xi32> -> vector<16xf32>
      %swap3A_1405 = arith.constant 3 : i32
      %swap3A_1406 = arith.index_cast %select_n3A_1067 : i32 to index
      %swap3A_1407 = arith.index_cast %swap3A_1405 : i32 to index
      %swap3A_1408 = arith.constant 48 : index
      %swap3A_1409 = tpu.vector_load %arg12[%swap3A_1406, %swap3A_1407, %swap3A_1408] {strides = array<i32>} : memref<8x8x128xf32, #tpu.memory_space<vmem>>, vector<16xf32>,
      tpu.vector_store %arg12[%swap3A_1406, %swap3A_1407, %swap3A_1408], %gather3A_1404 {strides = array<i32>} : memref<8x8x128xf32, #tpu.memory_space<vmem>>, vector<16xf32>,
      %broadcast_in_dim3A_1410 = vector.shape_cast %get3A_1377 : vector<16xi32> to vector<16x1xi32>
      %gather3A_1411 = vector.shape_cast %broadcast_in_dim3A_1410 : vector<16x1xi32> to vector<16xi32>
      %gather3A_1412 = tpu.dynamic_gather %gather3A_1145[%gather3A_1411] in [0] : vector<16xf32>, vector<16xi32> -> vector<16xf32>
      %swap3A_1413 = arith.constant 4 : i32
      %swap3A_1414 = arith.index_cast %select_n3A_1067 : i32 to index
      %swap3A_1415 = arith.index_cast %swap3A_1413 : i32 to index
      %swap3A_1416 = arith.constant 48 : index
      %swap3A_1417 = tpu.vector_load %arg12[%swap3A_1414, %swap3A_1415, %swap3A_1416] {strides = array<i32>} : memref<8x8x128xf32, #tpu.memory_space<vmem>>, vector<16xf32>,
      tpu.vector_store %arg12[%swap3A_1414, %swap3A_1415, %swap3A_1416], %gather3A_1412 {strides = array<i32>} : memref<8x8x128xf32, #tpu.memory_space<vmem>>, vector<16xf32>,
      %broadcast_in_dim3A_1418 = vector.shape_cast %get3A_1377 : vector<16xi32> to vector<16x1xi32>
      %gather3A_1419 = vector.shape_cast %broadcast_in_dim3A_1418 : vector<16x1xi32> to vector<16xi32>
      %gather3A_1420 = tpu.dynamic_gather %gather3A_1149[%gather3A_1419] in [0] : vector<16xf32>, vector<16xi32> -> vector<16xf32>
      %swap3A_1421 = arith.constant 5 : i32
      %swap3A_1422 = arith.index_cast %select_n3A_1067 : i32 to index
      %swap3A_1423 = arith.index_cast %swap3A_1421 : i32 to index
      %swap3A_1424 = arith.constant 48 : index
      %swap3A_1425 = tpu.vector_load %arg12[%swap3A_1422, %swap3A_1423, %swap3A_1424] {strides = array<i32>} : memref<8x8x128xf32, #tpu.memory_space<vmem>>, vector<16xf32>,
      tpu.vector_store %arg12[%swap3A_1422, %swap3A_1423, %swap3A_1424], %gather3A_1420 {strides = array<i32>} : memref<8x8x128xf32, #tpu.memory_space<vmem>>, vector<16xf32>,
      %broadcast_in_dim3A_1426 = vector.shape_cast %get3A_1377 : vector<16xi32> to vector<16x1xi32>
      %gather3A_1427 = vector.shape_cast %broadcast_in_dim3A_1426 : vector<16x1xi32> to vector<16xi32>
      %gather3A_1428 = tpu.dynamic_gather %gather3A_1153[%gather3A_1427] in [0] : vector<16xf32>, vector<16xi32> -> vector<16xf32>
      %swap3A_1429 = arith.constant 6 : i32
      %swap3A_1430 = arith.index_cast %select_n3A_1067 : i32 to index
      %swap3A_1431 = arith.index_cast %swap3A_1429 : i32 to index
      %swap3A_1432 = arith.constant 48 : index
      %swap3A_1433 = tpu.vector_load %arg12[%swap3A_1430, %swap3A_1431, %swap3A_1432] {strides = array<i32>} : memref<8x8x128xf32, #tpu.memory_space<vmem>>, vector<16xf32>,
      tpu.vector_store %arg12[%swap3A_1430, %swap3A_1431, %swap3A_1432], %gather3A_1428 {strides = array<i32>} : memref<8x8x128xf32, #tpu.memory_space<vmem>>, vector<16xf32>,
      %broadcast_in_dim3A_1434 = vector.shape_cast %get3A_1377 : vector<16xi32> to vector<16x1xi32>
      %gather3A_1435 = vector.shape_cast %broadcast_in_dim3A_1434 : vector<16x1xi32> to vector<16xi32>
      %gather3A_1436 = tpu.dynamic_gather %gather3A_1157[%gather3A_1435] in [0] : vector<16xf32>, vector<16xi32> -> vector<16xf32>
      %swap3A_1437 = arith.constant 7 : i32
      %swap3A_1438 = arith.index_cast %select_n3A_1067 : i32 to index
      %swap3A_1439 = arith.index_cast %swap3A_1437 : i32 to index
      %swap3A_1440 = arith.constant 48 : index
      %swap3A_1441 = tpu.vector_load %arg12[%swap3A_1438, %swap3A_1439, %swap3A_1440] {strides = array<i32>} : memref<8x8x128xf32, #tpu.memory_space<vmem>>, vector<16xf32>,
      tpu.vector_store %arg12[%swap3A_1438, %swap3A_1439, %swap3A_1440], %gather3A_1436 {strides = array<i32>} : memref<8x8x128xf32, #tpu.memory_space<vmem>>, vector<16xf32>,
      %mul3A_1442 = arith.constant 128 : i32
      %mul3A_1443 = arith.muli %select_n3A_1051, %mul3A_1442 : i32
      %add3A_1444 = arith.constant 64 : i32
      %add3A_1445 = arith.addi %mul3A_1443, %add3A_1444 : i32
      %get3A_1446 = arith.index_cast %select_n3A_995 : i32 to index
      %get3A_1447 = arith.index_cast %add3A_1445 : i32 to index
      %get3A_1448 = tpu.vector_load %arg7[%get3A_1446, %get3A_1447] {strides = array<i32>} : memref<26x512xi32, #tpu.memory_space<vmem>>, vector<16xi32>,
      %broadcast_in_dim3A_1449 = vector.shape_cast %get3A_1448 : vector<16xi32> to vector<16x1xi32>
      %gather3A_1450 = vector.shape_cast %broadcast_in_dim3A_1449 : vector<16x1xi32> to vector<16xi32>
      %gather3A_1451 = tpu.dynamic_gather %gather3A_1129[%gather3A_1450] in [0] : vector<16xf32>, vector<16xi32> -> vector<16xf32>
      %swap3A_1452 = arith.constant 0 : i32
      %swap3A_1453 = arith.index_cast %select_n3A_1067 : i32 to index
      %swap3A_1454 = arith.index_cast %swap3A_1452 : i32 to index
      %swap3A_1455 = arith.constant 64 : index
      %swap3A_1456 = tpu.vector_load %arg12[%swap3A_1453, %swap3A_1454, %swap3A_1455] {strides = array<i32>} : memref<8x8x128xf32, #tpu.memory_space<vmem>>, vector<16xf32>,
      tpu.vector_store %arg12[%swap3A_1453, %swap3A_1454, %swap3A_1455], %gather3A_1451 {strides = array<i32>} : memref<8x8x128xf32, #tpu.memory_space<vmem>>, vector<16xf32>,
      %broadcast_in_dim3A_1457 = vector.shape_cast %get3A_1448 : vector<16xi32> to vector<16x1xi32>
      %gather3A_1458 = vector.shape_cast %broadcast_in_dim3A_1457 : vector<16x1xi32> to vector<16xi32>
      %gather3A_1459 = tpu.dynamic_gather %gather3A_1133[%gather3A_1458] in [0] : vector<16xf32>, vector<16xi32> -> vector<16xf32>
      %swap3A_1460 = arith.constant 1 : i32
      %swap3A_1461 = arith.index_cast %select_n3A_1067 : i32 to index
      %swap3A_1462 = arith.index_cast %swap3A_1460 : i32 to index
      %swap3A_1463 = arith.constant 64 : index
      %swap3A_1464 = tpu.vector_load %arg12[%swap3A_1461, %swap3A_1462, %swap3A_1463] {strides = array<i32>} : memref<8x8x128xf32, #tpu.memory_space<vmem>>, vector<16xf32>,
      tpu.vector_store %arg12[%swap3A_1461, %swap3A_1462, %swap3A_1463], %gather3A_1459 {strides = array<i32>} : memref<8x8x128xf32, #tpu.memory_space<vmem>>, vector<16xf32>,
      %broadcast_in_dim3A_1465 = vector.shape_cast %get3A_1448 : vector<16xi32> to vector<16x1xi32>
      %gather3A_1466 = vector.shape_cast %broadcast_in_dim3A_1465 : vector<16x1xi32> to vector<16xi32>
      %gather3A_1467 = tpu.dynamic_gather %gather3A_1137[%gather3A_1466] in [0] : vector<16xf32>, vector<16xi32> -> vector<16xf32>
      %swap3A_1468 = arith.constant 2 : i32
      %swap3A_1469 = arith.index_cast %select_n3A_1067 : i32 to index
      %swap3A_1470 = arith.index_cast %swap3A_1468 : i32 to index
      %swap3A_1471 = arith.constant 64 : index
      %swap3A_1472 = tpu.vector_load %arg12[%swap3A_1469, %swap3A_1470, %swap3A_1471] {strides = array<i32>} : memref<8x8x128xf32, #tpu.memory_space<vmem>>, vector<16xf32>,
      tpu.vector_store %arg12[%swap3A_1469, %swap3A_1470, %swap3A_1471], %gather3A_1467 {strides = array<i32>} : memref<8x8x128xf32, #tpu.memory_space<vmem>>, vector<16xf32>,
      %broadcast_in_dim3A_1473 = vector.shape_cast %get3A_1448 : vector<16xi32> to vector<16x1xi32>
      %gather3A_1474 = vector.shape_cast %broadcast_in_dim3A_1473 : vector<16x1xi32> to vector<16xi32>
      %gather3A_1475 = tpu.dynamic_gather %gather3A_1141[%gather3A_1474] in [0] : vector<16xf32>, vector<16xi32> -> vector<16xf32>
      %swap3A_1476 = arith.constant 3 : i32
      %swap3A_1477 = arith.index_cast %select_n3A_1067 : i32 to index
      %swap3A_1478 = arith.index_cast %swap3A_1476 : i32 to index
      %swap3A_1479 = arith.constant 64 : index
      %swap3A_1480 = tpu.vector_load %arg12[%swap3A_1477, %swap3A_1478, %swap3A_1479] {strides = array<i32>} : memref<8x8x128xf32, #tpu.memory_space<vmem>>, vector<16xf32>,
      tpu.vector_store %arg12[%swap3A_1477, %swap3A_1478, %swap3A_1479], %gather3A_1475 {strides = array<i32>} : memref<8x8x128xf32, #tpu.memory_space<vmem>>, vector<16xf32>,
      %broadcast_in_dim3A_1481 = vector.shape_cast %get3A_1448 : vector<16xi32> to vector<16x1xi32>
      %gather3A_1482 = vector.shape_cast %broadcast_in_dim3A_1481 : vector<16x1xi32> to vector<16xi32>
      %gather3A_1483 = tpu.dynamic_gather %gather3A_1145[%gather3A_1482] in [0] : vector<16xf32>, vector<16xi32> -> vector<16xf32>
      %swap3A_1484 = arith.constant 4 : i32
      %swap3A_1485 = arith.index_cast %select_n3A_1067 : i32 to index
      %swap3A_1486 = arith.index_cast %swap3A_1484 : i32 to index
      %swap3A_1487 = arith.constant 64 : index
      %swap3A_1488 = tpu.vector_load %arg12[%swap3A_1485, %swap3A_1486, %swap3A_1487] {strides = array<i32>} : memref<8x8x128xf32, #tpu.memory_space<vmem>>, vector<16xf32>,
      tpu.vector_store %arg12[%swap3A_1485, %swap3A_1486, %swap3A_1487], %gather3A_1483 {strides = array<i32>} : memref<8x8x128xf32, #tpu.memory_space<vmem>>, vector<16xf32>,
      %broadcast_in_dim3A_1489 = vector.shape_cast %get3A_1448 : vector<16xi32> to vector<16x1xi32>
      %gather3A_1490 = vector.shape_cast %broadcast_in_dim3A_1489 : vector<16x1xi32> to vector<16xi32>
      %gather3A_1491 = tpu.dynamic_gather %gather3A_1149[%gather3A_1490] in [0] : vector<16xf32>, vector<16xi32> -> vector<16xf32>
      %swap3A_1492 = arith.constant 5 : i32
      %swap3A_1493 = arith.index_cast %select_n3A_1067 : i32 to index
      %swap3A_1494 = arith.index_cast %swap3A_1492 : i32 to index
      %swap3A_1495 = arith.constant 64 : index
      %swap3A_1496 = tpu.vector_load %arg12[%swap3A_1493, %swap3A_1494, %swap3A_1495] {strides = array<i32>} : memref<8x8x128xf32, #tpu.memory_space<vmem>>, vector<16xf32>,
      tpu.vector_store %arg12[%swap3A_1493, %swap3A_1494, %swap3A_1495], %gather3A_1491 {strides = array<i32>} : memref<8x8x128xf32, #tpu.memory_space<vmem>>, vector<16xf32>,
      %broadcast_in_dim3A_1497 = vector.shape_cast %get3A_1448 : vector<16xi32> to vector<16x1xi32>
      %gather3A_1498 = vector.shape_cast %broadcast_in_dim3A_1497 : vector<16x1xi32> to vector<16xi32>
      %gather3A_1499 = tpu.dynamic_gather %gather3A_1153[%gather3A_1498] in [0] : vector<16xf32>, vector<16xi32> -> vector<16xf32>
      %swap3A_1500 = arith.constant 6 : i32
      %swap3A_1501 = arith.index_cast %select_n3A_1067 : i32 to index
      %swap3A_1502 = arith.index_cast %swap3A_1500 : i32 to index
      %swap3A_1503 = arith.constant 64 : index
      %swap3A_1504 = tpu.vector_load %arg12[%swap3A_1501, %swap3A_1502, %swap3A_1503] {strides = array<i32>} : memref<8x8x128xf32, #tpu.memory_space<vmem>>, vector<16xf32>,
      tpu.vector_store %arg12[%swap3A_1501, %swap3A_1502, %swap3A_1503], %gather3A_1499 {strides = array<i32>} : memref<8x8x128xf32, #tpu.memory_space<vmem>>, vector<16xf32>,
      %broadcast_in_dim3A_1505 = vector.shape_cast %get3A_1448 : vector<16xi32> to vector<16x1xi32>
      %gather3A_1506 = vector.shape_cast %broadcast_in_dim3A_1505 : vector<16x1xi32> to vector<16xi32>
      %gather3A_1507 = tpu.dynamic_gather %gather3A_1157[%gather3A_1506] in [0] : vector<16xf32>, vector<16xi32> -> vector<16xf32>
      %swap3A_1508 = arith.constant 7 : i32
      %swap3A_1509 = arith.index_cast %select_n3A_1067 : i32 to index
      %swap3A_1510 = arith.index_cast %swap3A_1508 : i32 to index
      %swap3A_1511 = arith.constant 64 : index
      %swap3A_1512 = tpu.vector_load %arg12[%swap3A_1509, %swap3A_1510, %swap3A_1511] {strides = array<i32>} : memref<8x8x128xf32, #tpu.memory_space<vmem>>, vector<16xf32>,
      tpu.vector_store %arg12[%swap3A_1509, %swap3A_1510, %swap3A_1511], %gather3A_1507 {strides = array<i32>} : memref<8x8x128xf32, #tpu.memory_space<vmem>>, vector<16xf32>,
      %mul3A_1513 = arith.constant 128 : i32
      %mul3A_1514 = arith.muli %select_n3A_1051, %mul3A_1513 : i32
      %add3A_1515 = arith.constant 80 : i32
      %add3A_1516 = arith.addi %mul3A_1514, %add3A_1515 : i32
      %get3A_1517 = arith.index_cast %select_n3A_995 : i32 to index
      %get3A_1518 = arith.index_cast %add3A_1516 : i32 to index
      %get3A_1519 = tpu.vector_load %arg7[%get3A_1517, %get3A_1518] {strides = array<i32>} : memref<26x512xi32, #tpu.memory_space<vmem>>, vector<16xi32>,
      %broadcast_in_dim3A_1520 = vector.shape_cast %get3A_1519 : vector<16xi32> to vector<16x1xi32>
      %gather3A_1521 = vector.shape_cast %broadcast_in_dim3A_1520 : vector<16x1xi32> to vector<16xi32>
      %gather3A_1522 = tpu.dynamic_gather %gather3A_1129[%gather3A_1521] in [0] : vector<16xf32>, vector<16xi32> -> vector<16xf32>
      %swap3A_1523 = arith.constant 0 : i32
      %swap3A_1524 = arith.index_cast %select_n3A_1067 : i32 to index
      %swap3A_1525 = arith.index_cast %swap3A_1523 : i32 to index
      %swap3A_1526 = arith.constant 80 : index
      %swap3A_1527 = tpu.vector_load %arg12[%swap3A_1524, %swap3A_1525, %swap3A_1526] {strides = array<i32>} : memref<8x8x128xf32, #tpu.memory_space<vmem>>, vector<16xf32>,
      tpu.vector_store %arg12[%swap3A_1524, %swap3A_1525, %swap3A_1526], %gather3A_1522 {strides = array<i32>} : memref<8x8x128xf32, #tpu.memory_space<vmem>>, vector<16xf32>,
      %broadcast_in_dim3A_1528 = vector.shape_cast %get3A_1519 : vector<16xi32> to vector<16x1xi32>
      %gather3A_1529 = vector.shape_cast %broadcast_in_dim3A_1528 : vector<16x1xi32> to vector<16xi32>
      %gather3A_1530 = tpu.dynamic_gather %gather3A_1133[%gather3A_1529] in [0] : vector<16xf32>, vector<16xi32> -> vector<16xf32>
      %swap3A_1531 = arith.constant 1 : i32
      %swap3A_1532 = arith.index_cast %select_n3A_1067 : i32 to index
      %swap3A_1533 = arith.index_cast %swap3A_1531 : i32 to index
      %swap3A_1534 = arith.constant 80 : index
      %swap3A_1535 = tpu.vector_load %arg12[%swap3A_1532, %swap3A_1533, %swap3A_1534] {strides = array<i32>} : memref<8x8x128xf32, #tpu.memory_space<vmem>>, vector<16xf32>,
      tpu.vector_store %arg12[%swap3A_1532, %swap3A_1533, %swap3A_1534], %gather3A_1530 {strides = array<i32>} : memref<8x8x128xf32, #tpu.memory_space<vmem>>, vector<16xf32>,
      %broadcast_in_dim3A_1536 = vector.shape_cast %get3A_1519 : vector<16xi32> to vector<16x1xi32>
      %gather3A_1537 = vector.shape_cast %broadcast_in_dim3A_1536 : vector<16x1xi32> to vector<16xi32>
      %gather3A_1538 = tpu.dynamic_gather %gather3A_1137[%gather3A_1537] in [0] : vector<16xf32>, vector<16xi32> -> vector<16xf32>
      %swap3A_1539 = arith.constant 2 : i32
      %swap3A_1540 = arith.index_cast %select_n3A_1067 : i32 to index
      %swap3A_1541 = arith.index_cast %swap3A_1539 : i32 to index
      %swap3A_1542 = arith.constant 80 : index
      %swap3A_1543 = tpu.vector_load %arg12[%swap3A_1540, %swap3A_1541, %swap3A_1542] {strides = array<i32>} : memref<8x8x128xf32, #tpu.memory_space<vmem>>, vector<16xf32>,
      tpu.vector_store %arg12[%swap3A_1540, %swap3A_1541, %swap3A_1542], %gather3A_1538 {strides = array<i32>} : memref<8x8x128xf32, #tpu.memory_space<vmem>>, vector<16xf32>,
      %broadcast_in_dim3A_1544 = vector.shape_cast %get3A_1519 : vector<16xi32> to vector<16x1xi32>
      %gather3A_1545 = vector.shape_cast %broadcast_in_dim3A_1544 : vector<16x1xi32> to vector<16xi32>
      %gather3A_1546 = tpu.dynamic_gather %gather3A_1141[%gather3A_1545] in [0] : vector<16xf32>, vector<16xi32> -> vector<16xf32>
      %swap3A_1547 = arith.constant 3 : i32
      %swap3A_1548 = arith.index_cast %select_n3A_1067 : i32 to index
      %swap3A_1549 = arith.index_cast %swap3A_1547 : i32 to index
      %swap3A_1550 = arith.constant 80 : index
      %swap3A_1551 = tpu.vector_load %arg12[%swap3A_1548, %swap3A_1549, %swap3A_1550] {strides = array<i32>} : memref<8x8x128xf32, #tpu.memory_space<vmem>>, vector<16xf32>,
      tpu.vector_store %arg12[%swap3A_1548, %swap3A_1549, %swap3A_1550], %gather3A_1546 {strides = array<i32>} : memref<8x8x128xf32, #tpu.memory_space<vmem>>, vector<16xf32>,
      %broadcast_in_dim3A_1552 = vector.shape_cast %get3A_1519 : vector<16xi32> to vector<16x1xi32>
      %gather3A_1553 = vector.shape_cast %broadcast_in_dim3A_1552 : vector<16x1xi32> to vector<16xi32>
      %gather3A_1554 = tpu.dynamic_gather %gather3A_1145[%gather3A_1553] in [0] : vector<16xf32>, vector<16xi32> -> vector<16xf32>
      %swap3A_1555 = arith.constant 4 : i32
      %swap3A_1556 = arith.index_cast %select_n3A_1067 : i32 to index
      %swap3A_1557 = arith.index_cast %swap3A_1555 : i32 to index
      %swap3A_1558 = arith.constant 80 : index
      %swap3A_1559 = tpu.vector_load %arg12[%swap3A_1556, %swap3A_1557, %swap3A_1558] {strides = array<i32>} : memref<8x8x128xf32, #tpu.memory_space<vmem>>, vector<16xf32>,
      tpu.vector_store %arg12[%swap3A_1556, %swap3A_1557, %swap3A_1558], %gather3A_1554 {strides = array<i32>} : memref<8x8x128xf32, #tpu.memory_space<vmem>>, vector<16xf32>,
      %broadcast_in_dim3A_1560 = vector.shape_cast %get3A_1519 : vector<16xi32> to vector<16x1xi32>
      %gather3A_1561 = vector.shape_cast %broadcast_in_dim3A_1560 : vector<16x1xi32> to vector<16xi32>
      %gather3A_1562 = tpu.dynamic_gather %gather3A_1149[%gather3A_1561] in [0] : vector<16xf32>, vector<16xi32> -> vector<16xf32>
      %swap3A_1563 = arith.constant 5 : i32
      %swap3A_1564 = arith.index_cast %select_n3A_1067 : i32 to index
      %swap3A_1565 = arith.index_cast %swap3A_1563 : i32 to index
      %swap3A_1566 = arith.constant 80 : index
      %swap3A_1567 = tpu.vector_load %arg12[%swap3A_1564, %swap3A_1565, %swap3A_1566] {strides = array<i32>} : memref<8x8x128xf32, #tpu.memory_space<vmem>>, vector<16xf32>,
      tpu.vector_store %arg12[%swap3A_1564, %swap3A_1565, %swap3A_1566], %gather3A_1562 {strides = array<i32>} : memref<8x8x128xf32, #tpu.memory_space<vmem>>, vector<16xf32>,
      %broadcast_in_dim3A_1568 = vector.shape_cast %get3A_1519 : vector<16xi32> to vector<16x1xi32>
      %gather3A_1569 = vector.shape_cast %broadcast_in_dim3A_1568 : vector<16x1xi32> to vector<16xi32>
      %gather3A_1570 = tpu.dynamic_gather %gather3A_1153[%gather3A_1569] in [0] : vector<16xf32>, vector<16xi32> -> vector<16xf32>
      %swap3A_1571 = arith.constant 6 : i32
      %swap3A_1572 = arith.index_cast %select_n3A_1067 : i32 to index
      %swap3A_1573 = arith.index_cast %swap3A_1571 : i32 to index
      %swap3A_1574 = arith.constant 80 : index
      %swap3A_1575 = tpu.vector_load %arg12[%swap3A_1572, %swap3A_1573, %swap3A_1574] {strides = array<i32>} : memref<8x8x128xf32, #tpu.memory_space<vmem>>, vector<16xf32>,
      tpu.vector_store %arg12[%swap3A_1572, %swap3A_1573, %swap3A_1574], %gather3A_1570 {strides = array<i32>} : memref<8x8x128xf32, #tpu.memory_space<vmem>>, vector<16xf32>,
      %broadcast_in_dim3A_1576 = vector.shape_cast %get3A_1519 : vector<16xi32> to vector<16x1xi32>
      %gather3A_1577 = vector.shape_cast %broadcast_in_dim3A_1576 : vector<16x1xi32> to vector<16xi32>
      %gather3A_1578 = tpu.dynamic_gather %gather3A_1157[%gather3A_1577] in [0] : vector<16xf32>, vector<16xi32> -> vector<16xf32>
      %swap3A_1579 = arith.constant 7 : i32
      %swap3A_1580 = arith.index_cast %select_n3A_1067 : i32 to index
      %swap3A_1581 = arith.index_cast %swap3A_1579 : i32 to index
      %swap3A_1582 = arith.constant 80 : index
      %swap3A_1583 = tpu.vector_load %arg12[%swap3A_1580, %swap3A_1581, %swap3A_1582] {strides = array<i32>} : memref<8x8x128xf32, #tpu.memory_space<vmem>>, vector<16xf32>,
      tpu.vector_store %arg12[%swap3A_1580, %swap3A_1581, %swap3A_1582], %gather3A_1578 {strides = array<i32>} : memref<8x8x128xf32, #tpu.memory_space<vmem>>, vector<16xf32>,
      %mul3A_1584 = arith.constant 128 : i32
      %mul3A_1585 = arith.muli %select_n3A_1051, %mul3A_1584 : i32
      %add3A_1586 = arith.constant 96 : i32
      %add3A_1587 = arith.addi %mul3A_1585, %add3A_1586 : i32
      %get3A_1588 = arith.index_cast %select_n3A_995 : i32 to index
      %get3A_1589 = arith.index_cast %add3A_1587 : i32 to index
      %get3A_1590 = tpu.vector_load %arg7[%get3A_1588, %get3A_1589] {strides = array<i32>} : memref<26x512xi32, #tpu.memory_space<vmem>>, vector<16xi32>,
      %broadcast_in_dim3A_1591 = vector.shape_cast %get3A_1590 : vector<16xi32> to vector<16x1xi32>
      %gather3A_1592 = vector.shape_cast %broadcast_in_dim3A_1591 : vector<16x1xi32> to vector<16xi32>
      %gather3A_1593 = tpu.dynamic_gather %gather3A_1129[%gather3A_1592] in [0] : vector<16xf32>, vector<16xi32> -> vector<16xf32>
      %swap3A_1594 = arith.constant 0 : i32
      %swap3A_1595 = arith.index_cast %select_n3A_1067 : i32 to index
      %swap3A_1596 = arith.index_cast %swap3A_1594 : i32 to index
      %swap3A_1597 = arith.constant 96 : index
      %swap3A_1598 = tpu.vector_load %arg12[%swap3A_1595, %swap3A_1596, %swap3A_1597] {strides = array<i32>} : memref<8x8x128xf32, #tpu.memory_space<vmem>>, vector<16xf32>,
      tpu.vector_store %arg12[%swap3A_1595, %swap3A_1596, %swap3A_1597], %gather3A_1593 {strides = array<i32>} : memref<8x8x128xf32, #tpu.memory_space<vmem>>, vector<16xf32>,
      %broadcast_in_dim3A_1599 = vector.shape_cast %get3A_1590 : vector<16xi32> to vector<16x1xi32>
      %gather3A_1600 = vector.shape_cast %broadcast_in_dim3A_1599 : vector<16x1xi32> to vector<16xi32>
      %gather3A_1601 = tpu.dynamic_gather %gather3A_1133[%gather3A_1600] in [0] : vector<16xf32>, vector<16xi32> -> vector<16xf32>
      %swap3A_1602 = arith.constant 1 : i32
      %swap3A_1603 = arith.index_cast %select_n3A_1067 : i32 to index
      %swap3A_1604 = arith.index_cast %swap3A_1602 : i32 to index
      %swap3A_1605 = arith.constant 96 : index
      %swap3A_1606 = tpu.vector_load %arg12[%swap3A_1603, %swap3A_1604, %swap3A_1605] {strides = array<i32>} : memref<8x8x128xf32, #tpu.memory_space<vmem>>, vector<16xf32>,
      tpu.vector_store %arg12[%swap3A_1603, %swap3A_1604, %swap3A_1605], %gather3A_1601 {strides = array<i32>} : memref<8x8x128xf32, #tpu.memory_space<vmem>>, vector<16xf32>,
      %broadcast_in_dim3A_1607 = vector.shape_cast %get3A_1590 : vector<16xi32> to vector<16x1xi32>
      %gather3A_1608 = vector.shape_cast %broadcast_in_dim3A_1607 : vector<16x1xi32> to vector<16xi32>
      %gather3A_1609 = tpu.dynamic_gather %gather3A_1137[%gather3A_1608] in [0] : vector<16xf32>, vector<16xi32> -> vector<16xf32>
      %swap3A_1610 = arith.constant 2 : i32
      %swap3A_1611 = arith.index_cast %select_n3A_1067 : i32 to index
      %swap3A_1612 = arith.index_cast %swap3A_1610 : i32 to index
      %swap3A_1613 = arith.constant 96 : index
      %swap3A_1614 = tpu.vector_load %arg12[%swap3A_1611, %swap3A_1612, %swap3A_1613] {strides = array<i32>} : memref<8x8x128xf32, #tpu.memory_space<vmem>>, vector<16xf32>,
      tpu.vector_store %arg12[%swap3A_1611, %swap3A_1612, %swap3A_1613], %gather3A_1609 {strides = array<i32>} : memref<8x8x128xf32, #tpu.memory_space<vmem>>, vector<16xf32>,
      %broadcast_in_dim3A_1615 = vector.shape_cast %get3A_1590 : vector<16xi32> to vector<16x1xi32>
      %gather3A_1616 = vector.shape_cast %broadcast_in_dim3A_1615 : vector<16x1xi32> to vector<16xi32>
      %gather3A_1617 = tpu.dynamic_gather %gather3A_1141[%gather3A_1616] in [0] : vector<16xf32>, vector<16xi32> -> vector<16xf32>
      %swap3A_1618 = arith.constant 3 : i32
      %swap3A_1619 = arith.index_cast %select_n3A_1067 : i32 to index
      %swap3A_1620 = arith.index_cast %swap3A_1618 : i32 to index
      %swap3A_1621 = arith.constant 96 : index
      %swap3A_1622 = tpu.vector_load %arg12[%swap3A_1619, %swap3A_1620, %swap3A_1621] {strides = array<i32>} : memref<8x8x128xf32, #tpu.memory_space<vmem>>, vector<16xf32>,
      tpu.vector_store %arg12[%swap3A_1619, %swap3A_1620, %swap3A_1621], %gather3A_1617 {strides = array<i32>} : memref<8x8x128xf32, #tpu.memory_space<vmem>>, vector<16xf32>,
      %broadcast_in_dim3A_1623 = vector.shape_cast %get3A_1590 : vector<16xi32> to vector<16x1xi32>
      %gather3A_1624 = vector.shape_cast %broadcast_in_dim3A_1623 : vector<16x1xi32> to vector<16xi32>
      %gather3A_1625 = tpu.dynamic_gather %gather3A_1145[%gather3A_1624] in [0] : vector<16xf32>, vector<16xi32> -> vector<16xf32>
      %swap3A_1626 = arith.constant 4 : i32
      %swap3A_1627 = arith.index_cast %select_n3A_1067 : i32 to index
      %swap3A_1628 = arith.index_cast %swap3A_1626 : i32 to index
      %swap3A_1629 = arith.constant 96 : index
      %swap3A_1630 = tpu.vector_load %arg12[%swap3A_1627, %swap3A_1628, %swap3A_1629] {strides = array<i32>} : memref<8x8x128xf32, #tpu.memory_space<vmem>>, vector<16xf32>,
      tpu.vector_store %arg12[%swap3A_1627, %swap3A_1628, %swap3A_1629], %gather3A_1625 {strides = array<i32>} : memref<8x8x128xf32, #tpu.memory_space<vmem>>, vector<16xf32>,
      %broadcast_in_dim3A_1631 = vector.shape_cast %get3A_1590 : vector<16xi32> to vector<16x1xi32>
      %gather3A_1632 = vector.shape_cast %broadcast_in_dim3A_1631 : vector<16x1xi32> to vector<16xi32>
      %gather3A_1633 = tpu.dynamic_gather %gather3A_1149[%gather3A_1632] in [0] : vector<16xf32>, vector<16xi32> -> vector<16xf32>
      %swap3A_1634 = arith.constant 5 : i32
      %swap3A_1635 = arith.index_cast %select_n3A_1067 : i32 to index
      %swap3A_1636 = arith.index_cast %swap3A_1634 : i32 to index
      %swap3A_1637 = arith.constant 96 : index
      %swap3A_1638 = tpu.vector_load %arg12[%swap3A_1635, %swap3A_1636, %swap3A_1637] {strides = array<i32>} : memref<8x8x128xf32, #tpu.memory_space<vmem>>, vector<16xf32>,
      tpu.vector_store %arg12[%swap3A_1635, %swap3A_1636, %swap3A_1637], %gather3A_1633 {strides = array<i32>} : memref<8x8x128xf32, #tpu.memory_space<vmem>>, vector<16xf32>,
      %broadcast_in_dim3A_1639 = vector.shape_cast %get3A_1590 : vector<16xi32> to vector<16x1xi32>
      %gather3A_1640 = vector.shape_cast %broadcast_in_dim3A_1639 : vector<16x1xi32> to vector<16xi32>
      %gather3A_1641 = tpu.dynamic_gather %gather3A_1153[%gather3A_1640] in [0] : vector<16xf32>, vector<16xi32> -> vector<16xf32>
      %swap3A_1642 = arith.constant 6 : i32
      %swap3A_1643 = arith.index_cast %select_n3A_1067 : i32 to index
      %swap3A_1644 = arith.index_cast %swap3A_1642 : i32 to index
      %swap3A_1645 = arith.constant 96 : index
      %swap3A_1646 = tpu.vector_load %arg12[%swap3A_1643, %swap3A_1644, %swap3A_1645] {strides = array<i32>} : memref<8x8x128xf32, #tpu.memory_space<vmem>>, vector<16xf32>,
      tpu.vector_store %arg12[%swap3A_1643, %swap3A_1644, %swap3A_1645], %gather3A_1641 {strides = array<i32>} : memref<8x8x128xf32, #tpu.memory_space<vmem>>, vector<16xf32>,
      %broadcast_in_dim3A_1647 = vector.shape_cast %get3A_1590 : vector<16xi32> to vector<16x1xi32>
      %gather3A_1648 = vector.shape_cast %broadcast_in_dim3A_1647 : vector<16x1xi32> to vector<16xi32>
      %gather3A_1649 = tpu.dynamic_gather %gather3A_1157[%gather3A_1648] in [0] : vector<16xf32>, vector<16xi32> -> vector<16xf32>
      %swap3A_1650 = arith.constant 7 : i32
      %swap3A_1651 = arith.index_cast %select_n3A_1067 : i32 to index
      %swap3A_1652 = arith.index_cast %swap3A_1650 : i32 to index
      %swap3A_1653 = arith.constant 96 : index
      %swap3A_1654 = tpu.vector_load %arg12[%swap3A_1651, %swap3A_1652, %swap3A_1653] {strides = array<i32>} : memref<8x8x128xf32, #tpu.memory_space<vmem>>, vector<16xf32>,
      tpu.vector_store %arg12[%swap3A_1651, %swap3A_1652, %swap3A_1653], %gather3A_1649 {strides = array<i32>} : memref<8x8x128xf32, #tpu.memory_space<vmem>>, vector<16xf32>,
      %mul3A_1655 = arith.constant 128 : i32
      %mul3A_1656 = arith.muli %select_n3A_1051, %mul3A_1655 : i32
      %add3A_1657 = arith.constant 112 : i32
      %add3A_1658 = arith.addi %mul3A_1656, %add3A_1657 : i32
      %get3A_1659 = arith.index_cast %select_n3A_995 : i32 to index
      %get3A_1660 = arith.index_cast %add3A_1658 : i32 to index
      %get3A_1661 = tpu.vector_load %arg7[%get3A_1659, %get3A_1660] {strides = array<i32>} : memref<26x512xi32, #tpu.memory_space<vmem>>, vector<16xi32>,
      %broadcast_in_dim3A_1662 = vector.shape_cast %get3A_1661 : vector<16xi32> to vector<16x1xi32>
      %gather3A_1663 = vector.shape_cast %broadcast_in_dim3A_1662 : vector<16x1xi32> to vector<16xi32>
      %gather3A_1664 = tpu.dynamic_gather %gather3A_1129[%gather3A_1663] in [0] : vector<16xf32>, vector<16xi32> -> vector<16xf32>
      %swap3A_1665 = arith.constant 0 : i32
      %swap3A_1666 = arith.index_cast %select_n3A_1067 : i32 to index
      %swap3A_1667 = arith.index_cast %swap3A_1665 : i32 to index
      %swap3A_1668 = arith.constant 112 : index
      %swap3A_1669 = tpu.vector_load %arg12[%swap3A_1666, %swap3A_1667, %swap3A_1668] {strides = array<i32>} : memref<8x8x128xf32, #tpu.memory_space<vmem>>, vector<16xf32>,
      tpu.vector_store %arg12[%swap3A_1666, %swap3A_1667, %swap3A_1668], %gather3A_1664 {strides = array<i32>} : memref<8x8x128xf32, #tpu.memory_space<vmem>>, vector<16xf32>,
      %broadcast_in_dim3A_1670 = vector.shape_cast %get3A_1661 : vector<16xi32> to vector<16x1xi32>
      %gather3A_1671 = vector.shape_cast %broadcast_in_dim3A_1670 : vector<16x1xi32> to vector<16xi32>
      %gather3A_1672 = tpu.dynamic_gather %gather3A_1133[%gather3A_1671] in [0] : vector<16xf32>, vector<16xi32> -> vector<16xf32>
      %swap3A_1673 = arith.constant 1 : i32
      %swap3A_1674 = arith.index_cast %select_n3A_1067 : i32 to index
      %swap3A_1675 = arith.index_cast %swap3A_1673 : i32 to index
      %swap3A_1676 = arith.constant 112 : index
      %swap3A_1677 = tpu.vector_load %arg12[%swap3A_1674, %swap3A_1675, %swap3A_1676] {strides = array<i32>} : memref<8x8x128xf32, #tpu.memory_space<vmem>>, vector<16xf32>,
      tpu.vector_store %arg12[%swap3A_1674, %swap3A_1675, %swap3A_1676], %gather3A_1672 {strides = array<i32>} : memref<8x8x128xf32, #tpu.memory_space<vmem>>, vector<16xf32>,
      %broadcast_in_dim3A_1678 = vector.shape_cast %get3A_1661 : vector<16xi32> to vector<16x1xi32>
      %gather3A_1679 = vector.shape_cast %broadcast_in_dim3A_1678 : vector<16x1xi32> to vector<16xi32>
      %gather3A_1680 = tpu.dynamic_gather %gather3A_1137[%gather3A_1679] in [0] : vector<16xf32>, vector<16xi32> -> vector<16xf32>
      %swap3A_1681 = arith.constant 2 : i32
      %swap3A_1682 = arith.index_cast %select_n3A_1067 : i32 to index
      %swap3A_1683 = arith.index_cast %swap3A_1681 : i32 to index
      %swap3A_1684 = arith.constant 112 : index
      %swap3A_1685 = tpu.vector_load %arg12[%swap3A_1682, %swap3A_1683, %swap3A_1684] {strides = array<i32>} : memref<8x8x128xf32, #tpu.memory_space<vmem>>, vector<16xf32>,
      tpu.vector_store %arg12[%swap3A_1682, %swap3A_1683, %swap3A_1684], %gather3A_1680 {strides = array<i32>} : memref<8x8x128xf32, #tpu.memory_space<vmem>>, vector<16xf32>,
      %broadcast_in_dim3A_1686 = vector.shape_cast %get3A_1661 : vector<16xi32> to vector<16x1xi32>
      %gather3A_1687 = vector.shape_cast %broadcast_in_dim3A_1686 : vector<16x1xi32> to vector<16xi32>
      %gather3A_1688 = tpu.dynamic_gather %gather3A_1141[%gather3A_1687] in [0] : vector<16xf32>, vector<16xi32> -> vector<16xf32>
      %swap3A_1689 = arith.constant 3 : i32
      %swap3A_1690 = arith.index_cast %select_n3A_1067 : i32 to index
      %swap3A_1691 = arith.index_cast %swap3A_1689 : i32 to index
      %swap3A_1692 = arith.constant 112 : index
      %swap3A_1693 = tpu.vector_load %arg12[%swap3A_1690, %swap3A_1691, %swap3A_1692] {strides = array<i32>} : memref<8x8x128xf32, #tpu.memory_space<vmem>>, vector<16xf32>,
      tpu.vector_store %arg12[%swap3A_1690, %swap3A_1691, %swap3A_1692], %gather3A_1688 {strides = array<i32>} : memref<8x8x128xf32, #tpu.memory_space<vmem>>, vector<16xf32>,
      %broadcast_in_dim3A_1694 = vector.shape_cast %get3A_1661 : vector<16xi32> to vector<16x1xi32>
      %gather3A_1695 = vector.shape_cast %broadcast_in_dim3A_1694 : vector<16x1xi32> to vector<16xi32>
      %gather3A_1696 = tpu.dynamic_gather %gather3A_1145[%gather3A_1695] in [0] : vector<16xf32>, vector<16xi32> -> vector<16xf32>
      %swap3A_1697 = arith.constant 4 : i32
      %swap3A_1698 = arith.index_cast %select_n3A_1067 : i32 to index
      %swap3A_1699 = arith.index_cast %swap3A_1697 : i32 to index
      %swap3A_1700 = arith.constant 112 : index
      %swap3A_1701 = tpu.vector_load %arg12[%swap3A_1698, %swap3A_1699, %swap3A_1700] {strides = array<i32>} : memref<8x8x128xf32, #tpu.memory_space<vmem>>, vector<16xf32>,
      tpu.vector_store %arg12[%swap3A_1698, %swap3A_1699, %swap3A_1700], %gather3A_1696 {strides = array<i32>} : memref<8x8x128xf32, #tpu.memory_space<vmem>>, vector<16xf32>,
      %broadcast_in_dim3A_1702 = vector.shape_cast %get3A_1661 : vector<16xi32> to vector<16x1xi32>
      %gather3A_1703 = vector.shape_cast %broadcast_in_dim3A_1702 : vector<16x1xi32> to vector<16xi32>
      %gather3A_1704 = tpu.dynamic_gather %gather3A_1149[%gather3A_1703] in [0] : vector<16xf32>, vector<16xi32> -> vector<16xf32>
      %swap3A_1705 = arith.constant 5 : i32
      %swap3A_1706 = arith.index_cast %select_n3A_1067 : i32 to index
      %swap3A_1707 = arith.index_cast %swap3A_1705 : i32 to index
      %swap3A_1708 = arith.constant 112 : index
      %swap3A_1709 = tpu.vector_load %arg12[%swap3A_1706, %swap3A_1707, %swap3A_1708] {strides = array<i32>} : memref<8x8x128xf32, #tpu.memory_space<vmem>>, vector<16xf32>,
      tpu.vector_store %arg12[%swap3A_1706, %swap3A_1707, %swap3A_1708], %gather3A_1704 {strides = array<i32>} : memref<8x8x128xf32, #tpu.memory_space<vmem>>, vector<16xf32>,
      %broadcast_in_dim3A_1710 = vector.shape_cast %get3A_1661 : vector<16xi32> to vector<16x1xi32>
      %gather3A_1711 = vector.shape_cast %broadcast_in_dim3A_1710 : vector<16x1xi32> to vector<16xi32>
      %gather3A_1712 = tpu.dynamic_gather %gather3A_1153[%gather3A_1711] in [0] : vector<16xf32>, vector<16xi32> -> vector<16xf32>
      %swap3A_1713 = arith.constant 6 : i32
      %swap3A_1714 = arith.index_cast %select_n3A_1067 : i32 to index
      %swap3A_1715 = arith.index_cast %swap3A_1713 : i32 to index
      %swap3A_1716 = arith.constant 112 : index
      %swap3A_1717 = tpu.vector_load %arg12[%swap3A_1714, %swap3A_1715, %swap3A_1716] {strides = array<i32>} : memref<8x8x128xf32, #tpu.memory_space<vmem>>, vector<16xf32>,
      tpu.vector_store %arg12[%swap3A_1714, %swap3A_1715, %swap3A_1716], %gather3A_1712 {strides = array<i32>} : memref<8x8x128xf32, #tpu.memory_space<vmem>>, vector<16xf32>,
      %broadcast_in_dim3A_1718 = vector.shape_cast %get3A_1661 : vector<16xi32> to vector<16x1xi32>
      %gather3A_1719 = vector.shape_cast %broadcast_in_dim3A_1718 : vector<16x1xi32> to vector<16xi32>
      %gather3A_1720 = tpu.dynamic_gather %gather3A_1157[%gather3A_1719] in [0] : vector<16xf32>, vector<16xi32> -> vector<16xf32>
      %swap3A_1721 = arith.constant 7 : i32
      %swap3A_1722 = arith.index_cast %select_n3A_1067 : i32 to index
      %swap3A_1723 = arith.index_cast %swap3A_1721 : i32 to index
      %swap3A_1724 = arith.constant 112 : index
      %swap3A_1725 = tpu.vector_load %arg12[%swap3A_1722, %swap3A_1723, %swap3A_1724] {strides = array<i32>} : memref<8x8x128xf32, #tpu.memory_space<vmem>>, vector<16xf32>,
      tpu.vector_store %arg12[%swap3A_1722, %swap3A_1723, %swap3A_1724], %gather3A_1720 {strides = array<i32>} : memref<8x8x128xf32, #tpu.memory_space<vmem>>, vector<16xf32>,
      %jit3A_1726 = arith.constant 2 : i32
      %eq3A_1727 = arith.constant 0 : i32
      %eq3A_1728 = arith.cmpi eq, %jit3A_1726, %eq3A_1727 : i32
      %jit3A_1729 = arith.constant 1 : i32
      %select_n3A_1730 = arith.select %eq3A_1728, %jit3A_1729, %jit3A_1726 : i32
      %rem3A_1731 = arith.remsi %scan3A_971, %select_n3A_1730 : i32
      %ne3A_1732 = arith.constant 0 : i32
      %ne3A_1733 = arith.cmpi ne, %rem3A_1731, %ne3A_1732 : i32
      %lt3A_1734 = arith.constant 0 : i32
      %lt3A_1735 = arith.cmpi slt, %rem3A_1731, %lt3A_1734 : i32
      %lt3A_1736 = arith.constant 0 : i32
      %lt3A_1737 = arith.cmpi slt, %select_n3A_1730, %lt3A_1736 : i32
      %ne3A_1738 = arith.xori %lt3A_1735, %lt3A_1737 : i1
      %and3A_1739 = arith.andi %ne3A_1738, %ne3A_1733 : i1
      %add3A_1740 = arith.addi %rem3A_1731, %select_n3A_1730 : i32
      %select_n3A_1741 = arith.select %and3A_1739, %add3A_1740, %rem3A_1731 : i32
      %eq3A_1742 = arith.constant 0 : i32
      %eq3A_1743 = arith.cmpi eq, %select_n3A_1741, %eq3A_1742 : i32
      %convert_element_type3A_1744 = arith.extui %eq3A_1743 : i1 to i32
      %cond3A_1745 = arith.constant 0 : i32
      %cond3A_1746 = arith.cmpi ne, %convert_element_type3A_1744, %cond3A_1745 : i32
      scf.if %cond3A_1746 {
        %jit3A_3367 = arith.constant 128 : i32
        %div3A_3368 = arith.divsi %mul3A_2, %jit3A_3367 : i32
        %sign3A_3369 = arith.constant 0 : i32
        %sign3A_3370 = arith.cmpi sgt, %mul3A_2, %sign3A_3369 : i32
        %sign3A_3371 = arith.extui %sign3A_3370 : i1 to i32
        %sign3A_3372 = arith.constant 0 : i32
        %sign3A_3373 = arith.cmpi slt, %mul3A_2, %sign3A_3372 : i32
        %sign3A_3374 = arith.extui %sign3A_3373 : i1 to i32
        %sign3A_3375 = arith.subi %sign3A_3371, %sign3A_3374 : i32
        %sign3A_3376 = arith.constant 0 : i32
        %sign3A_3377 = arith.cmpi sgt, %jit3A_3367, %sign3A_3376 : i32
        %sign3A_3378 = arith.extui %sign3A_3377 : i1 to i32
        %sign3A_3379 = arith.constant 0 : i32
        %sign3A_3380 = arith.cmpi slt, %jit3A_3367, %sign3A_3379 : i32
        %sign3A_3381 = arith.extui %sign3A_3380 : i1 to i32
        %sign3A_3382 = arith.subi %sign3A_3378, %sign3A_3381 : i32
        %ne3A_3383 = arith.cmpi ne, %sign3A_3375, %sign3A_3382 : i32
        %rem3A_3384 = arith.remsi %mul3A_2, %jit3A_3367 : i32
        %ne3A_3385 = arith.constant 0 : i32
        %ne3A_3386 = arith.cmpi ne, %rem3A_3384, %ne3A_3385 : i32
        %and3A_3387 = arith.andi %ne3A_3383, %ne3A_3386 : i1
        %sub3A_3388 = arith.constant 1 : i32
        %sub3A_3389 = arith.subi %div3A_3368, %sub3A_3388 : i32
        %select_n3A_3390 = arith.select %and3A_3387, %sub3A_3389, %div3A_3368 : i32
        %add3A_3391 = arith.addi %select_n3A_3390, %select_n3A_1051 : i32
        %dma_start3A_3392 = arith.constant 0 : i32
        %dma_start3A_3393 = arith.constant 0 : i32
        %dma_start3A_3394 = tpu.memref_slice %arg12[%select_n3A_1067, %dma_start3A_3392, %dma_start3A_3393] : memref<8x8x128xf32, #tpu.memory_space<vmem>> -> memref<1x8x128xf32, #tpu.memory_space<vmem>>
        %dma_start3A_3395 = tpu.memref_squeeze %dma_start3A_3394 : memref<1x8x128xf32, #tpu.memory_space<vmem>> -> memref<8x128xf32, #tpu.memory_space<vmem>>
        %dma_start3A_3396 = arith.constant 0 : i32
        %dma_start3A_3397 = arith.constant 0 : i32
        %dma_start3A_3398 = tpu.memref_slice %arg6[%select_n3A_995, %select_n3A_1035, %add3A_3391, %dma_start3A_3396, %dma_start3A_3397] : memref<26x8x128x8x128xf32, #tpu.memory_space<hbm>> -> memref<1x1x1x8x128xf32, #tpu.memory_space<hbm>>
        %dma_start3A_3399 = tpu.memref_squeeze %dma_start3A_3398 : memref<1x1x1x8x128xf32, #tpu.memory_space<hbm>> -> memref<8x128xf32, #tpu.memory_space<hbm>>
        %dma_start3A_3400 = arith.constant 0 : i32
        %dma_start3A_3401 = arith.constant 0 : i32
        %dma_start3A_3402 = tpu.memref_slice %arg6[%select_n3A_995, %select_n3A_1035, %add3A_3391, %dma_start3A_3400, %dma_start3A_3401] : memref<26x8x128x8x128xf32, #tpu.memory_space<hbm>> -> memref<1x1x1x8x128xf32, #tpu.memory_space<hbm>>
        %dma_start3A_3403 = tpu.memref_squeeze %dma_start3A_3402 : memref<1x1x1x8x128xf32, #tpu.memory_space<hbm>> -> memref<8x128xf32, #tpu.memory_space<hbm>>
        %dma_start3A_3404 = arith.constant 0 : i32
        %dma_start3A_3405 = arith.constant 0 : i32
        %dma_start3A_3406 = tpu.memref_slice %arg12[%select_n3A_1067, %dma_start3A_3404, %dma_start3A_3405] : memref<8x8x128xf32, #tpu.memory_space<vmem>> -> memref<1x8x128xf32, #tpu.memory_space<vmem>>
        %dma_start3A_3407 = tpu.memref_squeeze %dma_start3A_3406 : memref<1x8x128xf32, #tpu.memory_space<vmem>> -> memref<8x128xf32, #tpu.memory_space<vmem>>
        tpu.enqueue_dma source(%dma_start3A_3407 : memref<8x128xf32, #tpu.memory_space<vmem>>) target(%dma_start3A_3403 : memref<8x128xf32, #tpu.memory_space<hbm>>) target_semaphore(%arg14 : memref<!tpu.dma_semaphore, #tpu.memory_space<semaphore_mem>>)
      } else {
      }
      %jit3A_1747 = arith.constant 2 : i32
      %eq3A_1748 = arith.constant 0 : i32
      %eq3A_1749 = arith.cmpi eq, %jit3A_1747, %eq3A_1748 : i32
      %jit3A_1750 = arith.constant 1 : i32
      %select_n3A_1751 = arith.select %eq3A_1749, %jit3A_1750, %jit3A_1747 : i32
      %rem3A_1752 = arith.remsi %scan3A_971, %select_n3A_1751 : i32
      %ne3A_1753 = arith.constant 0 : i32
      %ne3A_1754 = arith.cmpi ne, %rem3A_1752, %ne3A_1753 : i32
      %lt3A_1755 = arith.constant 0 : i32
      %lt3A_1756 = arith.cmpi slt, %rem3A_1752, %lt3A_1755 : i32
      %lt3A_1757 = arith.constant 0 : i32
      %lt3A_1758 = arith.cmpi slt, %select_n3A_1751, %lt3A_1757 : i32
      %ne3A_1759 = arith.xori %lt3A_1756, %lt3A_1758 : i1
      %and3A_1760 = arith.andi %ne3A_1759, %ne3A_1754 : i1
      %add3A_1761 = arith.addi %rem3A_1752, %select_n3A_1751 : i32
      %select_n3A_1762 = arith.select %and3A_1760, %add3A_1761, %rem3A_1752 : i32
      %eq3A_1763 = arith.constant 1 : i32
      %eq3A_1764 = arith.cmpi eq, %select_n3A_1762, %eq3A_1763 : i32
      %convert_element_type3A_1765 = arith.extui %eq3A_1764 : i1 to i32
      %cond3A_1766 = arith.constant 0 : i32
      %cond3A_1767 = arith.cmpi ne, %convert_element_type3A_1765, %cond3A_1766 : i32
      scf.if %cond3A_1767 {
        %jit3A_3367 = arith.constant 128 : i32
        %div3A_3368 = arith.divsi %mul3A_2, %jit3A_3367 : i32
        %sign3A_3369 = arith.constant 0 : i32
        %sign3A_3370 = arith.cmpi sgt, %mul3A_2, %sign3A_3369 : i32
        %sign3A_3371 = arith.extui %sign3A_3370 : i1 to i32
        %sign3A_3372 = arith.constant 0 : i32
        %sign3A_3373 = arith.cmpi slt, %mul3A_2, %sign3A_3372 : i32
        %sign3A_3374 = arith.extui %sign3A_3373 : i1 to i32
        %sign3A_3375 = arith.subi %sign3A_3371, %sign3A_3374 : i32
        %sign3A_3376 = arith.constant 0 : i32
        %sign3A_3377 = arith.cmpi sgt, %jit3A_3367, %sign3A_3376 : i32
        %sign3A_3378 = arith.extui %sign3A_3377 : i1 to i32
        %sign3A_3379 = arith.constant 0 : i32
        %sign3A_3380 = arith.cmpi slt, %jit3A_3367, %sign3A_3379 : i32
        %sign3A_3381 = arith.extui %sign3A_3380 : i1 to i32
        %sign3A_3382 = arith.subi %sign3A_3378, %sign3A_3381 : i32
        %ne3A_3383 = arith.cmpi ne, %sign3A_3375, %sign3A_3382 : i32
        %rem3A_3384 = arith.remsi %mul3A_2, %jit3A_3367 : i32
        %ne3A_3385 = arith.constant 0 : i32
        %ne3A_3386 = arith.cmpi ne, %rem3A_3384, %ne3A_3385 : i32
        %and3A_3387 = arith.andi %ne3A_3383, %ne3A_3386 : i1
        %sub3A_3388 = arith.constant 1 : i32
        %sub3A_3389 = arith.subi %div3A_3368, %sub3A_3388 : i32
        %select_n3A_3390 = arith.select %and3A_3387, %sub3A_3389, %div3A_3368 : i32
        %add3A_3391 = arith.addi %select_n3A_3390, %select_n3A_1051 : i32
        %dma_start3A_3392 = arith.constant 0 : i32
        %dma_start3A_3393 = arith.constant 0 : i32
        %dma_start3A_3394 = tpu.memref_slice %arg12[%select_n3A_1067, %dma_start3A_3392, %dma_start3A_3393] : memref<8x8x128xf32, #tpu.memory_space<vmem>> -> memref<1x8x128xf32, #tpu.memory_space<vmem>>
        %dma_start3A_3395 = tpu.memref_squeeze %dma_start3A_3394 : memref<1x8x128xf32, #tpu.memory_space<vmem>> -> memref<8x128xf32, #tpu.memory_space<vmem>>
        %dma_start3A_3396 = arith.constant 0 : i32
        %dma_start3A_3397 = arith.constant 0 : i32
        %dma_start3A_3398 = tpu.memref_slice %arg6[%select_n3A_995, %select_n3A_1035, %add3A_3391, %dma_start3A_3396, %dma_start3A_3397] : memref<26x8x128x8x128xf32, #tpu.memory_space<hbm>> -> memref<1x1x1x8x128xf32, #tpu.memory_space<hbm>>
        %dma_start3A_3399 = tpu.memref_squeeze %dma_start3A_3398 : memref<1x1x1x8x128xf32, #tpu.memory_space<hbm>> -> memref<8x128xf32, #tpu.memory_space<hbm>>
        %dma_start3A_3400 = arith.constant 0 : i32
        %dma_start3A_3401 = arith.constant 0 : i32
        %dma_start3A_3402 = tpu.memref_slice %arg6[%select_n3A_995, %select_n3A_1035, %add3A_3391, %dma_start3A_3400, %dma_start3A_3401] : memref<26x8x128x8x128xf32, #tpu.memory_space<hbm>> -> memref<1x1x1x8x128xf32, #tpu.memory_space<hbm>>
        %dma_start3A_3403 = tpu.memref_squeeze %dma_start3A_3402 : memref<1x1x1x8x128xf32, #tpu.memory_space<hbm>> -> memref<8x128xf32, #tpu.memory_space<hbm>>
        %dma_start3A_3404 = arith.constant 0 : i32
        %dma_start3A_3405 = arith.constant 0 : i32
        %dma_start3A_3406 = tpu.memref_slice %arg12[%select_n3A_1067, %dma_start3A_3404, %dma_start3A_3405] : memref<8x8x128xf32, #tpu.memory_space<vmem>> -> memref<1x8x128xf32, #tpu.memory_space<vmem>>
        %dma_start3A_3407 = tpu.memref_squeeze %dma_start3A_3406 : memref<1x8x128xf32, #tpu.memory_space<vmem>> -> memref<8x128xf32, #tpu.memory_space<vmem>>
        tpu.enqueue_dma source(%dma_start3A_3407 : memref<8x128xf32, #tpu.memory_space<vmem>>) target(%dma_start3A_3403 : memref<8x128xf32, #tpu.memory_space<hbm>>) target_semaphore(%arg15 : memref<!tpu.dma_semaphore, #tpu.memory_space<semaphore_mem>>)
      } else {
      }
      %scan3A_1768 = arith.constant 0 : i32
      %scan3A_1769 = arith.constant 2 : i32
      %scan3A_1770 = arith.addi %scan3A_188, %scan3A_1769 : i32
      %jit3A_1771 = arith.constant 32 : i32
      %div3A_1772 = arith.divsi %scan3A_1770, %jit3A_1771 : i32
      %sign3A_1773 = arith.constant 0 : i32
      %sign3A_1774 = arith.cmpi sgt, %scan3A_1770, %sign3A_1773 : i32
      %sign3A_1775 = arith.extui %sign3A_1774 : i1 to i32
      %sign3A_1776 = arith.constant 0 : i32
      %sign3A_1777 = arith.cmpi slt, %scan3A_1770, %sign3A_1776 : i32
      %sign3A_1778 = arith.extui %sign3A_1777 : i1 to i32
      %sign3A_1779 = arith.subi %sign3A_1775, %sign3A_1778 : i32
      %sign3A_1780 = arith.constant 0 : i32
      %sign3A_1781 = arith.cmpi sgt, %jit3A_1771, %sign3A_1780 : i32
      %sign3A_1782 = arith.extui %sign3A_1781 : i1 to i32
      %sign3A_1783 = arith.constant 0 : i32
      %sign3A_1784 = arith.cmpi slt, %jit3A_1771, %sign3A_1783 : i32
      %sign3A_1785 = arith.extui %sign3A_1784 : i1 to i32
      %sign3A_1786 = arith.subi %sign3A_1782, %sign3A_1785 : i32
      %ne3A_1787 = arith.cmpi ne, %sign3A_1779, %sign3A_1786 : i32
      %rem3A_1788 = arith.remsi %scan3A_1770, %jit3A_1771 : i32
      %ne3A_1789 = arith.constant 0 : i32
      %ne3A_1790 = arith.cmpi ne, %rem3A_1788, %ne3A_1789 : i32
      %and3A_1791 = arith.andi %ne3A_1787, %ne3A_1790 : i1
      %sub3A_1792 = arith.constant 1 : i32
      %sub3A_1793 = arith.subi %div3A_1772, %sub3A_1792 : i32
      %select_n3A_1794 = arith.select %and3A_1791, %sub3A_1793, %div3A_1772 : i32
      %jit3A_1795 = arith.constant 32 : i32
      %eq3A_1796 = arith.constant 0 : i32
      %eq3A_1797 = arith.cmpi eq, %jit3A_1795, %eq3A_1796 : i32
      %jit3A_1798 = arith.constant 1 : i32
      %select_n3A_1799 = arith.select %eq3A_1797, %jit3A_1798, %jit3A_1795 : i32
      %rem3A_1800 = arith.remsi %scan3A_1770, %select_n3A_1799 : i32
      %ne3A_1801 = arith.constant 0 : i32
      %ne3A_1802 = arith.cmpi ne, %rem3A_1800, %ne3A_1801 : i32
      %lt3A_1803 = arith.constant 0 : i32
      %lt3A_1804 = arith.cmpi slt, %rem3A_1800, %lt3A_1803 : i32
      %lt3A_1805 = arith.constant 0 : i32
      %lt3A_1806 = arith.cmpi slt, %select_n3A_1799, %lt3A_1805 : i32
      %ne3A_1807 = arith.xori %lt3A_1804, %lt3A_1806 : i1
      %and3A_1808 = arith.andi %ne3A_1807, %ne3A_1802 : i1
      %add3A_1809 = arith.addi %rem3A_1800, %select_n3A_1799 : i32
      %select_n3A_1810 = arith.select %and3A_1808, %add3A_1809, %rem3A_1800 : i32
      %jit3A_1811 = arith.constant 4 : i32
      %div3A_1812 = arith.divsi %select_n3A_1810, %jit3A_1811 : i32
      %sign3A_1813 = arith.constant 0 : i32
      %sign3A_1814 = arith.cmpi sgt, %select_n3A_1810, %sign3A_1813 : i32
      %sign3A_1815 = arith.extui %sign3A_1814 : i1 to i32
      %sign3A_1816 = arith.constant 0 : i32
      %sign3A_1817 = arith.cmpi slt, %select_n3A_1810, %sign3A_1816 : i32
      %sign3A_1818 = arith.extui %sign3A_1817 : i1 to i32
      %sign3A_1819 = arith.subi %sign3A_1815, %sign3A_1818 : i32
      %sign3A_1820 = arith.constant 0 : i32
      %sign3A_1821 = arith.cmpi sgt, %jit3A_1811, %sign3A_1820 : i32
      %sign3A_1822 = arith.extui %sign3A_1821 : i1 to i32
      %sign3A_1823 = arith.constant 0 : i32
      %sign3A_1824 = arith.cmpi slt, %jit3A_1811, %sign3A_1823 : i32
      %sign3A_1825 = arith.extui %sign3A_1824 : i1 to i32
      %sign3A_1826 = arith.subi %sign3A_1822, %sign3A_1825 : i32
      %ne3A_1827 = arith.cmpi ne, %sign3A_1819, %sign3A_1826 : i32
      %rem3A_1828 = arith.remsi %select_n3A_1810, %jit3A_1811 : i32
      %ne3A_1829 = arith.constant 0 : i32
      %ne3A_1830 = arith.cmpi ne, %rem3A_1828, %ne3A_1829 : i32
      %and3A_1831 = arith.andi %ne3A_1827, %ne3A_1830 : i1
      %sub3A_1832 = arith.constant 1 : i32
      %sub3A_1833 = arith.subi %div3A_1812, %sub3A_1832 : i32
      %select_n3A_1834 = arith.select %and3A_1831, %sub3A_1833, %div3A_1812 : i32
      %jit3A_1835 = arith.constant 4 : i32
      %eq3A_1836 = arith.constant 0 : i32
      %eq3A_1837 = arith.cmpi eq, %jit3A_1835, %eq3A_1836 : i32
      %jit3A_1838 = arith.constant 1 : i32
      %select_n3A_1839 = arith.select %eq3A_1837, %jit3A_1838, %jit3A_1835 : i32
      %rem3A_1840 = arith.remsi %select_n3A_1810, %select_n3A_1839 : i32
      %ne3A_1841 = arith.constant 0 : i32
      %ne3A_1842 = arith.cmpi ne, %rem3A_1840, %ne3A_1841 : i32
      %lt3A_1843 = arith.constant 0 : i32
      %lt3A_1844 = arith.cmpi slt, %rem3A_1840, %lt3A_1843 : i32
      %lt3A_1845 = arith.constant 0 : i32
      %lt3A_1846 = arith.cmpi slt, %select_n3A_1839, %lt3A_1845 : i32
      %ne3A_1847 = arith.xori %lt3A_1844, %lt3A_1846 : i1
      %and3A_1848 = arith.andi %ne3A_1847, %ne3A_1842 : i1
      %add3A_1849 = arith.addi %rem3A_1840, %select_n3A_1839 : i32
      %select_n3A_1850 = arith.select %and3A_1848, %add3A_1849, %rem3A_1840 : i32
      %jit3A_1851 = arith.constant 8 : i32
      %eq3A_1852 = arith.constant 0 : i32
      %eq3A_1853 = arith.cmpi eq, %jit3A_1851, %eq3A_1852 : i32
      %jit3A_1854 = arith.constant 1 : i32
      %select_n3A_1855 = arith.select %eq3A_1853, %jit3A_1854, %jit3A_1851 : i32
      %rem3A_1856 = arith.remsi %scan3A_1770, %select_n3A_1855 : i32
      %ne3A_1857 = arith.constant 0 : i32
      %ne3A_1858 = arith.cmpi ne, %rem3A_1856, %ne3A_1857 : i32
      %lt3A_1859 = arith.constant 0 : i32
      %lt3A_1860 = arith.cmpi slt, %rem3A_1856, %lt3A_1859 : i32
      %lt3A_1861 = arith.constant 0 : i32
      %lt3A_1862 = arith.cmpi slt, %select_n3A_1855, %lt3A_1861 : i32
      %ne3A_1863 = arith.xori %lt3A_1860, %lt3A_1862 : i1
      %and3A_1864 = arith.andi %ne3A_1863, %ne3A_1858 : i1
      %add3A_1865 = arith.addi %rem3A_1856, %select_n3A_1855 : i32
      %select_n3A_1866 = arith.select %and3A_1864, %add3A_1865, %rem3A_1856 : i32
      %ge3A_1867 = arith.constant 8 : i32
      %ge3A_1868 = arith.cmpi sge, %scan3A_1770, %ge3A_1867 : i32
      %jit3A_1869 = arith.constant 2 : i32
      %eq3A_1870 = arith.constant 0 : i32
      %eq3A_1871 = arith.cmpi eq, %jit3A_1869, %eq3A_1870 : i32
      %jit3A_1872 = arith.constant 1 : i32
      %select_n3A_1873 = arith.select %eq3A_1871, %jit3A_1872, %jit3A_1869 : i32
      %rem3A_1874 = arith.remsi %scan3A_1770, %select_n3A_1873 : i32
      %ne3A_1875 = arith.constant 0 : i32
      %ne3A_1876 = arith.cmpi ne, %rem3A_1874, %ne3A_1875 : i32
      %lt3A_1877 = arith.constant 0 : i32
      %lt3A_1878 = arith.cmpi slt, %rem3A_1874, %lt3A_1877 : i32
      %lt3A_1879 = arith.constant 0 : i32
      %lt3A_1880 = arith.cmpi slt, %select_n3A_1873, %lt3A_1879 : i32
      %ne3A_1881 = arith.xori %lt3A_1878, %lt3A_1880 : i1
      %and3A_1882 = arith.andi %ne3A_1881, %ne3A_1876 : i1
      %add3A_1883 = arith.addi %rem3A_1874, %select_n3A_1873 : i32
      %select_n3A_1884 = arith.select %and3A_1882, %add3A_1883, %rem3A_1874 : i32
      %eq3A_1885 = arith.constant 0 : i32
      %eq3A_1886 = arith.cmpi eq, %select_n3A_1884, %eq3A_1885 : i32
      %and3A_1887 = arith.andi %ge3A_1868, %eq3A_1886 : i1
      %convert_element_type3A_1888 = arith.extui %and3A_1887 : i1 to i32
      %cond3A_1889 = arith.constant 0 : i32
      %cond3A_1890 = arith.cmpi ne, %convert_element_type3A_1888, %cond3A_1889 : i32
      scf.if %cond3A_1890 {
        %dma_wait3A_3367 = arith.constant 0 : i32
        %dma_wait3A_3368 = arith.constant 0 : i32
        %dma_wait3A_3369 = arith.constant 0 : i32
        %dma_wait3A_3370 = arith.constant 0 : i32
        %dma_wait3A_3371 = arith.constant 0 : i32
        %dma_wait3A_3372 = arith.constant 0 : i32
        %dma_wait3A_3373 = tpu.memref_slice %arg12[%dma_wait3A_3367, %dma_wait3A_3371, %dma_wait3A_3372] : memref<8x8x128xf32, #tpu.memory_space<vmem>> -> memref<1x8x128xf32, #tpu.memory_space<vmem>>
        %dma_wait3A_3374 = tpu.memref_squeeze %dma_wait3A_3373 : memref<1x8x128xf32, #tpu.memory_space<vmem>> -> memref<8x128xf32, #tpu.memory_space<vmem>>
        %dma_wait3A_3375 = arith.constant 0 : i32
        %dma_wait3A_3376 = arith.constant 0 : i32
        %dma_wait3A_3377 = tpu.memref_slice %arg6[%dma_wait3A_3368, %dma_wait3A_3369, %dma_wait3A_3370, %dma_wait3A_3375, %dma_wait3A_3376] : memref<26x8x128x8x128xf32, #tpu.memory_space<hbm>> -> memref<1x1x1x8x128xf32, #tpu.memory_space<hbm>>
        %dma_wait3A_3378 = tpu.memref_squeeze %dma_wait3A_3377 : memref<1x1x1x8x128xf32, #tpu.memory_space<hbm>> -> memref<8x128xf32, #tpu.memory_space<hbm>>
        %dma_wait3A_3379 = arith.constant 0 : i32
        %dma_wait3A_3380 = arith.constant 0 : i32
        %dma_wait3A_3381 = tpu.memref_slice %arg6[%dma_wait3A_3368, %dma_wait3A_3369, %dma_wait3A_3370, %dma_wait3A_3379, %dma_wait3A_3380] : memref<26x8x128x8x128xf32, #tpu.memory_space<hbm>> -> memref<1x1x1x8x128xf32, #tpu.memory_space<hbm>>
        %dma_wait3A_3382 = tpu.memref_squeeze %dma_wait3A_3381 : memref<1x1x1x8x128xf32, #tpu.memory_space<hbm>> -> memref<8x128xf32, #tpu.memory_space<hbm>>
        %dma_wait3A_3383 = arith.constant 0 : i32
        %dma_wait3A_3384 = arith.constant 0 : i32
        %dma_wait3A_3385 = tpu.memref_slice %arg12[%dma_wait3A_3367, %dma_wait3A_3383, %dma_wait3A_3384] : memref<8x8x128xf32, #tpu.memory_space<vmem>> -> memref<1x8x128xf32, #tpu.memory_space<vmem>>
        %dma_wait3A_3386 = tpu.memref_squeeze %dma_wait3A_3385 : memref<1x8x128xf32, #tpu.memory_space<vmem>> -> memref<8x128xf32, #tpu.memory_space<vmem>>
        tpu.wait_dma2 semaphore(%arg14 : memref<!tpu.dma_semaphore, #tpu.memory_space<semaphore_mem>>) src(%dma_wait3A_3386 : memref<8x128xf32, #tpu.memory_space<vmem>>) dst(%dma_wait3A_3382 : memref<8x128xf32, #tpu.memory_space<hbm>>)
      } else {
      }
      %ge3A_1891 = arith.constant 8 : i32
      %ge3A_1892 = arith.cmpi sge, %scan3A_1770, %ge3A_1891 : i32
      %jit3A_1893 = arith.constant 2 : i32
      %eq3A_1894 = arith.constant 0 : i32
      %eq3A_1895 = arith.cmpi eq, %jit3A_1893, %eq3A_1894 : i32
      %jit3A_1896 = arith.constant 1 : i32
      %select_n3A_1897 = arith.select %eq3A_1895, %jit3A_1896, %jit3A_1893 : i32
      %rem3A_1898 = arith.remsi %scan3A_1770, %select_n3A_1897 : i32
      %ne3A_1899 = arith.constant 0 : i32
      %ne3A_1900 = arith.cmpi ne, %rem3A_1898, %ne3A_1899 : i32
      %lt3A_1901 = arith.constant 0 : i32
      %lt3A_1902 = arith.cmpi slt, %rem3A_1898, %lt3A_1901 : i32
      %lt3A_1903 = arith.constant 0 : i32
      %lt3A_1904 = arith.cmpi slt, %select_n3A_1897, %lt3A_1903 : i32
      %ne3A_1905 = arith.xori %lt3A_1902, %lt3A_1904 : i1
      %and3A_1906 = arith.andi %ne3A_1905, %ne3A_1900 : i1
      %add3A_1907 = arith.addi %rem3A_1898, %select_n3A_1897 : i32
      %select_n3A_1908 = arith.select %and3A_1906, %add3A_1907, %rem3A_1898 : i32
      %eq3A_1909 = arith.constant 1 : i32
      %eq3A_1910 = arith.cmpi eq, %select_n3A_1908, %eq3A_1909 : i32
      %and3A_1911 = arith.andi %ge3A_1892, %eq3A_1910 : i1
      %convert_element_type3A_1912 = arith.extui %and3A_1911 : i1 to i32
      %cond3A_1913 = arith.constant 0 : i32
      %cond3A_1914 = arith.cmpi ne, %convert_element_type3A_1912, %cond3A_1913 : i32
      scf.if %cond3A_1914 {
        %dma_wait3A_3367 = arith.constant 0 : i32
        %dma_wait3A_3368 = arith.constant 0 : i32
        %dma_wait3A_3369 = arith.constant 0 : i32
        %dma_wait3A_3370 = arith.constant 0 : i32
        %dma_wait3A_3371 = arith.constant 0 : i32
        %dma_wait3A_3372 = arith.constant 0 : i32
        %dma_wait3A_3373 = tpu.memref_slice %arg12[%dma_wait3A_3367, %dma_wait3A_3371, %dma_wait3A_3372] : memref<8x8x128xf32, #tpu.memory_space<vmem>> -> memref<1x8x128xf32, #tpu.memory_space<vmem>>
        %dma_wait3A_3374 = tpu.memref_squeeze %dma_wait3A_3373 : memref<1x8x128xf32, #tpu.memory_space<vmem>> -> memref<8x128xf32, #tpu.memory_space<vmem>>
        %dma_wait3A_3375 = arith.constant 0 : i32
        %dma_wait3A_3376 = arith.constant 0 : i32
        %dma_wait3A_3377 = tpu.memref_slice %arg6[%dma_wait3A_3368, %dma_wait3A_3369, %dma_wait3A_3370, %dma_wait3A_3375, %dma_wait3A_3376] : memref<26x8x128x8x128xf32, #tpu.memory_space<hbm>> -> memref<1x1x1x8x128xf32, #tpu.memory_space<hbm>>
        %dma_wait3A_3378 = tpu.memref_squeeze %dma_wait3A_3377 : memref<1x1x1x8x128xf32, #tpu.memory_space<hbm>> -> memref<8x128xf32, #tpu.memory_space<hbm>>
        %dma_wait3A_3379 = arith.constant 0 : i32
        %dma_wait3A_3380 = arith.constant 0 : i32
        %dma_wait3A_3381 = tpu.memref_slice %arg6[%dma_wait3A_3368, %dma_wait3A_3369, %dma_wait3A_3370, %dma_wait3A_3379, %dma_wait3A_3380] : memref<26x8x128x8x128xf32, #tpu.memory_space<hbm>> -> memref<1x1x1x8x128xf32, #tpu.memory_space<hbm>>
        %dma_wait3A_3382 = tpu.memref_squeeze %dma_wait3A_3381 : memref<1x1x1x8x128xf32, #tpu.memory_space<hbm>> -> memref<8x128xf32, #tpu.memory_space<hbm>>
        %dma_wait3A_3383 = arith.constant 0 : i32
        %dma_wait3A_3384 = arith.constant 0 : i32
        %dma_wait3A_3385 = tpu.memref_slice %arg12[%dma_wait3A_3367, %dma_wait3A_3383, %dma_wait3A_3384] : memref<8x8x128xf32, #tpu.memory_space<vmem>> -> memref<1x8x128xf32, #tpu.memory_space<vmem>>
        %dma_wait3A_3386 = tpu.memref_squeeze %dma_wait3A_3385 : memref<1x8x128xf32, #tpu.memory_space<vmem>> -> memref<8x128xf32, #tpu.memory_space<vmem>>
        tpu.wait_dma2 semaphore(%arg15 : memref<!tpu.dma_semaphore, #tpu.memory_space<semaphore_mem>>) src(%dma_wait3A_3386 : memref<8x128xf32, #tpu.memory_space<vmem>>) dst(%dma_wait3A_3382 : memref<8x128xf32, #tpu.memory_space<hbm>>)
      } else {
      }
      %broadcast_in_dim3A_1915 = vector.broadcast %select_n3A_1794 : i32 to vector<16xi32>
      %gather3A_1916 = tpu.vector_load_idx %arg8[%broadcast_in_dim3A_1915] : memref<128xi32, #tpu.memory_space<vmem>>[vector<16xi32>], vector<16xi32>,
      %add3A_1917 = arith.addi %gather3A_1916, %iota3A : vector<16xi32>
      %mul3A_1918 = arith.constant 65 : i32
      %mul3A_1919 = vector.broadcast %mul3A_1918 : i32 to vector<16xi32>
      %mul3A_1920 = arith.muli %add3A_1917, %mul3A_1919 : vector<16xi32>
      %mul3A_1921 = arith.constant 8 : i32
      %mul3A_1922 = arith.muli %select_n3A_1834, %mul3A_1921 : i32
      %add3A_1923 = vector.broadcast %mul3A_1922 : i32 to vector<16xi32>
      %add3A_1924 = arith.addi %mul3A_1920, %add3A_1923 : vector<16xi32>
      %add3A_1925 = arith.constant 0 : i32
      %add3A_1926 = vector.broadcast %add3A_1925 : i32 to vector<16xi32>
      %add3A_1927 = arith.addi %add3A_1924, %add3A_1926 : vector<16xi32>
      %gather3A_1928 = tpu.vector_load_idx %arg11[%add3A_1927] : memref<17940xf32, #tpu.memory_space<vmem>>[vector<16xi32>], vector<16xf32>,
      %add3A_1929 = arith.constant 1 : i32
      %add3A_1930 = vector.broadcast %add3A_1929 : i32 to vector<16xi32>
      %add3A_1931 = arith.addi %add3A_1924, %add3A_1930 : vector<16xi32>
      %gather3A_1932 = tpu.vector_load_idx %arg11[%add3A_1931] : memref<17940xf32, #tpu.memory_space<vmem>>[vector<16xi32>], vector<16xf32>,
      %add3A_1933 = arith.constant 2 : i32
      %add3A_1934 = vector.broadcast %add3A_1933 : i32 to vector<16xi32>
      %add3A_1935 = arith.addi %add3A_1924, %add3A_1934 : vector<16xi32>
      %gather3A_1936 = tpu.vector_load_idx %arg11[%add3A_1935] : memref<17940xf32, #tpu.memory_space<vmem>>[vector<16xi32>], vector<16xf32>,
      %add3A_1937 = arith.constant 3 : i32
      %add3A_1938 = vector.broadcast %add3A_1937 : i32 to vector<16xi32>
      %add3A_1939 = arith.addi %add3A_1924, %add3A_1938 : vector<16xi32>
      %gather3A_1940 = tpu.vector_load_idx %arg11[%add3A_1939] : memref<17940xf32, #tpu.memory_space<vmem>>[vector<16xi32>], vector<16xf32>,
      %add3A_1941 = arith.constant 4 : i32
      %add3A_1942 = vector.broadcast %add3A_1941 : i32 to vector<16xi32>
      %add3A_1943 = arith.addi %add3A_1924, %add3A_1942 : vector<16xi32>
      %gather3A_1944 = tpu.vector_load_idx %arg11[%add3A_1943] : memref<17940xf32, #tpu.memory_space<vmem>>[vector<16xi32>], vector<16xf32>,
      %add3A_1945 = arith.constant 5 : i32
      %add3A_1946 = vector.broadcast %add3A_1945 : i32 to vector<16xi32>
      %add3A_1947 = arith.addi %add3A_1924, %add3A_1946 : vector<16xi32>
      %gather3A_1948 = tpu.vector_load_idx %arg11[%add3A_1947] : memref<17940xf32, #tpu.memory_space<vmem>>[vector<16xi32>], vector<16xf32>,
      %add3A_1949 = arith.constant 6 : i32
      %add3A_1950 = vector.broadcast %add3A_1949 : i32 to vector<16xi32>
      %add3A_1951 = arith.addi %add3A_1924, %add3A_1950 : vector<16xi32>
      %gather3A_1952 = tpu.vector_load_idx %arg11[%add3A_1951] : memref<17940xf32, #tpu.memory_space<vmem>>[vector<16xi32>], vector<16xf32>,
      %add3A_1953 = arith.constant 7 : i32
      %add3A_1954 = vector.broadcast %add3A_1953 : i32 to vector<16xi32>
      %add3A_1955 = arith.addi %add3A_1924, %add3A_1954 : vector<16xi32>
      %gather3A_1956 = tpu.vector_load_idx %arg11[%add3A_1955] : memref<17940xf32, #tpu.memory_space<vmem>>[vector<16xi32>], vector<16xf32>,
      %mul3A_1957 = arith.constant 128 : i32
      %mul3A_1958 = arith.muli %select_n3A_1850, %mul3A_1957 : i32
      %add3A_1959 = arith.constant 0 : i32
      %add3A_1960 = arith.addi %mul3A_1958, %add3A_1959 : i32
      %get3A_1961 = arith.index_cast %select_n3A_1794 : i32 to index
      %get3A_1962 = arith.index_cast %add3A_1960 : i32 to index
      %get3A_1963 = tpu.vector_load %arg7[%get3A_1961, %get3A_1962] {strides = array<i32>} : memref<26x512xi32, #tpu.memory_space<vmem>>, vector<16xi32>,
      %broadcast_in_dim3A_1964 = vector.shape_cast %get3A_1963 : vector<16xi32> to vector<16x1xi32>
      %gather3A_1965 = vector.shape_cast %broadcast_in_dim3A_1964 : vector<16x1xi32> to vector<16xi32>
      %gather3A_1966 = tpu.dynamic_gather %gather3A_1928[%gather3A_1965] in [0] : vector<16xf32>, vector<16xi32> -> vector<16xf32>
      %swap3A_1967 = arith.constant 0 : i32
      %swap3A_1968 = arith.index_cast %select_n3A_1866 : i32 to index
      %swap3A_1969 = arith.index_cast %swap3A_1967 : i32 to index
      %swap3A_1970 = arith.constant 0 : index
      %swap3A_1971 = tpu.vector_load %arg12[%swap3A_1968, %swap3A_1969, %swap3A_1970] {strides = array<i32>} : memref<8x8x128xf32, #tpu.memory_space<vmem>>, vector<16xf32>,
      tpu.vector_store %arg12[%swap3A_1968, %swap3A_1969, %swap3A_1970], %gather3A_1966 {strides = array<i32>} : memref<8x8x128xf32, #tpu.memory_space<vmem>>, vector<16xf32>,
      %broadcast_in_dim3A_1972 = vector.shape_cast %get3A_1963 : vector<16xi32> to vector<16x1xi32>
      %gather3A_1973 = vector.shape_cast %broadcast_in_dim3A_1972 : vector<16x1xi32> to vector<16xi32>
      %gather3A_1974 = tpu.dynamic_gather %gather3A_1932[%gather3A_1973] in [0] : vector<16xf32>, vector<16xi32> -> vector<16xf32>
      %swap3A_1975 = arith.constant 1 : i32
      %swap3A_1976 = arith.index_cast %select_n3A_1866 : i32 to index
      %swap3A_1977 = arith.index_cast %swap3A_1975 : i32 to index
      %swap3A_1978 = arith.constant 0 : index
      %swap3A_1979 = tpu.vector_load %arg12[%swap3A_1976, %swap3A_1977, %swap3A_1978] {strides = array<i32>} : memref<8x8x128xf32, #tpu.memory_space<vmem>>, vector<16xf32>,
      tpu.vector_store %arg12[%swap3A_1976, %swap3A_1977, %swap3A_1978], %gather3A_1974 {strides = array<i32>} : memref<8x8x128xf32, #tpu.memory_space<vmem>>, vector<16xf32>,
      %broadcast_in_dim3A_1980 = vector.shape_cast %get3A_1963 : vector<16xi32> to vector<16x1xi32>
      %gather3A_1981 = vector.shape_cast %broadcast_in_dim3A_1980 : vector<16x1xi32> to vector<16xi32>
      %gather3A_1982 = tpu.dynamic_gather %gather3A_1936[%gather3A_1981] in [0] : vector<16xf32>, vector<16xi32> -> vector<16xf32>
      %swap3A_1983 = arith.constant 2 : i32
      %swap3A_1984 = arith.index_cast %select_n3A_1866 : i32 to index
      %swap3A_1985 = arith.index_cast %swap3A_1983 : i32 to index
      %swap3A_1986 = arith.constant 0 : index
      %swap3A_1987 = tpu.vector_load %arg12[%swap3A_1984, %swap3A_1985, %swap3A_1986] {strides = array<i32>} : memref<8x8x128xf32, #tpu.memory_space<vmem>>, vector<16xf32>,
      tpu.vector_store %arg12[%swap3A_1984, %swap3A_1985, %swap3A_1986], %gather3A_1982 {strides = array<i32>} : memref<8x8x128xf32, #tpu.memory_space<vmem>>, vector<16xf32>,
      %broadcast_in_dim3A_1988 = vector.shape_cast %get3A_1963 : vector<16xi32> to vector<16x1xi32>
      %gather3A_1989 = vector.shape_cast %broadcast_in_dim3A_1988 : vector<16x1xi32> to vector<16xi32>
      %gather3A_1990 = tpu.dynamic_gather %gather3A_1940[%gather3A_1989] in [0] : vector<16xf32>, vector<16xi32> -> vector<16xf32>
      %swap3A_1991 = arith.constant 3 : i32
      %swap3A_1992 = arith.index_cast %select_n3A_1866 : i32 to index
      %swap3A_1993 = arith.index_cast %swap3A_1991 : i32 to index
      %swap3A_1994 = arith.constant 0 : index
      %swap3A_1995 = tpu.vector_load %arg12[%swap3A_1992, %swap3A_1993, %swap3A_1994] {strides = array<i32>} : memref<8x8x128xf32, #tpu.memory_space<vmem>>, vector<16xf32>,
      tpu.vector_store %arg12[%swap3A_1992, %swap3A_1993, %swap3A_1994], %gather3A_1990 {strides = array<i32>} : memref<8x8x128xf32, #tpu.memory_space<vmem>>, vector<16xf32>,
      %broadcast_in_dim3A_1996 = vector.shape_cast %get3A_1963 : vector<16xi32> to vector<16x1xi32>
      %gather3A_1997 = vector.shape_cast %broadcast_in_dim3A_1996 : vector<16x1xi32> to vector<16xi32>
      %gather3A_1998 = tpu.dynamic_gather %gather3A_1944[%gather3A_1997] in [0] : vector<16xf32>, vector<16xi32> -> vector<16xf32>
      %swap3A_1999 = arith.constant 4 : i32
      %swap3A_2000 = arith.index_cast %select_n3A_1866 : i32 to index
      %swap3A_2001 = arith.index_cast %swap3A_1999 : i32 to index
      %swap3A_2002 = arith.constant 0 : index
      %swap3A_2003 = tpu.vector_load %arg12[%swap3A_2000, %swap3A_2001, %swap3A_2002] {strides = array<i32>} : memref<8x8x128xf32, #tpu.memory_space<vmem>>, vector<16xf32>,
      tpu.vector_store %arg12[%swap3A_2000, %swap3A_2001, %swap3A_2002], %gather3A_1998 {strides = array<i32>} : memref<8x8x128xf32, #tpu.memory_space<vmem>>, vector<16xf32>,
      %broadcast_in_dim3A_2004 = vector.shape_cast %get3A_1963 : vector<16xi32> to vector<16x1xi32>
      %gather3A_2005 = vector.shape_cast %broadcast_in_dim3A_2004 : vector<16x1xi32> to vector<16xi32>
      %gather3A_2006 = tpu.dynamic_gather %gather3A_1948[%gather3A_2005] in [0] : vector<16xf32>, vector<16xi32> -> vector<16xf32>
      %swap3A_2007 = arith.constant 5 : i32
      %swap3A_2008 = arith.index_cast %select_n3A_1866 : i32 to index
      %swap3A_2009 = arith.index_cast %swap3A_2007 : i32 to index
      %swap3A_2010 = arith.constant 0 : index
      %swap3A_2011 = tpu.vector_load %arg12[%swap3A_2008, %swap3A_2009, %swap3A_2010] {strides = array<i32>} : memref<8x8x128xf32, #tpu.memory_space<vmem>>, vector<16xf32>,
      tpu.vector_store %arg12[%swap3A_2008, %swap3A_2009, %swap3A_2010], %gather3A_2006 {strides = array<i32>} : memref<8x8x128xf32, #tpu.memory_space<vmem>>, vector<16xf32>,
      %broadcast_in_dim3A_2012 = vector.shape_cast %get3A_1963 : vector<16xi32> to vector<16x1xi32>
      %gather3A_2013 = vector.shape_cast %broadcast_in_dim3A_2012 : vector<16x1xi32> to vector<16xi32>
      %gather3A_2014 = tpu.dynamic_gather %gather3A_1952[%gather3A_2013] in [0] : vector<16xf32>, vector<16xi32> -> vector<16xf32>
      %swap3A_2015 = arith.constant 6 : i32
      %swap3A_2016 = arith.index_cast %select_n3A_1866 : i32 to index
      %swap3A_2017 = arith.index_cast %swap3A_2015 : i32 to index
      %swap3A_2018 = arith.constant 0 : index
      %swap3A_2019 = tpu.vector_load %arg12[%swap3A_2016, %swap3A_2017, %swap3A_2018] {strides = array<i32>} : memref<8x8x128xf32, #tpu.memory_space<vmem>>, vector<16xf32>,
      tpu.vector_store %arg12[%swap3A_2016, %swap3A_2017, %swap3A_2018], %gather3A_2014 {strides = array<i32>} : memref<8x8x128xf32, #tpu.memory_space<vmem>>, vector<16xf32>,
      %broadcast_in_dim3A_2020 = vector.shape_cast %get3A_1963 : vector<16xi32> to vector<16x1xi32>
      %gather3A_2021 = vector.shape_cast %broadcast_in_dim3A_2020 : vector<16x1xi32> to vector<16xi32>
      %gather3A_2022 = tpu.dynamic_gather %gather3A_1956[%gather3A_2021] in [0] : vector<16xf32>, vector<16xi32> -> vector<16xf32>
      %swap3A_2023 = arith.constant 7 : i32
      %swap3A_2024 = arith.index_cast %select_n3A_1866 : i32 to index
      %swap3A_2025 = arith.index_cast %swap3A_2023 : i32 to index
      %swap3A_2026 = arith.constant 0 : index
      %swap3A_2027 = tpu.vector_load %arg12[%swap3A_2024, %swap3A_2025, %swap3A_2026] {strides = array<i32>} : memref<8x8x128xf32, #tpu.memory_space<vmem>>, vector<16xf32>,
      tpu.vector_store %arg12[%swap3A_2024, %swap3A_2025, %swap3A_2026], %gather3A_2022 {strides = array<i32>} : memref<8x8x128xf32, #tpu.memory_space<vmem>>, vector<16xf32>,
      %mul3A_2028 = arith.constant 128 : i32
      %mul3A_2029 = arith.muli %select_n3A_1850, %mul3A_2028 : i32
      %add3A_2030 = arith.constant 16 : i32
      %add3A_2031 = arith.addi %mul3A_2029, %add3A_2030 : i32
      %get3A_2032 = arith.index_cast %select_n3A_1794 : i32 to index
      %get3A_2033 = arith.index_cast %add3A_2031 : i32 to index
      %get3A_2034 = tpu.vector_load %arg7[%get3A_2032, %get3A_2033] {strides = array<i32>} : memref<26x512xi32, #tpu.memory_space<vmem>>, vector<16xi32>,
      %broadcast_in_dim3A_2035 = vector.shape_cast %get3A_2034 : vector<16xi32> to vector<16x1xi32>
      %gather3A_2036 = vector.shape_cast %broadcast_in_dim3A_2035 : vector<16x1xi32> to vector<16xi32>
      %gather3A_2037 = tpu.dynamic_gather %gather3A_1928[%gather3A_2036] in [0] : vector<16xf32>, vector<16xi32> -> vector<16xf32>
      %swap3A_2038 = arith.constant 0 : i32
      %swap3A_2039 = arith.index_cast %select_n3A_1866 : i32 to index
      %swap3A_2040 = arith.index_cast %swap3A_2038 : i32 to index
      %swap3A_2041 = arith.constant 16 : index
      %swap3A_2042 = tpu.vector_load %arg12[%swap3A_2039, %swap3A_2040, %swap3A_2041] {strides = array<i32>} : memref<8x8x128xf32, #tpu.memory_space<vmem>>, vector<16xf32>,
      tpu.vector_store %arg12[%swap3A_2039, %swap3A_2040, %swap3A_2041], %gather3A_2037 {strides = array<i32>} : memref<8x8x128xf32, #tpu.memory_space<vmem>>, vector<16xf32>,
      %broadcast_in_dim3A_2043 = vector.shape_cast %get3A_2034 : vector<16xi32> to vector<16x1xi32>
      %gather3A_2044 = vector.shape_cast %broadcast_in_dim3A_2043 : vector<16x1xi32> to vector<16xi32>
      %gather3A_2045 = tpu.dynamic_gather %gather3A_1932[%gather3A_2044] in [0] : vector<16xf32>, vector<16xi32> -> vector<16xf32>
      %swap3A_2046 = arith.constant 1 : i32
      %swap3A_2047 = arith.index_cast %select_n3A_1866 : i32 to index
      %swap3A_2048 = arith.index_cast %swap3A_2046 : i32 to index
      %swap3A_2049 = arith.constant 16 : index
      %swap3A_2050 = tpu.vector_load %arg12[%swap3A_2047, %swap3A_2048, %swap3A_2049] {strides = array<i32>} : memref<8x8x128xf32, #tpu.memory_space<vmem>>, vector<16xf32>,
      tpu.vector_store %arg12[%swap3A_2047, %swap3A_2048, %swap3A_2049], %gather3A_2045 {strides = array<i32>} : memref<8x8x128xf32, #tpu.memory_space<vmem>>, vector<16xf32>,
      %broadcast_in_dim3A_2051 = vector.shape_cast %get3A_2034 : vector<16xi32> to vector<16x1xi32>
      %gather3A_2052 = vector.shape_cast %broadcast_in_dim3A_2051 : vector<16x1xi32> to vector<16xi32>
      %gather3A_2053 = tpu.dynamic_gather %gather3A_1936[%gather3A_2052] in [0] : vector<16xf32>, vector<16xi32> -> vector<16xf32>
      %swap3A_2054 = arith.constant 2 : i32
      %swap3A_2055 = arith.index_cast %select_n3A_1866 : i32 to index
      %swap3A_2056 = arith.index_cast %swap3A_2054 : i32 to index
      %swap3A_2057 = arith.constant 16 : index
      %swap3A_2058 = tpu.vector_load %arg12[%swap3A_2055, %swap3A_2056, %swap3A_2057] {strides = array<i32>} : memref<8x8x128xf32, #tpu.memory_space<vmem>>, vector<16xf32>,
      tpu.vector_store %arg12[%swap3A_2055, %swap3A_2056, %swap3A_2057], %gather3A_2053 {strides = array<i32>} : memref<8x8x128xf32, #tpu.memory_space<vmem>>, vector<16xf32>,
      %broadcast_in_dim3A_2059 = vector.shape_cast %get3A_2034 : vector<16xi32> to vector<16x1xi32>
      %gather3A_2060 = vector.shape_cast %broadcast_in_dim3A_2059 : vector<16x1xi32> to vector<16xi32>
      %gather3A_2061 = tpu.dynamic_gather %gather3A_1940[%gather3A_2060] in [0] : vector<16xf32>, vector<16xi32> -> vector<16xf32>
      %swap3A_2062 = arith.constant 3 : i32
      %swap3A_2063 = arith.index_cast %select_n3A_1866 : i32 to index
      %swap3A_2064 = arith.index_cast %swap3A_2062 : i32 to index
      %swap3A_2065 = arith.constant 16 : index
      %swap3A_2066 = tpu.vector_load %arg12[%swap3A_2063, %swap3A_2064, %swap3A_2065] {strides = array<i32>} : memref<8x8x128xf32, #tpu.memory_space<vmem>>, vector<16xf32>,
      tpu.vector_store %arg12[%swap3A_2063, %swap3A_2064, %swap3A_2065], %gather3A_2061 {strides = array<i32>} : memref<8x8x128xf32, #tpu.memory_space<vmem>>, vector<16xf32>,
      %broadcast_in_dim3A_2067 = vector.shape_cast %get3A_2034 : vector<16xi32> to vector<16x1xi32>
      %gather3A_2068 = vector.shape_cast %broadcast_in_dim3A_2067 : vector<16x1xi32> to vector<16xi32>
      %gather3A_2069 = tpu.dynamic_gather %gather3A_1944[%gather3A_2068] in [0] : vector<16xf32>, vector<16xi32> -> vector<16xf32>
      %swap3A_2070 = arith.constant 4 : i32
      %swap3A_2071 = arith.index_cast %select_n3A_1866 : i32 to index
      %swap3A_2072 = arith.index_cast %swap3A_2070 : i32 to index
      %swap3A_2073 = arith.constant 16 : index
      %swap3A_2074 = tpu.vector_load %arg12[%swap3A_2071, %swap3A_2072, %swap3A_2073] {strides = array<i32>} : memref<8x8x128xf32, #tpu.memory_space<vmem>>, vector<16xf32>,
      tpu.vector_store %arg12[%swap3A_2071, %swap3A_2072, %swap3A_2073], %gather3A_2069 {strides = array<i32>} : memref<8x8x128xf32, #tpu.memory_space<vmem>>, vector<16xf32>,
      %broadcast_in_dim3A_2075 = vector.shape_cast %get3A_2034 : vector<16xi32> to vector<16x1xi32>
      %gather3A_2076 = vector.shape_cast %broadcast_in_dim3A_2075 : vector<16x1xi32> to vector<16xi32>
      %gather3A_2077 = tpu.dynamic_gather %gather3A_1948[%gather3A_2076] in [0] : vector<16xf32>, vector<16xi32> -> vector<16xf32>
      %swap3A_2078 = arith.constant 5 : i32
      %swap3A_2079 = arith.index_cast %select_n3A_1866 : i32 to index
      %swap3A_2080 = arith.index_cast %swap3A_2078 : i32 to index
      %swap3A_2081 = arith.constant 16 : index
      %swap3A_2082 = tpu.vector_load %arg12[%swap3A_2079, %swap3A_2080, %swap3A_2081] {strides = array<i32>} : memref<8x8x128xf32, #tpu.memory_space<vmem>>, vector<16xf32>,
      tpu.vector_store %arg12[%swap3A_2079, %swap3A_2080, %swap3A_2081], %gather3A_2077 {strides = array<i32>} : memref<8x8x128xf32, #tpu.memory_space<vmem>>, vector<16xf32>,
      %broadcast_in_dim3A_2083 = vector.shape_cast %get3A_2034 : vector<16xi32> to vector<16x1xi32>
      %gather3A_2084 = vector.shape_cast %broadcast_in_dim3A_2083 : vector<16x1xi32> to vector<16xi32>
      %gather3A_2085 = tpu.dynamic_gather %gather3A_1952[%gather3A_2084] in [0] : vector<16xf32>, vector<16xi32> -> vector<16xf32>
      %swap3A_2086 = arith.constant 6 : i32
      %swap3A_2087 = arith.index_cast %select_n3A_1866 : i32 to index
      %swap3A_2088 = arith.index_cast %swap3A_2086 : i32 to index
      %swap3A_2089 = arith.constant 16 : index
      %swap3A_2090 = tpu.vector_load %arg12[%swap3A_2087, %swap3A_2088, %swap3A_2089] {strides = array<i32>} : memref<8x8x128xf32, #tpu.memory_space<vmem>>, vector<16xf32>,
      tpu.vector_store %arg12[%swap3A_2087, %swap3A_2088, %swap3A_2089], %gather3A_2085 {strides = array<i32>} : memref<8x8x128xf32, #tpu.memory_space<vmem>>, vector<16xf32>,
      %broadcast_in_dim3A_2091 = vector.shape_cast %get3A_2034 : vector<16xi32> to vector<16x1xi32>
      %gather3A_2092 = vector.shape_cast %broadcast_in_dim3A_2091 : vector<16x1xi32> to vector<16xi32>
      %gather3A_2093 = tpu.dynamic_gather %gather3A_1956[%gather3A_2092] in [0] : vector<16xf32>, vector<16xi32> -> vector<16xf32>
      %swap3A_2094 = arith.constant 7 : i32
      %swap3A_2095 = arith.index_cast %select_n3A_1866 : i32 to index
      %swap3A_2096 = arith.index_cast %swap3A_2094 : i32 to index
      %swap3A_2097 = arith.constant 16 : index
      %swap3A_2098 = tpu.vector_load %arg12[%swap3A_2095, %swap3A_2096, %swap3A_2097] {strides = array<i32>} : memref<8x8x128xf32, #tpu.memory_space<vmem>>, vector<16xf32>,
      tpu.vector_store %arg12[%swap3A_2095, %swap3A_2096, %swap3A_2097], %gather3A_2093 {strides = array<i32>} : memref<8x8x128xf32, #tpu.memory_space<vmem>>, vector<16xf32>,
      %mul3A_2099 = arith.constant 128 : i32
      %mul3A_2100 = arith.muli %select_n3A_1850, %mul3A_2099 : i32
      %add3A_2101 = arith.constant 32 : i32
      %add3A_2102 = arith.addi %mul3A_2100, %add3A_2101 : i32
      %get3A_2103 = arith.index_cast %select_n3A_1794 : i32 to index
      %get3A_2104 = arith.index_cast %add3A_2102 : i32 to index
      %get3A_2105 = tpu.vector_load %arg7[%get3A_2103, %get3A_2104] {strides = array<i32>} : memref<26x512xi32, #tpu.memory_space<vmem>>, vector<16xi32>,
      %broadcast_in_dim3A_2106 = vector.shape_cast %get3A_2105 : vector<16xi32> to vector<16x1xi32>
      %gather3A_2107 = vector.shape_cast %broadcast_in_dim3A_2106 : vector<16x1xi32> to vector<16xi32>
      %gather3A_2108 = tpu.dynamic_gather %gather3A_1928[%gather3A_2107] in [0] : vector<16xf32>, vector<16xi32> -> vector<16xf32>
      %swap3A_2109 = arith.constant 0 : i32
      %swap3A_2110 = arith.index_cast %select_n3A_1866 : i32 to index
      %swap3A_2111 = arith.index_cast %swap3A_2109 : i32 to index
      %swap3A_2112 = arith.constant 32 : index
      %swap3A_2113 = tpu.vector_load %arg12[%swap3A_2110, %swap3A_2111, %swap3A_2112] {strides = array<i32>} : memref<8x8x128xf32, #tpu.memory_space<vmem>>, vector<16xf32>,
      tpu.vector_store %arg12[%swap3A_2110, %swap3A_2111, %swap3A_2112], %gather3A_2108 {strides = array<i32>} : memref<8x8x128xf32, #tpu.memory_space<vmem>>, vector<16xf32>,
      %broadcast_in_dim3A_2114 = vector.shape_cast %get3A_2105 : vector<16xi32> to vector<16x1xi32>
      %gather3A_2115 = vector.shape_cast %broadcast_in_dim3A_2114 : vector<16x1xi32> to vector<16xi32>
      %gather3A_2116 = tpu.dynamic_gather %gather3A_1932[%gather3A_2115] in [0] : vector<16xf32>, vector<16xi32> -> vector<16xf32>
      %swap3A_2117 = arith.constant 1 : i32
      %swap3A_2118 = arith.index_cast %select_n3A_1866 : i32 to index
      %swap3A_2119 = arith.index_cast %swap3A_2117 : i32 to index
      %swap3A_2120 = arith.constant 32 : index
      %swap3A_2121 = tpu.vector_load %arg12[%swap3A_2118, %swap3A_2119, %swap3A_2120] {strides = array<i32>} : memref<8x8x128xf32, #tpu.memory_space<vmem>>, vector<16xf32>,
      tpu.vector_store %arg12[%swap3A_2118, %swap3A_2119, %swap3A_2120], %gather3A_2116 {strides = array<i32>} : memref<8x8x128xf32, #tpu.memory_space<vmem>>, vector<16xf32>,
      %broadcast_in_dim3A_2122 = vector.shape_cast %get3A_2105 : vector<16xi32> to vector<16x1xi32>
      %gather3A_2123 = vector.shape_cast %broadcast_in_dim3A_2122 : vector<16x1xi32> to vector<16xi32>
      %gather3A_2124 = tpu.dynamic_gather %gather3A_1936[%gather3A_2123] in [0] : vector<16xf32>, vector<16xi32> -> vector<16xf32>
      %swap3A_2125 = arith.constant 2 : i32
      %swap3A_2126 = arith.index_cast %select_n3A_1866 : i32 to index
      %swap3A_2127 = arith.index_cast %swap3A_2125 : i32 to index
      %swap3A_2128 = arith.constant 32 : index
      %swap3A_2129 = tpu.vector_load %arg12[%swap3A_2126, %swap3A_2127, %swap3A_2128] {strides = array<i32>} : memref<8x8x128xf32, #tpu.memory_space<vmem>>, vector<16xf32>,
      tpu.vector_store %arg12[%swap3A_2126, %swap3A_2127, %swap3A_2128], %gather3A_2124 {strides = array<i32>} : memref<8x8x128xf32, #tpu.memory_space<vmem>>, vector<16xf32>,
      %broadcast_in_dim3A_2130 = vector.shape_cast %get3A_2105 : vector<16xi32> to vector<16x1xi32>
      %gather3A_2131 = vector.shape_cast %broadcast_in_dim3A_2130 : vector<16x1xi32> to vector<16xi32>
      %gather3A_2132 = tpu.dynamic_gather %gather3A_1940[%gather3A_2131] in [0] : vector<16xf32>, vector<16xi32> -> vector<16xf32>
      %swap3A_2133 = arith.constant 3 : i32
      %swap3A_2134 = arith.index_cast %select_n3A_1866 : i32 to index
      %swap3A_2135 = arith.index_cast %swap3A_2133 : i32 to index
      %swap3A_2136 = arith.constant 32 : index
      %swap3A_2137 = tpu.vector_load %arg12[%swap3A_2134, %swap3A_2135, %swap3A_2136] {strides = array<i32>} : memref<8x8x128xf32, #tpu.memory_space<vmem>>, vector<16xf32>,
      tpu.vector_store %arg12[%swap3A_2134, %swap3A_2135, %swap3A_2136], %gather3A_2132 {strides = array<i32>} : memref<8x8x128xf32, #tpu.memory_space<vmem>>, vector<16xf32>,
      %broadcast_in_dim3A_2138 = vector.shape_cast %get3A_2105 : vector<16xi32> to vector<16x1xi32>
      %gather3A_2139 = vector.shape_cast %broadcast_in_dim3A_2138 : vector<16x1xi32> to vector<16xi32>
      %gather3A_2140 = tpu.dynamic_gather %gather3A_1944[%gather3A_2139] in [0] : vector<16xf32>, vector<16xi32> -> vector<16xf32>
      %swap3A_2141 = arith.constant 4 : i32
      %swap3A_2142 = arith.index_cast %select_n3A_1866 : i32 to index
      %swap3A_2143 = arith.index_cast %swap3A_2141 : i32 to index
      %swap3A_2144 = arith.constant 32 : index
      %swap3A_2145 = tpu.vector_load %arg12[%swap3A_2142, %swap3A_2143, %swap3A_2144] {strides = array<i32>} : memref<8x8x128xf32, #tpu.memory_space<vmem>>, vector<16xf32>,
      tpu.vector_store %arg12[%swap3A_2142, %swap3A_2143, %swap3A_2144], %gather3A_2140 {strides = array<i32>} : memref<8x8x128xf32, #tpu.memory_space<vmem>>, vector<16xf32>,
      %broadcast_in_dim3A_2146 = vector.shape_cast %get3A_2105 : vector<16xi32> to vector<16x1xi32>
      %gather3A_2147 = vector.shape_cast %broadcast_in_dim3A_2146 : vector<16x1xi32> to vector<16xi32>
      %gather3A_2148 = tpu.dynamic_gather %gather3A_1948[%gather3A_2147] in [0] : vector<16xf32>, vector<16xi32> -> vector<16xf32>
      %swap3A_2149 = arith.constant 5 : i32
      %swap3A_2150 = arith.index_cast %select_n3A_1866 : i32 to index
      %swap3A_2151 = arith.index_cast %swap3A_2149 : i32 to index
      %swap3A_2152 = arith.constant 32 : index
      %swap3A_2153 = tpu.vector_load %arg12[%swap3A_2150, %swap3A_2151, %swap3A_2152] {strides = array<i32>} : memref<8x8x128xf32, #tpu.memory_space<vmem>>, vector<16xf32>,
      tpu.vector_store %arg12[%swap3A_2150, %swap3A_2151, %swap3A_2152], %gather3A_2148 {strides = array<i32>} : memref<8x8x128xf32, #tpu.memory_space<vmem>>, vector<16xf32>,
      %broadcast_in_dim3A_2154 = vector.shape_cast %get3A_2105 : vector<16xi32> to vector<16x1xi32>
      %gather3A_2155 = vector.shape_cast %broadcast_in_dim3A_2154 : vector<16x1xi32> to vector<16xi32>
      %gather3A_2156 = tpu.dynamic_gather %gather3A_1952[%gather3A_2155] in [0] : vector<16xf32>, vector<16xi32> -> vector<16xf32>
      %swap3A_2157 = arith.constant 6 : i32
      %swap3A_2158 = arith.index_cast %select_n3A_1866 : i32 to index
      %swap3A_2159 = arith.index_cast %swap3A_2157 : i32 to index
      %swap3A_2160 = arith.constant 32 : index
      %swap3A_2161 = tpu.vector_load %arg12[%swap3A_2158, %swap3A_2159, %swap3A_2160] {strides = array<i32>} : memref<8x8x128xf32, #tpu.memory_space<vmem>>, vector<16xf32>,
      tpu.vector_store %arg12[%swap3A_2158, %swap3A_2159, %swap3A_2160], %gather3A_2156 {strides = array<i32>} : memref<8x8x128xf32, #tpu.memory_space<vmem>>, vector<16xf32>,
      %broadcast_in_dim3A_2162 = vector.shape_cast %get3A_2105 : vector<16xi32> to vector<16x1xi32>
      %gather3A_2163 = vector.shape_cast %broadcast_in_dim3A_2162 : vector<16x1xi32> to vector<16xi32>
      %gather3A_2164 = tpu.dynamic_gather %gather3A_1956[%gather3A_2163] in [0] : vector<16xf32>, vector<16xi32> -> vector<16xf32>
      %swap3A_2165 = arith.constant 7 : i32
      %swap3A_2166 = arith.index_cast %select_n3A_1866 : i32 to index
      %swap3A_2167 = arith.index_cast %swap3A_2165 : i32 to index
      %swap3A_2168 = arith.constant 32 : index
      %swap3A_2169 = tpu.vector_load %arg12[%swap3A_2166, %swap3A_2167, %swap3A_2168] {strides = array<i32>} : memref<8x8x128xf32, #tpu.memory_space<vmem>>, vector<16xf32>,
      tpu.vector_store %arg12[%swap3A_2166, %swap3A_2167, %swap3A_2168], %gather3A_2164 {strides = array<i32>} : memref<8x8x128xf32, #tpu.memory_space<vmem>>, vector<16xf32>,
      %mul3A_2170 = arith.constant 128 : i32
      %mul3A_2171 = arith.muli %select_n3A_1850, %mul3A_2170 : i32
      %add3A_2172 = arith.constant 48 : i32
      %add3A_2173 = arith.addi %mul3A_2171, %add3A_2172 : i32
      %get3A_2174 = arith.index_cast %select_n3A_1794 : i32 to index
      %get3A_2175 = arith.index_cast %add3A_2173 : i32 to index
      %get3A_2176 = tpu.vector_load %arg7[%get3A_2174, %get3A_2175] {strides = array<i32>} : memref<26x512xi32, #tpu.memory_space<vmem>>, vector<16xi32>,
      %broadcast_in_dim3A_2177 = vector.shape_cast %get3A_2176 : vector<16xi32> to vector<16x1xi32>
      %gather3A_2178 = vector.shape_cast %broadcast_in_dim3A_2177 : vector<16x1xi32> to vector<16xi32>
      %gather3A_2179 = tpu.dynamic_gather %gather3A_1928[%gather3A_2178] in [0] : vector<16xf32>, vector<16xi32> -> vector<16xf32>
      %swap3A_2180 = arith.constant 0 : i32
      %swap3A_2181 = arith.index_cast %select_n3A_1866 : i32 to index
      %swap3A_2182 = arith.index_cast %swap3A_2180 : i32 to index
      %swap3A_2183 = arith.constant 48 : index
      %swap3A_2184 = tpu.vector_load %arg12[%swap3A_2181, %swap3A_2182, %swap3A_2183] {strides = array<i32>} : memref<8x8x128xf32, #tpu.memory_space<vmem>>, vector<16xf32>,
      tpu.vector_store %arg12[%swap3A_2181, %swap3A_2182, %swap3A_2183], %gather3A_2179 {strides = array<i32>} : memref<8x8x128xf32, #tpu.memory_space<vmem>>, vector<16xf32>,
      %broadcast_in_dim3A_2185 = vector.shape_cast %get3A_2176 : vector<16xi32> to vector<16x1xi32>
      %gather3A_2186 = vector.shape_cast %broadcast_in_dim3A_2185 : vector<16x1xi32> to vector<16xi32>
      %gather3A_2187 = tpu.dynamic_gather %gather3A_1932[%gather3A_2186] in [0] : vector<16xf32>, vector<16xi32> -> vector<16xf32>
      %swap3A_2188 = arith.constant 1 : i32
      %swap3A_2189 = arith.index_cast %select_n3A_1866 : i32 to index
      %swap3A_2190 = arith.index_cast %swap3A_2188 : i32 to index
      %swap3A_2191 = arith.constant 48 : index
      %swap3A_2192 = tpu.vector_load %arg12[%swap3A_2189, %swap3A_2190, %swap3A_2191] {strides = array<i32>} : memref<8x8x128xf32, #tpu.memory_space<vmem>>, vector<16xf32>,
      tpu.vector_store %arg12[%swap3A_2189, %swap3A_2190, %swap3A_2191], %gather3A_2187 {strides = array<i32>} : memref<8x8x128xf32, #tpu.memory_space<vmem>>, vector<16xf32>,
      %broadcast_in_dim3A_2193 = vector.shape_cast %get3A_2176 : vector<16xi32> to vector<16x1xi32>
      %gather3A_2194 = vector.shape_cast %broadcast_in_dim3A_2193 : vector<16x1xi32> to vector<16xi32>
      %gather3A_2195 = tpu.dynamic_gather %gather3A_1936[%gather3A_2194] in [0] : vector<16xf32>, vector<16xi32> -> vector<16xf32>
      %swap3A_2196 = arith.constant 2 : i32
      %swap3A_2197 = arith.index_cast %select_n3A_1866 : i32 to index
      %swap3A_2198 = arith.index_cast %swap3A_2196 : i32 to index
      %swap3A_2199 = arith.constant 48 : index
      %swap3A_2200 = tpu.vector_load %arg12[%swap3A_2197, %swap3A_2198, %swap3A_2199] {strides = array<i32>} : memref<8x8x128xf32, #tpu.memory_space<vmem>>, vector<16xf32>,
      tpu.vector_store %arg12[%swap3A_2197, %swap3A_2198, %swap3A_2199], %gather3A_2195 {strides = array<i32>} : memref<8x8x128xf32, #tpu.memory_space<vmem>>, vector<16xf32>,
      %broadcast_in_dim3A_2201 = vector.shape_cast %get3A_2176 : vector<16xi32> to vector<16x1xi32>
      %gather3A_2202 = vector.shape_cast %broadcast_in_dim3A_2201 : vector<16x1xi32> to vector<16xi32>
      %gather3A_2203 = tpu.dynamic_gather %gather3A_1940[%gather3A_2202] in [0] : vector<16xf32>, vector<16xi32> -> vector<16xf32>
      %swap3A_2204 = arith.constant 3 : i32
      %swap3A_2205 = arith.index_cast %select_n3A_1866 : i32 to index
      %swap3A_2206 = arith.index_cast %swap3A_2204 : i32 to index
      %swap3A_2207 = arith.constant 48 : index
      %swap3A_2208 = tpu.vector_load %arg12[%swap3A_2205, %swap3A_2206, %swap3A_2207] {strides = array<i32>} : memref<8x8x128xf32, #tpu.memory_space<vmem>>, vector<16xf32>,
      tpu.vector_store %arg12[%swap3A_2205, %swap3A_2206, %swap3A_2207], %gather3A_2203 {strides = array<i32>} : memref<8x8x128xf32, #tpu.memory_space<vmem>>, vector<16xf32>,
      %broadcast_in_dim3A_2209 = vector.shape_cast %get3A_2176 : vector<16xi32> to vector<16x1xi32>
      %gather3A_2210 = vector.shape_cast %broadcast_in_dim3A_2209 : vector<16x1xi32> to vector<16xi32>
      %gather3A_2211 = tpu.dynamic_gather %gather3A_1944[%gather3A_2210] in [0] : vector<16xf32>, vector<16xi32> -> vector<16xf32>
      %swap3A_2212 = arith.constant 4 : i32
      %swap3A_2213 = arith.index_cast %select_n3A_1866 : i32 to index
      %swap3A_2214 = arith.index_cast %swap3A_2212 : i32 to index
      %swap3A_2215 = arith.constant 48 : index
      %swap3A_2216 = tpu.vector_load %arg12[%swap3A_2213, %swap3A_2214, %swap3A_2215] {strides = array<i32>} : memref<8x8x128xf32, #tpu.memory_space<vmem>>, vector<16xf32>,
      tpu.vector_store %arg12[%swap3A_2213, %swap3A_2214, %swap3A_2215], %gather3A_2211 {strides = array<i32>} : memref<8x8x128xf32, #tpu.memory_space<vmem>>, vector<16xf32>,
      %broadcast_in_dim3A_2217 = vector.shape_cast %get3A_2176 : vector<16xi32> to vector<16x1xi32>
      %gather3A_2218 = vector.shape_cast %broadcast_in_dim3A_2217 : vector<16x1xi32> to vector<16xi32>
      %gather3A_2219 = tpu.dynamic_gather %gather3A_1948[%gather3A_2218] in [0] : vector<16xf32>, vector<16xi32> -> vector<16xf32>
      %swap3A_2220 = arith.constant 5 : i32
      %swap3A_2221 = arith.index_cast %select_n3A_1866 : i32 to index
      %swap3A_2222 = arith.index_cast %swap3A_2220 : i32 to index
      %swap3A_2223 = arith.constant 48 : index
      %swap3A_2224 = tpu.vector_load %arg12[%swap3A_2221, %swap3A_2222, %swap3A_2223] {strides = array<i32>} : memref<8x8x128xf32, #tpu.memory_space<vmem>>, vector<16xf32>,
      tpu.vector_store %arg12[%swap3A_2221, %swap3A_2222, %swap3A_2223], %gather3A_2219 {strides = array<i32>} : memref<8x8x128xf32, #tpu.memory_space<vmem>>, vector<16xf32>,
      %broadcast_in_dim3A_2225 = vector.shape_cast %get3A_2176 : vector<16xi32> to vector<16x1xi32>
      %gather3A_2226 = vector.shape_cast %broadcast_in_dim3A_2225 : vector<16x1xi32> to vector<16xi32>
      %gather3A_2227 = tpu.dynamic_gather %gather3A_1952[%gather3A_2226] in [0] : vector<16xf32>, vector<16xi32> -> vector<16xf32>
      %swap3A_2228 = arith.constant 6 : i32
      %swap3A_2229 = arith.index_cast %select_n3A_1866 : i32 to index
      %swap3A_2230 = arith.index_cast %swap3A_2228 : i32 to index
      %swap3A_2231 = arith.constant 48 : index
      %swap3A_2232 = tpu.vector_load %arg12[%swap3A_2229, %swap3A_2230, %swap3A_2231] {strides = array<i32>} : memref<8x8x128xf32, #tpu.memory_space<vmem>>, vector<16xf32>,
      tpu.vector_store %arg12[%swap3A_2229, %swap3A_2230, %swap3A_2231], %gather3A_2227 {strides = array<i32>} : memref<8x8x128xf32, #tpu.memory_space<vmem>>, vector<16xf32>,
      %broadcast_in_dim3A_2233 = vector.shape_cast %get3A_2176 : vector<16xi32> to vector<16x1xi32>
      %gather3A_2234 = vector.shape_cast %broadcast_in_dim3A_2233 : vector<16x1xi32> to vector<16xi32>
      %gather3A_2235 = tpu.dynamic_gather %gather3A_1956[%gather3A_2234] in [0] : vector<16xf32>, vector<16xi32> -> vector<16xf32>
      %swap3A_2236 = arith.constant 7 : i32
      %swap3A_2237 = arith.index_cast %select_n3A_1866 : i32 to index
      %swap3A_2238 = arith.index_cast %swap3A_2236 : i32 to index
      %swap3A_2239 = arith.constant 48 : index
      %swap3A_2240 = tpu.vector_load %arg12[%swap3A_2237, %swap3A_2238, %swap3A_2239] {strides = array<i32>} : memref<8x8x128xf32, #tpu.memory_space<vmem>>, vector<16xf32>,
      tpu.vector_store %arg12[%swap3A_2237, %swap3A_2238, %swap3A_2239], %gather3A_2235 {strides = array<i32>} : memref<8x8x128xf32, #tpu.memory_space<vmem>>, vector<16xf32>,
      %mul3A_2241 = arith.constant 128 : i32
      %mul3A_2242 = arith.muli %select_n3A_1850, %mul3A_2241 : i32
      %add3A_2243 = arith.constant 64 : i32
      %add3A_2244 = arith.addi %mul3A_2242, %add3A_2243 : i32
      %get3A_2245 = arith.index_cast %select_n3A_1794 : i32 to index
      %get3A_2246 = arith.index_cast %add3A_2244 : i32 to index
      %get3A_2247 = tpu.vector_load %arg7[%get3A_2245, %get3A_2246] {strides = array<i32>} : memref<26x512xi32, #tpu.memory_space<vmem>>, vector<16xi32>,
      %broadcast_in_dim3A_2248 = vector.shape_cast %get3A_2247 : vector<16xi32> to vector<16x1xi32>
      %gather3A_2249 = vector.shape_cast %broadcast_in_dim3A_2248 : vector<16x1xi32> to vector<16xi32>
      %gather3A_2250 = tpu.dynamic_gather %gather3A_1928[%gather3A_2249] in [0] : vector<16xf32>, vector<16xi32> -> vector<16xf32>
      %swap3A_2251 = arith.constant 0 : i32
      %swap3A_2252 = arith.index_cast %select_n3A_1866 : i32 to index
      %swap3A_2253 = arith.index_cast %swap3A_2251 : i32 to index
      %swap3A_2254 = arith.constant 64 : index
      %swap3A_2255 = tpu.vector_load %arg12[%swap3A_2252, %swap3A_2253, %swap3A_2254] {strides = array<i32>} : memref<8x8x128xf32, #tpu.memory_space<vmem>>, vector<16xf32>,
      tpu.vector_store %arg12[%swap3A_2252, %swap3A_2253, %swap3A_2254], %gather3A_2250 {strides = array<i32>} : memref<8x8x128xf32, #tpu.memory_space<vmem>>, vector<16xf32>,
      %broadcast_in_dim3A_2256 = vector.shape_cast %get3A_2247 : vector<16xi32> to vector<16x1xi32>
      %gather3A_2257 = vector.shape_cast %broadcast_in_dim3A_2256 : vector<16x1xi32> to vector<16xi32>
      %gather3A_2258 = tpu.dynamic_gather %gather3A_1932[%gather3A_2257] in [0] : vector<16xf32>, vector<16xi32> -> vector<16xf32>
      %swap3A_2259 = arith.constant 1 : i32
      %swap3A_2260 = arith.index_cast %select_n3A_1866 : i32 to index
      %swap3A_2261 = arith.index_cast %swap3A_2259 : i32 to index
      %swap3A_2262 = arith.constant 64 : index
      %swap3A_2263 = tpu.vector_load %arg12[%swap3A_2260, %swap3A_2261, %swap3A_2262] {strides = array<i32>} : memref<8x8x128xf32, #tpu.memory_space<vmem>>, vector<16xf32>,
      tpu.vector_store %arg12[%swap3A_2260, %swap3A_2261, %swap3A_2262], %gather3A_2258 {strides = array<i32>} : memref<8x8x128xf32, #tpu.memory_space<vmem>>, vector<16xf32>,
      %broadcast_in_dim3A_2264 = vector.shape_cast %get3A_2247 : vector<16xi32> to vector<16x1xi32>
      %gather3A_2265 = vector.shape_cast %broadcast_in_dim3A_2264 : vector<16x1xi32> to vector<16xi32>
      %gather3A_2266 = tpu.dynamic_gather %gather3A_1936[%gather3A_2265] in [0] : vector<16xf32>, vector<16xi32> -> vector<16xf32>
      %swap3A_2267 = arith.constant 2 : i32
      %swap3A_2268 = arith.index_cast %select_n3A_1866 : i32 to index
      %swap3A_2269 = arith.index_cast %swap3A_2267 : i32 to index
      %swap3A_2270 = arith.constant 64 : index
      %swap3A_2271 = tpu.vector_load %arg12[%swap3A_2268, %swap3A_2269, %swap3A_2270] {strides = array<i32>} : memref<8x8x128xf32, #tpu.memory_space<vmem>>, vector<16xf32>,
      tpu.vector_store %arg12[%swap3A_2268, %swap3A_2269, %swap3A_2270], %gather3A_2266 {strides = array<i32>} : memref<8x8x128xf32, #tpu.memory_space<vmem>>, vector<16xf32>,
      %broadcast_in_dim3A_2272 = vector.shape_cast %get3A_2247 : vector<16xi32> to vector<16x1xi32>
      %gather3A_2273 = vector.shape_cast %broadcast_in_dim3A_2272 : vector<16x1xi32> to vector<16xi32>
      %gather3A_2274 = tpu.dynamic_gather %gather3A_1940[%gather3A_2273] in [0] : vector<16xf32>, vector<16xi32> -> vector<16xf32>
      %swap3A_2275 = arith.constant 3 : i32
      %swap3A_2276 = arith.index_cast %select_n3A_1866 : i32 to index
      %swap3A_2277 = arith.index_cast %swap3A_2275 : i32 to index
      %swap3A_2278 = arith.constant 64 : index
      %swap3A_2279 = tpu.vector_load %arg12[%swap3A_2276, %swap3A_2277, %swap3A_2278] {strides = array<i32>} : memref<8x8x128xf32, #tpu.memory_space<vmem>>, vector<16xf32>,
      tpu.vector_store %arg12[%swap3A_2276, %swap3A_2277, %swap3A_2278], %gather3A_2274 {strides = array<i32>} : memref<8x8x128xf32, #tpu.memory_space<vmem>>, vector<16xf32>,
      %broadcast_in_dim3A_2280 = vector.shape_cast %get3A_2247 : vector<16xi32> to vector<16x1xi32>
      %gather3A_2281 = vector.shape_cast %broadcast_in_dim3A_2280 : vector<16x1xi32> to vector<16xi32>
      %gather3A_2282 = tpu.dynamic_gather %gather3A_1944[%gather3A_2281] in [0] : vector<16xf32>, vector<16xi32> -> vector<16xf32>
      %swap3A_2283 = arith.constant 4 : i32
      %swap3A_2284 = arith.index_cast %select_n3A_1866 : i32 to index
      %swap3A_2285 = arith.index_cast %swap3A_2283 : i32 to index
      %swap3A_2286 = arith.constant 64 : index
      %swap3A_2287 = tpu.vector_load %arg12[%swap3A_2284, %swap3A_2285, %swap3A_2286] {strides = array<i32>} : memref<8x8x128xf32, #tpu.memory_space<vmem>>, vector<16xf32>,
      tpu.vector_store %arg12[%swap3A_2284, %swap3A_2285, %swap3A_2286], %gather3A_2282 {strides = array<i32>} : memref<8x8x128xf32, #tpu.memory_space<vmem>>, vector<16xf32>,
      %broadcast_in_dim3A_2288 = vector.shape_cast %get3A_2247 : vector<16xi32> to vector<16x1xi32>
      %gather3A_2289 = vector.shape_cast %broadcast_in_dim3A_2288 : vector<16x1xi32> to vector<16xi32>
      %gather3A_2290 = tpu.dynamic_gather %gather3A_1948[%gather3A_2289] in [0] : vector<16xf32>, vector<16xi32> -> vector<16xf32>
      %swap3A_2291 = arith.constant 5 : i32
      %swap3A_2292 = arith.index_cast %select_n3A_1866 : i32 to index
      %swap3A_2293 = arith.index_cast %swap3A_2291 : i32 to index
      %swap3A_2294 = arith.constant 64 : index
      %swap3A_2295 = tpu.vector_load %arg12[%swap3A_2292, %swap3A_2293, %swap3A_2294] {strides = array<i32>} : memref<8x8x128xf32, #tpu.memory_space<vmem>>, vector<16xf32>,
      tpu.vector_store %arg12[%swap3A_2292, %swap3A_2293, %swap3A_2294], %gather3A_2290 {strides = array<i32>} : memref<8x8x128xf32, #tpu.memory_space<vmem>>, vector<16xf32>,
      %broadcast_in_dim3A_2296 = vector.shape_cast %get3A_2247 : vector<16xi32> to vector<16x1xi32>
      %gather3A_2297 = vector.shape_cast %broadcast_in_dim3A_2296 : vector<16x1xi32> to vector<16xi32>
      %gather3A_2298 = tpu.dynamic_gather %gather3A_1952[%gather3A_2297] in [0] : vector<16xf32>, vector<16xi32> -> vector<16xf32>
      %swap3A_2299 = arith.constant 6 : i32
      %swap3A_2300 = arith.index_cast %select_n3A_1866 : i32 to index
      %swap3A_2301 = arith.index_cast %swap3A_2299 : i32 to index
      %swap3A_2302 = arith.constant 64 : index
      %swap3A_2303 = tpu.vector_load %arg12[%swap3A_2300, %swap3A_2301, %swap3A_2302] {strides = array<i32>} : memref<8x8x128xf32, #tpu.memory_space<vmem>>, vector<16xf32>,
      tpu.vector_store %arg12[%swap3A_2300, %swap3A_2301, %swap3A_2302], %gather3A_2298 {strides = array<i32>} : memref<8x8x128xf32, #tpu.memory_space<vmem>>, vector<16xf32>,
      %broadcast_in_dim3A_2304 = vector.shape_cast %get3A_2247 : vector<16xi32> to vector<16x1xi32>
      %gather3A_2305 = vector.shape_cast %broadcast_in_dim3A_2304 : vector<16x1xi32> to vector<16xi32>
      %gather3A_2306 = tpu.dynamic_gather %gather3A_1956[%gather3A_2305] in [0] : vector<16xf32>, vector<16xi32> -> vector<16xf32>
      %swap3A_2307 = arith.constant 7 : i32
      %swap3A_2308 = arith.index_cast %select_n3A_1866 : i32 to index
      %swap3A_2309 = arith.index_cast %swap3A_2307 : i32 to index
      %swap3A_2310 = arith.constant 64 : index
      %swap3A_2311 = tpu.vector_load %arg12[%swap3A_2308, %swap3A_2309, %swap3A_2310] {strides = array<i32>} : memref<8x8x128xf32, #tpu.memory_space<vmem>>, vector<16xf32>,
      tpu.vector_store %arg12[%swap3A_2308, %swap3A_2309, %swap3A_2310], %gather3A_2306 {strides = array<i32>} : memref<8x8x128xf32, #tpu.memory_space<vmem>>, vector<16xf32>,
      %mul3A_2312 = arith.constant 128 : i32
      %mul3A_2313 = arith.muli %select_n3A_1850, %mul3A_2312 : i32
      %add3A_2314 = arith.constant 80 : i32
      %add3A_2315 = arith.addi %mul3A_2313, %add3A_2314 : i32
      %get3A_2316 = arith.index_cast %select_n3A_1794 : i32 to index
      %get3A_2317 = arith.index_cast %add3A_2315 : i32 to index
      %get3A_2318 = tpu.vector_load %arg7[%get3A_2316, %get3A_2317] {strides = array<i32>} : memref<26x512xi32, #tpu.memory_space<vmem>>, vector<16xi32>,
      %broadcast_in_dim3A_2319 = vector.shape_cast %get3A_2318 : vector<16xi32> to vector<16x1xi32>
      %gather3A_2320 = vector.shape_cast %broadcast_in_dim3A_2319 : vector<16x1xi32> to vector<16xi32>
      %gather3A_2321 = tpu.dynamic_gather %gather3A_1928[%gather3A_2320] in [0] : vector<16xf32>, vector<16xi32> -> vector<16xf32>
      %swap3A_2322 = arith.constant 0 : i32
      %swap3A_2323 = arith.index_cast %select_n3A_1866 : i32 to index
      %swap3A_2324 = arith.index_cast %swap3A_2322 : i32 to index
      %swap3A_2325 = arith.constant 80 : index
      %swap3A_2326 = tpu.vector_load %arg12[%swap3A_2323, %swap3A_2324, %swap3A_2325] {strides = array<i32>} : memref<8x8x128xf32, #tpu.memory_space<vmem>>, vector<16xf32>,
      tpu.vector_store %arg12[%swap3A_2323, %swap3A_2324, %swap3A_2325], %gather3A_2321 {strides = array<i32>} : memref<8x8x128xf32, #tpu.memory_space<vmem>>, vector<16xf32>,
      %broadcast_in_dim3A_2327 = vector.shape_cast %get3A_2318 : vector<16xi32> to vector<16x1xi32>
      %gather3A_2328 = vector.shape_cast %broadcast_in_dim3A_2327 : vector<16x1xi32> to vector<16xi32>
      %gather3A_2329 = tpu.dynamic_gather %gather3A_1932[%gather3A_2328] in [0] : vector<16xf32>, vector<16xi32> -> vector<16xf32>
      %swap3A_2330 = arith.constant 1 : i32
      %swap3A_2331 = arith.index_cast %select_n3A_1866 : i32 to index
      %swap3A_2332 = arith.index_cast %swap3A_2330 : i32 to index
      %swap3A_2333 = arith.constant 80 : index
      %swap3A_2334 = tpu.vector_load %arg12[%swap3A_2331, %swap3A_2332, %swap3A_2333] {strides = array<i32>} : memref<8x8x128xf32, #tpu.memory_space<vmem>>, vector<16xf32>,
      tpu.vector_store %arg12[%swap3A_2331, %swap3A_2332, %swap3A_2333], %gather3A_2329 {strides = array<i32>} : memref<8x8x128xf32, #tpu.memory_space<vmem>>, vector<16xf32>,
      %broadcast_in_dim3A_2335 = vector.shape_cast %get3A_2318 : vector<16xi32> to vector<16x1xi32>
      %gather3A_2336 = vector.shape_cast %broadcast_in_dim3A_2335 : vector<16x1xi32> to vector<16xi32>
      %gather3A_2337 = tpu.dynamic_gather %gather3A_1936[%gather3A_2336] in [0] : vector<16xf32>, vector<16xi32> -> vector<16xf32>
      %swap3A_2338 = arith.constant 2 : i32
      %swap3A_2339 = arith.index_cast %select_n3A_1866 : i32 to index
      %swap3A_2340 = arith.index_cast %swap3A_2338 : i32 to index
      %swap3A_2341 = arith.constant 80 : index
      %swap3A_2342 = tpu.vector_load %arg12[%swap3A_2339, %swap3A_2340, %swap3A_2341] {strides = array<i32>} : memref<8x8x128xf32, #tpu.memory_space<vmem>>, vector<16xf32>,
      tpu.vector_store %arg12[%swap3A_2339, %swap3A_2340, %swap3A_2341], %gather3A_2337 {strides = array<i32>} : memref<8x8x128xf32, #tpu.memory_space<vmem>>, vector<16xf32>,
      %broadcast_in_dim3A_2343 = vector.shape_cast %get3A_2318 : vector<16xi32> to vector<16x1xi32>
      %gather3A_2344 = vector.shape_cast %broadcast_in_dim3A_2343 : vector<16x1xi32> to vector<16xi32>
      %gather3A_2345 = tpu.dynamic_gather %gather3A_1940[%gather3A_2344] in [0] : vector<16xf32>, vector<16xi32> -> vector<16xf32>
      %swap3A_2346 = arith.constant 3 : i32
      %swap3A_2347 = arith.index_cast %select_n3A_1866 : i32 to index
      %swap3A_2348 = arith.index_cast %swap3A_2346 : i32 to index
      %swap3A_2349 = arith.constant 80 : index
      %swap3A_2350 = tpu.vector_load %arg12[%swap3A_2347, %swap3A_2348, %swap3A_2349] {strides = array<i32>} : memref<8x8x128xf32, #tpu.memory_space<vmem>>, vector<16xf32>,
      tpu.vector_store %arg12[%swap3A_2347, %swap3A_2348, %swap3A_2349], %gather3A_2345 {strides = array<i32>} : memref<8x8x128xf32, #tpu.memory_space<vmem>>, vector<16xf32>,
      %broadcast_in_dim3A_2351 = vector.shape_cast %get3A_2318 : vector<16xi32> to vector<16x1xi32>
      %gather3A_2352 = vector.shape_cast %broadcast_in_dim3A_2351 : vector<16x1xi32> to vector<16xi32>
      %gather3A_2353 = tpu.dynamic_gather %gather3A_1944[%gather3A_2352] in [0] : vector<16xf32>, vector<16xi32> -> vector<16xf32>
      %swap3A_2354 = arith.constant 4 : i32
      %swap3A_2355 = arith.index_cast %select_n3A_1866 : i32 to index
      %swap3A_2356 = arith.index_cast %swap3A_2354 : i32 to index
      %swap3A_2357 = arith.constant 80 : index
      %swap3A_2358 = tpu.vector_load %arg12[%swap3A_2355, %swap3A_2356, %swap3A_2357] {strides = array<i32>} : memref<8x8x128xf32, #tpu.memory_space<vmem>>, vector<16xf32>,
      tpu.vector_store %arg12[%swap3A_2355, %swap3A_2356, %swap3A_2357], %gather3A_2353 {strides = array<i32>} : memref<8x8x128xf32, #tpu.memory_space<vmem>>, vector<16xf32>,
      %broadcast_in_dim3A_2359 = vector.shape_cast %get3A_2318 : vector<16xi32> to vector<16x1xi32>
      %gather3A_2360 = vector.shape_cast %broadcast_in_dim3A_2359 : vector<16x1xi32> to vector<16xi32>
      %gather3A_2361 = tpu.dynamic_gather %gather3A_1948[%gather3A_2360] in [0] : vector<16xf32>, vector<16xi32> -> vector<16xf32>
      %swap3A_2362 = arith.constant 5 : i32
      %swap3A_2363 = arith.index_cast %select_n3A_1866 : i32 to index
      %swap3A_2364 = arith.index_cast %swap3A_2362 : i32 to index
      %swap3A_2365 = arith.constant 80 : index
      %swap3A_2366 = tpu.vector_load %arg12[%swap3A_2363, %swap3A_2364, %swap3A_2365] {strides = array<i32>} : memref<8x8x128xf32, #tpu.memory_space<vmem>>, vector<16xf32>,
      tpu.vector_store %arg12[%swap3A_2363, %swap3A_2364, %swap3A_2365], %gather3A_2361 {strides = array<i32>} : memref<8x8x128xf32, #tpu.memory_space<vmem>>, vector<16xf32>,
      %broadcast_in_dim3A_2367 = vector.shape_cast %get3A_2318 : vector<16xi32> to vector<16x1xi32>
      %gather3A_2368 = vector.shape_cast %broadcast_in_dim3A_2367 : vector<16x1xi32> to vector<16xi32>
      %gather3A_2369 = tpu.dynamic_gather %gather3A_1952[%gather3A_2368] in [0] : vector<16xf32>, vector<16xi32> -> vector<16xf32>
      %swap3A_2370 = arith.constant 6 : i32
      %swap3A_2371 = arith.index_cast %select_n3A_1866 : i32 to index
      %swap3A_2372 = arith.index_cast %swap3A_2370 : i32 to index
      %swap3A_2373 = arith.constant 80 : index
      %swap3A_2374 = tpu.vector_load %arg12[%swap3A_2371, %swap3A_2372, %swap3A_2373] {strides = array<i32>} : memref<8x8x128xf32, #tpu.memory_space<vmem>>, vector<16xf32>,
      tpu.vector_store %arg12[%swap3A_2371, %swap3A_2372, %swap3A_2373], %gather3A_2369 {strides = array<i32>} : memref<8x8x128xf32, #tpu.memory_space<vmem>>, vector<16xf32>,
      %broadcast_in_dim3A_2375 = vector.shape_cast %get3A_2318 : vector<16xi32> to vector<16x1xi32>
      %gather3A_2376 = vector.shape_cast %broadcast_in_dim3A_2375 : vector<16x1xi32> to vector<16xi32>
      %gather3A_2377 = tpu.dynamic_gather %gather3A_1956[%gather3A_2376] in [0] : vector<16xf32>, vector<16xi32> -> vector<16xf32>
      %swap3A_2378 = arith.constant 7 : i32
      %swap3A_2379 = arith.index_cast %select_n3A_1866 : i32 to index
      %swap3A_2380 = arith.index_cast %swap3A_2378 : i32 to index
      %swap3A_2381 = arith.constant 80 : index
      %swap3A_2382 = tpu.vector_load %arg12[%swap3A_2379, %swap3A_2380, %swap3A_2381] {strides = array<i32>} : memref<8x8x128xf32, #tpu.memory_space<vmem>>, vector<16xf32>,
      tpu.vector_store %arg12[%swap3A_2379, %swap3A_2380, %swap3A_2381], %gather3A_2377 {strides = array<i32>} : memref<8x8x128xf32, #tpu.memory_space<vmem>>, vector<16xf32>,
      %mul3A_2383 = arith.constant 128 : i32
      %mul3A_2384 = arith.muli %select_n3A_1850, %mul3A_2383 : i32
      %add3A_2385 = arith.constant 96 : i32
      %add3A_2386 = arith.addi %mul3A_2384, %add3A_2385 : i32
      %get3A_2387 = arith.index_cast %select_n3A_1794 : i32 to index
      %get3A_2388 = arith.index_cast %add3A_2386 : i32 to index
      %get3A_2389 = tpu.vector_load %arg7[%get3A_2387, %get3A_2388] {strides = array<i32>} : memref<26x512xi32, #tpu.memory_space<vmem>>, vector<16xi32>,
      %broadcast_in_dim3A_2390 = vector.shape_cast %get3A_2389 : vector<16xi32> to vector<16x1xi32>
      %gather3A_2391 = vector.shape_cast %broadcast_in_dim3A_2390 : vector<16x1xi32> to vector<16xi32>
      %gather3A_2392 = tpu.dynamic_gather %gather3A_1928[%gather3A_2391] in [0] : vector<16xf32>, vector<16xi32> -> vector<16xf32>
      %swap3A_2393 = arith.constant 0 : i32
      %swap3A_2394 = arith.index_cast %select_n3A_1866 : i32 to index
      %swap3A_2395 = arith.index_cast %swap3A_2393 : i32 to index
      %swap3A_2396 = arith.constant 96 : index
      %swap3A_2397 = tpu.vector_load %arg12[%swap3A_2394, %swap3A_2395, %swap3A_2396] {strides = array<i32>} : memref<8x8x128xf32, #tpu.memory_space<vmem>>, vector<16xf32>,
      tpu.vector_store %arg12[%swap3A_2394, %swap3A_2395, %swap3A_2396], %gather3A_2392 {strides = array<i32>} : memref<8x8x128xf32, #tpu.memory_space<vmem>>, vector<16xf32>,
      %broadcast_in_dim3A_2398 = vector.shape_cast %get3A_2389 : vector<16xi32> to vector<16x1xi32>
      %gather3A_2399 = vector.shape_cast %broadcast_in_dim3A_2398 : vector<16x1xi32> to vector<16xi32>
      %gather3A_2400 = tpu.dynamic_gather %gather3A_1932[%gather3A_2399] in [0] : vector<16xf32>, vector<16xi32> -> vector<16xf32>
      %swap3A_2401 = arith.constant 1 : i32
      %swap3A_2402 = arith.index_cast %select_n3A_1866 : i32 to index
      %swap3A_2403 = arith.index_cast %swap3A_2401 : i32 to index
      %swap3A_2404 = arith.constant 96 : index
      %swap3A_2405 = tpu.vector_load %arg12[%swap3A_2402, %swap3A_2403, %swap3A_2404] {strides = array<i32>} : memref<8x8x128xf32, #tpu.memory_space<vmem>>, vector<16xf32>,
      tpu.vector_store %arg12[%swap3A_2402, %swap3A_2403, %swap3A_2404], %gather3A_2400 {strides = array<i32>} : memref<8x8x128xf32, #tpu.memory_space<vmem>>, vector<16xf32>,
      %broadcast_in_dim3A_2406 = vector.shape_cast %get3A_2389 : vector<16xi32> to vector<16x1xi32>
      %gather3A_2407 = vector.shape_cast %broadcast_in_dim3A_2406 : vector<16x1xi32> to vector<16xi32>
      %gather3A_2408 = tpu.dynamic_gather %gather3A_1936[%gather3A_2407] in [0] : vector<16xf32>, vector<16xi32> -> vector<16xf32>
      %swap3A_2409 = arith.constant 2 : i32
      %swap3A_2410 = arith.index_cast %select_n3A_1866 : i32 to index
      %swap3A_2411 = arith.index_cast %swap3A_2409 : i32 to index
      %swap3A_2412 = arith.constant 96 : index
      %swap3A_2413 = tpu.vector_load %arg12[%swap3A_2410, %swap3A_2411, %swap3A_2412] {strides = array<i32>} : memref<8x8x128xf32, #tpu.memory_space<vmem>>, vector<16xf32>,
      tpu.vector_store %arg12[%swap3A_2410, %swap3A_2411, %swap3A_2412], %gather3A_2408 {strides = array<i32>} : memref<8x8x128xf32, #tpu.memory_space<vmem>>, vector<16xf32>,
      %broadcast_in_dim3A_2414 = vector.shape_cast %get3A_2389 : vector<16xi32> to vector<16x1xi32>
      %gather3A_2415 = vector.shape_cast %broadcast_in_dim3A_2414 : vector<16x1xi32> to vector<16xi32>
      %gather3A_2416 = tpu.dynamic_gather %gather3A_1940[%gather3A_2415] in [0] : vector<16xf32>, vector<16xi32> -> vector<16xf32>
      %swap3A_2417 = arith.constant 3 : i32
      %swap3A_2418 = arith.index_cast %select_n3A_1866 : i32 to index
      %swap3A_2419 = arith.index_cast %swap3A_2417 : i32 to index
      %swap3A_2420 = arith.constant 96 : index
      %swap3A_2421 = tpu.vector_load %arg12[%swap3A_2418, %swap3A_2419, %swap3A_2420] {strides = array<i32>} : memref<8x8x128xf32, #tpu.memory_space<vmem>>, vector<16xf32>,
      tpu.vector_store %arg12[%swap3A_2418, %swap3A_2419, %swap3A_2420], %gather3A_2416 {strides = array<i32>} : memref<8x8x128xf32, #tpu.memory_space<vmem>>, vector<16xf32>,
      %broadcast_in_dim3A_2422 = vector.shape_cast %get3A_2389 : vector<16xi32> to vector<16x1xi32>
      %gather3A_2423 = vector.shape_cast %broadcast_in_dim3A_2422 : vector<16x1xi32> to vector<16xi32>
      %gather3A_2424 = tpu.dynamic_gather %gather3A_1944[%gather3A_2423] in [0] : vector<16xf32>, vector<16xi32> -> vector<16xf32>
      %swap3A_2425 = arith.constant 4 : i32
      %swap3A_2426 = arith.index_cast %select_n3A_1866 : i32 to index
      %swap3A_2427 = arith.index_cast %swap3A_2425 : i32 to index
      %swap3A_2428 = arith.constant 96 : index
      %swap3A_2429 = tpu.vector_load %arg12[%swap3A_2426, %swap3A_2427, %swap3A_2428] {strides = array<i32>} : memref<8x8x128xf32, #tpu.memory_space<vmem>>, vector<16xf32>,
      tpu.vector_store %arg12[%swap3A_2426, %swap3A_2427, %swap3A_2428], %gather3A_2424 {strides = array<i32>} : memref<8x8x128xf32, #tpu.memory_space<vmem>>, vector<16xf32>,
      %broadcast_in_dim3A_2430 = vector.shape_cast %get3A_2389 : vector<16xi32> to vector<16x1xi32>
      %gather3A_2431 = vector.shape_cast %broadcast_in_dim3A_2430 : vector<16x1xi32> to vector<16xi32>
      %gather3A_2432 = tpu.dynamic_gather %gather3A_1948[%gather3A_2431] in [0] : vector<16xf32>, vector<16xi32> -> vector<16xf32>
      %swap3A_2433 = arith.constant 5 : i32
      %swap3A_2434 = arith.index_cast %select_n3A_1866 : i32 to index
      %swap3A_2435 = arith.index_cast %swap3A_2433 : i32 to index
      %swap3A_2436 = arith.constant 96 : index
      %swap3A_2437 = tpu.vector_load %arg12[%swap3A_2434, %swap3A_2435, %swap3A_2436] {strides = array<i32>} : memref<8x8x128xf32, #tpu.memory_space<vmem>>, vector<16xf32>,
      tpu.vector_store %arg12[%swap3A_2434, %swap3A_2435, %swap3A_2436], %gather3A_2432 {strides = array<i32>} : memref<8x8x128xf32, #tpu.memory_space<vmem>>, vector<16xf32>,
      %broadcast_in_dim3A_2438 = vector.shape_cast %get3A_2389 : vector<16xi32> to vector<16x1xi32>
      %gather3A_2439 = vector.shape_cast %broadcast_in_dim3A_2438 : vector<16x1xi32> to vector<16xi32>
      %gather3A_2440 = tpu.dynamic_gather %gather3A_1952[%gather3A_2439] in [0] : vector<16xf32>, vector<16xi32> -> vector<16xf32>
      %swap3A_2441 = arith.constant 6 : i32
      %swap3A_2442 = arith.index_cast %select_n3A_1866 : i32 to index
      %swap3A_2443 = arith.index_cast %swap3A_2441 : i32 to index
      %swap3A_2444 = arith.constant 96 : index
      %swap3A_2445 = tpu.vector_load %arg12[%swap3A_2442, %swap3A_2443, %swap3A_2444] {strides = array<i32>} : memref<8x8x128xf32, #tpu.memory_space<vmem>>, vector<16xf32>,
      tpu.vector_store %arg12[%swap3A_2442, %swap3A_2443, %swap3A_2444], %gather3A_2440 {strides = array<i32>} : memref<8x8x128xf32, #tpu.memory_space<vmem>>, vector<16xf32>,
      %broadcast_in_dim3A_2446 = vector.shape_cast %get3A_2389 : vector<16xi32> to vector<16x1xi32>
      %gather3A_2447 = vector.shape_cast %broadcast_in_dim3A_2446 : vector<16x1xi32> to vector<16xi32>
      %gather3A_2448 = tpu.dynamic_gather %gather3A_1956[%gather3A_2447] in [0] : vector<16xf32>, vector<16xi32> -> vector<16xf32>
      %swap3A_2449 = arith.constant 7 : i32
      %swap3A_2450 = arith.index_cast %select_n3A_1866 : i32 to index
      %swap3A_2451 = arith.index_cast %swap3A_2449 : i32 to index
      %swap3A_2452 = arith.constant 96 : index
      %swap3A_2453 = tpu.vector_load %arg12[%swap3A_2450, %swap3A_2451, %swap3A_2452] {strides = array<i32>} : memref<8x8x128xf32, #tpu.memory_space<vmem>>, vector<16xf32>,
      tpu.vector_store %arg12[%swap3A_2450, %swap3A_2451, %swap3A_2452], %gather3A_2448 {strides = array<i32>} : memref<8x8x128xf32, #tpu.memory_space<vmem>>, vector<16xf32>,
      %mul3A_2454 = arith.constant 128 : i32
      %mul3A_2455 = arith.muli %select_n3A_1850, %mul3A_2454 : i32
      %add3A_2456 = arith.constant 112 : i32
      %add3A_2457 = arith.addi %mul3A_2455, %add3A_2456 : i32
      %get3A_2458 = arith.index_cast %select_n3A_1794 : i32 to index
      %get3A_2459 = arith.index_cast %add3A_2457 : i32 to index
      %get3A_2460 = tpu.vector_load %arg7[%get3A_2458, %get3A_2459] {strides = array<i32>} : memref<26x512xi32, #tpu.memory_space<vmem>>, vector<16xi32>,
      %broadcast_in_dim3A_2461 = vector.shape_cast %get3A_2460 : vector<16xi32> to vector<16x1xi32>
      %gather3A_2462 = vector.shape_cast %broadcast_in_dim3A_2461 : vector<16x1xi32> to vector<16xi32>
      %gather3A_2463 = tpu.dynamic_gather %gather3A_1928[%gather3A_2462] in [0] : vector<16xf32>, vector<16xi32> -> vector<16xf32>
      %swap3A_2464 = arith.constant 0 : i32
      %swap3A_2465 = arith.index_cast %select_n3A_1866 : i32 to index
      %swap3A_2466 = arith.index_cast %swap3A_2464 : i32 to index
      %swap3A_2467 = arith.constant 112 : index
      %swap3A_2468 = tpu.vector_load %arg12[%swap3A_2465, %swap3A_2466, %swap3A_2467] {strides = array<i32>} : memref<8x8x128xf32, #tpu.memory_space<vmem>>, vector<16xf32>,
      tpu.vector_store %arg12[%swap3A_2465, %swap3A_2466, %swap3A_2467], %gather3A_2463 {strides = array<i32>} : memref<8x8x128xf32, #tpu.memory_space<vmem>>, vector<16xf32>,
      %broadcast_in_dim3A_2469 = vector.shape_cast %get3A_2460 : vector<16xi32> to vector<16x1xi32>
      %gather3A_2470 = vector.shape_cast %broadcast_in_dim3A_2469 : vector<16x1xi32> to vector<16xi32>
      %gather3A_2471 = tpu.dynamic_gather %gather3A_1932[%gather3A_2470] in [0] : vector<16xf32>, vector<16xi32> -> vector<16xf32>
      %swap3A_2472 = arith.constant 1 : i32
      %swap3A_2473 = arith.index_cast %select_n3A_1866 : i32 to index
      %swap3A_2474 = arith.index_cast %swap3A_2472 : i32 to index
      %swap3A_2475 = arith.constant 112 : index
      %swap3A_2476 = tpu.vector_load %arg12[%swap3A_2473, %swap3A_2474, %swap3A_2475] {strides = array<i32>} : memref<8x8x128xf32, #tpu.memory_space<vmem>>, vector<16xf32>,
      tpu.vector_store %arg12[%swap3A_2473, %swap3A_2474, %swap3A_2475], %gather3A_2471 {strides = array<i32>} : memref<8x8x128xf32, #tpu.memory_space<vmem>>, vector<16xf32>,
      %broadcast_in_dim3A_2477 = vector.shape_cast %get3A_2460 : vector<16xi32> to vector<16x1xi32>
      %gather3A_2478 = vector.shape_cast %broadcast_in_dim3A_2477 : vector<16x1xi32> to vector<16xi32>
      %gather3A_2479 = tpu.dynamic_gather %gather3A_1936[%gather3A_2478] in [0] : vector<16xf32>, vector<16xi32> -> vector<16xf32>
      %swap3A_2480 = arith.constant 2 : i32
      %swap3A_2481 = arith.index_cast %select_n3A_1866 : i32 to index
      %swap3A_2482 = arith.index_cast %swap3A_2480 : i32 to index
      %swap3A_2483 = arith.constant 112 : index
      %swap3A_2484 = tpu.vector_load %arg12[%swap3A_2481, %swap3A_2482, %swap3A_2483] {strides = array<i32>} : memref<8x8x128xf32, #tpu.memory_space<vmem>>, vector<16xf32>,
      tpu.vector_store %arg12[%swap3A_2481, %swap3A_2482, %swap3A_2483], %gather3A_2479 {strides = array<i32>} : memref<8x8x128xf32, #tpu.memory_space<vmem>>, vector<16xf32>,
      %broadcast_in_dim3A_2485 = vector.shape_cast %get3A_2460 : vector<16xi32> to vector<16x1xi32>
      %gather3A_2486 = vector.shape_cast %broadcast_in_dim3A_2485 : vector<16x1xi32> to vector<16xi32>
      %gather3A_2487 = tpu.dynamic_gather %gather3A_1940[%gather3A_2486] in [0] : vector<16xf32>, vector<16xi32> -> vector<16xf32>
      %swap3A_2488 = arith.constant 3 : i32
      %swap3A_2489 = arith.index_cast %select_n3A_1866 : i32 to index
      %swap3A_2490 = arith.index_cast %swap3A_2488 : i32 to index
      %swap3A_2491 = arith.constant 112 : index
      %swap3A_2492 = tpu.vector_load %arg12[%swap3A_2489, %swap3A_2490, %swap3A_2491] {strides = array<i32>} : memref<8x8x128xf32, #tpu.memory_space<vmem>>, vector<16xf32>,
      tpu.vector_store %arg12[%swap3A_2489, %swap3A_2490, %swap3A_2491], %gather3A_2487 {strides = array<i32>} : memref<8x8x128xf32, #tpu.memory_space<vmem>>, vector<16xf32>,
      %broadcast_in_dim3A_2493 = vector.shape_cast %get3A_2460 : vector<16xi32> to vector<16x1xi32>
      %gather3A_2494 = vector.shape_cast %broadcast_in_dim3A_2493 : vector<16x1xi32> to vector<16xi32>
      %gather3A_2495 = tpu.dynamic_gather %gather3A_1944[%gather3A_2494] in [0] : vector<16xf32>, vector<16xi32> -> vector<16xf32>
      %swap3A_2496 = arith.constant 4 : i32
      %swap3A_2497 = arith.index_cast %select_n3A_1866 : i32 to index
      %swap3A_2498 = arith.index_cast %swap3A_2496 : i32 to index
      %swap3A_2499 = arith.constant 112 : index
      %swap3A_2500 = tpu.vector_load %arg12[%swap3A_2497, %swap3A_2498, %swap3A_2499] {strides = array<i32>} : memref<8x8x128xf32, #tpu.memory_space<vmem>>, vector<16xf32>,
      tpu.vector_store %arg12[%swap3A_2497, %swap3A_2498, %swap3A_2499], %gather3A_2495 {strides = array<i32>} : memref<8x8x128xf32, #tpu.memory_space<vmem>>, vector<16xf32>,
      %broadcast_in_dim3A_2501 = vector.shape_cast %get3A_2460 : vector<16xi32> to vector<16x1xi32>
      %gather3A_2502 = vector.shape_cast %broadcast_in_dim3A_2501 : vector<16x1xi32> to vector<16xi32>
      %gather3A_2503 = tpu.dynamic_gather %gather3A_1948[%gather3A_2502] in [0] : vector<16xf32>, vector<16xi32> -> vector<16xf32>
      %swap3A_2504 = arith.constant 5 : i32
      %swap3A_2505 = arith.index_cast %select_n3A_1866 : i32 to index
      %swap3A_2506 = arith.index_cast %swap3A_2504 : i32 to index
      %swap3A_2507 = arith.constant 112 : index
      %swap3A_2508 = tpu.vector_load %arg12[%swap3A_2505, %swap3A_2506, %swap3A_2507] {strides = array<i32>} : memref<8x8x128xf32, #tpu.memory_space<vmem>>, vector<16xf32>,
      tpu.vector_store %arg12[%swap3A_2505, %swap3A_2506, %swap3A_2507], %gather3A_2503 {strides = array<i32>} : memref<8x8x128xf32, #tpu.memory_space<vmem>>, vector<16xf32>,
      %broadcast_in_dim3A_2509 = vector.shape_cast %get3A_2460 : vector<16xi32> to vector<16x1xi32>
      %gather3A_2510 = vector.shape_cast %broadcast_in_dim3A_2509 : vector<16x1xi32> to vector<16xi32>
      %gather3A_2511 = tpu.dynamic_gather %gather3A_1952[%gather3A_2510] in [0] : vector<16xf32>, vector<16xi32> -> vector<16xf32>
      %swap3A_2512 = arith.constant 6 : i32
      %swap3A_2513 = arith.index_cast %select_n3A_1866 : i32 to index
      %swap3A_2514 = arith.index_cast %swap3A_2512 : i32 to index
      %swap3A_2515 = arith.constant 112 : index
      %swap3A_2516 = tpu.vector_load %arg12[%swap3A_2513, %swap3A_2514, %swap3A_2515] {strides = array<i32>} : memref<8x8x128xf32, #tpu.memory_space<vmem>>, vector<16xf32>,
      tpu.vector_store %arg12[%swap3A_2513, %swap3A_2514, %swap3A_2515], %gather3A_2511 {strides = array<i32>} : memref<8x8x128xf32, #tpu.memory_space<vmem>>, vector<16xf32>,
      %broadcast_in_dim3A_2517 = vector.shape_cast %get3A_2460 : vector<16xi32> to vector<16x1xi32>
      %gather3A_2518 = vector.shape_cast %broadcast_in_dim3A_2517 : vector<16x1xi32> to vector<16xi32>
      %gather3A_2519 = tpu.dynamic_gather %gather3A_1956[%gather3A_2518] in [0] : vector<16xf32>, vector<16xi32> -> vector<16xf32>
      %swap3A_2520 = arith.constant 7 : i32
      %swap3A_2521 = arith.index_cast %select_n3A_1866 : i32 to index
      %swap3A_2522 = arith.index_cast %swap3A_2520 : i32 to index
      %swap3A_2523 = arith.constant 112 : index
      %swap3A_2524 = tpu.vector_load %arg12[%swap3A_2521, %swap3A_2522, %swap3A_2523] {strides = array<i32>} : memref<8x8x128xf32, #tpu.memory_space<vmem>>, vector<16xf32>,
      tpu.vector_store %arg12[%swap3A_2521, %swap3A_2522, %swap3A_2523], %gather3A_2519 {strides = array<i32>} : memref<8x8x128xf32, #tpu.memory_space<vmem>>, vector<16xf32>,
      %jit3A_2525 = arith.constant 2 : i32
      %eq3A_2526 = arith.constant 0 : i32
      %eq3A_2527 = arith.cmpi eq, %jit3A_2525, %eq3A_2526 : i32
      %jit3A_2528 = arith.constant 1 : i32
      %select_n3A_2529 = arith.select %eq3A_2527, %jit3A_2528, %jit3A_2525 : i32
      %rem3A_2530 = arith.remsi %scan3A_1770, %select_n3A_2529 : i32
      %ne3A_2531 = arith.constant 0 : i32
      %ne3A_2532 = arith.cmpi ne, %rem3A_2530, %ne3A_2531 : i32
      %lt3A_2533 = arith.constant 0 : i32
      %lt3A_2534 = arith.cmpi slt, %rem3A_2530, %lt3A_2533 : i32
      %lt3A_2535 = arith.constant 0 : i32
      %lt3A_2536 = arith.cmpi slt, %select_n3A_2529, %lt3A_2535 : i32
      %ne3A_2537 = arith.xori %lt3A_2534, %lt3A_2536 : i1
      %and3A_2538 = arith.andi %ne3A_2537, %ne3A_2532 : i1
      %add3A_2539 = arith.addi %rem3A_2530, %select_n3A_2529 : i32
      %select_n3A_2540 = arith.select %and3A_2538, %add3A_2539, %rem3A_2530 : i32
      %eq3A_2541 = arith.constant 0 : i32
      %eq3A_2542 = arith.cmpi eq, %select_n3A_2540, %eq3A_2541 : i32
      %convert_element_type3A_2543 = arith.extui %eq3A_2542 : i1 to i32
      %cond3A_2544 = arith.constant 0 : i32
      %cond3A_2545 = arith.cmpi ne, %convert_element_type3A_2543, %cond3A_2544 : i32
      scf.if %cond3A_2545 {
        %jit3A_3367 = arith.constant 128 : i32
        %div3A_3368 = arith.divsi %mul3A_2, %jit3A_3367 : i32
        %sign3A_3369 = arith.constant 0 : i32
        %sign3A_3370 = arith.cmpi sgt, %mul3A_2, %sign3A_3369 : i32
        %sign3A_3371 = arith.extui %sign3A_3370 : i1 to i32
        %sign3A_3372 = arith.constant 0 : i32
        %sign3A_3373 = arith.cmpi slt, %mul3A_2, %sign3A_3372 : i32
        %sign3A_3374 = arith.extui %sign3A_3373 : i1 to i32
        %sign3A_3375 = arith.subi %sign3A_3371, %sign3A_3374 : i32
        %sign3A_3376 = arith.constant 0 : i32
        %sign3A_3377 = arith.cmpi sgt, %jit3A_3367, %sign3A_3376 : i32
        %sign3A_3378 = arith.extui %sign3A_3377 : i1 to i32
        %sign3A_3379 = arith.constant 0 : i32
        %sign3A_3380 = arith.cmpi slt, %jit3A_3367, %sign3A_3379 : i32
        %sign3A_3381 = arith.extui %sign3A_3380 : i1 to i32
        %sign3A_3382 = arith.subi %sign3A_3378, %sign3A_3381 : i32
        %ne3A_3383 = arith.cmpi ne, %sign3A_3375, %sign3A_3382 : i32
        %rem3A_3384 = arith.remsi %mul3A_2, %jit3A_3367 : i32
        %ne3A_3385 = arith.constant 0 : i32
        %ne3A_3386 = arith.cmpi ne, %rem3A_3384, %ne3A_3385 : i32
        %and3A_3387 = arith.andi %ne3A_3383, %ne3A_3386 : i1
        %sub3A_3388 = arith.constant 1 : i32
        %sub3A_3389 = arith.subi %div3A_3368, %sub3A_3388 : i32
        %select_n3A_3390 = arith.select %and3A_3387, %sub3A_3389, %div3A_3368 : i32
        %add3A_3391 = arith.addi %select_n3A_3390, %select_n3A_1850 : i32
        %dma_start3A_3392 = arith.constant 0 : i32
        %dma_start3A_3393 = arith.constant 0 : i32
        %dma_start3A_3394 = tpu.memref_slice %arg12[%select_n3A_1866, %dma_start3A_3392, %dma_start3A_3393] : memref<8x8x128xf32, #tpu.memory_space<vmem>> -> memref<1x8x128xf32, #tpu.memory_space<vmem>>
        %dma_start3A_3395 = tpu.memref_squeeze %dma_start3A_3394 : memref<1x8x128xf32, #tpu.memory_space<vmem>> -> memref<8x128xf32, #tpu.memory_space<vmem>>
        %dma_start3A_3396 = arith.constant 0 : i32
        %dma_start3A_3397 = arith.constant 0 : i32
        %dma_start3A_3398 = tpu.memref_slice %arg6[%select_n3A_1794, %select_n3A_1834, %add3A_3391, %dma_start3A_3396, %dma_start3A_3397] : memref<26x8x128x8x128xf32, #tpu.memory_space<hbm>> -> memref<1x1x1x8x128xf32, #tpu.memory_space<hbm>>
        %dma_start3A_3399 = tpu.memref_squeeze %dma_start3A_3398 : memref<1x1x1x8x128xf32, #tpu.memory_space<hbm>> -> memref<8x128xf32, #tpu.memory_space<hbm>>
        %dma_start3A_3400 = arith.constant 0 : i32
        %dma_start3A_3401 = arith.constant 0 : i32
        %dma_start3A_3402 = tpu.memref_slice %arg6[%select_n3A_1794, %select_n3A_1834, %add3A_3391, %dma_start3A_3400, %dma_start3A_3401] : memref<26x8x128x8x128xf32, #tpu.memory_space<hbm>> -> memref<1x1x1x8x128xf32, #tpu.memory_space<hbm>>
        %dma_start3A_3403 = tpu.memref_squeeze %dma_start3A_3402 : memref<1x1x1x8x128xf32, #tpu.memory_space<hbm>> -> memref<8x128xf32, #tpu.memory_space<hbm>>
        %dma_start3A_3404 = arith.constant 0 : i32
        %dma_start3A_3405 = arith.constant 0 : i32
        %dma_start3A_3406 = tpu.memref_slice %arg12[%select_n3A_1866, %dma_start3A_3404, %dma_start3A_3405] : memref<8x8x128xf32, #tpu.memory_space<vmem>> -> memref<1x8x128xf32, #tpu.memory_space<vmem>>
        %dma_start3A_3407 = tpu.memref_squeeze %dma_start3A_3406 : memref<1x8x128xf32, #tpu.memory_space<vmem>> -> memref<8x128xf32, #tpu.memory_space<vmem>>
        tpu.enqueue_dma source(%dma_start3A_3407 : memref<8x128xf32, #tpu.memory_space<vmem>>) target(%dma_start3A_3403 : memref<8x128xf32, #tpu.memory_space<hbm>>) target_semaphore(%arg14 : memref<!tpu.dma_semaphore, #tpu.memory_space<semaphore_mem>>)
      } else {
      }
      %jit3A_2546 = arith.constant 2 : i32
      %eq3A_2547 = arith.constant 0 : i32
      %eq3A_2548 = arith.cmpi eq, %jit3A_2546, %eq3A_2547 : i32
      %jit3A_2549 = arith.constant 1 : i32
      %select_n3A_2550 = arith.select %eq3A_2548, %jit3A_2549, %jit3A_2546 : i32
      %rem3A_2551 = arith.remsi %scan3A_1770, %select_n3A_2550 : i32
      %ne3A_2552 = arith.constant 0 : i32
      %ne3A_2553 = arith.cmpi ne, %rem3A_2551, %ne3A_2552 : i32
      %lt3A_2554 = arith.constant 0 : i32
      %lt3A_2555 = arith.cmpi slt, %rem3A_2551, %lt3A_2554 : i32
      %lt3A_2556 = arith.constant 0 : i32
      %lt3A_2557 = arith.cmpi slt, %select_n3A_2550, %lt3A_2556 : i32
      %ne3A_2558 = arith.xori %lt3A_2555, %lt3A_2557 : i1
      %and3A_2559 = arith.andi %ne3A_2558, %ne3A_2553 : i1
      %add3A_2560 = arith.addi %rem3A_2551, %select_n3A_2550 : i32
      %select_n3A_2561 = arith.select %and3A_2559, %add3A_2560, %rem3A_2551 : i32
      %eq3A_2562 = arith.constant 1 : i32
      %eq3A_2563 = arith.cmpi eq, %select_n3A_2561, %eq3A_2562 : i32
      %convert_element_type3A_2564 = arith.extui %eq3A_2563 : i1 to i32
      %cond3A_2565 = arith.constant 0 : i32
      %cond3A_2566 = arith.cmpi ne, %convert_element_type3A_2564, %cond3A_2565 : i32
      scf.if %cond3A_2566 {
        %jit3A_3367 = arith.constant 128 : i32
        %div3A_3368 = arith.divsi %mul3A_2, %jit3A_3367 : i32
        %sign3A_3369 = arith.constant 0 : i32
        %sign3A_3370 = arith.cmpi sgt, %mul3A_2, %sign3A_3369 : i32
        %sign3A_3371 = arith.extui %sign3A_3370 : i1 to i32
        %sign3A_3372 = arith.constant 0 : i32
        %sign3A_3373 = arith.cmpi slt, %mul3A_2, %sign3A_3372 : i32
        %sign3A_3374 = arith.extui %sign3A_3373 : i1 to i32
        %sign3A_3375 = arith.subi %sign3A_3371, %sign3A_3374 : i32
        %sign3A_3376 = arith.constant 0 : i32
        %sign3A_3377 = arith.cmpi sgt, %jit3A_3367, %sign3A_3376 : i32
        %sign3A_3378 = arith.extui %sign3A_3377 : i1 to i32
        %sign3A_3379 = arith.constant 0 : i32
        %sign3A_3380 = arith.cmpi slt, %jit3A_3367, %sign3A_3379 : i32
        %sign3A_3381 = arith.extui %sign3A_3380 : i1 to i32
        %sign3A_3382 = arith.subi %sign3A_3378, %sign3A_3381 : i32
        %ne3A_3383 = arith.cmpi ne, %sign3A_3375, %sign3A_3382 : i32
        %rem3A_3384 = arith.remsi %mul3A_2, %jit3A_3367 : i32
        %ne3A_3385 = arith.constant 0 : i32
        %ne3A_3386 = arith.cmpi ne, %rem3A_3384, %ne3A_3385 : i32
        %and3A_3387 = arith.andi %ne3A_3383, %ne3A_3386 : i1
        %sub3A_3388 = arith.constant 1 : i32
        %sub3A_3389 = arith.subi %div3A_3368, %sub3A_3388 : i32
        %select_n3A_3390 = arith.select %and3A_3387, %sub3A_3389, %div3A_3368 : i32
        %add3A_3391 = arith.addi %select_n3A_3390, %select_n3A_1850 : i32
        %dma_start3A_3392 = arith.constant 0 : i32
        %dma_start3A_3393 = arith.constant 0 : i32
        %dma_start3A_3394 = tpu.memref_slice %arg12[%select_n3A_1866, %dma_start3A_3392, %dma_start3A_3393] : memref<8x8x128xf32, #tpu.memory_space<vmem>> -> memref<1x8x128xf32, #tpu.memory_space<vmem>>
        %dma_start3A_3395 = tpu.memref_squeeze %dma_start3A_3394 : memref<1x8x128xf32, #tpu.memory_space<vmem>> -> memref<8x128xf32, #tpu.memory_space<vmem>>
        %dma_start3A_3396 = arith.constant 0 : i32
        %dma_start3A_3397 = arith.constant 0 : i32
        %dma_start3A_3398 = tpu.memref_slice %arg6[%select_n3A_1794, %select_n3A_1834, %add3A_3391, %dma_start3A_3396, %dma_start3A_3397] : memref<26x8x128x8x128xf32, #tpu.memory_space<hbm>> -> memref<1x1x1x8x128xf32, #tpu.memory_space<hbm>>
        %dma_start3A_3399 = tpu.memref_squeeze %dma_start3A_3398 : memref<1x1x1x8x128xf32, #tpu.memory_space<hbm>> -> memref<8x128xf32, #tpu.memory_space<hbm>>
        %dma_start3A_3400 = arith.constant 0 : i32
        %dma_start3A_3401 = arith.constant 0 : i32
        %dma_start3A_3402 = tpu.memref_slice %arg6[%select_n3A_1794, %select_n3A_1834, %add3A_3391, %dma_start3A_3400, %dma_start3A_3401] : memref<26x8x128x8x128xf32, #tpu.memory_space<hbm>> -> memref<1x1x1x8x128xf32, #tpu.memory_space<hbm>>
        %dma_start3A_3403 = tpu.memref_squeeze %dma_start3A_3402 : memref<1x1x1x8x128xf32, #tpu.memory_space<hbm>> -> memref<8x128xf32, #tpu.memory_space<hbm>>
        %dma_start3A_3404 = arith.constant 0 : i32
        %dma_start3A_3405 = arith.constant 0 : i32
        %dma_start3A_3406 = tpu.memref_slice %arg12[%select_n3A_1866, %dma_start3A_3404, %dma_start3A_3405] : memref<8x8x128xf32, #tpu.memory_space<vmem>> -> memref<1x8x128xf32, #tpu.memory_space<vmem>>
        %dma_start3A_3407 = tpu.memref_squeeze %dma_start3A_3406 : memref<1x8x128xf32, #tpu.memory_space<vmem>> -> memref<8x128xf32, #tpu.memory_space<vmem>>
        tpu.enqueue_dma source(%dma_start3A_3407 : memref<8x128xf32, #tpu.memory_space<vmem>>) target(%dma_start3A_3403 : memref<8x128xf32, #tpu.memory_space<hbm>>) target_semaphore(%arg15 : memref<!tpu.dma_semaphore, #tpu.memory_space<semaphore_mem>>)
      } else {
      }
      %scan3A_2567 = arith.constant 0 : i32
      %scan3A_2568 = arith.constant 3 : i32
      %scan3A_2569 = arith.addi %scan3A_188, %scan3A_2568 : i32
      %jit3A_2570 = arith.constant 32 : i32
      %div3A_2571 = arith.divsi %scan3A_2569, %jit3A_2570 : i32
      %sign3A_2572 = arith.constant 0 : i32
      %sign3A_2573 = arith.cmpi sgt, %scan3A_2569, %sign3A_2572 : i32
      %sign3A_2574 = arith.extui %sign3A_2573 : i1 to i32
      %sign3A_2575 = arith.constant 0 : i32
      %sign3A_2576 = arith.cmpi slt, %scan3A_2569, %sign3A_2575 : i32
      %sign3A_2577 = arith.extui %sign3A_2576 : i1 to i32
      %sign3A_2578 = arith.subi %sign3A_2574, %sign3A_2577 : i32
      %sign3A_2579 = arith.constant 0 : i32
      %sign3A_2580 = arith.cmpi sgt, %jit3A_2570, %sign3A_2579 : i32
      %sign3A_2581 = arith.extui %sign3A_2580 : i1 to i32
      %sign3A_2582 = arith.constant 0 : i32
      %sign3A_2583 = arith.cmpi slt, %jit3A_2570, %sign3A_2582 : i32
      %sign3A_2584 = arith.extui %sign3A_2583 : i1 to i32
      %sign3A_2585 = arith.subi %sign3A_2581, %sign3A_2584 : i32
      %ne3A_2586 = arith.cmpi ne, %sign3A_2578, %sign3A_2585 : i32
      %rem3A_2587 = arith.remsi %scan3A_2569, %jit3A_2570 : i32
      %ne3A_2588 = arith.constant 0 : i32
      %ne3A_2589 = arith.cmpi ne, %rem3A_2587, %ne3A_2588 : i32
      %and3A_2590 = arith.andi %ne3A_2586, %ne3A_2589 : i1
      %sub3A_2591 = arith.constant 1 : i32
      %sub3A_2592 = arith.subi %div3A_2571, %sub3A_2591 : i32
      %select_n3A_2593 = arith.select %and3A_2590, %sub3A_2592, %div3A_2571 : i32
      %jit3A_2594 = arith.constant 32 : i32
      %eq3A_2595 = arith.constant 0 : i32
      %eq3A_2596 = arith.cmpi eq, %jit3A_2594, %eq3A_2595 : i32
      %jit3A_2597 = arith.constant 1 : i32
      %select_n3A_2598 = arith.select %eq3A_2596, %jit3A_2597, %jit3A_2594 : i32
      %rem3A_2599 = arith.remsi %scan3A_2569, %select_n3A_2598 : i32
      %ne3A_2600 = arith.constant 0 : i32
      %ne3A_2601 = arith.cmpi ne, %rem3A_2599, %ne3A_2600 : i32
      %lt3A_2602 = arith.constant 0 : i32
      %lt3A_2603 = arith.cmpi slt, %rem3A_2599, %lt3A_2602 : i32
      %lt3A_2604 = arith.constant 0 : i32
      %lt3A_2605 = arith.cmpi slt, %select_n3A_2598, %lt3A_2604 : i32
      %ne3A_2606 = arith.xori %lt3A_2603, %lt3A_2605 : i1
      %and3A_2607 = arith.andi %ne3A_2606, %ne3A_2601 : i1
      %add3A_2608 = arith.addi %rem3A_2599, %select_n3A_2598 : i32
      %select_n3A_2609 = arith.select %and3A_2607, %add3A_2608, %rem3A_2599 : i32
      %jit3A_2610 = arith.constant 4 : i32
      %div3A_2611 = arith.divsi %select_n3A_2609, %jit3A_2610 : i32
      %sign3A_2612 = arith.constant 0 : i32
      %sign3A_2613 = arith.cmpi sgt, %select_n3A_2609, %sign3A_2612 : i32
      %sign3A_2614 = arith.extui %sign3A_2613 : i1 to i32
      %sign3A_2615 = arith.constant 0 : i32
      %sign3A_2616 = arith.cmpi slt, %select_n3A_2609, %sign3A_2615 : i32
      %sign3A_2617 = arith.extui %sign3A_2616 : i1 to i32
      %sign3A_2618 = arith.subi %sign3A_2614, %sign3A_2617 : i32
      %sign3A_2619 = arith.constant 0 : i32
      %sign3A_2620 = arith.cmpi sgt, %jit3A_2610, %sign3A_2619 : i32
      %sign3A_2621 = arith.extui %sign3A_2620 : i1 to i32
      %sign3A_2622 = arith.constant 0 : i32
      %sign3A_2623 = arith.cmpi slt, %jit3A_2610, %sign3A_2622 : i32
      %sign3A_2624 = arith.extui %sign3A_2623 : i1 to i32
      %sign3A_2625 = arith.subi %sign3A_2621, %sign3A_2624 : i32
      %ne3A_2626 = arith.cmpi ne, %sign3A_2618, %sign3A_2625 : i32
      %rem3A_2627 = arith.remsi %select_n3A_2609, %jit3A_2610 : i32
      %ne3A_2628 = arith.constant 0 : i32
      %ne3A_2629 = arith.cmpi ne, %rem3A_2627, %ne3A_2628 : i32
      %and3A_2630 = arith.andi %ne3A_2626, %ne3A_2629 : i1
      %sub3A_2631 = arith.constant 1 : i32
      %sub3A_2632 = arith.subi %div3A_2611, %sub3A_2631 : i32
      %select_n3A_2633 = arith.select %and3A_2630, %sub3A_2632, %div3A_2611 : i32
      %jit3A_2634 = arith.constant 4 : i32
      %eq3A_2635 = arith.constant 0 : i32
      %eq3A_2636 = arith.cmpi eq, %jit3A_2634, %eq3A_2635 : i32
      %jit3A_2637 = arith.constant 1 : i32
      %select_n3A_2638 = arith.select %eq3A_2636, %jit3A_2637, %jit3A_2634 : i32
      %rem3A_2639 = arith.remsi %select_n3A_2609, %select_n3A_2638 : i32
      %ne3A_2640 = arith.constant 0 : i32
      %ne3A_2641 = arith.cmpi ne, %rem3A_2639, %ne3A_2640 : i32
      %lt3A_2642 = arith.constant 0 : i32
      %lt3A_2643 = arith.cmpi slt, %rem3A_2639, %lt3A_2642 : i32
      %lt3A_2644 = arith.constant 0 : i32
      %lt3A_2645 = arith.cmpi slt, %select_n3A_2638, %lt3A_2644 : i32
      %ne3A_2646 = arith.xori %lt3A_2643, %lt3A_2645 : i1
      %and3A_2647 = arith.andi %ne3A_2646, %ne3A_2641 : i1
      %add3A_2648 = arith.addi %rem3A_2639, %select_n3A_2638 : i32
      %select_n3A_2649 = arith.select %and3A_2647, %add3A_2648, %rem3A_2639 : i32
      %jit3A_2650 = arith.constant 8 : i32
      %eq3A_2651 = arith.constant 0 : i32
      %eq3A_2652 = arith.cmpi eq, %jit3A_2650, %eq3A_2651 : i32
      %jit3A_2653 = arith.constant 1 : i32
      %select_n3A_2654 = arith.select %eq3A_2652, %jit3A_2653, %jit3A_2650 : i32
      %rem3A_2655 = arith.remsi %scan3A_2569, %select_n3A_2654 : i32
      %ne3A_2656 = arith.constant 0 : i32
      %ne3A_2657 = arith.cmpi ne, %rem3A_2655, %ne3A_2656 : i32
      %lt3A_2658 = arith.constant 0 : i32
      %lt3A_2659 = arith.cmpi slt, %rem3A_2655, %lt3A_2658 : i32
      %lt3A_2660 = arith.constant 0 : i32
      %lt3A_2661 = arith.cmpi slt, %select_n3A_2654, %lt3A_2660 : i32
      %ne3A_2662 = arith.xori %lt3A_2659, %lt3A_2661 : i1
      %and3A_2663 = arith.andi %ne3A_2662, %ne3A_2657 : i1
      %add3A_2664 = arith.addi %rem3A_2655, %select_n3A_2654 : i32
      %select_n3A_2665 = arith.select %and3A_2663, %add3A_2664, %rem3A_2655 : i32
      %ge3A_2666 = arith.constant 8 : i32
      %ge3A_2667 = arith.cmpi sge, %scan3A_2569, %ge3A_2666 : i32
      %jit3A_2668 = arith.constant 2 : i32
      %eq3A_2669 = arith.constant 0 : i32
      %eq3A_2670 = arith.cmpi eq, %jit3A_2668, %eq3A_2669 : i32
      %jit3A_2671 = arith.constant 1 : i32
      %select_n3A_2672 = arith.select %eq3A_2670, %jit3A_2671, %jit3A_2668 : i32
      %rem3A_2673 = arith.remsi %scan3A_2569, %select_n3A_2672 : i32
      %ne3A_2674 = arith.constant 0 : i32
      %ne3A_2675 = arith.cmpi ne, %rem3A_2673, %ne3A_2674 : i32
      %lt3A_2676 = arith.constant 0 : i32
      %lt3A_2677 = arith.cmpi slt, %rem3A_2673, %lt3A_2676 : i32
      %lt3A_2678 = arith.constant 0 : i32
      %lt3A_2679 = arith.cmpi slt, %select_n3A_2672, %lt3A_2678 : i32
      %ne3A_2680 = arith.xori %lt3A_2677, %lt3A_2679 : i1
      %and3A_2681 = arith.andi %ne3A_2680, %ne3A_2675 : i1
      %add3A_2682 = arith.addi %rem3A_2673, %select_n3A_2672 : i32
      %select_n3A_2683 = arith.select %and3A_2681, %add3A_2682, %rem3A_2673 : i32
      %eq3A_2684 = arith.constant 0 : i32
      %eq3A_2685 = arith.cmpi eq, %select_n3A_2683, %eq3A_2684 : i32
      %and3A_2686 = arith.andi %ge3A_2667, %eq3A_2685 : i1
      %convert_element_type3A_2687 = arith.extui %and3A_2686 : i1 to i32
      %cond3A_2688 = arith.constant 0 : i32
      %cond3A_2689 = arith.cmpi ne, %convert_element_type3A_2687, %cond3A_2688 : i32
      scf.if %cond3A_2689 {
        %dma_wait3A_3367 = arith.constant 0 : i32
        %dma_wait3A_3368 = arith.constant 0 : i32
        %dma_wait3A_3369 = arith.constant 0 : i32
        %dma_wait3A_3370 = arith.constant 0 : i32
        %dma_wait3A_3371 = arith.constant 0 : i32
        %dma_wait3A_3372 = arith.constant 0 : i32
        %dma_wait3A_3373 = tpu.memref_slice %arg12[%dma_wait3A_3367, %dma_wait3A_3371, %dma_wait3A_3372] : memref<8x8x128xf32, #tpu.memory_space<vmem>> -> memref<1x8x128xf32, #tpu.memory_space<vmem>>
        %dma_wait3A_3374 = tpu.memref_squeeze %dma_wait3A_3373 : memref<1x8x128xf32, #tpu.memory_space<vmem>> -> memref<8x128xf32, #tpu.memory_space<vmem>>
        %dma_wait3A_3375 = arith.constant 0 : i32
        %dma_wait3A_3376 = arith.constant 0 : i32
        %dma_wait3A_3377 = tpu.memref_slice %arg6[%dma_wait3A_3368, %dma_wait3A_3369, %dma_wait3A_3370, %dma_wait3A_3375, %dma_wait3A_3376] : memref<26x8x128x8x128xf32, #tpu.memory_space<hbm>> -> memref<1x1x1x8x128xf32, #tpu.memory_space<hbm>>
        %dma_wait3A_3378 = tpu.memref_squeeze %dma_wait3A_3377 : memref<1x1x1x8x128xf32, #tpu.memory_space<hbm>> -> memref<8x128xf32, #tpu.memory_space<hbm>>
        %dma_wait3A_3379 = arith.constant 0 : i32
        %dma_wait3A_3380 = arith.constant 0 : i32
        %dma_wait3A_3381 = tpu.memref_slice %arg6[%dma_wait3A_3368, %dma_wait3A_3369, %dma_wait3A_3370, %dma_wait3A_3379, %dma_wait3A_3380] : memref<26x8x128x8x128xf32, #tpu.memory_space<hbm>> -> memref<1x1x1x8x128xf32, #tpu.memory_space<hbm>>
        %dma_wait3A_3382 = tpu.memref_squeeze %dma_wait3A_3381 : memref<1x1x1x8x128xf32, #tpu.memory_space<hbm>> -> memref<8x128xf32, #tpu.memory_space<hbm>>
        %dma_wait3A_3383 = arith.constant 0 : i32
        %dma_wait3A_3384 = arith.constant 0 : i32
        %dma_wait3A_3385 = tpu.memref_slice %arg12[%dma_wait3A_3367, %dma_wait3A_3383, %dma_wait3A_3384] : memref<8x8x128xf32, #tpu.memory_space<vmem>> -> memref<1x8x128xf32, #tpu.memory_space<vmem>>
        %dma_wait3A_3386 = tpu.memref_squeeze %dma_wait3A_3385 : memref<1x8x128xf32, #tpu.memory_space<vmem>> -> memref<8x128xf32, #tpu.memory_space<vmem>>
        tpu.wait_dma2 semaphore(%arg14 : memref<!tpu.dma_semaphore, #tpu.memory_space<semaphore_mem>>) src(%dma_wait3A_3386 : memref<8x128xf32, #tpu.memory_space<vmem>>) dst(%dma_wait3A_3382 : memref<8x128xf32, #tpu.memory_space<hbm>>)
      } else {
      }
      %ge3A_2690 = arith.constant 8 : i32
      %ge3A_2691 = arith.cmpi sge, %scan3A_2569, %ge3A_2690 : i32
      %jit3A_2692 = arith.constant 2 : i32
      %eq3A_2693 = arith.constant 0 : i32
      %eq3A_2694 = arith.cmpi eq, %jit3A_2692, %eq3A_2693 : i32
      %jit3A_2695 = arith.constant 1 : i32
      %select_n3A_2696 = arith.select %eq3A_2694, %jit3A_2695, %jit3A_2692 : i32
      %rem3A_2697 = arith.remsi %scan3A_2569, %select_n3A_2696 : i32
      %ne3A_2698 = arith.constant 0 : i32
      %ne3A_2699 = arith.cmpi ne, %rem3A_2697, %ne3A_2698 : i32
      %lt3A_2700 = arith.constant 0 : i32
      %lt3A_2701 = arith.cmpi slt, %rem3A_2697, %lt3A_2700 : i32
      %lt3A_2702 = arith.constant 0 : i32
      %lt3A_2703 = arith.cmpi slt, %select_n3A_2696, %lt3A_2702 : i32
      %ne3A_2704 = arith.xori %lt3A_2701, %lt3A_2703 : i1
      %and3A_2705 = arith.andi %ne3A_2704, %ne3A_2699 : i1
      %add3A_2706 = arith.addi %rem3A_2697, %select_n3A_2696 : i32
      %select_n3A_2707 = arith.select %and3A_2705, %add3A_2706, %rem3A_2697 : i32
      %eq3A_2708 = arith.constant 1 : i32
      %eq3A_2709 = arith.cmpi eq, %select_n3A_2707, %eq3A_2708 : i32
      %and3A_2710 = arith.andi %ge3A_2691, %eq3A_2709 : i1
      %convert_element_type3A_2711 = arith.extui %and3A_2710 : i1 to i32
      %cond3A_2712 = arith.constant 0 : i32
      %cond3A_2713 = arith.cmpi ne, %convert_element_type3A_2711, %cond3A_2712 : i32
      scf.if %cond3A_2713 {
        %dma_wait3A_3367 = arith.constant 0 : i32
        %dma_wait3A_3368 = arith.constant 0 : i32
        %dma_wait3A_3369 = arith.constant 0 : i32
        %dma_wait3A_3370 = arith.constant 0 : i32
        %dma_wait3A_3371 = arith.constant 0 : i32
        %dma_wait3A_3372 = arith.constant 0 : i32
        %dma_wait3A_3373 = tpu.memref_slice %arg12[%dma_wait3A_3367, %dma_wait3A_3371, %dma_wait3A_3372] : memref<8x8x128xf32, #tpu.memory_space<vmem>> -> memref<1x8x128xf32, #tpu.memory_space<vmem>>
        %dma_wait3A_3374 = tpu.memref_squeeze %dma_wait3A_3373 : memref<1x8x128xf32, #tpu.memory_space<vmem>> -> memref<8x128xf32, #tpu.memory_space<vmem>>
        %dma_wait3A_3375 = arith.constant 0 : i32
        %dma_wait3A_3376 = arith.constant 0 : i32
        %dma_wait3A_3377 = tpu.memref_slice %arg6[%dma_wait3A_3368, %dma_wait3A_3369, %dma_wait3A_3370, %dma_wait3A_3375, %dma_wait3A_3376] : memref<26x8x128x8x128xf32, #tpu.memory_space<hbm>> -> memref<1x1x1x8x128xf32, #tpu.memory_space<hbm>>
        %dma_wait3A_3378 = tpu.memref_squeeze %dma_wait3A_3377 : memref<1x1x1x8x128xf32, #tpu.memory_space<hbm>> -> memref<8x128xf32, #tpu.memory_space<hbm>>
        %dma_wait3A_3379 = arith.constant 0 : i32
        %dma_wait3A_3380 = arith.constant 0 : i32
        %dma_wait3A_3381 = tpu.memref_slice %arg6[%dma_wait3A_3368, %dma_wait3A_3369, %dma_wait3A_3370, %dma_wait3A_3379, %dma_wait3A_3380] : memref<26x8x128x8x128xf32, #tpu.memory_space<hbm>> -> memref<1x1x1x8x128xf32, #tpu.memory_space<hbm>>
        %dma_wait3A_3382 = tpu.memref_squeeze %dma_wait3A_3381 : memref<1x1x1x8x128xf32, #tpu.memory_space<hbm>> -> memref<8x128xf32, #tpu.memory_space<hbm>>
        %dma_wait3A_3383 = arith.constant 0 : i32
        %dma_wait3A_3384 = arith.constant 0 : i32
        %dma_wait3A_3385 = tpu.memref_slice %arg12[%dma_wait3A_3367, %dma_wait3A_3383, %dma_wait3A_3384] : memref<8x8x128xf32, #tpu.memory_space<vmem>> -> memref<1x8x128xf32, #tpu.memory_space<vmem>>
        %dma_wait3A_3386 = tpu.memref_squeeze %dma_wait3A_3385 : memref<1x8x128xf32, #tpu.memory_space<vmem>> -> memref<8x128xf32, #tpu.memory_space<vmem>>
        tpu.wait_dma2 semaphore(%arg15 : memref<!tpu.dma_semaphore, #tpu.memory_space<semaphore_mem>>) src(%dma_wait3A_3386 : memref<8x128xf32, #tpu.memory_space<vmem>>) dst(%dma_wait3A_3382 : memref<8x128xf32, #tpu.memory_space<hbm>>)
      } else {
      }
      %broadcast_in_dim3A_2714 = vector.broadcast %select_n3A_2593 : i32 to vector<16xi32>
      %gather3A_2715 = tpu.vector_load_idx %arg8[%broadcast_in_dim3A_2714] : memref<128xi32, #tpu.memory_space<vmem>>[vector<16xi32>], vector<16xi32>,
      %add3A_2716 = arith.addi %gather3A_2715, %iota3A : vector<16xi32>
      %mul3A_2717 = arith.constant 65 : i32
      %mul3A_2718 = vector.broadcast %mul3A_2717 : i32 to vector<16xi32>
      %mul3A_2719 = arith.muli %add3A_2716, %mul3A_2718 : vector<16xi32>
      %mul3A_2720 = arith.constant 8 : i32
      %mul3A_2721 = arith.muli %select_n3A_2633, %mul3A_2720 : i32
      %add3A_2722 = vector.broadcast %mul3A_2721 : i32 to vector<16xi32>
      %add3A_2723 = arith.addi %mul3A_2719, %add3A_2722 : vector<16xi32>
      %add3A_2724 = arith.constant 0 : i32
      %add3A_2725 = vector.broadcast %add3A_2724 : i32 to vector<16xi32>
      %add3A_2726 = arith.addi %add3A_2723, %add3A_2725 : vector<16xi32>
      %gather3A_2727 = tpu.vector_load_idx %arg11[%add3A_2726] : memref<17940xf32, #tpu.memory_space<vmem>>[vector<16xi32>], vector<16xf32>,
      %add3A_2728 = arith.constant 1 : i32
      %add3A_2729 = vector.broadcast %add3A_2728 : i32 to vector<16xi32>
      %add3A_2730 = arith.addi %add3A_2723, %add3A_2729 : vector<16xi32>
      %gather3A_2731 = tpu.vector_load_idx %arg11[%add3A_2730] : memref<17940xf32, #tpu.memory_space<vmem>>[vector<16xi32>], vector<16xf32>,
      %add3A_2732 = arith.constant 2 : i32
      %add3A_2733 = vector.broadcast %add3A_2732 : i32 to vector<16xi32>
      %add3A_2734 = arith.addi %add3A_2723, %add3A_2733 : vector<16xi32>
      %gather3A_2735 = tpu.vector_load_idx %arg11[%add3A_2734] : memref<17940xf32, #tpu.memory_space<vmem>>[vector<16xi32>], vector<16xf32>,
      %add3A_2736 = arith.constant 3 : i32
      %add3A_2737 = vector.broadcast %add3A_2736 : i32 to vector<16xi32>
      %add3A_2738 = arith.addi %add3A_2723, %add3A_2737 : vector<16xi32>
      %gather3A_2739 = tpu.vector_load_idx %arg11[%add3A_2738] : memref<17940xf32, #tpu.memory_space<vmem>>[vector<16xi32>], vector<16xf32>,
      %add3A_2740 = arith.constant 4 : i32
      %add3A_2741 = vector.broadcast %add3A_2740 : i32 to vector<16xi32>
      %add3A_2742 = arith.addi %add3A_2723, %add3A_2741 : vector<16xi32>
      %gather3A_2743 = tpu.vector_load_idx %arg11[%add3A_2742] : memref<17940xf32, #tpu.memory_space<vmem>>[vector<16xi32>], vector<16xf32>,
      %add3A_2744 = arith.constant 5 : i32
      %add3A_2745 = vector.broadcast %add3A_2744 : i32 to vector<16xi32>
      %add3A_2746 = arith.addi %add3A_2723, %add3A_2745 : vector<16xi32>
      %gather3A_2747 = tpu.vector_load_idx %arg11[%add3A_2746] : memref<17940xf32, #tpu.memory_space<vmem>>[vector<16xi32>], vector<16xf32>,
      %add3A_2748 = arith.constant 6 : i32
      %add3A_2749 = vector.broadcast %add3A_2748 : i32 to vector<16xi32>
      %add3A_2750 = arith.addi %add3A_2723, %add3A_2749 : vector<16xi32>
      %gather3A_2751 = tpu.vector_load_idx %arg11[%add3A_2750] : memref<17940xf32, #tpu.memory_space<vmem>>[vector<16xi32>], vector<16xf32>,
      %add3A_2752 = arith.constant 7 : i32
      %add3A_2753 = vector.broadcast %add3A_2752 : i32 to vector<16xi32>
      %add3A_2754 = arith.addi %add3A_2723, %add3A_2753 : vector<16xi32>
      %gather3A_2755 = tpu.vector_load_idx %arg11[%add3A_2754] : memref<17940xf32, #tpu.memory_space<vmem>>[vector<16xi32>], vector<16xf32>,
      %mul3A_2756 = arith.constant 128 : i32
      %mul3A_2757 = arith.muli %select_n3A_2649, %mul3A_2756 : i32
      %add3A_2758 = arith.constant 0 : i32
      %add3A_2759 = arith.addi %mul3A_2757, %add3A_2758 : i32
      %get3A_2760 = arith.index_cast %select_n3A_2593 : i32 to index
      %get3A_2761 = arith.index_cast %add3A_2759 : i32 to index
      %get3A_2762 = tpu.vector_load %arg7[%get3A_2760, %get3A_2761] {strides = array<i32>} : memref<26x512xi32, #tpu.memory_space<vmem>>, vector<16xi32>,
      %broadcast_in_dim3A_2763 = vector.shape_cast %get3A_2762 : vector<16xi32> to vector<16x1xi32>
      %gather3A_2764 = vector.shape_cast %broadcast_in_dim3A_2763 : vector<16x1xi32> to vector<16xi32>
      %gather3A_2765 = tpu.dynamic_gather %gather3A_2727[%gather3A_2764] in [0] : vector<16xf32>, vector<16xi32> -> vector<16xf32>
      %swap3A_2766 = arith.constant 0 : i32
      %swap3A_2767 = arith.index_cast %select_n3A_2665 : i32 to index
      %swap3A_2768 = arith.index_cast %swap3A_2766 : i32 to index
      %swap3A_2769 = arith.constant 0 : index
      %swap3A_2770 = tpu.vector_load %arg12[%swap3A_2767, %swap3A_2768, %swap3A_2769] {strides = array<i32>} : memref<8x8x128xf32, #tpu.memory_space<vmem>>, vector<16xf32>,
      tpu.vector_store %arg12[%swap3A_2767, %swap3A_2768, %swap3A_2769], %gather3A_2765 {strides = array<i32>} : memref<8x8x128xf32, #tpu.memory_space<vmem>>, vector<16xf32>,
      %broadcast_in_dim3A_2771 = vector.shape_cast %get3A_2762 : vector<16xi32> to vector<16x1xi32>
      %gather3A_2772 = vector.shape_cast %broadcast_in_dim3A_2771 : vector<16x1xi32> to vector<16xi32>
      %gather3A_2773 = tpu.dynamic_gather %gather3A_2731[%gather3A_2772] in [0] : vector<16xf32>, vector<16xi32> -> vector<16xf32>
      %swap3A_2774 = arith.constant 1 : i32
      %swap3A_2775 = arith.index_cast %select_n3A_2665 : i32 to index
      %swap3A_2776 = arith.index_cast %swap3A_2774 : i32 to index
      %swap3A_2777 = arith.constant 0 : index
      %swap3A_2778 = tpu.vector_load %arg12[%swap3A_2775, %swap3A_2776, %swap3A_2777] {strides = array<i32>} : memref<8x8x128xf32, #tpu.memory_space<vmem>>, vector<16xf32>,
      tpu.vector_store %arg12[%swap3A_2775, %swap3A_2776, %swap3A_2777], %gather3A_2773 {strides = array<i32>} : memref<8x8x128xf32, #tpu.memory_space<vmem>>, vector<16xf32>,
      %broadcast_in_dim3A_2779 = vector.shape_cast %get3A_2762 : vector<16xi32> to vector<16x1xi32>
      %gather3A_2780 = vector.shape_cast %broadcast_in_dim3A_2779 : vector<16x1xi32> to vector<16xi32>
      %gather3A_2781 = tpu.dynamic_gather %gather3A_2735[%gather3A_2780] in [0] : vector<16xf32>, vector<16xi32> -> vector<16xf32>
      %swap3A_2782 = arith.constant 2 : i32
      %swap3A_2783 = arith.index_cast %select_n3A_2665 : i32 to index
      %swap3A_2784 = arith.index_cast %swap3A_2782 : i32 to index
      %swap3A_2785 = arith.constant 0 : index
      %swap3A_2786 = tpu.vector_load %arg12[%swap3A_2783, %swap3A_2784, %swap3A_2785] {strides = array<i32>} : memref<8x8x128xf32, #tpu.memory_space<vmem>>, vector<16xf32>,
      tpu.vector_store %arg12[%swap3A_2783, %swap3A_2784, %swap3A_2785], %gather3A_2781 {strides = array<i32>} : memref<8x8x128xf32, #tpu.memory_space<vmem>>, vector<16xf32>,
      %broadcast_in_dim3A_2787 = vector.shape_cast %get3A_2762 : vector<16xi32> to vector<16x1xi32>
      %gather3A_2788 = vector.shape_cast %broadcast_in_dim3A_2787 : vector<16x1xi32> to vector<16xi32>
      %gather3A_2789 = tpu.dynamic_gather %gather3A_2739[%gather3A_2788] in [0] : vector<16xf32>, vector<16xi32> -> vector<16xf32>
      %swap3A_2790 = arith.constant 3 : i32
      %swap3A_2791 = arith.index_cast %select_n3A_2665 : i32 to index
      %swap3A_2792 = arith.index_cast %swap3A_2790 : i32 to index
      %swap3A_2793 = arith.constant 0 : index
      %swap3A_2794 = tpu.vector_load %arg12[%swap3A_2791, %swap3A_2792, %swap3A_2793] {strides = array<i32>} : memref<8x8x128xf32, #tpu.memory_space<vmem>>, vector<16xf32>,
      tpu.vector_store %arg12[%swap3A_2791, %swap3A_2792, %swap3A_2793], %gather3A_2789 {strides = array<i32>} : memref<8x8x128xf32, #tpu.memory_space<vmem>>, vector<16xf32>,
      %broadcast_in_dim3A_2795 = vector.shape_cast %get3A_2762 : vector<16xi32> to vector<16x1xi32>
      %gather3A_2796 = vector.shape_cast %broadcast_in_dim3A_2795 : vector<16x1xi32> to vector<16xi32>
      %gather3A_2797 = tpu.dynamic_gather %gather3A_2743[%gather3A_2796] in [0] : vector<16xf32>, vector<16xi32> -> vector<16xf32>
      %swap3A_2798 = arith.constant 4 : i32
      %swap3A_2799 = arith.index_cast %select_n3A_2665 : i32 to index
      %swap3A_2800 = arith.index_cast %swap3A_2798 : i32 to index
      %swap3A_2801 = arith.constant 0 : index
      %swap3A_2802 = tpu.vector_load %arg12[%swap3A_2799, %swap3A_2800, %swap3A_2801] {strides = array<i32>} : memref<8x8x128xf32, #tpu.memory_space<vmem>>, vector<16xf32>,
      tpu.vector_store %arg12[%swap3A_2799, %swap3A_2800, %swap3A_2801], %gather3A_2797 {strides = array<i32>} : memref<8x8x128xf32, #tpu.memory_space<vmem>>, vector<16xf32>,
      %broadcast_in_dim3A_2803 = vector.shape_cast %get3A_2762 : vector<16xi32> to vector<16x1xi32>
      %gather3A_2804 = vector.shape_cast %broadcast_in_dim3A_2803 : vector<16x1xi32> to vector<16xi32>
      %gather3A_2805 = tpu.dynamic_gather %gather3A_2747[%gather3A_2804] in [0] : vector<16xf32>, vector<16xi32> -> vector<16xf32>
      %swap3A_2806 = arith.constant 5 : i32
      %swap3A_2807 = arith.index_cast %select_n3A_2665 : i32 to index
      %swap3A_2808 = arith.index_cast %swap3A_2806 : i32 to index
      %swap3A_2809 = arith.constant 0 : index
      %swap3A_2810 = tpu.vector_load %arg12[%swap3A_2807, %swap3A_2808, %swap3A_2809] {strides = array<i32>} : memref<8x8x128xf32, #tpu.memory_space<vmem>>, vector<16xf32>,
      tpu.vector_store %arg12[%swap3A_2807, %swap3A_2808, %swap3A_2809], %gather3A_2805 {strides = array<i32>} : memref<8x8x128xf32, #tpu.memory_space<vmem>>, vector<16xf32>,
      %broadcast_in_dim3A_2811 = vector.shape_cast %get3A_2762 : vector<16xi32> to vector<16x1xi32>
      %gather3A_2812 = vector.shape_cast %broadcast_in_dim3A_2811 : vector<16x1xi32> to vector<16xi32>
      %gather3A_2813 = tpu.dynamic_gather %gather3A_2751[%gather3A_2812] in [0] : vector<16xf32>, vector<16xi32> -> vector<16xf32>
      %swap3A_2814 = arith.constant 6 : i32
      %swap3A_2815 = arith.index_cast %select_n3A_2665 : i32 to index
      %swap3A_2816 = arith.index_cast %swap3A_2814 : i32 to index
      %swap3A_2817 = arith.constant 0 : index
      %swap3A_2818 = tpu.vector_load %arg12[%swap3A_2815, %swap3A_2816, %swap3A_2817] {strides = array<i32>} : memref<8x8x128xf32, #tpu.memory_space<vmem>>, vector<16xf32>,
      tpu.vector_store %arg12[%swap3A_2815, %swap3A_2816, %swap3A_2817], %gather3A_2813 {strides = array<i32>} : memref<8x8x128xf32, #tpu.memory_space<vmem>>, vector<16xf32>,
      %broadcast_in_dim3A_2819 = vector.shape_cast %get3A_2762 : vector<16xi32> to vector<16x1xi32>
      %gather3A_2820 = vector.shape_cast %broadcast_in_dim3A_2819 : vector<16x1xi32> to vector<16xi32>
      %gather3A_2821 = tpu.dynamic_gather %gather3A_2755[%gather3A_2820] in [0] : vector<16xf32>, vector<16xi32> -> vector<16xf32>
      %swap3A_2822 = arith.constant 7 : i32
      %swap3A_2823 = arith.index_cast %select_n3A_2665 : i32 to index
      %swap3A_2824 = arith.index_cast %swap3A_2822 : i32 to index
      %swap3A_2825 = arith.constant 0 : index
      %swap3A_2826 = tpu.vector_load %arg12[%swap3A_2823, %swap3A_2824, %swap3A_2825] {strides = array<i32>} : memref<8x8x128xf32, #tpu.memory_space<vmem>>, vector<16xf32>,
      tpu.vector_store %arg12[%swap3A_2823, %swap3A_2824, %swap3A_2825], %gather3A_2821 {strides = array<i32>} : memref<8x8x128xf32, #tpu.memory_space<vmem>>, vector<16xf32>,
      %mul3A_2827 = arith.constant 128 : i32
      %mul3A_2828 = arith.muli %select_n3A_2649, %mul3A_2827 : i32
      %add3A_2829 = arith.constant 16 : i32
      %add3A_2830 = arith.addi %mul3A_2828, %add3A_2829 : i32
      %get3A_2831 = arith.index_cast %select_n3A_2593 : i32 to index
      %get3A_2832 = arith.index_cast %add3A_2830 : i32 to index
      %get3A_2833 = tpu.vector_load %arg7[%get3A_2831, %get3A_2832] {strides = array<i32>} : memref<26x512xi32, #tpu.memory_space<vmem>>, vector<16xi32>,
      %broadcast_in_dim3A_2834 = vector.shape_cast %get3A_2833 : vector<16xi32> to vector<16x1xi32>
      %gather3A_2835 = vector.shape_cast %broadcast_in_dim3A_2834 : vector<16x1xi32> to vector<16xi32>
      %gather3A_2836 = tpu.dynamic_gather %gather3A_2727[%gather3A_2835] in [0] : vector<16xf32>, vector<16xi32> -> vector<16xf32>
      %swap3A_2837 = arith.constant 0 : i32
      %swap3A_2838 = arith.index_cast %select_n3A_2665 : i32 to index
      %swap3A_2839 = arith.index_cast %swap3A_2837 : i32 to index
      %swap3A_2840 = arith.constant 16 : index
      %swap3A_2841 = tpu.vector_load %arg12[%swap3A_2838, %swap3A_2839, %swap3A_2840] {strides = array<i32>} : memref<8x8x128xf32, #tpu.memory_space<vmem>>, vector<16xf32>,
      tpu.vector_store %arg12[%swap3A_2838, %swap3A_2839, %swap3A_2840], %gather3A_2836 {strides = array<i32>} : memref<8x8x128xf32, #tpu.memory_space<vmem>>, vector<16xf32>,
      %broadcast_in_dim3A_2842 = vector.shape_cast %get3A_2833 : vector<16xi32> to vector<16x1xi32>
      %gather3A_2843 = vector.shape_cast %broadcast_in_dim3A_2842 : vector<16x1xi32> to vector<16xi32>
      %gather3A_2844 = tpu.dynamic_gather %gather3A_2731[%gather3A_2843] in [0] : vector<16xf32>, vector<16xi32> -> vector<16xf32>
      %swap3A_2845 = arith.constant 1 : i32
      %swap3A_2846 = arith.index_cast %select_n3A_2665 : i32 to index
      %swap3A_2847 = arith.index_cast %swap3A_2845 : i32 to index
      %swap3A_2848 = arith.constant 16 : index
      %swap3A_2849 = tpu.vector_load %arg12[%swap3A_2846, %swap3A_2847, %swap3A_2848] {strides = array<i32>} : memref<8x8x128xf32, #tpu.memory_space<vmem>>, vector<16xf32>,
      tpu.vector_store %arg12[%swap3A_2846, %swap3A_2847, %swap3A_2848], %gather3A_2844 {strides = array<i32>} : memref<8x8x128xf32, #tpu.memory_space<vmem>>, vector<16xf32>,
      %broadcast_in_dim3A_2850 = vector.shape_cast %get3A_2833 : vector<16xi32> to vector<16x1xi32>
      %gather3A_2851 = vector.shape_cast %broadcast_in_dim3A_2850 : vector<16x1xi32> to vector<16xi32>
      %gather3A_2852 = tpu.dynamic_gather %gather3A_2735[%gather3A_2851] in [0] : vector<16xf32>, vector<16xi32> -> vector<16xf32>
      %swap3A_2853 = arith.constant 2 : i32
      %swap3A_2854 = arith.index_cast %select_n3A_2665 : i32 to index
      %swap3A_2855 = arith.index_cast %swap3A_2853 : i32 to index
      %swap3A_2856 = arith.constant 16 : index
      %swap3A_2857 = tpu.vector_load %arg12[%swap3A_2854, %swap3A_2855, %swap3A_2856] {strides = array<i32>} : memref<8x8x128xf32, #tpu.memory_space<vmem>>, vector<16xf32>,
      tpu.vector_store %arg12[%swap3A_2854, %swap3A_2855, %swap3A_2856], %gather3A_2852 {strides = array<i32>} : memref<8x8x128xf32, #tpu.memory_space<vmem>>, vector<16xf32>,
      %broadcast_in_dim3A_2858 = vector.shape_cast %get3A_2833 : vector<16xi32> to vector<16x1xi32>
      %gather3A_2859 = vector.shape_cast %broadcast_in_dim3A_2858 : vector<16x1xi32> to vector<16xi32>
      %gather3A_2860 = tpu.dynamic_gather %gather3A_2739[%gather3A_2859] in [0] : vector<16xf32>, vector<16xi32> -> vector<16xf32>
      %swap3A_2861 = arith.constant 3 : i32
      %swap3A_2862 = arith.index_cast %select_n3A_2665 : i32 to index
      %swap3A_2863 = arith.index_cast %swap3A_2861 : i32 to index
      %swap3A_2864 = arith.constant 16 : index
      %swap3A_2865 = tpu.vector_load %arg12[%swap3A_2862, %swap3A_2863, %swap3A_2864] {strides = array<i32>} : memref<8x8x128xf32, #tpu.memory_space<vmem>>, vector<16xf32>,
      tpu.vector_store %arg12[%swap3A_2862, %swap3A_2863, %swap3A_2864], %gather3A_2860 {strides = array<i32>} : memref<8x8x128xf32, #tpu.memory_space<vmem>>, vector<16xf32>,
      %broadcast_in_dim3A_2866 = vector.shape_cast %get3A_2833 : vector<16xi32> to vector<16x1xi32>
      %gather3A_2867 = vector.shape_cast %broadcast_in_dim3A_2866 : vector<16x1xi32> to vector<16xi32>
      %gather3A_2868 = tpu.dynamic_gather %gather3A_2743[%gather3A_2867] in [0] : vector<16xf32>, vector<16xi32> -> vector<16xf32>
      %swap3A_2869 = arith.constant 4 : i32
      %swap3A_2870 = arith.index_cast %select_n3A_2665 : i32 to index
      %swap3A_2871 = arith.index_cast %swap3A_2869 : i32 to index
      %swap3A_2872 = arith.constant 16 : index
      %swap3A_2873 = tpu.vector_load %arg12[%swap3A_2870, %swap3A_2871, %swap3A_2872] {strides = array<i32>} : memref<8x8x128xf32, #tpu.memory_space<vmem>>, vector<16xf32>,
      tpu.vector_store %arg12[%swap3A_2870, %swap3A_2871, %swap3A_2872], %gather3A_2868 {strides = array<i32>} : memref<8x8x128xf32, #tpu.memory_space<vmem>>, vector<16xf32>,
      %broadcast_in_dim3A_2874 = vector.shape_cast %get3A_2833 : vector<16xi32> to vector<16x1xi32>
      %gather3A_2875 = vector.shape_cast %broadcast_in_dim3A_2874 : vector<16x1xi32> to vector<16xi32>
      %gather3A_2876 = tpu.dynamic_gather %gather3A_2747[%gather3A_2875] in [0] : vector<16xf32>, vector<16xi32> -> vector<16xf32>
      %swap3A_2877 = arith.constant 5 : i32
      %swap3A_2878 = arith.index_cast %select_n3A_2665 : i32 to index
      %swap3A_2879 = arith.index_cast %swap3A_2877 : i32 to index
      %swap3A_2880 = arith.constant 16 : index
      %swap3A_2881 = tpu.vector_load %arg12[%swap3A_2878, %swap3A_2879, %swap3A_2880] {strides = array<i32>} : memref<8x8x128xf32, #tpu.memory_space<vmem>>, vector<16xf32>,
      tpu.vector_store %arg12[%swap3A_2878, %swap3A_2879, %swap3A_2880], %gather3A_2876 {strides = array<i32>} : memref<8x8x128xf32, #tpu.memory_space<vmem>>, vector<16xf32>,
      %broadcast_in_dim3A_2882 = vector.shape_cast %get3A_2833 : vector<16xi32> to vector<16x1xi32>
      %gather3A_2883 = vector.shape_cast %broadcast_in_dim3A_2882 : vector<16x1xi32> to vector<16xi32>
      %gather3A_2884 = tpu.dynamic_gather %gather3A_2751[%gather3A_2883] in [0] : vector<16xf32>, vector<16xi32> -> vector<16xf32>
      %swap3A_2885 = arith.constant 6 : i32
      %swap3A_2886 = arith.index_cast %select_n3A_2665 : i32 to index
      %swap3A_2887 = arith.index_cast %swap3A_2885 : i32 to index
      %swap3A_2888 = arith.constant 16 : index
      %swap3A_2889 = tpu.vector_load %arg12[%swap3A_2886, %swap3A_2887, %swap3A_2888] {strides = array<i32>} : memref<8x8x128xf32, #tpu.memory_space<vmem>>, vector<16xf32>,
      tpu.vector_store %arg12[%swap3A_2886, %swap3A_2887, %swap3A_2888], %gather3A_2884 {strides = array<i32>} : memref<8x8x128xf32, #tpu.memory_space<vmem>>, vector<16xf32>,
      %broadcast_in_dim3A_2890 = vector.shape_cast %get3A_2833 : vector<16xi32> to vector<16x1xi32>
      %gather3A_2891 = vector.shape_cast %broadcast_in_dim3A_2890 : vector<16x1xi32> to vector<16xi32>
      %gather3A_2892 = tpu.dynamic_gather %gather3A_2755[%gather3A_2891] in [0] : vector<16xf32>, vector<16xi32> -> vector<16xf32>
      %swap3A_2893 = arith.constant 7 : i32
      %swap3A_2894 = arith.index_cast %select_n3A_2665 : i32 to index
      %swap3A_2895 = arith.index_cast %swap3A_2893 : i32 to index
      %swap3A_2896 = arith.constant 16 : index
      %swap3A_2897 = tpu.vector_load %arg12[%swap3A_2894, %swap3A_2895, %swap3A_2896] {strides = array<i32>} : memref<8x8x128xf32, #tpu.memory_space<vmem>>, vector<16xf32>,
      tpu.vector_store %arg12[%swap3A_2894, %swap3A_2895, %swap3A_2896], %gather3A_2892 {strides = array<i32>} : memref<8x8x128xf32, #tpu.memory_space<vmem>>, vector<16xf32>,
      %mul3A_2898 = arith.constant 128 : i32
      %mul3A_2899 = arith.muli %select_n3A_2649, %mul3A_2898 : i32
      %add3A_2900 = arith.constant 32 : i32
      %add3A_2901 = arith.addi %mul3A_2899, %add3A_2900 : i32
      %get3A_2902 = arith.index_cast %select_n3A_2593 : i32 to index
      %get3A_2903 = arith.index_cast %add3A_2901 : i32 to index
      %get3A_2904 = tpu.vector_load %arg7[%get3A_2902, %get3A_2903] {strides = array<i32>} : memref<26x512xi32, #tpu.memory_space<vmem>>, vector<16xi32>,
      %broadcast_in_dim3A_2905 = vector.shape_cast %get3A_2904 : vector<16xi32> to vector<16x1xi32>
      %gather3A_2906 = vector.shape_cast %broadcast_in_dim3A_2905 : vector<16x1xi32> to vector<16xi32>
      %gather3A_2907 = tpu.dynamic_gather %gather3A_2727[%gather3A_2906] in [0] : vector<16xf32>, vector<16xi32> -> vector<16xf32>
      %swap3A_2908 = arith.constant 0 : i32
      %swap3A_2909 = arith.index_cast %select_n3A_2665 : i32 to index
      %swap3A_2910 = arith.index_cast %swap3A_2908 : i32 to index
      %swap3A_2911 = arith.constant 32 : index
      %swap3A_2912 = tpu.vector_load %arg12[%swap3A_2909, %swap3A_2910, %swap3A_2911] {strides = array<i32>} : memref<8x8x128xf32, #tpu.memory_space<vmem>>, vector<16xf32>,
      tpu.vector_store %arg12[%swap3A_2909, %swap3A_2910, %swap3A_2911], %gather3A_2907 {strides = array<i32>} : memref<8x8x128xf32, #tpu.memory_space<vmem>>, vector<16xf32>,
      %broadcast_in_dim3A_2913 = vector.shape_cast %get3A_2904 : vector<16xi32> to vector<16x1xi32>
      %gather3A_2914 = vector.shape_cast %broadcast_in_dim3A_2913 : vector<16x1xi32> to vector<16xi32>
      %gather3A_2915 = tpu.dynamic_gather %gather3A_2731[%gather3A_2914] in [0] : vector<16xf32>, vector<16xi32> -> vector<16xf32>
      %swap3A_2916 = arith.constant 1 : i32
      %swap3A_2917 = arith.index_cast %select_n3A_2665 : i32 to index
      %swap3A_2918 = arith.index_cast %swap3A_2916 : i32 to index
      %swap3A_2919 = arith.constant 32 : index
      %swap3A_2920 = tpu.vector_load %arg12[%swap3A_2917, %swap3A_2918, %swap3A_2919] {strides = array<i32>} : memref<8x8x128xf32, #tpu.memory_space<vmem>>, vector<16xf32>,
      tpu.vector_store %arg12[%swap3A_2917, %swap3A_2918, %swap3A_2919], %gather3A_2915 {strides = array<i32>} : memref<8x8x128xf32, #tpu.memory_space<vmem>>, vector<16xf32>,
      %broadcast_in_dim3A_2921 = vector.shape_cast %get3A_2904 : vector<16xi32> to vector<16x1xi32>
      %gather3A_2922 = vector.shape_cast %broadcast_in_dim3A_2921 : vector<16x1xi32> to vector<16xi32>
      %gather3A_2923 = tpu.dynamic_gather %gather3A_2735[%gather3A_2922] in [0] : vector<16xf32>, vector<16xi32> -> vector<16xf32>
      %swap3A_2924 = arith.constant 2 : i32
      %swap3A_2925 = arith.index_cast %select_n3A_2665 : i32 to index
      %swap3A_2926 = arith.index_cast %swap3A_2924 : i32 to index
      %swap3A_2927 = arith.constant 32 : index
      %swap3A_2928 = tpu.vector_load %arg12[%swap3A_2925, %swap3A_2926, %swap3A_2927] {strides = array<i32>} : memref<8x8x128xf32, #tpu.memory_space<vmem>>, vector<16xf32>,
      tpu.vector_store %arg12[%swap3A_2925, %swap3A_2926, %swap3A_2927], %gather3A_2923 {strides = array<i32>} : memref<8x8x128xf32, #tpu.memory_space<vmem>>, vector<16xf32>,
      %broadcast_in_dim3A_2929 = vector.shape_cast %get3A_2904 : vector<16xi32> to vector<16x1xi32>
      %gather3A_2930 = vector.shape_cast %broadcast_in_dim3A_2929 : vector<16x1xi32> to vector<16xi32>
      %gather3A_2931 = tpu.dynamic_gather %gather3A_2739[%gather3A_2930] in [0] : vector<16xf32>, vector<16xi32> -> vector<16xf32>
      %swap3A_2932 = arith.constant 3 : i32
      %swap3A_2933 = arith.index_cast %select_n3A_2665 : i32 to index
      %swap3A_2934 = arith.index_cast %swap3A_2932 : i32 to index
      %swap3A_2935 = arith.constant 32 : index
      %swap3A_2936 = tpu.vector_load %arg12[%swap3A_2933, %swap3A_2934, %swap3A_2935] {strides = array<i32>} : memref<8x8x128xf32, #tpu.memory_space<vmem>>, vector<16xf32>,
      tpu.vector_store %arg12[%swap3A_2933, %swap3A_2934, %swap3A_2935], %gather3A_2931 {strides = array<i32>} : memref<8x8x128xf32, #tpu.memory_space<vmem>>, vector<16xf32>,
      %broadcast_in_dim3A_2937 = vector.shape_cast %get3A_2904 : vector<16xi32> to vector<16x1xi32>
      %gather3A_2938 = vector.shape_cast %broadcast_in_dim3A_2937 : vector<16x1xi32> to vector<16xi32>
      %gather3A_2939 = tpu.dynamic_gather %gather3A_2743[%gather3A_2938] in [0] : vector<16xf32>, vector<16xi32> -> vector<16xf32>
      %swap3A_2940 = arith.constant 4 : i32
      %swap3A_2941 = arith.index_cast %select_n3A_2665 : i32 to index
      %swap3A_2942 = arith.index_cast %swap3A_2940 : i32 to index
      %swap3A_2943 = arith.constant 32 : index
      %swap3A_2944 = tpu.vector_load %arg12[%swap3A_2941, %swap3A_2942, %swap3A_2943] {strides = array<i32>} : memref<8x8x128xf32, #tpu.memory_space<vmem>>, vector<16xf32>,
      tpu.vector_store %arg12[%swap3A_2941, %swap3A_2942, %swap3A_2943], %gather3A_2939 {strides = array<i32>} : memref<8x8x128xf32, #tpu.memory_space<vmem>>, vector<16xf32>,
      %broadcast_in_dim3A_2945 = vector.shape_cast %get3A_2904 : vector<16xi32> to vector<16x1xi32>
      %gather3A_2946 = vector.shape_cast %broadcast_in_dim3A_2945 : vector<16x1xi32> to vector<16xi32>
      %gather3A_2947 = tpu.dynamic_gather %gather3A_2747[%gather3A_2946] in [0] : vector<16xf32>, vector<16xi32> -> vector<16xf32>
      %swap3A_2948 = arith.constant 5 : i32
      %swap3A_2949 = arith.index_cast %select_n3A_2665 : i32 to index
      %swap3A_2950 = arith.index_cast %swap3A_2948 : i32 to index
      %swap3A_2951 = arith.constant 32 : index
      %swap3A_2952 = tpu.vector_load %arg12[%swap3A_2949, %swap3A_2950, %swap3A_2951] {strides = array<i32>} : memref<8x8x128xf32, #tpu.memory_space<vmem>>, vector<16xf32>,
      tpu.vector_store %arg12[%swap3A_2949, %swap3A_2950, %swap3A_2951], %gather3A_2947 {strides = array<i32>} : memref<8x8x128xf32, #tpu.memory_space<vmem>>, vector<16xf32>,
      %broadcast_in_dim3A_2953 = vector.shape_cast %get3A_2904 : vector<16xi32> to vector<16x1xi32>
      %gather3A_2954 = vector.shape_cast %broadcast_in_dim3A_2953 : vector<16x1xi32> to vector<16xi32>
      %gather3A_2955 = tpu.dynamic_gather %gather3A_2751[%gather3A_2954] in [0] : vector<16xf32>, vector<16xi32> -> vector<16xf32>
      %swap3A_2956 = arith.constant 6 : i32
      %swap3A_2957 = arith.index_cast %select_n3A_2665 : i32 to index
      %swap3A_2958 = arith.index_cast %swap3A_2956 : i32 to index
      %swap3A_2959 = arith.constant 32 : index
      %swap3A_2960 = tpu.vector_load %arg12[%swap3A_2957, %swap3A_2958, %swap3A_2959] {strides = array<i32>} : memref<8x8x128xf32, #tpu.memory_space<vmem>>, vector<16xf32>,
      tpu.vector_store %arg12[%swap3A_2957, %swap3A_2958, %swap3A_2959], %gather3A_2955 {strides = array<i32>} : memref<8x8x128xf32, #tpu.memory_space<vmem>>, vector<16xf32>,
      %broadcast_in_dim3A_2961 = vector.shape_cast %get3A_2904 : vector<16xi32> to vector<16x1xi32>
      %gather3A_2962 = vector.shape_cast %broadcast_in_dim3A_2961 : vector<16x1xi32> to vector<16xi32>
      %gather3A_2963 = tpu.dynamic_gather %gather3A_2755[%gather3A_2962] in [0] : vector<16xf32>, vector<16xi32> -> vector<16xf32>
      %swap3A_2964 = arith.constant 7 : i32
      %swap3A_2965 = arith.index_cast %select_n3A_2665 : i32 to index
      %swap3A_2966 = arith.index_cast %swap3A_2964 : i32 to index
      %swap3A_2967 = arith.constant 32 : index
      %swap3A_2968 = tpu.vector_load %arg12[%swap3A_2965, %swap3A_2966, %swap3A_2967] {strides = array<i32>} : memref<8x8x128xf32, #tpu.memory_space<vmem>>, vector<16xf32>,
      tpu.vector_store %arg12[%swap3A_2965, %swap3A_2966, %swap3A_2967], %gather3A_2963 {strides = array<i32>} : memref<8x8x128xf32, #tpu.memory_space<vmem>>, vector<16xf32>,
      %mul3A_2969 = arith.constant 128 : i32
      %mul3A_2970 = arith.muli %select_n3A_2649, %mul3A_2969 : i32
      %add3A_2971 = arith.constant 48 : i32
      %add3A_2972 = arith.addi %mul3A_2970, %add3A_2971 : i32
      %get3A_2973 = arith.index_cast %select_n3A_2593 : i32 to index
      %get3A_2974 = arith.index_cast %add3A_2972 : i32 to index
      %get3A_2975 = tpu.vector_load %arg7[%get3A_2973, %get3A_2974] {strides = array<i32>} : memref<26x512xi32, #tpu.memory_space<vmem>>, vector<16xi32>,
      %broadcast_in_dim3A_2976 = vector.shape_cast %get3A_2975 : vector<16xi32> to vector<16x1xi32>
      %gather3A_2977 = vector.shape_cast %broadcast_in_dim3A_2976 : vector<16x1xi32> to vector<16xi32>
      %gather3A_2978 = tpu.dynamic_gather %gather3A_2727[%gather3A_2977] in [0] : vector<16xf32>, vector<16xi32> -> vector<16xf32>
      %swap3A_2979 = arith.constant 0 : i32
      %swap3A_2980 = arith.index_cast %select_n3A_2665 : i32 to index
      %swap3A_2981 = arith.index_cast %swap3A_2979 : i32 to index
      %swap3A_2982 = arith.constant 48 : index
      %swap3A_2983 = tpu.vector_load %arg12[%swap3A_2980, %swap3A_2981, %swap3A_2982] {strides = array<i32>} : memref<8x8x128xf32, #tpu.memory_space<vmem>>, vector<16xf32>,
      tpu.vector_store %arg12[%swap3A_2980, %swap3A_2981, %swap3A_2982], %gather3A_2978 {strides = array<i32>} : memref<8x8x128xf32, #tpu.memory_space<vmem>>, vector<16xf32>,
      %broadcast_in_dim3A_2984 = vector.shape_cast %get3A_2975 : vector<16xi32> to vector<16x1xi32>
      %gather3A_2985 = vector.shape_cast %broadcast_in_dim3A_2984 : vector<16x1xi32> to vector<16xi32>
      %gather3A_2986 = tpu.dynamic_gather %gather3A_2731[%gather3A_2985] in [0] : vector<16xf32>, vector<16xi32> -> vector<16xf32>
      %swap3A_2987 = arith.constant 1 : i32
      %swap3A_2988 = arith.index_cast %select_n3A_2665 : i32 to index
      %swap3A_2989 = arith.index_cast %swap3A_2987 : i32 to index
      %swap3A_2990 = arith.constant 48 : index
      %swap3A_2991 = tpu.vector_load %arg12[%swap3A_2988, %swap3A_2989, %swap3A_2990] {strides = array<i32>} : memref<8x8x128xf32, #tpu.memory_space<vmem>>, vector<16xf32>,
      tpu.vector_store %arg12[%swap3A_2988, %swap3A_2989, %swap3A_2990], %gather3A_2986 {strides = array<i32>} : memref<8x8x128xf32, #tpu.memory_space<vmem>>, vector<16xf32>,
      %broadcast_in_dim3A_2992 = vector.shape_cast %get3A_2975 : vector<16xi32> to vector<16x1xi32>
      %gather3A_2993 = vector.shape_cast %broadcast_in_dim3A_2992 : vector<16x1xi32> to vector<16xi32>
      %gather3A_2994 = tpu.dynamic_gather %gather3A_2735[%gather3A_2993] in [0] : vector<16xf32>, vector<16xi32> -> vector<16xf32>
      %swap3A_2995 = arith.constant 2 : i32
      %swap3A_2996 = arith.index_cast %select_n3A_2665 : i32 to index
      %swap3A_2997 = arith.index_cast %swap3A_2995 : i32 to index
      %swap3A_2998 = arith.constant 48 : index
      %swap3A_2999 = tpu.vector_load %arg12[%swap3A_2996, %swap3A_2997, %swap3A_2998] {strides = array<i32>} : memref<8x8x128xf32, #tpu.memory_space<vmem>>, vector<16xf32>,
      tpu.vector_store %arg12[%swap3A_2996, %swap3A_2997, %swap3A_2998], %gather3A_2994 {strides = array<i32>} : memref<8x8x128xf32, #tpu.memory_space<vmem>>, vector<16xf32>,
      %broadcast_in_dim3A_3000 = vector.shape_cast %get3A_2975 : vector<16xi32> to vector<16x1xi32>
      %gather3A_3001 = vector.shape_cast %broadcast_in_dim3A_3000 : vector<16x1xi32> to vector<16xi32>
      %gather3A_3002 = tpu.dynamic_gather %gather3A_2739[%gather3A_3001] in [0] : vector<16xf32>, vector<16xi32> -> vector<16xf32>
      %swap3A_3003 = arith.constant 3 : i32
      %swap3A_3004 = arith.index_cast %select_n3A_2665 : i32 to index
      %swap3A_3005 = arith.index_cast %swap3A_3003 : i32 to index
      %swap3A_3006 = arith.constant 48 : index
      %swap3A_3007 = tpu.vector_load %arg12[%swap3A_3004, %swap3A_3005, %swap3A_3006] {strides = array<i32>} : memref<8x8x128xf32, #tpu.memory_space<vmem>>, vector<16xf32>,
      tpu.vector_store %arg12[%swap3A_3004, %swap3A_3005, %swap3A_3006], %gather3A_3002 {strides = array<i32>} : memref<8x8x128xf32, #tpu.memory_space<vmem>>, vector<16xf32>,
      %broadcast_in_dim3A_3008 = vector.shape_cast %get3A_2975 : vector<16xi32> to vector<16x1xi32>
      %gather3A_3009 = vector.shape_cast %broadcast_in_dim3A_3008 : vector<16x1xi32> to vector<16xi32>
      %gather3A_3010 = tpu.dynamic_gather %gather3A_2743[%gather3A_3009] in [0] : vector<16xf32>, vector<16xi32> -> vector<16xf32>
      %swap3A_3011 = arith.constant 4 : i32
      %swap3A_3012 = arith.index_cast %select_n3A_2665 : i32 to index
      %swap3A_3013 = arith.index_cast %swap3A_3011 : i32 to index
      %swap3A_3014 = arith.constant 48 : index
      %swap3A_3015 = tpu.vector_load %arg12[%swap3A_3012, %swap3A_3013, %swap3A_3014] {strides = array<i32>} : memref<8x8x128xf32, #tpu.memory_space<vmem>>, vector<16xf32>,
      tpu.vector_store %arg12[%swap3A_3012, %swap3A_3013, %swap3A_3014], %gather3A_3010 {strides = array<i32>} : memref<8x8x128xf32, #tpu.memory_space<vmem>>, vector<16xf32>,
      %broadcast_in_dim3A_3016 = vector.shape_cast %get3A_2975 : vector<16xi32> to vector<16x1xi32>
      %gather3A_3017 = vector.shape_cast %broadcast_in_dim3A_3016 : vector<16x1xi32> to vector<16xi32>
      %gather3A_3018 = tpu.dynamic_gather %gather3A_2747[%gather3A_3017] in [0] : vector<16xf32>, vector<16xi32> -> vector<16xf32>
      %swap3A_3019 = arith.constant 5 : i32
      %swap3A_3020 = arith.index_cast %select_n3A_2665 : i32 to index
      %swap3A_3021 = arith.index_cast %swap3A_3019 : i32 to index
      %swap3A_3022 = arith.constant 48 : index
      %swap3A_3023 = tpu.vector_load %arg12[%swap3A_3020, %swap3A_3021, %swap3A_3022] {strides = array<i32>} : memref<8x8x128xf32, #tpu.memory_space<vmem>>, vector<16xf32>,
      tpu.vector_store %arg12[%swap3A_3020, %swap3A_3021, %swap3A_3022], %gather3A_3018 {strides = array<i32>} : memref<8x8x128xf32, #tpu.memory_space<vmem>>, vector<16xf32>,
      %broadcast_in_dim3A_3024 = vector.shape_cast %get3A_2975 : vector<16xi32> to vector<16x1xi32>
      %gather3A_3025 = vector.shape_cast %broadcast_in_dim3A_3024 : vector<16x1xi32> to vector<16xi32>
      %gather3A_3026 = tpu.dynamic_gather %gather3A_2751[%gather3A_3025] in [0] : vector<16xf32>, vector<16xi32> -> vector<16xf32>
      %swap3A_3027 = arith.constant 6 : i32
      %swap3A_3028 = arith.index_cast %select_n3A_2665 : i32 to index
      %swap3A_3029 = arith.index_cast %swap3A_3027 : i32 to index
      %swap3A_3030 = arith.constant 48 : index
      %swap3A_3031 = tpu.vector_load %arg12[%swap3A_3028, %swap3A_3029, %swap3A_3030] {strides = array<i32>} : memref<8x8x128xf32, #tpu.memory_space<vmem>>, vector<16xf32>,
      tpu.vector_store %arg12[%swap3A_3028, %swap3A_3029, %swap3A_3030], %gather3A_3026 {strides = array<i32>} : memref<8x8x128xf32, #tpu.memory_space<vmem>>, vector<16xf32>,
      %broadcast_in_dim3A_3032 = vector.shape_cast %get3A_2975 : vector<16xi32> to vector<16x1xi32>
      %gather3A_3033 = vector.shape_cast %broadcast_in_dim3A_3032 : vector<16x1xi32> to vector<16xi32>
      %gather3A_3034 = tpu.dynamic_gather %gather3A_2755[%gather3A_3033] in [0] : vector<16xf32>, vector<16xi32> -> vector<16xf32>
      %swap3A_3035 = arith.constant 7 : i32
      %swap3A_3036 = arith.index_cast %select_n3A_2665 : i32 to index
      %swap3A_3037 = arith.index_cast %swap3A_3035 : i32 to index
      %swap3A_3038 = arith.constant 48 : index
      %swap3A_3039 = tpu.vector_load %arg12[%swap3A_3036, %swap3A_3037, %swap3A_3038] {strides = array<i32>} : memref<8x8x128xf32, #tpu.memory_space<vmem>>, vector<16xf32>,
      tpu.vector_store %arg12[%swap3A_3036, %swap3A_3037, %swap3A_3038], %gather3A_3034 {strides = array<i32>} : memref<8x8x128xf32, #tpu.memory_space<vmem>>, vector<16xf32>,
      %mul3A_3040 = arith.constant 128 : i32
      %mul3A_3041 = arith.muli %select_n3A_2649, %mul3A_3040 : i32
      %add3A_3042 = arith.constant 64 : i32
      %add3A_3043 = arith.addi %mul3A_3041, %add3A_3042 : i32
      %get3A_3044 = arith.index_cast %select_n3A_2593 : i32 to index
      %get3A_3045 = arith.index_cast %add3A_3043 : i32 to index
      %get3A_3046 = tpu.vector_load %arg7[%get3A_3044, %get3A_3045] {strides = array<i32>} : memref<26x512xi32, #tpu.memory_space<vmem>>, vector<16xi32>,
      %broadcast_in_dim3A_3047 = vector.shape_cast %get3A_3046 : vector<16xi32> to vector<16x1xi32>
      %gather3A_3048 = vector.shape_cast %broadcast_in_dim3A_3047 : vector<16x1xi32> to vector<16xi32>
      %gather3A_3049 = tpu.dynamic_gather %gather3A_2727[%gather3A_3048] in [0] : vector<16xf32>, vector<16xi32> -> vector<16xf32>
      %swap3A_3050 = arith.constant 0 : i32
      %swap3A_3051 = arith.index_cast %select_n3A_2665 : i32 to index
      %swap3A_3052 = arith.index_cast %swap3A_3050 : i32 to index
      %swap3A_3053 = arith.constant 64 : index
      %swap3A_3054 = tpu.vector_load %arg12[%swap3A_3051, %swap3A_3052, %swap3A_3053] {strides = array<i32>} : memref<8x8x128xf32, #tpu.memory_space<vmem>>, vector<16xf32>,
      tpu.vector_store %arg12[%swap3A_3051, %swap3A_3052, %swap3A_3053], %gather3A_3049 {strides = array<i32>} : memref<8x8x128xf32, #tpu.memory_space<vmem>>, vector<16xf32>,
      %broadcast_in_dim3A_3055 = vector.shape_cast %get3A_3046 : vector<16xi32> to vector<16x1xi32>
      %gather3A_3056 = vector.shape_cast %broadcast_in_dim3A_3055 : vector<16x1xi32> to vector<16xi32>
      %gather3A_3057 = tpu.dynamic_gather %gather3A_2731[%gather3A_3056] in [0] : vector<16xf32>, vector<16xi32> -> vector<16xf32>
      %swap3A_3058 = arith.constant 1 : i32
      %swap3A_3059 = arith.index_cast %select_n3A_2665 : i32 to index
      %swap3A_3060 = arith.index_cast %swap3A_3058 : i32 to index
      %swap3A_3061 = arith.constant 64 : index
      %swap3A_3062 = tpu.vector_load %arg12[%swap3A_3059, %swap3A_3060, %swap3A_3061] {strides = array<i32>} : memref<8x8x128xf32, #tpu.memory_space<vmem>>, vector<16xf32>,
      tpu.vector_store %arg12[%swap3A_3059, %swap3A_3060, %swap3A_3061], %gather3A_3057 {strides = array<i32>} : memref<8x8x128xf32, #tpu.memory_space<vmem>>, vector<16xf32>,
      %broadcast_in_dim3A_3063 = vector.shape_cast %get3A_3046 : vector<16xi32> to vector<16x1xi32>
      %gather3A_3064 = vector.shape_cast %broadcast_in_dim3A_3063 : vector<16x1xi32> to vector<16xi32>
      %gather3A_3065 = tpu.dynamic_gather %gather3A_2735[%gather3A_3064] in [0] : vector<16xf32>, vector<16xi32> -> vector<16xf32>
      %swap3A_3066 = arith.constant 2 : i32
      %swap3A_3067 = arith.index_cast %select_n3A_2665 : i32 to index
      %swap3A_3068 = arith.index_cast %swap3A_3066 : i32 to index
      %swap3A_3069 = arith.constant 64 : index
      %swap3A_3070 = tpu.vector_load %arg12[%swap3A_3067, %swap3A_3068, %swap3A_3069] {strides = array<i32>} : memref<8x8x128xf32, #tpu.memory_space<vmem>>, vector<16xf32>,
      tpu.vector_store %arg12[%swap3A_3067, %swap3A_3068, %swap3A_3069], %gather3A_3065 {strides = array<i32>} : memref<8x8x128xf32, #tpu.memory_space<vmem>>, vector<16xf32>,
      %broadcast_in_dim3A_3071 = vector.shape_cast %get3A_3046 : vector<16xi32> to vector<16x1xi32>
      %gather3A_3072 = vector.shape_cast %broadcast_in_dim3A_3071 : vector<16x1xi32> to vector<16xi32>
      %gather3A_3073 = tpu.dynamic_gather %gather3A_2739[%gather3A_3072] in [0] : vector<16xf32>, vector<16xi32> -> vector<16xf32>
      %swap3A_3074 = arith.constant 3 : i32
      %swap3A_3075 = arith.index_cast %select_n3A_2665 : i32 to index
      %swap3A_3076 = arith.index_cast %swap3A_3074 : i32 to index
      %swap3A_3077 = arith.constant 64 : index
      %swap3A_3078 = tpu.vector_load %arg12[%swap3A_3075, %swap3A_3076, %swap3A_3077] {strides = array<i32>} : memref<8x8x128xf32, #tpu.memory_space<vmem>>, vector<16xf32>,
      tpu.vector_store %arg12[%swap3A_3075, %swap3A_3076, %swap3A_3077], %gather3A_3073 {strides = array<i32>} : memref<8x8x128xf32, #tpu.memory_space<vmem>>, vector<16xf32>,
      %broadcast_in_dim3A_3079 = vector.shape_cast %get3A_3046 : vector<16xi32> to vector<16x1xi32>
      %gather3A_3080 = vector.shape_cast %broadcast_in_dim3A_3079 : vector<16x1xi32> to vector<16xi32>
      %gather3A_3081 = tpu.dynamic_gather %gather3A_2743[%gather3A_3080] in [0] : vector<16xf32>, vector<16xi32> -> vector<16xf32>
      %swap3A_3082 = arith.constant 4 : i32
      %swap3A_3083 = arith.index_cast %select_n3A_2665 : i32 to index
      %swap3A_3084 = arith.index_cast %swap3A_3082 : i32 to index
      %swap3A_3085 = arith.constant 64 : index
      %swap3A_3086 = tpu.vector_load %arg12[%swap3A_3083, %swap3A_3084, %swap3A_3085] {strides = array<i32>} : memref<8x8x128xf32, #tpu.memory_space<vmem>>, vector<16xf32>,
      tpu.vector_store %arg12[%swap3A_3083, %swap3A_3084, %swap3A_3085], %gather3A_3081 {strides = array<i32>} : memref<8x8x128xf32, #tpu.memory_space<vmem>>, vector<16xf32>,
      %broadcast_in_dim3A_3087 = vector.shape_cast %get3A_3046 : vector<16xi32> to vector<16x1xi32>
      %gather3A_3088 = vector.shape_cast %broadcast_in_dim3A_3087 : vector<16x1xi32> to vector<16xi32>
      %gather3A_3089 = tpu.dynamic_gather %gather3A_2747[%gather3A_3088] in [0] : vector<16xf32>, vector<16xi32> -> vector<16xf32>
      %swap3A_3090 = arith.constant 5 : i32
      %swap3A_3091 = arith.index_cast %select_n3A_2665 : i32 to index
      %swap3A_3092 = arith.index_cast %swap3A_3090 : i32 to index
      %swap3A_3093 = arith.constant 64 : index
      %swap3A_3094 = tpu.vector_load %arg12[%swap3A_3091, %swap3A_3092, %swap3A_3093] {strides = array<i32>} : memref<8x8x128xf32, #tpu.memory_space<vmem>>, vector<16xf32>,
      tpu.vector_store %arg12[%swap3A_3091, %swap3A_3092, %swap3A_3093], %gather3A_3089 {strides = array<i32>} : memref<8x8x128xf32, #tpu.memory_space<vmem>>, vector<16xf32>,
      %broadcast_in_dim3A_3095 = vector.shape_cast %get3A_3046 : vector<16xi32> to vector<16x1xi32>
      %gather3A_3096 = vector.shape_cast %broadcast_in_dim3A_3095 : vector<16x1xi32> to vector<16xi32>
      %gather3A_3097 = tpu.dynamic_gather %gather3A_2751[%gather3A_3096] in [0] : vector<16xf32>, vector<16xi32> -> vector<16xf32>
      %swap3A_3098 = arith.constant 6 : i32
      %swap3A_3099 = arith.index_cast %select_n3A_2665 : i32 to index
      %swap3A_3100 = arith.index_cast %swap3A_3098 : i32 to index
      %swap3A_3101 = arith.constant 64 : index
      %swap3A_3102 = tpu.vector_load %arg12[%swap3A_3099, %swap3A_3100, %swap3A_3101] {strides = array<i32>} : memref<8x8x128xf32, #tpu.memory_space<vmem>>, vector<16xf32>,
      tpu.vector_store %arg12[%swap3A_3099, %swap3A_3100, %swap3A_3101], %gather3A_3097 {strides = array<i32>} : memref<8x8x128xf32, #tpu.memory_space<vmem>>, vector<16xf32>,
      %broadcast_in_dim3A_3103 = vector.shape_cast %get3A_3046 : vector<16xi32> to vector<16x1xi32>
      %gather3A_3104 = vector.shape_cast %broadcast_in_dim3A_3103 : vector<16x1xi32> to vector<16xi32>
      %gather3A_3105 = tpu.dynamic_gather %gather3A_2755[%gather3A_3104] in [0] : vector<16xf32>, vector<16xi32> -> vector<16xf32>
      %swap3A_3106 = arith.constant 7 : i32
      %swap3A_3107 = arith.index_cast %select_n3A_2665 : i32 to index
      %swap3A_3108 = arith.index_cast %swap3A_3106 : i32 to index
      %swap3A_3109 = arith.constant 64 : index
      %swap3A_3110 = tpu.vector_load %arg12[%swap3A_3107, %swap3A_3108, %swap3A_3109] {strides = array<i32>} : memref<8x8x128xf32, #tpu.memory_space<vmem>>, vector<16xf32>,
      tpu.vector_store %arg12[%swap3A_3107, %swap3A_3108, %swap3A_3109], %gather3A_3105 {strides = array<i32>} : memref<8x8x128xf32, #tpu.memory_space<vmem>>, vector<16xf32>,
      %mul3A_3111 = arith.constant 128 : i32
      %mul3A_3112 = arith.muli %select_n3A_2649, %mul3A_3111 : i32
      %add3A_3113 = arith.constant 80 : i32
      %add3A_3114 = arith.addi %mul3A_3112, %add3A_3113 : i32
      %get3A_3115 = arith.index_cast %select_n3A_2593 : i32 to index
      %get3A_3116 = arith.index_cast %add3A_3114 : i32 to index
      %get3A_3117 = tpu.vector_load %arg7[%get3A_3115, %get3A_3116] {strides = array<i32>} : memref<26x512xi32, #tpu.memory_space<vmem>>, vector<16xi32>,
      %broadcast_in_dim3A_3118 = vector.shape_cast %get3A_3117 : vector<16xi32> to vector<16x1xi32>
      %gather3A_3119 = vector.shape_cast %broadcast_in_dim3A_3118 : vector<16x1xi32> to vector<16xi32>
      %gather3A_3120 = tpu.dynamic_gather %gather3A_2727[%gather3A_3119] in [0] : vector<16xf32>, vector<16xi32> -> vector<16xf32>
      %swap3A_3121 = arith.constant 0 : i32
      %swap3A_3122 = arith.index_cast %select_n3A_2665 : i32 to index
      %swap3A_3123 = arith.index_cast %swap3A_3121 : i32 to index
      %swap3A_3124 = arith.constant 80 : index
      %swap3A_3125 = tpu.vector_load %arg12[%swap3A_3122, %swap3A_3123, %swap3A_3124] {strides = array<i32>} : memref<8x8x128xf32, #tpu.memory_space<vmem>>, vector<16xf32>,
      tpu.vector_store %arg12[%swap3A_3122, %swap3A_3123, %swap3A_3124], %gather3A_3120 {strides = array<i32>} : memref<8x8x128xf32, #tpu.memory_space<vmem>>, vector<16xf32>,
      %broadcast_in_dim3A_3126 = vector.shape_cast %get3A_3117 : vector<16xi32> to vector<16x1xi32>
      %gather3A_3127 = vector.shape_cast %broadcast_in_dim3A_3126 : vector<16x1xi32> to vector<16xi32>
      %gather3A_3128 = tpu.dynamic_gather %gather3A_2731[%gather3A_3127] in [0] : vector<16xf32>, vector<16xi32> -> vector<16xf32>
      %swap3A_3129 = arith.constant 1 : i32
      %swap3A_3130 = arith.index_cast %select_n3A_2665 : i32 to index
      %swap3A_3131 = arith.index_cast %swap3A_3129 : i32 to index
      %swap3A_3132 = arith.constant 80 : index
      %swap3A_3133 = tpu.vector_load %arg12[%swap3A_3130, %swap3A_3131, %swap3A_3132] {strides = array<i32>} : memref<8x8x128xf32, #tpu.memory_space<vmem>>, vector<16xf32>,
      tpu.vector_store %arg12[%swap3A_3130, %swap3A_3131, %swap3A_3132], %gather3A_3128 {strides = array<i32>} : memref<8x8x128xf32, #tpu.memory_space<vmem>>, vector<16xf32>,
      %broadcast_in_dim3A_3134 = vector.shape_cast %get3A_3117 : vector<16xi32> to vector<16x1xi32>
      %gather3A_3135 = vector.shape_cast %broadcast_in_dim3A_3134 : vector<16x1xi32> to vector<16xi32>
      %gather3A_3136 = tpu.dynamic_gather %gather3A_2735[%gather3A_3135] in [0] : vector<16xf32>, vector<16xi32> -> vector<16xf32>
      %swap3A_3137 = arith.constant 2 : i32
      %swap3A_3138 = arith.index_cast %select_n3A_2665 : i32 to index
      %swap3A_3139 = arith.index_cast %swap3A_3137 : i32 to index
      %swap3A_3140 = arith.constant 80 : index
      %swap3A_3141 = tpu.vector_load %arg12[%swap3A_3138, %swap3A_3139, %swap3A_3140] {strides = array<i32>} : memref<8x8x128xf32, #tpu.memory_space<vmem>>, vector<16xf32>,
      tpu.vector_store %arg12[%swap3A_3138, %swap3A_3139, %swap3A_3140], %gather3A_3136 {strides = array<i32>} : memref<8x8x128xf32, #tpu.memory_space<vmem>>, vector<16xf32>,
      %broadcast_in_dim3A_3142 = vector.shape_cast %get3A_3117 : vector<16xi32> to vector<16x1xi32>
      %gather3A_3143 = vector.shape_cast %broadcast_in_dim3A_3142 : vector<16x1xi32> to vector<16xi32>
      %gather3A_3144 = tpu.dynamic_gather %gather3A_2739[%gather3A_3143] in [0] : vector<16xf32>, vector<16xi32> -> vector<16xf32>
      %swap3A_3145 = arith.constant 3 : i32
      %swap3A_3146 = arith.index_cast %select_n3A_2665 : i32 to index
      %swap3A_3147 = arith.index_cast %swap3A_3145 : i32 to index
      %swap3A_3148 = arith.constant 80 : index
      %swap3A_3149 = tpu.vector_load %arg12[%swap3A_3146, %swap3A_3147, %swap3A_3148] {strides = array<i32>} : memref<8x8x128xf32, #tpu.memory_space<vmem>>, vector<16xf32>,
      tpu.vector_store %arg12[%swap3A_3146, %swap3A_3147, %swap3A_3148], %gather3A_3144 {strides = array<i32>} : memref<8x8x128xf32, #tpu.memory_space<vmem>>, vector<16xf32>,
      %broadcast_in_dim3A_3150 = vector.shape_cast %get3A_3117 : vector<16xi32> to vector<16x1xi32>
      %gather3A_3151 = vector.shape_cast %broadcast_in_dim3A_3150 : vector<16x1xi32> to vector<16xi32>
      %gather3A_3152 = tpu.dynamic_gather %gather3A_2743[%gather3A_3151] in [0] : vector<16xf32>, vector<16xi32> -> vector<16xf32>
      %swap3A_3153 = arith.constant 4 : i32
      %swap3A_3154 = arith.index_cast %select_n3A_2665 : i32 to index
      %swap3A_3155 = arith.index_cast %swap3A_3153 : i32 to index
      %swap3A_3156 = arith.constant 80 : index
      %swap3A_3157 = tpu.vector_load %arg12[%swap3A_3154, %swap3A_3155, %swap3A_3156] {strides = array<i32>} : memref<8x8x128xf32, #tpu.memory_space<vmem>>, vector<16xf32>,
      tpu.vector_store %arg12[%swap3A_3154, %swap3A_3155, %swap3A_3156], %gather3A_3152 {strides = array<i32>} : memref<8x8x128xf32, #tpu.memory_space<vmem>>, vector<16xf32>,
      %broadcast_in_dim3A_3158 = vector.shape_cast %get3A_3117 : vector<16xi32> to vector<16x1xi32>
      %gather3A_3159 = vector.shape_cast %broadcast_in_dim3A_3158 : vector<16x1xi32> to vector<16xi32>
      %gather3A_3160 = tpu.dynamic_gather %gather3A_2747[%gather3A_3159] in [0] : vector<16xf32>, vector<16xi32> -> vector<16xf32>
      %swap3A_3161 = arith.constant 5 : i32
      %swap3A_3162 = arith.index_cast %select_n3A_2665 : i32 to index
      %swap3A_3163 = arith.index_cast %swap3A_3161 : i32 to index
      %swap3A_3164 = arith.constant 80 : index
      %swap3A_3165 = tpu.vector_load %arg12[%swap3A_3162, %swap3A_3163, %swap3A_3164] {strides = array<i32>} : memref<8x8x128xf32, #tpu.memory_space<vmem>>, vector<16xf32>,
      tpu.vector_store %arg12[%swap3A_3162, %swap3A_3163, %swap3A_3164], %gather3A_3160 {strides = array<i32>} : memref<8x8x128xf32, #tpu.memory_space<vmem>>, vector<16xf32>,
      %broadcast_in_dim3A_3166 = vector.shape_cast %get3A_3117 : vector<16xi32> to vector<16x1xi32>
      %gather3A_3167 = vector.shape_cast %broadcast_in_dim3A_3166 : vector<16x1xi32> to vector<16xi32>
      %gather3A_3168 = tpu.dynamic_gather %gather3A_2751[%gather3A_3167] in [0] : vector<16xf32>, vector<16xi32> -> vector<16xf32>
      %swap3A_3169 = arith.constant 6 : i32
      %swap3A_3170 = arith.index_cast %select_n3A_2665 : i32 to index
      %swap3A_3171 = arith.index_cast %swap3A_3169 : i32 to index
      %swap3A_3172 = arith.constant 80 : index
      %swap3A_3173 = tpu.vector_load %arg12[%swap3A_3170, %swap3A_3171, %swap3A_3172] {strides = array<i32>} : memref<8x8x128xf32, #tpu.memory_space<vmem>>, vector<16xf32>,
      tpu.vector_store %arg12[%swap3A_3170, %swap3A_3171, %swap3A_3172], %gather3A_3168 {strides = array<i32>} : memref<8x8x128xf32, #tpu.memory_space<vmem>>, vector<16xf32>,
      %broadcast_in_dim3A_3174 = vector.shape_cast %get3A_3117 : vector<16xi32> to vector<16x1xi32>
      %gather3A_3175 = vector.shape_cast %broadcast_in_dim3A_3174 : vector<16x1xi32> to vector<16xi32>
      %gather3A_3176 = tpu.dynamic_gather %gather3A_2755[%gather3A_3175] in [0] : vector<16xf32>, vector<16xi32> -> vector<16xf32>
      %swap3A_3177 = arith.constant 7 : i32
      %swap3A_3178 = arith.index_cast %select_n3A_2665 : i32 to index
      %swap3A_3179 = arith.index_cast %swap3A_3177 : i32 to index
      %swap3A_3180 = arith.constant 80 : index
      %swap3A_3181 = tpu.vector_load %arg12[%swap3A_3178, %swap3A_3179, %swap3A_3180] {strides = array<i32>} : memref<8x8x128xf32, #tpu.memory_space<vmem>>, vector<16xf32>,
      tpu.vector_store %arg12[%swap3A_3178, %swap3A_3179, %swap3A_3180], %gather3A_3176 {strides = array<i32>} : memref<8x8x128xf32, #tpu.memory_space<vmem>>, vector<16xf32>,
      %mul3A_3182 = arith.constant 128 : i32
      %mul3A_3183 = arith.muli %select_n3A_2649, %mul3A_3182 : i32
      %add3A_3184 = arith.constant 96 : i32
      %add3A_3185 = arith.addi %mul3A_3183, %add3A_3184 : i32
      %get3A_3186 = arith.index_cast %select_n3A_2593 : i32 to index
      %get3A_3187 = arith.index_cast %add3A_3185 : i32 to index
      %get3A_3188 = tpu.vector_load %arg7[%get3A_3186, %get3A_3187] {strides = array<i32>} : memref<26x512xi32, #tpu.memory_space<vmem>>, vector<16xi32>,
      %broadcast_in_dim3A_3189 = vector.shape_cast %get3A_3188 : vector<16xi32> to vector<16x1xi32>
      %gather3A_3190 = vector.shape_cast %broadcast_in_dim3A_3189 : vector<16x1xi32> to vector<16xi32>
      %gather3A_3191 = tpu.dynamic_gather %gather3A_2727[%gather3A_3190] in [0] : vector<16xf32>, vector<16xi32> -> vector<16xf32>
      %swap3A_3192 = arith.constant 0 : i32
      %swap3A_3193 = arith.index_cast %select_n3A_2665 : i32 to index
      %swap3A_3194 = arith.index_cast %swap3A_3192 : i32 to index
      %swap3A_3195 = arith.constant 96 : index
      %swap3A_3196 = tpu.vector_load %arg12[%swap3A_3193, %swap3A_3194, %swap3A_3195] {strides = array<i32>} : memref<8x8x128xf32, #tpu.memory_space<vmem>>, vector<16xf32>,
      tpu.vector_store %arg12[%swap3A_3193, %swap3A_3194, %swap3A_3195], %gather3A_3191 {strides = array<i32>} : memref<8x8x128xf32, #tpu.memory_space<vmem>>, vector<16xf32>,
      %broadcast_in_dim3A_3197 = vector.shape_cast %get3A_3188 : vector<16xi32> to vector<16x1xi32>
      %gather3A_3198 = vector.shape_cast %broadcast_in_dim3A_3197 : vector<16x1xi32> to vector<16xi32>
      %gather3A_3199 = tpu.dynamic_gather %gather3A_2731[%gather3A_3198] in [0] : vector<16xf32>, vector<16xi32> -> vector<16xf32>
      %swap3A_3200 = arith.constant 1 : i32
      %swap3A_3201 = arith.index_cast %select_n3A_2665 : i32 to index
      %swap3A_3202 = arith.index_cast %swap3A_3200 : i32 to index
      %swap3A_3203 = arith.constant 96 : index
      %swap3A_3204 = tpu.vector_load %arg12[%swap3A_3201, %swap3A_3202, %swap3A_3203] {strides = array<i32>} : memref<8x8x128xf32, #tpu.memory_space<vmem>>, vector<16xf32>,
      tpu.vector_store %arg12[%swap3A_3201, %swap3A_3202, %swap3A_3203], %gather3A_3199 {strides = array<i32>} : memref<8x8x128xf32, #tpu.memory_space<vmem>>, vector<16xf32>,
      %broadcast_in_dim3A_3205 = vector.shape_cast %get3A_3188 : vector<16xi32> to vector<16x1xi32>
      %gather3A_3206 = vector.shape_cast %broadcast_in_dim3A_3205 : vector<16x1xi32> to vector<16xi32>
      %gather3A_3207 = tpu.dynamic_gather %gather3A_2735[%gather3A_3206] in [0] : vector<16xf32>, vector<16xi32> -> vector<16xf32>
      %swap3A_3208 = arith.constant 2 : i32
      %swap3A_3209 = arith.index_cast %select_n3A_2665 : i32 to index
      %swap3A_3210 = arith.index_cast %swap3A_3208 : i32 to index
      %swap3A_3211 = arith.constant 96 : index
      %swap3A_3212 = tpu.vector_load %arg12[%swap3A_3209, %swap3A_3210, %swap3A_3211] {strides = array<i32>} : memref<8x8x128xf32, #tpu.memory_space<vmem>>, vector<16xf32>,
      tpu.vector_store %arg12[%swap3A_3209, %swap3A_3210, %swap3A_3211], %gather3A_3207 {strides = array<i32>} : memref<8x8x128xf32, #tpu.memory_space<vmem>>, vector<16xf32>,
      %broadcast_in_dim3A_3213 = vector.shape_cast %get3A_3188 : vector<16xi32> to vector<16x1xi32>
      %gather3A_3214 = vector.shape_cast %broadcast_in_dim3A_3213 : vector<16x1xi32> to vector<16xi32>
      %gather3A_3215 = tpu.dynamic_gather %gather3A_2739[%gather3A_3214] in [0] : vector<16xf32>, vector<16xi32> -> vector<16xf32>
      %swap3A_3216 = arith.constant 3 : i32
      %swap3A_3217 = arith.index_cast %select_n3A_2665 : i32 to index
      %swap3A_3218 = arith.index_cast %swap3A_3216 : i32 to index
      %swap3A_3219 = arith.constant 96 : index
      %swap3A_3220 = tpu.vector_load %arg12[%swap3A_3217, %swap3A_3218, %swap3A_3219] {strides = array<i32>} : memref<8x8x128xf32, #tpu.memory_space<vmem>>, vector<16xf32>,
      tpu.vector_store %arg12[%swap3A_3217, %swap3A_3218, %swap3A_3219], %gather3A_3215 {strides = array<i32>} : memref<8x8x128xf32, #tpu.memory_space<vmem>>, vector<16xf32>,
      %broadcast_in_dim3A_3221 = vector.shape_cast %get3A_3188 : vector<16xi32> to vector<16x1xi32>
      %gather3A_3222 = vector.shape_cast %broadcast_in_dim3A_3221 : vector<16x1xi32> to vector<16xi32>
      %gather3A_3223 = tpu.dynamic_gather %gather3A_2743[%gather3A_3222] in [0] : vector<16xf32>, vector<16xi32> -> vector<16xf32>
      %swap3A_3224 = arith.constant 4 : i32
      %swap3A_3225 = arith.index_cast %select_n3A_2665 : i32 to index
      %swap3A_3226 = arith.index_cast %swap3A_3224 : i32 to index
      %swap3A_3227 = arith.constant 96 : index
      %swap3A_3228 = tpu.vector_load %arg12[%swap3A_3225, %swap3A_3226, %swap3A_3227] {strides = array<i32>} : memref<8x8x128xf32, #tpu.memory_space<vmem>>, vector<16xf32>,
      tpu.vector_store %arg12[%swap3A_3225, %swap3A_3226, %swap3A_3227], %gather3A_3223 {strides = array<i32>} : memref<8x8x128xf32, #tpu.memory_space<vmem>>, vector<16xf32>,
      %broadcast_in_dim3A_3229 = vector.shape_cast %get3A_3188 : vector<16xi32> to vector<16x1xi32>
      %gather3A_3230 = vector.shape_cast %broadcast_in_dim3A_3229 : vector<16x1xi32> to vector<16xi32>
      %gather3A_3231 = tpu.dynamic_gather %gather3A_2747[%gather3A_3230] in [0] : vector<16xf32>, vector<16xi32> -> vector<16xf32>
      %swap3A_3232 = arith.constant 5 : i32
      %swap3A_3233 = arith.index_cast %select_n3A_2665 : i32 to index
      %swap3A_3234 = arith.index_cast %swap3A_3232 : i32 to index
      %swap3A_3235 = arith.constant 96 : index
      %swap3A_3236 = tpu.vector_load %arg12[%swap3A_3233, %swap3A_3234, %swap3A_3235] {strides = array<i32>} : memref<8x8x128xf32, #tpu.memory_space<vmem>>, vector<16xf32>,
      tpu.vector_store %arg12[%swap3A_3233, %swap3A_3234, %swap3A_3235], %gather3A_3231 {strides = array<i32>} : memref<8x8x128xf32, #tpu.memory_space<vmem>>, vector<16xf32>,
      %broadcast_in_dim3A_3237 = vector.shape_cast %get3A_3188 : vector<16xi32> to vector<16x1xi32>
      %gather3A_3238 = vector.shape_cast %broadcast_in_dim3A_3237 : vector<16x1xi32> to vector<16xi32>
      %gather3A_3239 = tpu.dynamic_gather %gather3A_2751[%gather3A_3238] in [0] : vector<16xf32>, vector<16xi32> -> vector<16xf32>
      %swap3A_3240 = arith.constant 6 : i32
      %swap3A_3241 = arith.index_cast %select_n3A_2665 : i32 to index
      %swap3A_3242 = arith.index_cast %swap3A_3240 : i32 to index
      %swap3A_3243 = arith.constant 96 : index
      %swap3A_3244 = tpu.vector_load %arg12[%swap3A_3241, %swap3A_3242, %swap3A_3243] {strides = array<i32>} : memref<8x8x128xf32, #tpu.memory_space<vmem>>, vector<16xf32>,
      tpu.vector_store %arg12[%swap3A_3241, %swap3A_3242, %swap3A_3243], %gather3A_3239 {strides = array<i32>} : memref<8x8x128xf32, #tpu.memory_space<vmem>>, vector<16xf32>,
      %broadcast_in_dim3A_3245 = vector.shape_cast %get3A_3188 : vector<16xi32> to vector<16x1xi32>
      %gather3A_3246 = vector.shape_cast %broadcast_in_dim3A_3245 : vector<16x1xi32> to vector<16xi32>
      %gather3A_3247 = tpu.dynamic_gather %gather3A_2755[%gather3A_3246] in [0] : vector<16xf32>, vector<16xi32> -> vector<16xf32>
      %swap3A_3248 = arith.constant 7 : i32
      %swap3A_3249 = arith.index_cast %select_n3A_2665 : i32 to index
      %swap3A_3250 = arith.index_cast %swap3A_3248 : i32 to index
      %swap3A_3251 = arith.constant 96 : index
      %swap3A_3252 = tpu.vector_load %arg12[%swap3A_3249, %swap3A_3250, %swap3A_3251] {strides = array<i32>} : memref<8x8x128xf32, #tpu.memory_space<vmem>>, vector<16xf32>,
      tpu.vector_store %arg12[%swap3A_3249, %swap3A_3250, %swap3A_3251], %gather3A_3247 {strides = array<i32>} : memref<8x8x128xf32, #tpu.memory_space<vmem>>, vector<16xf32>,
      %mul3A_3253 = arith.constant 128 : i32
      %mul3A_3254 = arith.muli %select_n3A_2649, %mul3A_3253 : i32
      %add3A_3255 = arith.constant 112 : i32
      %add3A_3256 = arith.addi %mul3A_3254, %add3A_3255 : i32
      %get3A_3257 = arith.index_cast %select_n3A_2593 : i32 to index
      %get3A_3258 = arith.index_cast %add3A_3256 : i32 to index
      %get3A_3259 = tpu.vector_load %arg7[%get3A_3257, %get3A_3258] {strides = array<i32>} : memref<26x512xi32, #tpu.memory_space<vmem>>, vector<16xi32>,
      %broadcast_in_dim3A_3260 = vector.shape_cast %get3A_3259 : vector<16xi32> to vector<16x1xi32>
      %gather3A_3261 = vector.shape_cast %broadcast_in_dim3A_3260 : vector<16x1xi32> to vector<16xi32>
      %gather3A_3262 = tpu.dynamic_gather %gather3A_2727[%gather3A_3261] in [0] : vector<16xf32>, vector<16xi32> -> vector<16xf32>
      %swap3A_3263 = arith.constant 0 : i32
      %swap3A_3264 = arith.index_cast %select_n3A_2665 : i32 to index
      %swap3A_3265 = arith.index_cast %swap3A_3263 : i32 to index
      %swap3A_3266 = arith.constant 112 : index
      %swap3A_3267 = tpu.vector_load %arg12[%swap3A_3264, %swap3A_3265, %swap3A_3266] {strides = array<i32>} : memref<8x8x128xf32, #tpu.memory_space<vmem>>, vector<16xf32>,
      tpu.vector_store %arg12[%swap3A_3264, %swap3A_3265, %swap3A_3266], %gather3A_3262 {strides = array<i32>} : memref<8x8x128xf32, #tpu.memory_space<vmem>>, vector<16xf32>,
      %broadcast_in_dim3A_3268 = vector.shape_cast %get3A_3259 : vector<16xi32> to vector<16x1xi32>
      %gather3A_3269 = vector.shape_cast %broadcast_in_dim3A_3268 : vector<16x1xi32> to vector<16xi32>
      %gather3A_3270 = tpu.dynamic_gather %gather3A_2731[%gather3A_3269] in [0] : vector<16xf32>, vector<16xi32> -> vector<16xf32>
      %swap3A_3271 = arith.constant 1 : i32
      %swap3A_3272 = arith.index_cast %select_n3A_2665 : i32 to index
      %swap3A_3273 = arith.index_cast %swap3A_3271 : i32 to index
      %swap3A_3274 = arith.constant 112 : index
      %swap3A_3275 = tpu.vector_load %arg12[%swap3A_3272, %swap3A_3273, %swap3A_3274] {strides = array<i32>} : memref<8x8x128xf32, #tpu.memory_space<vmem>>, vector<16xf32>,
      tpu.vector_store %arg12[%swap3A_3272, %swap3A_3273, %swap3A_3274], %gather3A_3270 {strides = array<i32>} : memref<8x8x128xf32, #tpu.memory_space<vmem>>, vector<16xf32>,
      %broadcast_in_dim3A_3276 = vector.shape_cast %get3A_3259 : vector<16xi32> to vector<16x1xi32>
      %gather3A_3277 = vector.shape_cast %broadcast_in_dim3A_3276 : vector<16x1xi32> to vector<16xi32>
      %gather3A_3278 = tpu.dynamic_gather %gather3A_2735[%gather3A_3277] in [0] : vector<16xf32>, vector<16xi32> -> vector<16xf32>
      %swap3A_3279 = arith.constant 2 : i32
      %swap3A_3280 = arith.index_cast %select_n3A_2665 : i32 to index
      %swap3A_3281 = arith.index_cast %swap3A_3279 : i32 to index
      %swap3A_3282 = arith.constant 112 : index
      %swap3A_3283 = tpu.vector_load %arg12[%swap3A_3280, %swap3A_3281, %swap3A_3282] {strides = array<i32>} : memref<8x8x128xf32, #tpu.memory_space<vmem>>, vector<16xf32>,
      tpu.vector_store %arg12[%swap3A_3280, %swap3A_3281, %swap3A_3282], %gather3A_3278 {strides = array<i32>} : memref<8x8x128xf32, #tpu.memory_space<vmem>>, vector<16xf32>,
      %broadcast_in_dim3A_3284 = vector.shape_cast %get3A_3259 : vector<16xi32> to vector<16x1xi32>
      %gather3A_3285 = vector.shape_cast %broadcast_in_dim3A_3284 : vector<16x1xi32> to vector<16xi32>
      %gather3A_3286 = tpu.dynamic_gather %gather3A_2739[%gather3A_3285] in [0] : vector<16xf32>, vector<16xi32> -> vector<16xf32>
      %swap3A_3287 = arith.constant 3 : i32
      %swap3A_3288 = arith.index_cast %select_n3A_2665 : i32 to index
      %swap3A_3289 = arith.index_cast %swap3A_3287 : i32 to index
      %swap3A_3290 = arith.constant 112 : index
      %swap3A_3291 = tpu.vector_load %arg12[%swap3A_3288, %swap3A_3289, %swap3A_3290] {strides = array<i32>} : memref<8x8x128xf32, #tpu.memory_space<vmem>>, vector<16xf32>,
      tpu.vector_store %arg12[%swap3A_3288, %swap3A_3289, %swap3A_3290], %gather3A_3286 {strides = array<i32>} : memref<8x8x128xf32, #tpu.memory_space<vmem>>, vector<16xf32>,
      %broadcast_in_dim3A_3292 = vector.shape_cast %get3A_3259 : vector<16xi32> to vector<16x1xi32>
      %gather3A_3293 = vector.shape_cast %broadcast_in_dim3A_3292 : vector<16x1xi32> to vector<16xi32>
      %gather3A_3294 = tpu.dynamic_gather %gather3A_2743[%gather3A_3293] in [0] : vector<16xf32>, vector<16xi32> -> vector<16xf32>
      %swap3A_3295 = arith.constant 4 : i32
      %swap3A_3296 = arith.index_cast %select_n3A_2665 : i32 to index
      %swap3A_3297 = arith.index_cast %swap3A_3295 : i32 to index
      %swap3A_3298 = arith.constant 112 : index
      %swap3A_3299 = tpu.vector_load %arg12[%swap3A_3296, %swap3A_3297, %swap3A_3298] {strides = array<i32>} : memref<8x8x128xf32, #tpu.memory_space<vmem>>, vector<16xf32>,
      tpu.vector_store %arg12[%swap3A_3296, %swap3A_3297, %swap3A_3298], %gather3A_3294 {strides = array<i32>} : memref<8x8x128xf32, #tpu.memory_space<vmem>>, vector<16xf32>,
      %broadcast_in_dim3A_3300 = vector.shape_cast %get3A_3259 : vector<16xi32> to vector<16x1xi32>
      %gather3A_3301 = vector.shape_cast %broadcast_in_dim3A_3300 : vector<16x1xi32> to vector<16xi32>
      %gather3A_3302 = tpu.dynamic_gather %gather3A_2747[%gather3A_3301] in [0] : vector<16xf32>, vector<16xi32> -> vector<16xf32>
      %swap3A_3303 = arith.constant 5 : i32
      %swap3A_3304 = arith.index_cast %select_n3A_2665 : i32 to index
      %swap3A_3305 = arith.index_cast %swap3A_3303 : i32 to index
      %swap3A_3306 = arith.constant 112 : index
      %swap3A_3307 = tpu.vector_load %arg12[%swap3A_3304, %swap3A_3305, %swap3A_3306] {strides = array<i32>} : memref<8x8x128xf32, #tpu.memory_space<vmem>>, vector<16xf32>,
      tpu.vector_store %arg12[%swap3A_3304, %swap3A_3305, %swap3A_3306], %gather3A_3302 {strides = array<i32>} : memref<8x8x128xf32, #tpu.memory_space<vmem>>, vector<16xf32>,
      %broadcast_in_dim3A_3308 = vector.shape_cast %get3A_3259 : vector<16xi32> to vector<16x1xi32>
      %gather3A_3309 = vector.shape_cast %broadcast_in_dim3A_3308 : vector<16x1xi32> to vector<16xi32>
      %gather3A_3310 = tpu.dynamic_gather %gather3A_2751[%gather3A_3309] in [0] : vector<16xf32>, vector<16xi32> -> vector<16xf32>
      %swap3A_3311 = arith.constant 6 : i32
      %swap3A_3312 = arith.index_cast %select_n3A_2665 : i32 to index
      %swap3A_3313 = arith.index_cast %swap3A_3311 : i32 to index
      %swap3A_3314 = arith.constant 112 : index
      %swap3A_3315 = tpu.vector_load %arg12[%swap3A_3312, %swap3A_3313, %swap3A_3314] {strides = array<i32>} : memref<8x8x128xf32, #tpu.memory_space<vmem>>, vector<16xf32>,
      tpu.vector_store %arg12[%swap3A_3312, %swap3A_3313, %swap3A_3314], %gather3A_3310 {strides = array<i32>} : memref<8x8x128xf32, #tpu.memory_space<vmem>>, vector<16xf32>,
      %broadcast_in_dim3A_3316 = vector.shape_cast %get3A_3259 : vector<16xi32> to vector<16x1xi32>
      %gather3A_3317 = vector.shape_cast %broadcast_in_dim3A_3316 : vector<16x1xi32> to vector<16xi32>
      %gather3A_3318 = tpu.dynamic_gather %gather3A_2755[%gather3A_3317] in [0] : vector<16xf32>, vector<16xi32> -> vector<16xf32>
      %swap3A_3319 = arith.constant 7 : i32
      %swap3A_3320 = arith.index_cast %select_n3A_2665 : i32 to index
      %swap3A_3321 = arith.index_cast %swap3A_3319 : i32 to index
      %swap3A_3322 = arith.constant 112 : index
      %swap3A_3323 = tpu.vector_load %arg12[%swap3A_3320, %swap3A_3321, %swap3A_3322] {strides = array<i32>} : memref<8x8x128xf32, #tpu.memory_space<vmem>>, vector<16xf32>,
      tpu.vector_store %arg12[%swap3A_3320, %swap3A_3321, %swap3A_3322], %gather3A_3318 {strides = array<i32>} : memref<8x8x128xf32, #tpu.memory_space<vmem>>, vector<16xf32>,
      %jit3A_3324 = arith.constant 2 : i32
      %eq3A_3325 = arith.constant 0 : i32
      %eq3A_3326 = arith.cmpi eq, %jit3A_3324, %eq3A_3325 : i32
      %jit3A_3327 = arith.constant 1 : i32
      %select_n3A_3328 = arith.select %eq3A_3326, %jit3A_3327, %jit3A_3324 : i32
      %rem3A_3329 = arith.remsi %scan3A_2569, %select_n3A_3328 : i32
      %ne3A_3330 = arith.constant 0 : i32
      %ne3A_3331 = arith.cmpi ne, %rem3A_3329, %ne3A_3330 : i32
      %lt3A_3332 = arith.constant 0 : i32
      %lt3A_3333 = arith.cmpi slt, %rem3A_3329, %lt3A_3332 : i32
      %lt3A_3334 = arith.constant 0 : i32
      %lt3A_3335 = arith.cmpi slt, %select_n3A_3328, %lt3A_3334 : i32
      %ne3A_3336 = arith.xori %lt3A_3333, %lt3A_3335 : i1
      %and3A_3337 = arith.andi %ne3A_3336, %ne3A_3331 : i1
      %add3A_3338 = arith.addi %rem3A_3329, %select_n3A_3328 : i32
      %select_n3A_3339 = arith.select %and3A_3337, %add3A_3338, %rem3A_3329 : i32
      %eq3A_3340 = arith.constant 0 : i32
      %eq3A_3341 = arith.cmpi eq, %select_n3A_3339, %eq3A_3340 : i32
      %convert_element_type3A_3342 = arith.extui %eq3A_3341 : i1 to i32
      %cond3A_3343 = arith.constant 0 : i32
      %cond3A_3344 = arith.cmpi ne, %convert_element_type3A_3342, %cond3A_3343 : i32
      scf.if %cond3A_3344 {
        %jit3A_3367 = arith.constant 128 : i32
        %div3A_3368 = arith.divsi %mul3A_2, %jit3A_3367 : i32
        %sign3A_3369 = arith.constant 0 : i32
        %sign3A_3370 = arith.cmpi sgt, %mul3A_2, %sign3A_3369 : i32
        %sign3A_3371 = arith.extui %sign3A_3370 : i1 to i32
        %sign3A_3372 = arith.constant 0 : i32
        %sign3A_3373 = arith.cmpi slt, %mul3A_2, %sign3A_3372 : i32
        %sign3A_3374 = arith.extui %sign3A_3373 : i1 to i32
        %sign3A_3375 = arith.subi %sign3A_3371, %sign3A_3374 : i32
        %sign3A_3376 = arith.constant 0 : i32
        %sign3A_3377 = arith.cmpi sgt, %jit3A_3367, %sign3A_3376 : i32
        %sign3A_3378 = arith.extui %sign3A_3377 : i1 to i32
        %sign3A_3379 = arith.constant 0 : i32
        %sign3A_3380 = arith.cmpi slt, %jit3A_3367, %sign3A_3379 : i32
        %sign3A_3381 = arith.extui %sign3A_3380 : i1 to i32
        %sign3A_3382 = arith.subi %sign3A_3378, %sign3A_3381 : i32
        %ne3A_3383 = arith.cmpi ne, %sign3A_3375, %sign3A_3382 : i32
        %rem3A_3384 = arith.remsi %mul3A_2, %jit3A_3367 : i32
        %ne3A_3385 = arith.constant 0 : i32
        %ne3A_3386 = arith.cmpi ne, %rem3A_3384, %ne3A_3385 : i32
        %and3A_3387 = arith.andi %ne3A_3383, %ne3A_3386 : i1
        %sub3A_3388 = arith.constant 1 : i32
        %sub3A_3389 = arith.subi %div3A_3368, %sub3A_3388 : i32
        %select_n3A_3390 = arith.select %and3A_3387, %sub3A_3389, %div3A_3368 : i32
        %add3A_3391 = arith.addi %select_n3A_3390, %select_n3A_2649 : i32
        %dma_start3A_3392 = arith.constant 0 : i32
        %dma_start3A_3393 = arith.constant 0 : i32
        %dma_start3A_3394 = tpu.memref_slice %arg12[%select_n3A_2665, %dma_start3A_3392, %dma_start3A_3393] : memref<8x8x128xf32, #tpu.memory_space<vmem>> -> memref<1x8x128xf32, #tpu.memory_space<vmem>>
        %dma_start3A_3395 = tpu.memref_squeeze %dma_start3A_3394 : memref<1x8x128xf32, #tpu.memory_space<vmem>> -> memref<8x128xf32, #tpu.memory_space<vmem>>
        %dma_start3A_3396 = arith.constant 0 : i32
        %dma_start3A_3397 = arith.constant 0 : i32
        %dma_start3A_3398 = tpu.memref_slice %arg6[%select_n3A_2593, %select_n3A_2633, %add3A_3391, %dma_start3A_3396, %dma_start3A_3397] : memref<26x8x128x8x128xf32, #tpu.memory_space<hbm>> -> memref<1x1x1x8x128xf32, #tpu.memory_space<hbm>>
        %dma_start3A_3399 = tpu.memref_squeeze %dma_start3A_3398 : memref<1x1x1x8x128xf32, #tpu.memory_space<hbm>> -> memref<8x128xf32, #tpu.memory_space<hbm>>
        %dma_start3A_3400 = arith.constant 0 : i32
        %dma_start3A_3401 = arith.constant 0 : i32
        %dma_start3A_3402 = tpu.memref_slice %arg6[%select_n3A_2593, %select_n3A_2633, %add3A_3391, %dma_start3A_3400, %dma_start3A_3401] : memref<26x8x128x8x128xf32, #tpu.memory_space<hbm>> -> memref<1x1x1x8x128xf32, #tpu.memory_space<hbm>>
        %dma_start3A_3403 = tpu.memref_squeeze %dma_start3A_3402 : memref<1x1x1x8x128xf32, #tpu.memory_space<hbm>> -> memref<8x128xf32, #tpu.memory_space<hbm>>
        %dma_start3A_3404 = arith.constant 0 : i32
        %dma_start3A_3405 = arith.constant 0 : i32
        %dma_start3A_3406 = tpu.memref_slice %arg12[%select_n3A_2665, %dma_start3A_3404, %dma_start3A_3405] : memref<8x8x128xf32, #tpu.memory_space<vmem>> -> memref<1x8x128xf32, #tpu.memory_space<vmem>>
        %dma_start3A_3407 = tpu.memref_squeeze %dma_start3A_3406 : memref<1x8x128xf32, #tpu.memory_space<vmem>> -> memref<8x128xf32, #tpu.memory_space<vmem>>
        tpu.enqueue_dma source(%dma_start3A_3407 : memref<8x128xf32, #tpu.memory_space<vmem>>) target(%dma_start3A_3403 : memref<8x128xf32, #tpu.memory_space<hbm>>) target_semaphore(%arg14 : memref<!tpu.dma_semaphore, #tpu.memory_space<semaphore_mem>>)
      } else {
      }
      %jit3A_3345 = arith.constant 2 : i32
      %eq3A_3346 = arith.constant 0 : i32
      %eq3A_3347 = arith.cmpi eq, %jit3A_3345, %eq3A_3346 : i32
      %jit3A_3348 = arith.constant 1 : i32
      %select_n3A_3349 = arith.select %eq3A_3347, %jit3A_3348, %jit3A_3345 : i32
      %rem3A_3350 = arith.remsi %scan3A_2569, %select_n3A_3349 : i32
      %ne3A_3351 = arith.constant 0 : i32
      %ne3A_3352 = arith.cmpi ne, %rem3A_3350, %ne3A_3351 : i32
      %lt3A_3353 = arith.constant 0 : i32
      %lt3A_3354 = arith.cmpi slt, %rem3A_3350, %lt3A_3353 : i32
      %lt3A_3355 = arith.constant 0 : i32
      %lt3A_3356 = arith.cmpi slt, %select_n3A_3349, %lt3A_3355 : i32
      %ne3A_3357 = arith.xori %lt3A_3354, %lt3A_3356 : i1
      %and3A_3358 = arith.andi %ne3A_3357, %ne3A_3352 : i1
      %add3A_3359 = arith.addi %rem3A_3350, %select_n3A_3349 : i32
      %select_n3A_3360 = arith.select %and3A_3358, %add3A_3359, %rem3A_3350 : i32
      %eq3A_3361 = arith.constant 1 : i32
      %eq3A_3362 = arith.cmpi eq, %select_n3A_3360, %eq3A_3361 : i32
      %convert_element_type3A_3363 = arith.extui %eq3A_3362 : i1 to i32
      %cond3A_3364 = arith.constant 0 : i32
      %cond3A_3365 = arith.cmpi ne, %convert_element_type3A_3363, %cond3A_3364 : i32
      scf.if %cond3A_3365 {
        %jit3A_3367 = arith.constant 128 : i32
        %div3A_3368 = arith.divsi %mul3A_2, %jit3A_3367 : i32
        %sign3A_3369 = arith.constant 0 : i32
        %sign3A_3370 = arith.cmpi sgt, %mul3A_2, %sign3A_3369 : i32
        %sign3A_3371 = arith.extui %sign3A_3370 : i1 to i32
        %sign3A_3372 = arith.constant 0 : i32
        %sign3A_3373 = arith.cmpi slt, %mul3A_2, %sign3A_3372 : i32
        %sign3A_3374 = arith.extui %sign3A_3373 : i1 to i32
        %sign3A_3375 = arith.subi %sign3A_3371, %sign3A_3374 : i32
        %sign3A_3376 = arith.constant 0 : i32
        %sign3A_3377 = arith.cmpi sgt, %jit3A_3367, %sign3A_3376 : i32
        %sign3A_3378 = arith.extui %sign3A_3377 : i1 to i32
        %sign3A_3379 = arith.constant 0 : i32
        %sign3A_3380 = arith.cmpi slt, %jit3A_3367, %sign3A_3379 : i32
        %sign3A_3381 = arith.extui %sign3A_3380 : i1 to i32
        %sign3A_3382 = arith.subi %sign3A_3378, %sign3A_3381 : i32
        %ne3A_3383 = arith.cmpi ne, %sign3A_3375, %sign3A_3382 : i32
        %rem3A_3384 = arith.remsi %mul3A_2, %jit3A_3367 : i32
        %ne3A_3385 = arith.constant 0 : i32
        %ne3A_3386 = arith.cmpi ne, %rem3A_3384, %ne3A_3385 : i32
        %and3A_3387 = arith.andi %ne3A_3383, %ne3A_3386 : i1
        %sub3A_3388 = arith.constant 1 : i32
        %sub3A_3389 = arith.subi %div3A_3368, %sub3A_3388 : i32
        %select_n3A_3390 = arith.select %and3A_3387, %sub3A_3389, %div3A_3368 : i32
        %add3A_3391 = arith.addi %select_n3A_3390, %select_n3A_2649 : i32
        %dma_start3A_3392 = arith.constant 0 : i32
        %dma_start3A_3393 = arith.constant 0 : i32
        %dma_start3A_3394 = tpu.memref_slice %arg12[%select_n3A_2665, %dma_start3A_3392, %dma_start3A_3393] : memref<8x8x128xf32, #tpu.memory_space<vmem>> -> memref<1x8x128xf32, #tpu.memory_space<vmem>>
        %dma_start3A_3395 = tpu.memref_squeeze %dma_start3A_3394 : memref<1x8x128xf32, #tpu.memory_space<vmem>> -> memref<8x128xf32, #tpu.memory_space<vmem>>
        %dma_start3A_3396 = arith.constant 0 : i32
        %dma_start3A_3397 = arith.constant 0 : i32
        %dma_start3A_3398 = tpu.memref_slice %arg6[%select_n3A_2593, %select_n3A_2633, %add3A_3391, %dma_start3A_3396, %dma_start3A_3397] : memref<26x8x128x8x128xf32, #tpu.memory_space<hbm>> -> memref<1x1x1x8x128xf32, #tpu.memory_space<hbm>>
        %dma_start3A_3399 = tpu.memref_squeeze %dma_start3A_3398 : memref<1x1x1x8x128xf32, #tpu.memory_space<hbm>> -> memref<8x128xf32, #tpu.memory_space<hbm>>
        %dma_start3A_3400 = arith.constant 0 : i32
        %dma_start3A_3401 = arith.constant 0 : i32
        %dma_start3A_3402 = tpu.memref_slice %arg6[%select_n3A_2593, %select_n3A_2633, %add3A_3391, %dma_start3A_3400, %dma_start3A_3401] : memref<26x8x128x8x128xf32, #tpu.memory_space<hbm>> -> memref<1x1x1x8x128xf32, #tpu.memory_space<hbm>>
        %dma_start3A_3403 = tpu.memref_squeeze %dma_start3A_3402 : memref<1x1x1x8x128xf32, #tpu.memory_space<hbm>> -> memref<8x128xf32, #tpu.memory_space<hbm>>
        %dma_start3A_3404 = arith.constant 0 : i32
        %dma_start3A_3405 = arith.constant 0 : i32
        %dma_start3A_3406 = tpu.memref_slice %arg12[%select_n3A_2665, %dma_start3A_3404, %dma_start3A_3405] : memref<8x8x128xf32, #tpu.memory_space<vmem>> -> memref<1x8x128xf32, #tpu.memory_space<vmem>>
        %dma_start3A_3407 = tpu.memref_squeeze %dma_start3A_3406 : memref<1x8x128xf32, #tpu.memory_space<vmem>> -> memref<8x128xf32, #tpu.memory_space<vmem>>
        tpu.enqueue_dma source(%dma_start3A_3407 : memref<8x128xf32, #tpu.memory_space<vmem>>) target(%dma_start3A_3403 : memref<8x128xf32, #tpu.memory_space<hbm>>) target_semaphore(%arg15 : memref<!tpu.dma_semaphore, #tpu.memory_space<semaphore_mem>>)
      } else {
      }
      %scan3A_3366 = arith.constant 0 : i32
      scf.yield %scan3A_3366 : i32
    }
    %scan3A_27 = arith.constant 832 : i32
    %dma_wait3A_28 = arith.constant 0 : i32
    %dma_wait3A_29 = arith.constant 0 : i32
    %dma_wait3A_30 = arith.constant 0 : i32
    %dma_wait3A_31 = arith.constant 0 : i32
    %dma_wait3A_32 = arith.constant 0 : i32
    %dma_wait3A_33 = arith.constant 0 : i32
    %dma_wait3A_34 = tpu.memref_slice %arg12[%dma_wait3A_28, %dma_wait3A_32, %dma_wait3A_33] : memref<8x8x128xf32, #tpu.memory_space<vmem>> -> memref<1x8x128xf32, #tpu.memory_space<vmem>>
    %dma_wait3A_35 = tpu.memref_squeeze %dma_wait3A_34 : memref<1x8x128xf32, #tpu.memory_space<vmem>> -> memref<8x128xf32, #tpu.memory_space<vmem>>
    %dma_wait3A_36 = arith.constant 0 : i32
    %dma_wait3A_37 = arith.constant 0 : i32
    %dma_wait3A_38 = tpu.memref_slice %arg6[%dma_wait3A_29, %dma_wait3A_30, %dma_wait3A_31, %dma_wait3A_36, %dma_wait3A_37] : memref<26x8x128x8x128xf32, #tpu.memory_space<hbm>> -> memref<1x1x1x8x128xf32, #tpu.memory_space<hbm>>
    %dma_wait3A_39 = tpu.memref_squeeze %dma_wait3A_38 : memref<1x1x1x8x128xf32, #tpu.memory_space<hbm>> -> memref<8x128xf32, #tpu.memory_space<hbm>>
    %dma_wait3A_40 = arith.constant 0 : i32
    %dma_wait3A_41 = arith.constant 0 : i32
    %dma_wait3A_42 = tpu.memref_slice %arg6[%dma_wait3A_29, %dma_wait3A_30, %dma_wait3A_31, %dma_wait3A_40, %dma_wait3A_41] : memref<26x8x128x8x128xf32, #tpu.memory_space<hbm>> -> memref<1x1x1x8x128xf32, #tpu.memory_space<hbm>>
    %dma_wait3A_43 = tpu.memref_squeeze %dma_wait3A_42 : memref<1x1x1x8x128xf32, #tpu.memory_space<hbm>> -> memref<8x128xf32, #tpu.memory_space<hbm>>
    %dma_wait3A_44 = arith.constant 0 : i32
    %dma_wait3A_45 = arith.constant 0 : i32
    %dma_wait3A_46 = tpu.memref_slice %arg12[%dma_wait3A_28, %dma_wait3A_44, %dma_wait3A_45] : memref<8x8x128xf32, #tpu.memory_space<vmem>> -> memref<1x8x128xf32, #tpu.memory_space<vmem>>
    %dma_wait3A_47 = tpu.memref_squeeze %dma_wait3A_46 : memref<1x8x128xf32, #tpu.memory_space<vmem>> -> memref<8x128xf32, #tpu.memory_space<vmem>>
    tpu.wait_dma2 semaphore(%arg14 : memref<!tpu.dma_semaphore, #tpu.memory_space<semaphore_mem>>) src(%dma_wait3A_47 : memref<8x128xf32, #tpu.memory_space<vmem>>) dst(%dma_wait3A_43 : memref<8x128xf32, #tpu.memory_space<hbm>>)
    %dma_wait3A_48 = arith.constant 0 : i32
    %dma_wait3A_49 = arith.constant 0 : i32
    %dma_wait3A_50 = arith.constant 0 : i32
    %dma_wait3A_51 = arith.constant 0 : i32
    %dma_wait3A_52 = arith.constant 0 : i32
    %dma_wait3A_53 = arith.constant 0 : i32
    %dma_wait3A_54 = tpu.memref_slice %arg12[%dma_wait3A_48, %dma_wait3A_52, %dma_wait3A_53] : memref<8x8x128xf32, #tpu.memory_space<vmem>> -> memref<1x8x128xf32, #tpu.memory_space<vmem>>
    %dma_wait3A_55 = tpu.memref_squeeze %dma_wait3A_54 : memref<1x8x128xf32, #tpu.memory_space<vmem>> -> memref<8x128xf32, #tpu.memory_space<vmem>>
    %dma_wait3A_56 = arith.constant 0 : i32
    %dma_wait3A_57 = arith.constant 0 : i32
    %dma_wait3A_58 = tpu.memref_slice %arg6[%dma_wait3A_49, %dma_wait3A_50, %dma_wait3A_51, %dma_wait3A_56, %dma_wait3A_57] : memref<26x8x128x8x128xf32, #tpu.memory_space<hbm>> -> memref<1x1x1x8x128xf32, #tpu.memory_space<hbm>>
    %dma_wait3A_59 = tpu.memref_squeeze %dma_wait3A_58 : memref<1x1x1x8x128xf32, #tpu.memory_space<hbm>> -> memref<8x128xf32, #tpu.memory_space<hbm>>
    %dma_wait3A_60 = arith.constant 0 : i32
    %dma_wait3A_61 = arith.constant 0 : i32
    %dma_wait3A_62 = tpu.memref_slice %arg6[%dma_wait3A_49, %dma_wait3A_50, %dma_wait3A_51, %dma_wait3A_60, %dma_wait3A_61] : memref<26x8x128x8x128xf32, #tpu.memory_space<hbm>> -> memref<1x1x1x8x128xf32, #tpu.memory_space<hbm>>
    %dma_wait3A_63 = tpu.memref_squeeze %dma_wait3A_62 : memref<1x1x1x8x128xf32, #tpu.memory_space<hbm>> -> memref<8x128xf32, #tpu.memory_space<hbm>>
    %dma_wait3A_64 = arith.constant 0 : i32
    %dma_wait3A_65 = arith.constant 0 : i32
    %dma_wait3A_66 = tpu.memref_slice %arg12[%dma_wait3A_48, %dma_wait3A_64, %dma_wait3A_65] : memref<8x8x128xf32, #tpu.memory_space<vmem>> -> memref<1x8x128xf32, #tpu.memory_space<vmem>>
    %dma_wait3A_67 = tpu.memref_squeeze %dma_wait3A_66 : memref<1x8x128xf32, #tpu.memory_space<vmem>> -> memref<8x128xf32, #tpu.memory_space<vmem>>
    tpu.wait_dma2 semaphore(%arg14 : memref<!tpu.dma_semaphore, #tpu.memory_space<semaphore_mem>>) src(%dma_wait3A_67 : memref<8x128xf32, #tpu.memory_space<vmem>>) dst(%dma_wait3A_63 : memref<8x128xf32, #tpu.memory_space<hbm>>)
    %dma_wait3A_68 = arith.constant 0 : i32
    %dma_wait3A_69 = arith.constant 0 : i32
    %dma_wait3A_70 = arith.constant 0 : i32
    %dma_wait3A_71 = arith.constant 0 : i32
    %dma_wait3A_72 = arith.constant 0 : i32
    %dma_wait3A_73 = arith.constant 0 : i32
    %dma_wait3A_74 = tpu.memref_slice %arg12[%dma_wait3A_68, %dma_wait3A_72, %dma_wait3A_73] : memref<8x8x128xf32, #tpu.memory_space<vmem>> -> memref<1x8x128xf32, #tpu.memory_space<vmem>>
    %dma_wait3A_75 = tpu.memref_squeeze %dma_wait3A_74 : memref<1x8x128xf32, #tpu.memory_space<vmem>> -> memref<8x128xf32, #tpu.memory_space<vmem>>
    %dma_wait3A_76 = arith.constant 0 : i32
    %dma_wait3A_77 = arith.constant 0 : i32
    %dma_wait3A_78 = tpu.memref_slice %arg6[%dma_wait3A_69, %dma_wait3A_70, %dma_wait3A_71, %dma_wait3A_76, %dma_wait3A_77] : memref<26x8x128x8x128xf32, #tpu.memory_space<hbm>> -> memref<1x1x1x8x128xf32, #tpu.memory_space<hbm>>
    %dma_wait3A_79 = tpu.memref_squeeze %dma_wait3A_78 : memref<1x1x1x8x128xf32, #tpu.memory_space<hbm>> -> memref<8x128xf32, #tpu.memory_space<hbm>>
    %dma_wait3A_80 = arith.constant 0 : i32
    %dma_wait3A_81 = arith.constant 0 : i32
    %dma_wait3A_82 = tpu.memref_slice %arg6[%dma_wait3A_69, %dma_wait3A_70, %dma_wait3A_71, %dma_wait3A_80, %dma_wait3A_81] : memref<26x8x128x8x128xf32, #tpu.memory_space<hbm>> -> memref<1x1x1x8x128xf32, #tpu.memory_space<hbm>>
    %dma_wait3A_83 = tpu.memref_squeeze %dma_wait3A_82 : memref<1x1x1x8x128xf32, #tpu.memory_space<hbm>> -> memref<8x128xf32, #tpu.memory_space<hbm>>
    %dma_wait3A_84 = arith.constant 0 : i32
    %dma_wait3A_85 = arith.constant 0 : i32
    %dma_wait3A_86 = tpu.memref_slice %arg12[%dma_wait3A_68, %dma_wait3A_84, %dma_wait3A_85] : memref<8x8x128xf32, #tpu.memory_space<vmem>> -> memref<1x8x128xf32, #tpu.memory_space<vmem>>
    %dma_wait3A_87 = tpu.memref_squeeze %dma_wait3A_86 : memref<1x8x128xf32, #tpu.memory_space<vmem>> -> memref<8x128xf32, #tpu.memory_space<vmem>>
    tpu.wait_dma2 semaphore(%arg14 : memref<!tpu.dma_semaphore, #tpu.memory_space<semaphore_mem>>) src(%dma_wait3A_87 : memref<8x128xf32, #tpu.memory_space<vmem>>) dst(%dma_wait3A_83 : memref<8x128xf32, #tpu.memory_space<hbm>>)
    %dma_wait3A_88 = arith.constant 0 : i32
    %dma_wait3A_89 = arith.constant 0 : i32
    %dma_wait3A_90 = arith.constant 0 : i32
    %dma_wait3A_91 = arith.constant 0 : i32
    %dma_wait3A_92 = arith.constant 0 : i32
    %dma_wait3A_93 = arith.constant 0 : i32
    %dma_wait3A_94 = tpu.memref_slice %arg12[%dma_wait3A_88, %dma_wait3A_92, %dma_wait3A_93] : memref<8x8x128xf32, #tpu.memory_space<vmem>> -> memref<1x8x128xf32, #tpu.memory_space<vmem>>
    %dma_wait3A_95 = tpu.memref_squeeze %dma_wait3A_94 : memref<1x8x128xf32, #tpu.memory_space<vmem>> -> memref<8x128xf32, #tpu.memory_space<vmem>>
    %dma_wait3A_96 = arith.constant 0 : i32
    %dma_wait3A_97 = arith.constant 0 : i32
    %dma_wait3A_98 = tpu.memref_slice %arg6[%dma_wait3A_89, %dma_wait3A_90, %dma_wait3A_91, %dma_wait3A_96, %dma_wait3A_97] : memref<26x8x128x8x128xf32, #tpu.memory_space<hbm>> -> memref<1x1x1x8x128xf32, #tpu.memory_space<hbm>>
    %dma_wait3A_99 = tpu.memref_squeeze %dma_wait3A_98 : memref<1x1x1x8x128xf32, #tpu.memory_space<hbm>> -> memref<8x128xf32, #tpu.memory_space<hbm>>
    %dma_wait3A_100 = arith.constant 0 : i32
    %dma_wait3A_101 = arith.constant 0 : i32
    %dma_wait3A_102 = tpu.memref_slice %arg6[%dma_wait3A_89, %dma_wait3A_90, %dma_wait3A_91, %dma_wait3A_100, %dma_wait3A_101] : memref<26x8x128x8x128xf32, #tpu.memory_space<hbm>> -> memref<1x1x1x8x128xf32, #tpu.memory_space<hbm>>
    %dma_wait3A_103 = tpu.memref_squeeze %dma_wait3A_102 : memref<1x1x1x8x128xf32, #tpu.memory_space<hbm>> -> memref<8x128xf32, #tpu.memory_space<hbm>>
    %dma_wait3A_104 = arith.constant 0 : i32
    %dma_wait3A_105 = arith.constant 0 : i32
    %dma_wait3A_106 = tpu.memref_slice %arg12[%dma_wait3A_88, %dma_wait3A_104, %dma_wait3A_105] : memref<8x8x128xf32, #tpu.memory_space<vmem>> -> memref<1x8x128xf32, #tpu.memory_space<vmem>>
    %dma_wait3A_107 = tpu.memref_squeeze %dma_wait3A_106 : memref<1x8x128xf32, #tpu.memory_space<vmem>> -> memref<8x128xf32, #tpu.memory_space<vmem>>
    tpu.wait_dma2 semaphore(%arg14 : memref<!tpu.dma_semaphore, #tpu.memory_space<semaphore_mem>>) src(%dma_wait3A_107 : memref<8x128xf32, #tpu.memory_space<vmem>>) dst(%dma_wait3A_103 : memref<8x128xf32, #tpu.memory_space<hbm>>)
    %dma_wait3A_108 = arith.constant 0 : i32
    %dma_wait3A_109 = arith.constant 0 : i32
    %dma_wait3A_110 = arith.constant 0 : i32
    %dma_wait3A_111 = arith.constant 0 : i32
    %dma_wait3A_112 = arith.constant 0 : i32
    %dma_wait3A_113 = arith.constant 0 : i32
    %dma_wait3A_114 = tpu.memref_slice %arg12[%dma_wait3A_108, %dma_wait3A_112, %dma_wait3A_113] : memref<8x8x128xf32, #tpu.memory_space<vmem>> -> memref<1x8x128xf32, #tpu.memory_space<vmem>>
    %dma_wait3A_115 = tpu.memref_squeeze %dma_wait3A_114 : memref<1x8x128xf32, #tpu.memory_space<vmem>> -> memref<8x128xf32, #tpu.memory_space<vmem>>
    %dma_wait3A_116 = arith.constant 0 : i32
    %dma_wait3A_117 = arith.constant 0 : i32
    %dma_wait3A_118 = tpu.memref_slice %arg6[%dma_wait3A_109, %dma_wait3A_110, %dma_wait3A_111, %dma_wait3A_116, %dma_wait3A_117] : memref<26x8x128x8x128xf32, #tpu.memory_space<hbm>> -> memref<1x1x1x8x128xf32, #tpu.memory_space<hbm>>
    %dma_wait3A_119 = tpu.memref_squeeze %dma_wait3A_118 : memref<1x1x1x8x128xf32, #tpu.memory_space<hbm>> -> memref<8x128xf32, #tpu.memory_space<hbm>>
    %dma_wait3A_120 = arith.constant 0 : i32
    %dma_wait3A_121 = arith.constant 0 : i32
    %dma_wait3A_122 = tpu.memref_slice %arg6[%dma_wait3A_109, %dma_wait3A_110, %dma_wait3A_111, %dma_wait3A_120, %dma_wait3A_121] : memref<26x8x128x8x128xf32, #tpu.memory_space<hbm>> -> memref<1x1x1x8x128xf32, #tpu.memory_space<hbm>>
    %dma_wait3A_123 = tpu.memref_squeeze %dma_wait3A_122 : memref<1x1x1x8x128xf32, #tpu.memory_space<hbm>> -> memref<8x128xf32, #tpu.memory_space<hbm>>
    %dma_wait3A_124 = arith.constant 0 : i32
    %dma_wait3A_125 = arith.constant 0 : i32
    %dma_wait3A_126 = tpu.memref_slice %arg12[%dma_wait3A_108, %dma_wait3A_124, %dma_wait3A_125] : memref<8x8x128xf32, #tpu.memory_space<vmem>> -> memref<1x8x128xf32, #tpu.memory_space<vmem>>
    %dma_wait3A_127 = tpu.memref_squeeze %dma_wait3A_126 : memref<1x8x128xf32, #tpu.memory_space<vmem>> -> memref<8x128xf32, #tpu.memory_space<vmem>>
    tpu.wait_dma2 semaphore(%arg15 : memref<!tpu.dma_semaphore, #tpu.memory_space<semaphore_mem>>) src(%dma_wait3A_127 : memref<8x128xf32, #tpu.memory_space<vmem>>) dst(%dma_wait3A_123 : memref<8x128xf32, #tpu.memory_space<hbm>>)
    %dma_wait3A_128 = arith.constant 0 : i32
    %dma_wait3A_129 = arith.constant 0 : i32
    %dma_wait3A_130 = arith.constant 0 : i32
    %dma_wait3A_131 = arith.constant 0 : i32
    %dma_wait3A_132 = arith.constant 0 : i32
    %dma_wait3A_133 = arith.constant 0 : i32
    %dma_wait3A_134 = tpu.memref_slice %arg12[%dma_wait3A_128, %dma_wait3A_132, %dma_wait3A_133] : memref<8x8x128xf32, #tpu.memory_space<vmem>> -> memref<1x8x128xf32, #tpu.memory_space<vmem>>
    %dma_wait3A_135 = tpu.memref_squeeze %dma_wait3A_134 : memref<1x8x128xf32, #tpu.memory_space<vmem>> -> memref<8x128xf32, #tpu.memory_space<vmem>>
    %dma_wait3A_136 = arith.constant 0 : i32
    %dma_wait3A_137 = arith.constant 0 : i32
    %dma_wait3A_138 = tpu.memref_slice %arg6[%dma_wait3A_129, %dma_wait3A_130, %dma_wait3A_131, %dma_wait3A_136, %dma_wait3A_137] : memref<26x8x128x8x128xf32, #tpu.memory_space<hbm>> -> memref<1x1x1x8x128xf32, #tpu.memory_space<hbm>>
    %dma_wait3A_139 = tpu.memref_squeeze %dma_wait3A_138 : memref<1x1x1x8x128xf32, #tpu.memory_space<hbm>> -> memref<8x128xf32, #tpu.memory_space<hbm>>
    %dma_wait3A_140 = arith.constant 0 : i32
    %dma_wait3A_141 = arith.constant 0 : i32
    %dma_wait3A_142 = tpu.memref_slice %arg6[%dma_wait3A_129, %dma_wait3A_130, %dma_wait3A_131, %dma_wait3A_140, %dma_wait3A_141] : memref<26x8x128x8x128xf32, #tpu.memory_space<hbm>> -> memref<1x1x1x8x128xf32, #tpu.memory_space<hbm>>
    %dma_wait3A_143 = tpu.memref_squeeze %dma_wait3A_142 : memref<1x1x1x8x128xf32, #tpu.memory_space<hbm>> -> memref<8x128xf32, #tpu.memory_space<hbm>>
    %dma_wait3A_144 = arith.constant 0 : i32
    %dma_wait3A_145 = arith.constant 0 : i32
    %dma_wait3A_146 = tpu.memref_slice %arg12[%dma_wait3A_128, %dma_wait3A_144, %dma_wait3A_145] : memref<8x8x128xf32, #tpu.memory_space<vmem>> -> memref<1x8x128xf32, #tpu.memory_space<vmem>>
    %dma_wait3A_147 = tpu.memref_squeeze %dma_wait3A_146 : memref<1x8x128xf32, #tpu.memory_space<vmem>> -> memref<8x128xf32, #tpu.memory_space<vmem>>
    tpu.wait_dma2 semaphore(%arg15 : memref<!tpu.dma_semaphore, #tpu.memory_space<semaphore_mem>>) src(%dma_wait3A_147 : memref<8x128xf32, #tpu.memory_space<vmem>>) dst(%dma_wait3A_143 : memref<8x128xf32, #tpu.memory_space<hbm>>)
    %dma_wait3A_148 = arith.constant 0 : i32
    %dma_wait3A_149 = arith.constant 0 : i32
    %dma_wait3A_150 = arith.constant 0 : i32
    %dma_wait3A_151 = arith.constant 0 : i32
    %dma_wait3A_152 = arith.constant 0 : i32
    %dma_wait3A_153 = arith.constant 0 : i32
    %dma_wait3A_154 = tpu.memref_slice %arg12[%dma_wait3A_148, %dma_wait3A_152, %dma_wait3A_153] : memref<8x8x128xf32, #tpu.memory_space<vmem>> -> memref<1x8x128xf32, #tpu.memory_space<vmem>>
    %dma_wait3A_155 = tpu.memref_squeeze %dma_wait3A_154 : memref<1x8x128xf32, #tpu.memory_space<vmem>> -> memref<8x128xf32, #tpu.memory_space<vmem>>
    %dma_wait3A_156 = arith.constant 0 : i32
    %dma_wait3A_157 = arith.constant 0 : i32
    %dma_wait3A_158 = tpu.memref_slice %arg6[%dma_wait3A_149, %dma_wait3A_150, %dma_wait3A_151, %dma_wait3A_156, %dma_wait3A_157] : memref<26x8x128x8x128xf32, #tpu.memory_space<hbm>> -> memref<1x1x1x8x128xf32, #tpu.memory_space<hbm>>
    %dma_wait3A_159 = tpu.memref_squeeze %dma_wait3A_158 : memref<1x1x1x8x128xf32, #tpu.memory_space<hbm>> -> memref<8x128xf32, #tpu.memory_space<hbm>>
    %dma_wait3A_160 = arith.constant 0 : i32
    %dma_wait3A_161 = arith.constant 0 : i32
    %dma_wait3A_162 = tpu.memref_slice %arg6[%dma_wait3A_149, %dma_wait3A_150, %dma_wait3A_151, %dma_wait3A_160, %dma_wait3A_161] : memref<26x8x128x8x128xf32, #tpu.memory_space<hbm>> -> memref<1x1x1x8x128xf32, #tpu.memory_space<hbm>>
    %dma_wait3A_163 = tpu.memref_squeeze %dma_wait3A_162 : memref<1x1x1x8x128xf32, #tpu.memory_space<hbm>> -> memref<8x128xf32, #tpu.memory_space<hbm>>
    %dma_wait3A_164 = arith.constant 0 : i32
    %dma_wait3A_165 = arith.constant 0 : i32
    %dma_wait3A_166 = tpu.memref_slice %arg12[%dma_wait3A_148, %dma_wait3A_164, %dma_wait3A_165] : memref<8x8x128xf32, #tpu.memory_space<vmem>> -> memref<1x8x128xf32, #tpu.memory_space<vmem>>
    %dma_wait3A_167 = tpu.memref_squeeze %dma_wait3A_166 : memref<1x8x128xf32, #tpu.memory_space<vmem>> -> memref<8x128xf32, #tpu.memory_space<vmem>>
    tpu.wait_dma2 semaphore(%arg15 : memref<!tpu.dma_semaphore, #tpu.memory_space<semaphore_mem>>) src(%dma_wait3A_167 : memref<8x128xf32, #tpu.memory_space<vmem>>) dst(%dma_wait3A_163 : memref<8x128xf32, #tpu.memory_space<hbm>>)
    %dma_wait3A_168 = arith.constant 0 : i32
    %dma_wait3A_169 = arith.constant 0 : i32
    %dma_wait3A_170 = arith.constant 0 : i32
    %dma_wait3A_171 = arith.constant 0 : i32
    %dma_wait3A_172 = arith.constant 0 : i32
    %dma_wait3A_173 = arith.constant 0 : i32
    %dma_wait3A_174 = tpu.memref_slice %arg12[%dma_wait3A_168, %dma_wait3A_172, %dma_wait3A_173] : memref<8x8x128xf32, #tpu.memory_space<vmem>> -> memref<1x8x128xf32, #tpu.memory_space<vmem>>
    %dma_wait3A_175 = tpu.memref_squeeze %dma_wait3A_174 : memref<1x8x128xf32, #tpu.memory_space<vmem>> -> memref<8x128xf32, #tpu.memory_space<vmem>>
    %dma_wait3A_176 = arith.constant 0 : i32
    %dma_wait3A_177 = arith.constant 0 : i32
    %dma_wait3A_178 = tpu.memref_slice %arg6[%dma_wait3A_169, %dma_wait3A_170, %dma_wait3A_171, %dma_wait3A_176, %dma_wait3A_177] : memref<26x8x128x8x128xf32, #tpu.memory_space<hbm>> -> memref<1x1x1x8x128xf32, #tpu.memory_space<hbm>>
    %dma_wait3A_179 = tpu.memref_squeeze %dma_wait3A_178 : memref<1x1x1x8x128xf32, #tpu.memory_space<hbm>> -> memref<8x128xf32, #tpu.memory_space<hbm>>
    %dma_wait3A_180 = arith.constant 0 : i32
    %dma_wait3A_181 = arith.constant 0 : i32
    %dma_wait3A_182 = tpu.memref_slice %arg6[%dma_wait3A_169, %dma_wait3A_170, %dma_wait3A_171, %dma_wait3A_180, %dma_wait3A_181] : memref<26x8x128x8x128xf32, #tpu.memory_space<hbm>> -> memref<1x1x1x8x128xf32, #tpu.memory_space<hbm>>
    %dma_wait3A_183 = tpu.memref_squeeze %dma_wait3A_182 : memref<1x1x1x8x128xf32, #tpu.memory_space<hbm>> -> memref<8x128xf32, #tpu.memory_space<hbm>>
    %dma_wait3A_184 = arith.constant 0 : i32
    %dma_wait3A_185 = arith.constant 0 : i32
    %dma_wait3A_186 = tpu.memref_slice %arg12[%dma_wait3A_168, %dma_wait3A_184, %dma_wait3A_185] : memref<8x8x128xf32, #tpu.memory_space<vmem>> -> memref<1x8x128xf32, #tpu.memory_space<vmem>>
    %dma_wait3A_187 = tpu.memref_squeeze %dma_wait3A_186 : memref<1x8x128xf32, #tpu.memory_space<vmem>> -> memref<8x128xf32, #tpu.memory_space<vmem>>
    tpu.wait_dma2 semaphore(%arg15 : memref<!tpu.dma_semaphore, #tpu.memory_space<semaphore_mem>>) src(%dma_wait3A_187 : memref<8x128xf32, #tpu.memory_space<vmem>>) dst(%dma_wait3A_183 : memref<8x128xf32, #tpu.memory_space<hbm>>)
    return
  }
}

</mosaic_0001>

<sc_bundles>
// kernel: kernel.3.cloned.1.call-start
scs
__scs_entry_jumppad:
0x0: {  	(pc) =	sbr.rel $0x88, $3  }
0x1: {  	(tag) =	ssettag $0x0;
	lr =	simm.s32 $0x1  }
0x2: {  	[smem:$0x3F9D] =	sst lr;
	_ =	strace $0xD0000000  }
0x3: {  	_ = 	snop  }
0x4: {  	_ = 	snop  }
0x5: {  	_ = 	snop  }
0x6: {  	_ = 	snop  }
0x7: {  	_ = 	snop  }
__scs_overlays_trampoline_lowered:
0x8: {  	[smem:$0x3FAC] =	sst s0  }
0x9: {  	[smem:$0x3FAD] =	sst s1  }
0xa: {  	[smem:$0x3FAE] =	sst s2  }
0xb: {  	[smem:$0x3FAF] =	sst s3  }
0xc: {  	[smem:$0x3FB0] =	sst s4  }
0xd: {  	[smem:$0x3FB1] =	sst s5  }
0xe: {  	[smem:$0x3FB2] =	sst s6  }
0xf: {  	[smem:$0x3FB3] =	sst s7  }
0x10: {  	[smem:$0x3FB4] =	sst s8  }
0x11: {  	[smem:$0x3FB5] =	sst s9;
	s0 =	simm.s32 @!p0 $0x0  }
0x12: {  	s1 =	sld [smem:$0x3F9B];
	s0 =	simm.s32 @p0 $0x1  }
0x13: {  	[smem:$0x3FB6] =	sst s0;
	s0 =	simm.s32 @!p1 $0x0  }
0x14: {  	s2 =	sld [smem:$0x3F9A];
	s0 =	simm.s32 @p1 $0x1  }
0x15: {  	[smem:$0x3FB7] =	sst s0;
	s0 =	simm.s32 @!p2 $0x0  }
0x16: {  	s3 =	sld [smem:$0x3FDB];
	s0 =	simm.s32 @p2 $0x1  }
0x17: {  	s4 =	simm.s32 $0x1BF5;
	[smem:$0x3FB9] =	sst s0  }
0x18: {  	s0 =	sld [smem:$0x3F9C];
	_ =	swait.ge [sflag:s4], $0x0  }
0x19: {  	s7 =	sld [smem:$0x3F9D]  }
0x1a: {  	s8 =	sadd.s32 $0xFFFFE003, lr  }
0x1b: {  	s9 =	sadd.s32 $0xFFFFFEF7, lr;
	s5 =	simm.s32 $0xFFFFFFFF;
	p2 =	slt.u32 s8, $0xFFFFF086  }
0x1c: {  	p1 =	slt.u32 s9, $0xF7A;
	s5 =	simm.s32 @!p2 $0x0  }
0x1d: {  	s5 =	simm.s32 @p1 $0x1;
	p0 =	seq.s32 s7, s2  }
0x1e: {  	s7 =	smul.u32 @!p0 $0xF7A, s2;
	p2 =	seq.s32 @!p0 s5, $0x0  }
0x1f: {  	s9 =	smul.u32 $0xF7A, s1;
	s8 =	simm.s32 @!p0 $0x1BF5;
	p2 =	por !p2, p0  }
0x20: {  	[sflag:s8] =	ssyncset.s32 @!p0 $0xFFFFF086;
	s6 =	sadd.s32 @!p0 s3, s7;
	s7 =	simm.s32 @!p0 $0x108  }
0x21: {  	s3 =	sadd.s32 s3, s9;
	s6 =	sadd.s32 @!p0 $0x88, s6;
	s7 =	simm.s32 @p2 $0x1082  }
0x22: {  	[simem:s7], [sflag:s8] =	dma.local @!p0 [hbm:s6], $0xF7A  }
0x23: {  	s9 =	sor.u32 $0xD0000000, s2;
	s6 =	simm.s32 $0x108;
	_ =	swait.ge @!p0 [sflag:s8], $0x0  }
0x24: {  	s3 =	sadd.s32 $0x88, s3;
	s6 =	simm.s32 @!p1 $0x1082;
	[sflag:s4] =	ssyncset.s32 $0xFFFFF086  }
0x25: {  	[simem:s6], [sflag:s4] =	dma.local [hbm:s3], $0xF7A  }
0x26: {  	[smem:$0x3F9D] =	sst s1;
	(tag) =	ssettag s2;
	_ =	strace s9  }
0x27: {  	s1 =	sld [smem:$0x3FAD]  }
0x28: {  	s2 =	sld [smem:$0x3FAE]  }
0x29: {  	s4 =	sld [smem:$0x3FB0]  }
0x2a: {  	p0 =	seq.s32 s5, $0x0;
	s5 =	sld [smem:$0x3FB1]  }
0x2b: {  	s6 =	sld [smem:$0x3FB2]  }
0x2c: {  	s7 =	sld [smem:$0x3FB3]  }
0x2d: {  	s3 =	simm.s32 $0x108;
	s8 =	sld [smem:$0x3FB4]  }
0x2e: {  	s3 =	simm.s32 @!p0 $0x1082;
	s9 =	sld [smem:$0x3FB5]  }
0x2f: {  	lr =	sadd.s32 s0, s3;
	s0 =	sld [smem:$0x3FAC]  }
0x30: {  	s3 =	sld [smem:$0x3FAF]  }
0x31: {  	[smem:$0x3FB8] =	sst s10  }
0x32: {  	s10 =	sld [smem:$0x3FB6];
	_ =	sdelay $0x3  }
0x33: {  	p0 =	seq.s32 s10, $0x1;
	s10 =	sld [smem:$0x3FB8];
	_ =	sdelay $0x3  }
0x34: {  	[smem:$0x3FB8] =	sst s10  }
0x35: {  	s10 =	sld [smem:$0x3FB7];
	_ =	sdelay $0x3  }
0x36: {  	p1 =	seq.s32 s10, $0x1;
	s10 =	sld [smem:$0x3FB8];
	_ =	sdelay $0x3  }
0x37: {  	[smem:$0x3FB8] =	sst s10  }
0x38: {  	s10 =	sld [smem:$0x3FB9]  }
0x39: {  	_ = 	snop;
	(pc) =	sbr.ind lr, $3  }
0x3a: {  	_ = 	snop  }
0x3b: {  	_ = 	snop  }
0x3c: {  	p2 =	seq.s32 s10, $0x1;
	s10 =	sld [smem:$0x3FB8]  }
0x3d: {  	_ =	shalt  }
0x3e: {  	_ =	shalt  }
0x3f: {  	_ =	shalt  }
0x40: {  	_ =	shalt  }
0x41: {  	_ =	shalt  }
0x42: {  	_ =	shalt  }
0x43: {  	_ =	shalt  }
0x44: {  	_ =	shalt  }
0x45: {  	_ =	shalt  }
0x46: {  	_ =	shalt  }
0x47: {  	_ =	shalt  }
0x48: {  	_ =	shalt  }
0x49: {  	_ =	shalt  }
0x4a: {  	_ =	shalt  }
0x4b: {  	_ =	shalt  }
0x4c: {  	_ =	shalt  }
0x4d: {  	_ =	shalt  }
0x4e: {  	_ =	shalt  }
0x4f: {  	_ =	shalt  }
0x50: {  	_ =	shalt  }
0x51: {  	_ =	shalt  }
0x52: {  	_ =	shalt  }
0x53: {  	_ =	shalt  }
0x54: {  	_ =	shalt  }
0x55: {  	_ =	shalt  }
0x56: {  	_ =	shalt  }
0x57: {  	_ =	shalt  }
0x58: {  	_ =	shalt  }
0x59: {  	_ =	shalt  }
0x5a: {  	_ =	shalt  }
0x5b: {  	_ =	shalt  }
0x5c: {  	_ =	shalt  }
0x5d: {  	_ =	shalt  }
0x5e: {  	_ =	shalt  }
0x5f: {  	_ =	shalt  }
0x60: {  	_ =	shalt  }
0x61: {  	_ =	shalt  }
0x62: {  	_ =	shalt  }
0x63: {  	_ =	shalt  }
0x64: {  	_ =	shalt  }
0x65: {  	_ =	shalt  }
0x66: {  	_ =	shalt  }
0x67: {  	_ =	shalt  }
0x68: {  	_ =	shalt  }
0x69: {  	_ =	shalt  }
0x6a: {  	_ =	shalt  }
0x6b: {  	_ =	shalt  }
0x6c: {  	_ =	shalt  }
0x6d: {  	_ =	shalt  }
0x6e: {  	_ =	shalt  }
0x6f: {  	_ =	shalt  }
0x70: {  	_ =	shalt  }
0x71: {  	_ =	shalt  }
0x72: {  	_ =	shalt  }
0x73: {  	_ =	shalt  }
0x74: {  	_ =	shalt  }
0x75: {  	_ =	shalt  }
0x76: {  	_ =	shalt  }
0x77: {  	_ =	shalt  }
0x78: {  	_ =	shalt  }
0x79: {  	_ =	shalt  }
0x7a: {  	_ =	shalt  }
0x7b: {  	_ =	shalt  }
0x7c: {  	_ =	shalt  }
0x7d: {  	_ =	shalt  }
0x7e: {  	_ =	shalt  }
0x7f: {  	_ =	shalt  }
0x80: {  	_ =	shalt  }
0x81: {  	_ =	shalt  }
0x82: {  	_ =	shalt  }
0x83: {  	_ =	shalt  }
0x84: {  	_ =	shalt  }
0x85: {  	_ =	shalt  }
0x86: {  	_ =	shalt  }
0x87: {  	_ =	shalt  }
.Lfunc_end0:
.L_simem_size_0:
called_computation_lowered:
.L_overlay_start_0:
0x88: {  	s2 =	sld [smem:$0x3FD9]  }
0x89: {  	s3 =	sld [smem:$0x3FFE];
	_ =	sdelay $0x1  }
0x8a: {  	s1 =	srdreg.scid  }
0x8b: {  	s0 =	sand.u32 $0x1, s1  }
0x8c: {  	s17 =	sshll.u32 s0, $0xA;
	s2 =	sadd.s32 s3, s2  }
0x8d: {  	s2 =	sadd.s32 s2, s17  }
0x8e: {  	[smem:$0x3FC4] =	sst s2  }
0x8f: {  	_ = 	snop  }
0x90: {  	s2 =	sld [smem:$0x3FC7]  }
0x91: {  	s18 =	sld [smem:$0x3FC6]  }
0x92: {  	s4 =	sld [smem:$0x3FD0];
	(tm) =	ssettm $0x1  }
0x93: {  	s5 =	sld [smem:$0x3FFB];
	_ =	sdelay $0x3  }
0x94: {  	_ =	strace s5  }
0x95: {  	s5 =	sld [smem:$0x3FFC];
	_ =	sdelay $0x3  }
0x96: {  	_ =	strace s5  }
0x97: {  	s5 =	sld [smem:$0x3FFD];
	_ =	sdelay $0x3  }
0x98: {  	_ =	strace s5  }
0x99: {  	_ =	strace $0x8FFFFFFF  }
0x9a: {  	s19 =	sld [smem:$0x3FDB];
	_ =	sdelay $0x1  }
0x9b: {  	s6 =	simm.s32 $_scs_section_size  }
0x9c: {  	s7 =	simm.s32 $_size__tile_overlayer_lowered;
	s8 =	simm.s32 $_tile_overlayer_lowered  }
0x9d: {  	s22 =	simm.s32 $0x1BFF;
	s21 =	sshll.u32 s8, $0x1;
	s5 =	sadd.s32 s6, s19  }
0x9e: {  	s9 =	simm.s32 $0x0;
	s20 =	sshll.u32 s7, $0x1;
	s7 =	sadd.s32 s21, s5  }
0x9f: {  	[timem:s9], [sflag:s22] =	dma.local [hbm:s7], s20  }
0xa0: {  	_ =	swait.ge [sflag:s22], s20  }
0xa1: {  	s6 =	ssub.s32 $0x0, s20;
	[sflag:s22] =	ssyncset.done $0x0  }
0xa2: {  	[sflag:s22] =	ssyncadd.s32 s6;
	_ =	sdelay $0x1  }
0xa3: {  	s23 =	simm.s32 $0x1B8B  }
0xa4: {  	_ =	swait.ge [sflag:s23], $0x1  }
0xa5: {  	[sflag:s23] =	ssyncset.done $0x0  }
0xa6: {  	s25 =	simm.s32 $0x1B8E;
	s24 =	sld [smem:$0x3FFE];
	[sflag:s23] =	ssyncadd.s32 $0xFFFFFFFF  }
0xa7: {  	s26 =	simm.s32 $execute0_lowered;
	[smem:$0x3FD2] =	sst s25  }
0xa8: {  	s7 =	sshll.u32 s26, $0x1;
	_ =	strace $0x80000046;
	[dreg:$0x1] =	wrdreg $0xFFFFFFFF  }
0xa9: {  	s28 =	simm.s32 $_size_execute0_lowered;
	s5 =	sadd.s32 s5, s7;
	[dreg:$0x0] =	wrdreg $0x0  }
0xaa: {  	s7 =	sshll.u32 s28, $0x1;
	[dreg:$0x2] =	wrdreg s5  }
0xab: {  	[dreg:$0x3] =	wrdreg s7  }
0xac: {  	[dreg:$0x4] =	wrdreg $0xC0  }
0xad: {  	_ =	task [dreg:s9], $0x5FFFF  }
0xae: {  	[dreg:$0x1] =	wrdreg $0xFFFFFFFF  }
0xaf: {  	[dreg:$0x0] =	wrdreg $0x60  }
0xb0: {  	[dreg:$0x2] =	wrdreg s24  }
0xb1: {  	[dreg:$0x3] =	wrdreg s2  }
0xb2: {  	[dreg:$0x4] =	wrdreg s18  }
0xb3: {  	[dreg:$0x5] =	wrdreg s4  }
0xb4: {  	[dreg:$0x6] =	wrdreg $0x9  }
0xb5: {  	_ =	task.clear_ibuf [dreg:s9], $0x7FFFF;
	_ =	strace $0x90000046  }
0xb6: {  	s29 =	simm.s32 $0x9;
	_ =	strace $0x80000048  }
0xb7: {  	_ =	swait.ge [sflag:s29], $0x1  }
0xb8: {  	[sflag:s29] =	ssyncadd.s32 $0xFFFFFFFF  }
0xb9: {  	_ =	strace $0x90000048  }
0xba: {  	_ =	sfence  }
0xbb: {  	s30 =	sld [smem:$0x0];
	_ =	sdelay $0x2  }
0xbc: {  	s31 =	sshll.u32 s1, $0xD;
	s1 =	sshrl.u32 s1, $0x2  }
0xbd: {  	s3 =	sand.u32 $0x4000, s31;
	s1 =	sadd.s32 s1, s30  }
0xbe: {  	s0 =	sor.u32 s3, s0;
	s1 =	sshll.u32 s1, $0x11  }
0xbf: {  	s0 =	sor.u32 s1, s0  }
0xc0: {  	s0 =	sadd.s32 $0x8F2B, s0  }
0xc1: {  	[sflag:s0] =	ssyncadd.remote.s32 $0x1  }
0xc2: {  	_ =	sfence.sel $0xFFFF  }
0xc3: {  	[dreg:$0x0] =	wrdreg $0xFFFFFFFF;
	(pc) =	sbr.abs _section_cstart, $3  }
0xc4: {  	[dreg:$0x1] =	wrdreg $0xFFFFFFFF  }
0xc5: {  	_ =	task.clear_ibuf [dreg:s9], $0x2FFFF;
	_ =	strace $0x9FFFFFFF  }
0xc6: {  	(tm) =	ssettm $0x7FFFFFFF  }
0xc7: {  	_ =	shalt  }
tec
execute0_lowered:
.L_overlay_start_1:
0x0: {  	(tag) =	ssettag $0x1  }
0x1: {  	s2 =	rddreg [dreg:$0x0]  }
0x2: {  	s1 =	rddreg [dreg:$0x1]  }
0x3: {  	s4 =	srdreg.scid;
	s3 =	rddreg [dreg:$0x2]  }
0x4: {  	s0 =	stileid.u32;
	s6 =	rddreg [dreg:$0x3];
	s12 =	simm.s32 $0x200  }
0x5: {  	s13 =	simm.s32 $0x4000;
	s14 =	simm.s32 $0x3480;
	s15 =	simm.s32 $0x4  }
0x6: {  	s16 =	simm.s32 $0x3400;
	s17 =	simm.s32 $0x104;
	s18 =	simm.s32 $0x3588  }
0x7: {  	s19 =	simm.s32 $0x1;
	s20 =	simm.s32 $0x7688;
	s21 =	simm.s32 $0x2  }
0x8: {  	s22 =	simm.s32 $0x3;
	s23 =	simm.s32 $0x0;
	s5 =	sand.u32 $0x1, s4  }
0x9: {  	s8 =	sshll.u32 s0, $0x9;
	s4 =	simm.s32 $0x0;
	s7 =	sshll.u32 s5, $0xD  }
0xa: {  	[smem:$0x7FF] =	sst s4;
	s9 =	ssub.s32 $0x2, s5;
	s7 =	sor.u32 s8, s7  }
0xb: {  	s5 =	sadd.s32 $0xD400, s2;
	_ =	strace $0x80000047;
	s8 =	sshrl.u32 s7, $0x3  }
0xc: {  	s31 =	sshrl.u32 s9, $0x1;
	s6 =	sadd.s32 s6, s7;
	s8 =	sadd.s32 s8, s2  }
0xd: {  	v0 =	vlaneseq.u32;
	s2 =	ssub.s32 s9, s31;
	s9 =	sadd.s32 $0x100, s6;
	s10 =	sadd.s32 $0x180, s6  }
0xe: {  	v0 =	vmul.u32 $0x41, v0;
	s7 =	sadd.s32 $0x400, s8;
	s8 =	sadd.s32 $0x80, s6;
	s11 =	smax.u32 s2, $0x1  }
.LBB2_1:
0xf: {  	[tilespmem:s4], [sflag:$0x1] =	stream.strided.gather [hbm4b:s7+s12], $0x3400, s13, s12, $0x38;
	[tilespmem:$0xDCA0] =	vst v63  }
0x10: {  	_ = 	snop  }
0x11: {  	[tilespmem:s14], [sflag:$0x4] =	stream.linear.gather [hbm4b:s1+s4], $0x108, $0x38;
	[tilespmem:$0xDCA0] =	vst v63  }
0x12: {  	_ =	swait.ge [sflag:s15], $0x108  }
0x13: {  	[sflag:s15] =	ssyncset.done $0x0  }
0x14: {  	[sflag:s15] =	ssyncadd.s32 $0xFFFFFEF8  }
0x15: {  	[tilespmem:s16], [sflag:$0x4] =	stream.linear.gather [hbm4b:s3+s4], $0x1A, $0x38;
	[tilespmem:$0xDCA0] =	vst v63  }
0x16: {  	_ =	swait.ge [sflag:s15], $0x1A  }
0x17: {  	[sflag:s15] =	ssyncset.done $0x0  }
0x18: {  	[sflag:s15] =	ssyncadd.s32 $0xFFFFFFE6  }
0x19: {  	[tilespmem:s18], [sflag:$0x1] =	stream.indirect.gather [hbm4b:s5+s17], $0x40, s14, s17, $0xb8;
	[tilespmem:$0xDCA0] =	vst v63  }
0x1a: {  	_ =	swait.ge [sflag:s19], $0x3400  }
0x1b: {  	[sflag:s19] =	ssyncset.done $0x0  }
0x1c: {  	[sflag:s19] =	ssyncadd.s32 $0xFFFFCC00  }
0x1d: {  	_ =	swait.ge [sflag:s19], $0x4100  }
0x1e: {  	[sflag:s19] =	ssyncset.done $0x0  }
0x1f: {  	s26 =	simm.s32 $0x3608;
	[sflag:s19] =	ssyncadd.s32 $0xFFFFBF00  }
0x20: {  	v1 =	vld [tilespmem:s26+$0xFFFFFF80];
	_ =	sdelay $0x3  }
0x21: {  	s2 =	simm.s32 $0x770A  }
0x22: {  	[tilespmem:s2+$0xFFFFFF7E] =	vst v1  }
0x23: {  	v1 =	vld [tilespmem:s26+$0xFFFFFF90];
	_ =	sdelay $0x3  }
0x24: {  	s24 =	sand.u32 $0xFFFC, s4  }
0x25: {  	[tilespmem:s24+$0x7698] =	vst v1  }
0x26: {  	v1 =	vld [tilespmem:s26+$0xFFFFFFA0];
	_ =	sdelay $0x4  }
0x27: {  	[tilespmem:s24+$0x76A8] =	vst v1  }
0x28: {  	v1 =	vld [tilespmem:s26+$0xFFFFFFB0];
	_ =	sdelay $0x4  }
0x29: {  	[tilespmem:s24+$0x76B8] =	vst v1  }
0x2a: {  	v1 =	vld [tilespmem:s26+$0xFFFFFFC0];
	_ =	sdelay $0x4  }
0x2b: {  	[tilespmem:s2+$0xFFFFFFBF] =	vst v1  }
0x2c: {  	v1 =	vld [tilespmem:s26+$0xFFFFFFD0];
	_ =	sdelay $0x2  }
0x2d: {  	s0 =	simm.s32 $0x41  }
0x2e: {  	s24 =	sand.u32 $0xFFFD, s0  }
0x2f: {  	[tilespmem:s24+$0x7698] =	vst v1  }
0x30: {  	v1 =	vld [tilespmem:s26+$0xFFFFFFE0];
	_ =	sdelay $0x4  }
0x31: {  	[tilespmem:s24+$0x76A8] =	vst v1  }
0x32: {  	v1 =	vld [tilespmem:s26+$0xFFFFFFF0];
	_ =	sdelay $0x4  }
0x33: {  	[tilespmem:s24+$0x76B8] =	vst v1  }
0x34: {  	v1 =	vld [tilespmem:s26+$0x0];
	_ =	sdelay $0x4  }
0x35: {  	[tilespmem:s2+$0x0] =	vst v1  }
0x36: {  	v1 =	vld [tilespmem:s26+$0x10];
	_ =	sdelay $0x2  }
0x37: {  	s25 =	simm.s32 $0x82  }
0x38: {  	s24 =	sand.u32 $0xFFFE, s25  }
0x39: {  	[tilespmem:s24+$0x7698] =	vst v1  }
0x3a: {  	v1 =	vld [tilespmem:s26+$0x20];
	_ =	sdelay $0x4  }
0x3b: {  	[tilespmem:s24+$0x76A8] =	vst v1  }
0x3c: {  	v1 =	vld [tilespmem:s26+$0x30];
	_ =	sdelay $0x4  }
0x3d: {  	[tilespmem:s24+$0x76B8] =	vst v1  }
0x3e: {  	v1 =	vld [tilespmem:s26+$0x40];
	_ =	sdelay $0x4  }
0x3f: {  	[tilespmem:s2+$0x41] =	vst v1  }
0x40: {  	v1 =	vld [tilespmem:s26+$0x50];
	_ =	sdelay $0x2  }
0x41: {  	s31 =	simm.s32 $0xC3  }
0x42: {  	s30 =	sand.u32 $0xFFFF, s31  }
0x43: {  	[tilespmem:s30+$0x7698] =	vst v1  }
0x44: {  	v1 =	vld [tilespmem:s26+$0x60];
	_ =	sdelay $0x4  }
0x45: {  	[tilespmem:s30+$0x76A8] =	vst v1  }
0x46: {  	v1 =	vld [tilespmem:s26+$0x70];
	_ =	sdelay $0x2  }
0x47: {  	s28 =	simm.s32 $0x780E  }
0x48: {  	s29 =	simm.s32 $0x0;
	s24 =	simm.s32 $0xFFFFFFFC;
	s2 =	simm.s32 $0x0  }
.LBB2_2:
0x49: {  	s2 =	sadd.s32 $0x4, s2;
	[tilespmem:s30+$0x76B8] =	vst v1;
	s29 =	sadd.s32 $0x104, s29;
	s26 =	sadd.s32 $0x100, s26  }
0x4a: {  	v1 =	vld [tilespmem:s26+$0xFFFFFF80];
	p0 =	slt.u32 s2, $0x100;
	_ =	sdelay $0x4  }
0x4b: {  	[tilespmem:s28+$0xFFFFFF7E] =	vst v1  }
0x4c: {  	v1 =	vld [tilespmem:s26+$0xFFFFFF90];
	_ =	sdelay $0x3  }
0x4d: {  	s25 =	sand.u32 $0xFFFC, s29  }
0x4e: {  	[tilespmem:s25+$0x7698] =	vst v1  }
0x4f: {  	v1 =	vld [tilespmem:s26+$0xFFFFFFA0];
	_ =	sdelay $0x4  }
0x50: {  	[tilespmem:s25+$0x76A8] =	vst v1  }
0x51: {  	v1 =	vld [tilespmem:s26+$0xFFFFFFB0];
	_ =	sdelay $0x4  }
0x52: {  	[tilespmem:s25+$0x76B8] =	vst v1  }
0x53: {  	v1 =	vld [tilespmem:s26+$0xFFFFFFC0];
	_ =	sdelay $0x4  }
0x54: {  	[tilespmem:s28+$0xFFFFFFBF] =	vst v1  }
0x55: {  	v1 =	vld [tilespmem:s26+$0xFFFFFFD0];
	_ =	sdelay $0x2  }
0x56: {  	s25 =	sadd.s32 $0x41, s29  }
0x57: {  	s25 =	sand.u32 $0xFFFD, s25  }
0x58: {  	[tilespmem:s25+$0x7698] =	vst v1  }
0x59: {  	v1 =	vld [tilespmem:s26+$0xFFFFFFE0];
	_ =	sdelay $0x4  }
0x5a: {  	[tilespmem:s25+$0x76A8] =	vst v1  }
0x5b: {  	v1 =	vld [tilespmem:s26+$0xFFFFFFF0];
	_ =	sdelay $0x4  }
0x5c: {  	[tilespmem:s25+$0x76B8] =	vst v1  }
0x5d: {  	v1 =	vld [tilespmem:s26+$0x0];
	_ =	sdelay $0x4  }
0x5e: {  	[tilespmem:s28+$0x0] =	vst v1  }
0x5f: {  	v1 =	vld [tilespmem:s26+$0x10];
	_ =	sdelay $0x2  }
0x60: {  	s25 =	sadd.s32 $0x82, s29  }
0x61: {  	s25 =	sand.u32 $0xFFFE, s25  }
0x62: {  	[tilespmem:s25+$0x7698] =	vst v1  }
0x63: {  	v1 =	vld [tilespmem:s26+$0x20];
	_ =	sdelay $0x4  }
0x64: {  	[tilespmem:s25+$0x76A8] =	vst v1  }
0x65: {  	v1 =	vld [tilespmem:s26+$0x30];
	_ =	sdelay $0x4  }
0x66: {  	[tilespmem:s25+$0x76B8] =	vst v1  }
0x67: {  	v1 =	vld [tilespmem:s26+$0x40];
	_ =	sdelay $0x4  }
0x68: {  	[tilespmem:s28+$0x41] =	vst v1  }
0x69: {  	v1 =	vld [tilespmem:s26+$0x50];
	_ =	sdelay $0x2  }
0x6a: {  	s25 =	sadd.s32 $0xC3, s29  }
0x6b: {  	s30 =	sand.u32 $0xFFFF, s25  }
0x6c: {  	[tilespmem:s30+$0x7698] =	vst v1  }
0x6d: {  	v1 =	vld [tilespmem:s26+$0x60];
	_ =	sdelay $0x4  }
0x6e: {  	[tilespmem:s30+$0x76A8] =	vst v1  }
.Ltmp0:
0x6f: {  	v1 =	vld [tilespmem:s26+$0x70];
	(pc) =	sbr.rel @p0 .LBB2_2-.Ltmp0, $2  }
0x70: {  	_ =	sdelay $0x2  }
0x71: {  	s25 =	simm.s32 $0x0;
	s28 =	sadd.s32 $0x104, s28  }
0x72: {  	[tilespmem:s30+$0x76B8] =	vst v1;
	s26 =	simm.s32 $0x0  }
.LBB2_4:
0x73: {  	s24 =	sadd.s32 $0x4, s24  }
0x74: {  	s30 =	sshrl.u32 s24, $0x5  }
0x75: {  	p0 =	slt.u32 s24, $0x8;
	v1 =	vmov s30  }
0x76: {  	s31 =	simm.s32 @!p0 $0x2  }
0x77: {  	_ =	swait.ge @!p0 [sflag:s31], $0x400  }
0x78: {  	[sflag:s31] =	ssyncset.done @!p0 $0x0  }
0x79: {  	[sflag:s31] =	ssyncadd.s32 @!p0 $0xFFFFFC00  }
0x7a: {  	v2 =	vld.idx.msk [tilespmem:v1+s16+$0x0], $0xffff;
	_ =	sdelay $0x3  }
0x7b: {  	s2 =	sand.u32 $0x7, s25  }
0x7c: {  	s28 =	sshll.u32 s2, $0x3;
	v3 =	vmul.u32 $0x41, v2  }
0x7d: {  	v2 =	vadd.s32 s28, v0  }
0x7e: {  	v5 =	vadd.s32 v3, v2  }
0x7f: {  	v4 =	vadd.s32 $0x1, v5  }
0x80: {  	s0 =	sshll.u32 s30, $0x9;
	v6 =	vadd.s32 $0x2, v5  }
0x81: {  	s29 =	sand.u32 $0x3FFFFE00, s0;
	v7 =	vadd.s32 $0x3, v5  }
0x82: {  	v13 =	vld [tilespmem:s29+$0x0];
	v8 =	vadd.s32 $0x4, v5  }
0x83: {  	v11 =	vadd.s32 $0x5, v5;
	v3 =	vld.idx.msk [tilespmem:v5+s20+$0x0], $0xffff  }
0x84: {  	v12 =	vadd.s32 $0x6, v5;
	v4 =	vld.idx.msk [tilespmem:v4+s20+$0x0], $0xffff  }
0x85: {  	v23 =	vadd.s32 $0x7, v5;
	v9 =	vld.idx.msk [tilespmem:v6+s20+$0x0], $0xffff  }
0x86: {  	v10 =	vld.idx.msk [tilespmem:v7+s20+$0x0], $0xffff  }
0x87: {  	v8 =	vld.idx.msk [tilespmem:v8+s20+$0x0], $0xffff  }
0x88: {  	v7 =	vld.idx.msk [tilespmem:v11+s20+$0x0], $0xffff;
	v24 =	vperm.xlane v3, v13  }
0x89: {  	s28 =	sand.u32 $0x1000, s26;
	v5 =	vld.idx.msk [tilespmem:v12+s20+$0x0], $0xffff;
	v25 =	vperm.xlane v4, v13  }
0x8a: {  	v6 =	vld.idx.msk [tilespmem:v23+s20+$0x0], $0xffff;
	v26 =	vperm.xlane v9, v13;
	[tilespmem:s28+$0xBCA0] =	vst v24  }
0x8b: {  	v27 =	vperm.xlane v10, v13;
	[tilespmem:s28+$0xBD20] =	vst v25  }
0x8c: {  	v28 =	vperm.xlane v8, v13;
	[tilespmem:s28+$0xBDA0] =	vst v26  }
0x8d: {  	v29 =	vperm.xlane v7, v13;
	[tilespmem:s28+$0xBE20] =	vst v27  }
0x8e: {  	v30 =	vperm.xlane v5, v13;
	[tilespmem:s28+$0xBEA0] =	vst v28  }
0x8f: {  	v31 =	vperm.xlane v6, v13;
	[tilespmem:s28+$0xBF20] =	vst v29  }
0x90: {  	[tilespmem:s28+$0xBFA0] =	vst v30  }
0x91: {  	[tilespmem:s28+$0xC020] =	vst v31  }
0x92: {  	v11 =	vld [tilespmem:s29+$0x10];
	_ =	sdelay $0x4  }
0x93: {  	v32 =	vperm.xlane v3, v11  }
0x94: {  	v33 =	vperm.xlane v4, v11  }
0x95: {  	v34 =	vperm.xlane v9, v11;
	[tilespmem:s28+$0xBCB0] =	vst v32  }
0x96: {  	v35 =	vperm.xlane v10, v11;
	[tilespmem:s28+$0xBD30] =	vst v33  }
0x97: {  	v36 =	vperm.xlane v8, v11;
	[tilespmem:s28+$0xBDB0] =	vst v34  }
0x98: {  	v37 =	vperm.xlane v7, v11;
	[tilespmem:s28+$0xBE30] =	vst v35  }
0x99: {  	v38 =	vperm.xlane v5, v11;
	[tilespmem:s28+$0xBEB0] =	vst v36  }
0x9a: {  	v11 =	vperm.xlane v6, v11;
	[tilespmem:s28+$0xBF30] =	vst v37  }
0x9b: {  	[tilespmem:s28+$0xBFB0] =	vst v38  }
0x9c: {  	[tilespmem:s28+$0xC030] =	vst v11  }
0x9d: {  	v11 =	vld [tilespmem:s29+$0x20];
	_ =	sdelay $0x4  }
0x9e: {  	v39 =	vperm.xlane v3, v11  }
0x9f: {  	v40 =	vperm.xlane v4, v11  }
0xa0: {  	v41 =	vperm.xlane v9, v11;
	[tilespmem:s28+$0xBCC0] =	vst v39  }
0xa1: {  	v42 =	vperm.xlane v10, v11;
	[tilespmem:s28+$0xBD40] =	vst v40  }
0xa2: {  	v43 =	vperm.xlane v8, v11;
	[tilespmem:s28+$0xBDC0] =	vst v41  }
0xa3: {  	v44 =	vperm.xlane v7, v11;
	[tilespmem:s28+$0xBE40] =	vst v42  }
0xa4: {  	v45 =	vperm.xlane v5, v11;
	[tilespmem:s28+$0xBEC0] =	vst v43  }
0xa5: {  	v11 =	vperm.xlane v6, v11;
	[tilespmem:s28+$0xBF40] =	vst v44  }
0xa6: {  	[tilespmem:s28+$0xBFC0] =	vst v45  }
0xa7: {  	[tilespmem:s28+$0xC040] =	vst v11  }
0xa8: {  	v11 =	vld [tilespmem:s29+$0x30];
	_ =	sdelay $0x4  }
0xa9: {  	v46 =	vperm.xlane v3, v11  }
0xaa: {  	v47 =	vperm.xlane v4, v11  }
0xab: {  	v48 =	vperm.xlane v9, v11;
	[tilespmem:s28+$0xBCD0] =	vst v46  }
0xac: {  	v49 =	vperm.xlane v10, v11;
	[tilespmem:s28+$0xBD50] =	vst v47  }
0xad: {  	v50 =	vperm.xlane v8, v11;
	[tilespmem:s28+$0xBDD0] =	vst v48  }
0xae: {  	v51 =	vperm.xlane v7, v11;
	[tilespmem:s28+$0xBE50] =	vst v49  }
0xaf: {  	v52 =	vperm.xlane v5, v11;
	[tilespmem:s28+$0xBED0] =	vst v50  }
0xb0: {  	v11 =	vperm.xlane v6, v11;
	[tilespmem:s28+$0xBF50] =	vst v51  }
0xb1: {  	[tilespmem:s28+$0xBFD0] =	vst v52  }
0xb2: {  	[tilespmem:s28+$0xC050] =	vst v11  }
0xb3: {  	v11 =	vld [tilespmem:s29+$0x40];
	_ =	sdelay $0x4  }
0xb4: {  	v53 =	vperm.xlane v3, v11  }
0xb5: {  	v54 =	vperm.xlane v4, v11  }
0xb6: {  	v55 =	vperm.xlane v9, v11;
	[tilespmem:s28+$0xBCE0] =	vst v53  }
0xb7: {  	v56 =	vperm.xlane v10, v11;
	[tilespmem:s28+$0xBD60] =	vst v54  }
0xb8: {  	v57 =	vperm.xlane v8, v11;
	[tilespmem:s28+$0xBDE0] =	vst v55  }
0xb9: {  	v58 =	vperm.xlane v7, v11;
	[tilespmem:s28+$0xBE60] =	vst v56  }
0xba: {  	v59 =	vperm.xlane v5, v11;
	[tilespmem:s28+$0xBEE0] =	vst v57  }
0xbb: {  	v11 =	vperm.xlane v6, v11;
	[tilespmem:s28+$0xBF60] =	vst v58  }
0xbc: {  	[tilespmem:s28+$0xBFE0] =	vst v59  }
0xbd: {  	[tilespmem:s28+$0xC060] =	vst v11  }
0xbe: {  	v11 =	vld [tilespmem:s29+$0x50];
	_ =	sdelay $0x4  }
0xbf: {  	v60 =	vperm.xlane v3, v11  }
0xc0: {  	v61 =	vperm.xlane v4, v11  }
0xc1: {  	v62 =	vperm.xlane v9, v11;
	[tilespmem:s28+$0xBCF0] =	vst v60  }
0xc2: {  	v63 =	vperm.xlane v10, v11;
	[tilespmem:s28+$0xBD70] =	vst v61  }
0xc3: {  	v16 =	vperm.xlane v8, v11;
	[tilespmem:s28+$0xBDF0] =	vst v62  }
0xc4: {  	v17 =	vperm.xlane v7, v11;
	[tilespmem:s28+$0xBE70] =	vst v63  }
0xc5: {  	v18 =	vperm.xlane v5, v11;
	[tilespmem:s28+$0xBEF0] =	vst v16  }
0xc6: {  	v11 =	vperm.xlane v6, v11;
	[tilespmem:s28+$0xBF70] =	vst v17  }
0xc7: {  	[tilespmem:s28+$0xBFF0] =	vst v18  }
0xc8: {  	[tilespmem:s28+$0xC070] =	vst v11  }
0xc9: {  	v11 =	vld [tilespmem:s29+$0x60];
	_ =	sdelay $0x4  }
0xca: {  	v19 =	vperm.xlane v3, v11  }
0xcb: {  	v20 =	vperm.xlane v4, v11  }
0xcc: {  	v21 =	vperm.xlane v9, v11;
	[tilespmem:s28+$0xBD00] =	vst v19  }
0xcd: {  	v22 =	vperm.xlane v10, v11;
	[tilespmem:s28+$0xBD80] =	vst v20  }
0xce: {  	v23 =	vperm.xlane v8, v11;
	[tilespmem:s28+$0xBE00] =	vst v21  }
0xcf: {  	v24 =	vperm.xlane v7, v11;
	[tilespmem:s28+$0xBE80] =	vst v22  }
0xd0: {  	v25 =	vperm.xlane v5, v11;
	[tilespmem:s28+$0xBF00] =	vst v23  }
0xd1: {  	v11 =	vperm.xlane v6, v11;
	[tilespmem:s28+$0xBF80] =	vst v24  }
0xd2: {  	[tilespmem:s28+$0xC000] =	vst v25  }
0xd3: {  	[tilespmem:s28+$0xC080] =	vst v11  }
0xd4: {  	v11 =	vld [tilespmem:s29+$0x70];
	_ =	sdelay $0x4  }
0xd5: {  	v3 =	vperm.xlane v3, v11  }
0xd6: {  	v4 =	vperm.xlane v4, v11  }
0xd7: {  	v26 =	vperm.xlane v10, v11;
	[tilespmem:s28+$0xBD10] =	vst v3  }
0xd8: {  	v3 =	vperm.xlane v9, v11;
	[tilespmem:s28+$0xBD90] =	vst v4  }
0xd9: {  	v27 =	vperm.xlane v7, v11;
	[tilespmem:s28+$0xBE90] =	vst v26  }
0xda: {  	[tilespmem:s28+$0xBE10] =	vst v3;
	v3 =	vperm.xlane v8, v11  }
0xdb: {  	v28 =	vperm.xlane v6, v11;
	[tilespmem:s28+$0xBF90] =	vst v27  }
0xdc: {  	s2 =	sshll.u32 s2, $0xE;
	s30 =	sshll.u32 s30, $0x11;
	[tilespmem:s28+$0xBF10] =	vst v3;
	v3 =	vperm.xlane v5, v11  }
0xdd: {  	s30 =	sor.u32 s30, s2;
	[tilespmem:s28+$0xC090] =	vst v28  }
0xde: {  	p1 =	slt.u32 s24, $0x7;
	s0 =	sadd.s32 s30, s6;
	s2 =	sadd.s32 $0xBCA0, s28;
	[tilespmem:s28+$0xC010] =	vst v3  }
0xdf: {  	[hbm4b:s0+s4] =	stream.linear.scatter [tilespmem:s2], [sflag:$0x2], $0x400, $0x38;
	[tilespmem:$0xDCA0] =	vst v63  }
0xe0: {  	s0 =	simm.s32 @!p1 $0x3  }
0xe1: {  	_ =	swait.ge @!p1 [sflag:s0], $0x400  }
0xe2: {  	[sflag:s0] =	ssyncset.done @!p1 $0x0  }
0xe3: {  	[sflag:s0] =	ssyncadd.s32 @!p1 $0xFFFFFC00  }
0xe4: {  	v3 =	vld.idx.msk [tilespmem:v1+s16+$0x0], $0xffff;
	_ =	sdelay $0x4  }
0xe5: {  	v3 =	vmul.u32 $0x41, v3;
	_ =	sdelay $0x1  }
0xe6: {  	v29 =	vadd.s32 v3, v2  }
0xe7: {  	v30 =	vadd.s32 $0x1, v29  }
0xe8: {  	v31 =	vadd.s32 $0x2, v29  }
0xe9: {  	v32 =	vadd.s32 $0x3, v29  }
0xea: {  	v36 =	vld [tilespmem:s29+$0x80];
	v33 =	vadd.s32 $0x4, v29  }
0xeb: {  	v34 =	vadd.s32 $0x5, v29;
	v3 =	vld.idx.msk [tilespmem:v29+s20+$0x0], $0xffff  }
0xec: {  	v35 =	vadd.s32 $0x6, v29;
	v6 =	vld.idx.msk [tilespmem:v30+s20+$0x0], $0xffff  }
0xed: {  	v14 =	vadd.s32 $0x7, v29;
	v9 =	vld.idx.msk [tilespmem:v31+s20+$0x0], $0xffff  }
0xee: {  	v10 =	vld.idx.msk [tilespmem:v32+s20+$0x0], $0xffff  }
0xef: {  	v8 =	vld.idx.msk [tilespmem:v33+s20+$0x0], $0xffff  }
0xf0: {  	v7 =	vld.idx.msk [tilespmem:v34+s20+$0x0], $0xffff;
	v37 =	vperm.xlane v3, v36  }
0xf1: {  	v4 =	vld.idx.msk [tilespmem:v35+s20+$0x0], $0xffff;
	v38 =	vperm.xlane v6, v36  }
0xf2: {  	v5 =	vld.idx.msk [tilespmem:v14+s20+$0x0], $0xffff;
	v39 =	vperm.xlane v9, v36;
	[tilespmem:s28+$0xC0A0] =	vst v37  }
0xf3: {  	v40 =	vperm.xlane v10, v36;
	[tilespmem:s28+$0xC120] =	vst v38  }
0xf4: {  	v41 =	vperm.xlane v8, v36;
	[tilespmem:s28+$0xC1A0] =	vst v39  }
0xf5: {  	v42 =	vperm.xlane v7, v36;
	[tilespmem:s28+$0xC220] =	vst v40  }
0xf6: {  	v43 =	vperm.xlane v4, v36;
	[tilespmem:s28+$0xC2A0] =	vst v41  }
0xf7: {  	v44 =	vperm.xlane v5, v36;
	[tilespmem:s28+$0xC320] =	vst v42  }
0xf8: {  	[tilespmem:s28+$0xC3A0] =	vst v43  }
0xf9: {  	[tilespmem:s28+$0xC420] =	vst v44  }
0xfa: {  	v11 =	vld [tilespmem:s29+$0x90];
	_ =	sdelay $0x4  }
0xfb: {  	v45 =	vperm.xlane v3, v11  }
0xfc: {  	v46 =	vperm.xlane v6, v11  }
0xfd: {  	v47 =	vperm.xlane v9, v11;
	[tilespmem:s28+$0xC0B0] =	vst v45  }
0xfe: {  	v48 =	vperm.xlane v10, v11;
	[tilespmem:s28+$0xC130] =	vst v46  }
0xff: {  	v49 =	vperm.xlane v8, v11;
	[tilespmem:s28+$0xC1B0] =	vst v47  }
0x100: {  	v50 =	vperm.xlane v7, v11;
	[tilespmem:s28+$0xC230] =	vst v48  }
0x101: {  	v51 =	vperm.xlane v4, v11;
	[tilespmem:s28+$0xC2B0] =	vst v49  }
0x102: {  	v11 =	vperm.xlane v5, v11;
	[tilespmem:s28+$0xC330] =	vst v50  }
0x103: {  	[tilespmem:s28+$0xC3B0] =	vst v51  }
0x104: {  	[tilespmem:s28+$0xC430] =	vst v11  }
0x105: {  	v11 =	vld [tilespmem:s29+$0xA0];
	_ =	sdelay $0x4  }
0x106: {  	v52 =	vperm.xlane v3, v11  }
0x107: {  	v53 =	vperm.xlane v6, v11  }
0x108: {  	v54 =	vperm.xlane v9, v11;
	[tilespmem:s28+$0xC0C0] =	vst v52  }
0x109: {  	v55 =	vperm.xlane v10, v11;
	[tilespmem:s28+$0xC140] =	vst v53  }
0x10a: {  	v56 =	vperm.xlane v8, v11;
	[tilespmem:s28+$0xC1C0] =	vst v54  }
0x10b: {  	v57 =	vperm.xlane v7, v11;
	[tilespmem:s28+$0xC240] =	vst v55  }
0x10c: {  	v58 =	vperm.xlane v4, v11;
	[tilespmem:s28+$0xC2C0] =	vst v56  }
0x10d: {  	v11 =	vperm.xlane v5, v11;
	[tilespmem:s28+$0xC340] =	vst v57  }
0x10e: {  	[tilespmem:s28+$0xC3C0] =	vst v58  }
0x10f: {  	[tilespmem:s28+$0xC440] =	vst v11  }
0x110: {  	v11 =	vld [tilespmem:s29+$0xB0];
	_ =	sdelay $0x4  }
0x111: {  	v59 =	vperm.xlane v3, v11  }
0x112: {  	v60 =	vperm.xlane v6, v11  }
0x113: {  	v61 =	vperm.xlane v9, v11;
	[tilespmem:s28+$0xC0D0] =	vst v59  }
0x114: {  	v62 =	vperm.xlane v10, v11;
	[tilespmem:s28+$0xC150] =	vst v60  }
0x115: {  	v63 =	vperm.xlane v8, v11;
	[tilespmem:s28+$0xC1D0] =	vst v61  }
0x116: {  	v16 =	vperm.xlane v7, v11;
	[tilespmem:s28+$0xC250] =	vst v62  }
0x117: {  	v17 =	vperm.xlane v4, v11;
	[tilespmem:s28+$0xC2D0] =	vst v63  }
0x118: {  	v11 =	vperm.xlane v5, v11;
	[tilespmem:s28+$0xC350] =	vst v16  }
0x119: {  	[tilespmem:s28+$0xC3D0] =	vst v17  }
0x11a: {  	[tilespmem:s28+$0xC450] =	vst v11  }
0x11b: {  	v11 =	vld [tilespmem:s29+$0xC0];
	_ =	sdelay $0x4  }
0x11c: {  	v18 =	vperm.xlane v3, v11  }
0x11d: {  	v19 =	vperm.xlane v6, v11  }
0x11e: {  	v20 =	vperm.xlane v9, v11;
	[tilespmem:s28+$0xC0E0] =	vst v18  }
0x11f: {  	v21 =	vperm.xlane v10, v11;
	[tilespmem:s28+$0xC160] =	vst v19  }
0x120: {  	v22 =	vperm.xlane v8, v11;
	[tilespmem:s28+$0xC1E0] =	vst v20  }
0x121: {  	v23 =	vperm.xlane v7, v11;
	[tilespmem:s28+$0xC260] =	vst v21  }
0x122: {  	v24 =	vperm.xlane v4, v11;
	[tilespmem:s28+$0xC2E0] =	vst v22  }
0x123: {  	v11 =	vperm.xlane v5, v11;
	[tilespmem:s28+$0xC360] =	vst v23  }
0x124: {  	[tilespmem:s28+$0xC3E0] =	vst v24  }
0x125: {  	[tilespmem:s28+$0xC460] =	vst v11  }
0x126: {  	v11 =	vld [tilespmem:s29+$0xD0];
	_ =	sdelay $0x4  }
0x127: {  	v25 =	vperm.xlane v3, v11  }
0x128: {  	v26 =	vperm.xlane v6, v11  }
0x129: {  	v27 =	vperm.xlane v9, v11;
	[tilespmem:s28+$0xC0F0] =	vst v25  }
0x12a: {  	v28 =	vperm.xlane v10, v11;
	[tilespmem:s28+$0xC170] =	vst v26  }
0x12b: {  	v29 =	vperm.xlane v8, v11;
	[tilespmem:s28+$0xC1F0] =	vst v27  }
0x12c: {  	v30 =	vperm.xlane v7, v11;
	[tilespmem:s28+$0xC270] =	vst v28  }
0x12d: {  	v31 =	vperm.xlane v4, v11;
	[tilespmem:s28+$0xC2F0] =	vst v29  }
0x12e: {  	v11 =	vperm.xlane v5, v11;
	[tilespmem:s28+$0xC370] =	vst v30  }
0x12f: {  	[tilespmem:s28+$0xC3F0] =	vst v31  }
0x130: {  	[tilespmem:s28+$0xC470] =	vst v11  }
0x131: {  	v11 =	vld [tilespmem:s29+$0xE0];
	_ =	sdelay $0x4  }
0x132: {  	v32 =	vperm.xlane v3, v11  }
0x133: {  	v33 =	vperm.xlane v6, v11  }
0x134: {  	v34 =	vperm.xlane v9, v11;
	[tilespmem:s28+$0xC100] =	vst v32  }
0x135: {  	v35 =	vperm.xlane v10, v11;
	[tilespmem:s28+$0xC180] =	vst v33  }
0x136: {  	v36 =	vperm.xlane v8, v11;
	[tilespmem:s28+$0xC200] =	vst v34  }
0x137: {  	v37 =	vperm.xlane v7, v11;
	[tilespmem:s28+$0xC280] =	vst v35  }
0x138: {  	v38 =	vperm.xlane v4, v11;
	[tilespmem:s28+$0xC300] =	vst v36  }
0x139: {  	v11 =	vperm.xlane v5, v11;
	[tilespmem:s28+$0xC380] =	vst v37  }
0x13a: {  	[tilespmem:s28+$0xC400] =	vst v38  }
0x13b: {  	[tilespmem:s28+$0xC480] =	vst v11  }
0x13c: {  	v11 =	vld [tilespmem:s29+$0xF0];
	_ =	sdelay $0x4  }
0x13d: {  	v3 =	vperm.xlane v3, v11  }
0x13e: {  	v6 =	vperm.xlane v6, v11  }
0x13f: {  	v39 =	vperm.xlane v10, v11;
	[tilespmem:s28+$0xC110] =	vst v3  }
0x140: {  	v3 =	vperm.xlane v9, v11;
	[tilespmem:s28+$0xC190] =	vst v6  }
0x141: {  	v40 =	vperm.xlane v7, v11;
	[tilespmem:s28+$0xC290] =	vst v39  }
0x142: {  	[tilespmem:s28+$0xC210] =	vst v3;
	v3 =	vperm.xlane v8, v11  }
0x143: {  	v41 =	vperm.xlane v5, v11;
	[tilespmem:s28+$0xC390] =	vst v40  }
0x144: {  	[tilespmem:s28+$0xC310] =	vst v3;
	v3 =	vperm.xlane v4, v11  }
0x145: {  	[tilespmem:s28+$0xC490] =	vst v41  }
0x146: {  	s2 =	sadd.s32 s30, s8;
	s0 =	sadd.s32 $0xC0A0, s28;
	[tilespmem:s28+$0xC410] =	vst v3  }
0x147: {  	[hbm4b:s2+s4] =	stream.linear.scatter [tilespmem:s0], [sflag:$0x3], $0x400, $0x38;
	[tilespmem:$0xDCA0] =	vst v63  }
0x148: {  	_ =	swait.ge @!p0 [sflag:s31], $0x400  }
0x149: {  	[sflag:s31] =	ssyncset.done @!p0 $0x0  }
0x14a: {  	[sflag:s31] =	ssyncadd.s32 @!p0 $0xFFFFFC00  }
0x14b: {  	v3 =	vld.idx.msk [tilespmem:v1+s16+$0x0], $0xffff;
	_ =	sdelay $0x4  }
0x14c: {  	v3 =	vmul.u32 $0x41, v3;
	_ =	sdelay $0x1  }
0x14d: {  	v42 =	vadd.s32 v3, v2  }
0x14e: {  	v43 =	vadd.s32 $0x1, v42  }
0x14f: {  	v44 =	vadd.s32 $0x2, v42  }
0x150: {  	v45 =	vadd.s32 $0x3, v42  }
0x151: {  	v49 =	vld [tilespmem:s29+$0x100];
	v46 =	vadd.s32 $0x4, v42  }
0x152: {  	v47 =	vadd.s32 $0x5, v42;
	v3 =	vld.idx.msk [tilespmem:v42+s20+$0x0], $0xffff  }
0x153: {  	v48 =	vadd.s32 $0x6, v42;
	v6 =	vld.idx.msk [tilespmem:v43+s20+$0x0], $0xffff  }
0x154: {  	v50 =	vadd.s32 $0x7, v42;
	v9 =	vld.idx.msk [tilespmem:v44+s20+$0x0], $0xffff  }
0x155: {  	v10 =	vld.idx.msk [tilespmem:v45+s20+$0x0], $0xffff  }
0x156: {  	v8 =	vld.idx.msk [tilespmem:v46+s20+$0x0], $0xffff  }
0x157: {  	v7 =	vld.idx.msk [tilespmem:v47+s20+$0x0], $0xffff;
	v51 =	vperm.xlane v3, v49  }
0x158: {  	v4 =	vld.idx.msk [tilespmem:v48+s20+$0x0], $0xffff;
	v52 =	vperm.xlane v6, v49  }
0x159: {  	v5 =	vld.idx.msk [tilespmem:v50+s20+$0x0], $0xffff;
	v53 =	vperm.xlane v9, v49;
	[tilespmem:s28+$0xC4A0] =	vst v51  }
0x15a: {  	v54 =	vperm.xlane v10, v49;
	[tilespmem:s28+$0xC520] =	vst v52  }
0x15b: {  	v55 =	vperm.xlane v8, v49;
	[tilespmem:s28+$0xC5A0] =	vst v53  }
0x15c: {  	v56 =	vperm.xlane v7, v49;
	[tilespmem:s28+$0xC620] =	vst v54  }
0x15d: {  	v57 =	vperm.xlane v4, v49;
	[tilespmem:s28+$0xC6A0] =	vst v55  }
0x15e: {  	v58 =	vperm.xlane v5, v49;
	[tilespmem:s28+$0xC720] =	vst v56  }
0x15f: {  	[tilespmem:s28+$0xC7A0] =	vst v57  }
0x160: {  	[tilespmem:s28+$0xC820] =	vst v58  }
0x161: {  	v11 =	vld [tilespmem:s29+$0x110];
	_ =	sdelay $0x4  }
0x162: {  	v59 =	vperm.xlane v3, v11  }
0x163: {  	v60 =	vperm.xlane v6, v11  }
0x164: {  	v61 =	vperm.xlane v9, v11;
	[tilespmem:s28+$0xC4B0] =	vst v59  }
0x165: {  	v62 =	vperm.xlane v10, v11;
	[tilespmem:s28+$0xC530] =	vst v60  }
0x166: {  	v63 =	vperm.xlane v8, v11;
	[tilespmem:s28+$0xC5B0] =	vst v61  }
0x167: {  	v16 =	vperm.xlane v7, v11;
	[tilespmem:s28+$0xC630] =	vst v62  }
0x168: {  	v17 =	vperm.xlane v4, v11;
	[tilespmem:s28+$0xC6B0] =	vst v63  }
0x169: {  	v11 =	vperm.xlane v5, v11;
	[tilespmem:s28+$0xC730] =	vst v16  }
0x16a: {  	[tilespmem:s28+$0xC7B0] =	vst v17  }
0x16b: {  	[tilespmem:s28+$0xC830] =	vst v11  }
0x16c: {  	v11 =	vld [tilespmem:s29+$0x120];
	_ =	sdelay $0x4  }
0x16d: {  	v18 =	vperm.xlane v3, v11  }
0x16e: {  	v19 =	vperm.xlane v6, v11  }
0x16f: {  	v20 =	vperm.xlane v9, v11;
	[tilespmem:s28+$0xC4C0] =	vst v18  }
0x170: {  	v21 =	vperm.xlane v10, v11;
	[tilespmem:s28+$0xC540] =	vst v19  }
0x171: {  	v22 =	vperm.xlane v8, v11;
	[tilespmem:s28+$0xC5C0] =	vst v20  }
0x172: {  	v23 =	vperm.xlane v7, v11;
	[tilespmem:s28+$0xC640] =	vst v21  }
0x173: {  	v24 =	vperm.xlane v4, v11;
	[tilespmem:s28+$0xC6C0] =	vst v22  }
0x174: {  	v11 =	vperm.xlane v5, v11;
	[tilespmem:s28+$0xC740] =	vst v23  }
0x175: {  	[tilespmem:s28+$0xC7C0] =	vst v24  }
0x176: {  	[tilespmem:s28+$0xC840] =	vst v11  }
0x177: {  	v11 =	vld [tilespmem:s29+$0x130];
	_ =	sdelay $0x4  }
0x178: {  	v25 =	vperm.xlane v3, v11  }
0x179: {  	v26 =	vperm.xlane v6, v11  }
0x17a: {  	v27 =	vperm.xlane v9, v11;
	[tilespmem:s28+$0xC4D0] =	vst v25  }
0x17b: {  	v28 =	vperm.xlane v10, v11;
	[tilespmem:s28+$0xC550] =	vst v26  }
0x17c: {  	v29 =	vperm.xlane v8, v11;
	[tilespmem:s28+$0xC5D0] =	vst v27  }
0x17d: {  	v30 =	vperm.xlane v7, v11;
	[tilespmem:s28+$0xC650] =	vst v28  }
0x17e: {  	v31 =	vperm.xlane v4, v11;
	[tilespmem:s28+$0xC6D0] =	vst v29  }
0x17f: {  	v11 =	vperm.xlane v5, v11;
	[tilespmem:s28+$0xC750] =	vst v30  }
0x180: {  	[tilespmem:s28+$0xC7D0] =	vst v31  }
0x181: {  	[tilespmem:s28+$0xC850] =	vst v11  }
0x182: {  	v11 =	vld [tilespmem:s29+$0x140];
	_ =	sdelay $0x4  }
0x183: {  	v32 =	vperm.xlane v3, v11  }
0x184: {  	v33 =	vperm.xlane v6, v11  }
0x185: {  	v34 =	vperm.xlane v9, v11;
	[tilespmem:s28+$0xC4E0] =	vst v32  }
0x186: {  	v35 =	vperm.xlane v10, v11;
	[tilespmem:s28+$0xC560] =	vst v33  }
0x187: {  	v36 =	vperm.xlane v8, v11;
	[tilespmem:s28+$0xC5E0] =	vst v34  }
0x188: {  	v37 =	vperm.xlane v7, v11;
	[tilespmem:s28+$0xC660] =	vst v35  }
0x189: {  	v38 =	vperm.xlane v4, v11;
	[tilespmem:s28+$0xC6E0] =	vst v36  }
0x18a: {  	v11 =	vperm.xlane v5, v11;
	[tilespmem:s28+$0xC760] =	vst v37  }
0x18b: {  	[tilespmem:s28+$0xC7E0] =	vst v38  }
0x18c: {  	[tilespmem:s28+$0xC860] =	vst v11  }
0x18d: {  	v11 =	vld [tilespmem:s29+$0x150];
	_ =	sdelay $0x4  }
0x18e: {  	v39 =	vperm.xlane v3, v11  }
0x18f: {  	v40 =	vperm.xlane v6, v11  }
0x190: {  	v41 =	vperm.xlane v9, v11;
	[tilespmem:s28+$0xC4F0] =	vst v39  }
0x191: {  	v42 =	vperm.xlane v10, v11;
	[tilespmem:s28+$0xC570] =	vst v40  }
0x192: {  	v43 =	vperm.xlane v8, v11;
	[tilespmem:s28+$0xC5F0] =	vst v41  }
0x193: {  	v44 =	vperm.xlane v7, v11;
	[tilespmem:s28+$0xC670] =	vst v42  }
0x194: {  	v45 =	vperm.xlane v4, v11;
	[tilespmem:s28+$0xC6F0] =	vst v43  }
0x195: {  	v11 =	vperm.xlane v5, v11;
	[tilespmem:s28+$0xC770] =	vst v44  }
0x196: {  	[tilespmem:s28+$0xC7F0] =	vst v45  }
0x197: {  	[tilespmem:s28+$0xC870] =	vst v11  }
0x198: {  	v11 =	vld [tilespmem:s29+$0x160];
	_ =	sdelay $0x4  }
0x199: {  	v46 =	vperm.xlane v3, v11  }
0x19a: {  	v47 =	vperm.xlane v6, v11  }
0x19b: {  	v48 =	vperm.xlane v9, v11;
	[tilespmem:s28+$0xC500] =	vst v46  }
0x19c: {  	v49 =	vperm.xlane v10, v11;
	[tilespmem:s28+$0xC580] =	vst v47  }
0x19d: {  	v50 =	vperm.xlane v8, v11;
	[tilespmem:s28+$0xC600] =	vst v48  }
0x19e: {  	v51 =	vperm.xlane v7, v11;
	[tilespmem:s28+$0xC680] =	vst v49  }
0x19f: {  	v52 =	vperm.xlane v4, v11;
	[tilespmem:s28+$0xC700] =	vst v50  }
0x1a0: {  	v11 =	vperm.xlane v5, v11;
	[tilespmem:s28+$0xC780] =	vst v51  }
0x1a1: {  	[tilespmem:s28+$0xC800] =	vst v52  }
0x1a2: {  	[tilespmem:s28+$0xC880] =	vst v11  }
0x1a3: {  	v11 =	vld [tilespmem:s29+$0x170];
	_ =	sdelay $0x4  }
0x1a4: {  	v3 =	vperm.xlane v3, v11  }
0x1a5: {  	v6 =	vperm.xlane v6, v11  }
0x1a6: {  	v53 =	vperm.xlane v10, v11;
	[tilespmem:s28+$0xC510] =	vst v3  }
0x1a7: {  	v3 =	vperm.xlane v9, v11;
	[tilespmem:s28+$0xC590] =	vst v6  }
0x1a8: {  	v54 =	vperm.xlane v7, v11;
	[tilespmem:s28+$0xC690] =	vst v53  }
0x1a9: {  	[tilespmem:s28+$0xC610] =	vst v3;
	v3 =	vperm.xlane v8, v11  }
0x1aa: {  	v55 =	vperm.xlane v5, v11;
	[tilespmem:s28+$0xC790] =	vst v54  }
0x1ab: {  	[tilespmem:s28+$0xC710] =	vst v3;
	v3 =	vperm.xlane v4, v11  }
0x1ac: {  	[tilespmem:s28+$0xC890] =	vst v55  }
0x1ad: {  	s2 =	sadd.s32 $0xC4A0, s28;
	s0 =	simm.s32 @!p0 $0x3;
	s31 =	sadd.s32 s30, s9;
	[tilespmem:s28+$0xC810] =	vst v3  }
0x1ae: {  	[hbm4b:s31+s4] =	stream.linear.scatter [tilespmem:s2], [sflag:$0x2], $0x400, $0x38;
	[tilespmem:$0xDCA0] =	vst v63  }
0x1af: {  	_ =	swait.ge @!p0 [sflag:s0], $0x400  }
0x1b0: {  	[sflag:s0] =	ssyncset.done @!p0 $0x0  }
0x1b1: {  	[sflag:s0] =	ssyncadd.s32 @!p0 $0xFFFFFC00  }
0x1b2: {  	v1 =	vld.idx.msk [tilespmem:v1+s16+$0x0], $0xffff;
	_ =	sdelay $0x4  }
0x1b3: {  	v1 =	vmul.u32 $0x41, v1;
	_ =	sdelay $0x1  }
0x1b4: {  	v2 =	vadd.s32 v1, v2  }
0x1b5: {  	v3 =	vadd.s32 $0x1, v2  }
0x1b6: {  	v56 =	vadd.s32 $0x2, v2  }
0x1b7: {  	v57 =	vadd.s32 $0x3, v2  }
0x1b8: {  	v60 =	vld [tilespmem:s29+$0x180];
	v58 =	vadd.s32 $0x4, v2  }
0x1b9: {  	v59 =	vadd.s32 $0x6, v2;
	v1 =	vld.idx.msk [tilespmem:v2+s20+$0x0], $0xffff  }
0x1ba: {  	v4 =	vld.idx.msk [tilespmem:v3+s20+$0x0], $0xffff;
	v3 =	vadd.s32 $0x5, v2  }
0x1bb: {  	v61 =	vadd.s32 $0x7, v2;
	v7 =	vld.idx.msk [tilespmem:v56+s20+$0x0], $0xffff  }
0x1bc: {  	v62 =	vld.idx.msk [tilespmem:v57+s20+$0x0], $0xffff  }
0x1bd: {  	v6 =	vld.idx.msk [tilespmem:v58+s20+$0x0], $0xffff  }
0x1be: {  	v2 =	vld.idx.msk [tilespmem:v59+s20+$0x0], $0xffff;
	v63 =	vperm.xlane v1, v60  }
0x1bf: {  	v5 =	vld.idx.msk [tilespmem:v3+s20+$0x0], $0xffff;
	v13 =	vperm.xlane v4, v60  }
0x1c0: {  	v3 =	vld.idx.msk [tilespmem:v61+s20+$0x0], $0xffff;
	v14 =	vperm.xlane v7, v60;
	[tilespmem:s28+$0xC8A0] =	vst v63  }
0x1c1: {  	v15 =	vperm.xlane v62, v60;
	[tilespmem:s28+$0xC920] =	vst v13  }
0x1c2: {  	v16 =	vperm.xlane v6, v60;
	[tilespmem:s28+$0xC9A0] =	vst v14  }
0x1c3: {  	v18 =	vperm.xlane v2, v60;
	[tilespmem:s28+$0xCA20] =	vst v15  }
0x1c4: {  	[tilespmem:s28+$0xCAA0] =	vst v16;
	v17 =	vperm.xlane v5, v60  }
0x1c5: {  	[tilespmem:s28+$0xCBA0] =	vst v18;
	v19 =	vperm.xlane v3, v60  }
0x1c6: {  	[tilespmem:s28+$0xCB20] =	vst v17  }
0x1c7: {  	[tilespmem:s28+$0xCC20] =	vst v19  }
0x1c8: {  	v9 =	vld [tilespmem:s29+$0x190];
	_ =	sdelay $0x4  }
0x1c9: {  	v20 =	vperm.xlane v1, v9  }
0x1ca: {  	v21 =	vperm.xlane v4, v9  }
0x1cb: {  	v22 =	vperm.xlane v7, v9;
	[tilespmem:s28+$0xC8B0] =	vst v20  }
0x1cc: {  	v23 =	vperm.xlane v62, v9;
	[tilespmem:s28+$0xC930] =	vst v21  }
0x1cd: {  	v24 =	vperm.xlane v6, v9;
	[tilespmem:s28+$0xC9B0] =	vst v22  }
0x1ce: {  	v25 =	vperm.xlane v5, v9;
	[tilespmem:s28+$0xCA30] =	vst v23  }
0x1cf: {  	v26 =	vperm.xlane v2, v9;
	[tilespmem:s28+$0xCAB0] =	vst v24  }
0x1d0: {  	v9 =	vperm.xlane v3, v9;
	[tilespmem:s28+$0xCB30] =	vst v25  }
0x1d1: {  	[tilespmem:s28+$0xCBB0] =	vst v26  }
0x1d2: {  	[tilespmem:s28+$0xCC30] =	vst v9  }
0x1d3: {  	v9 =	vld [tilespmem:s29+$0x1A0];
	_ =	sdelay $0x4  }
0x1d4: {  	v27 =	vperm.xlane v1, v9  }
0x1d5: {  	v28 =	vperm.xlane v4, v9  }
0x1d6: {  	v29 =	vperm.xlane v7, v9;
	[tilespmem:s28+$0xC8C0] =	vst v27  }
0x1d7: {  	v30 =	vperm.xlane v62, v9;
	[tilespmem:s28+$0xC940] =	vst v28  }
0x1d8: {  	v31 =	vperm.xlane v6, v9;
	[tilespmem:s28+$0xC9C0] =	vst v29  }
0x1d9: {  	v32 =	vperm.xlane v5, v9;
	[tilespmem:s28+$0xCA40] =	vst v30  }
0x1da: {  	v33 =	vperm.xlane v2, v9;
	[tilespmem:s28+$0xCAC0] =	vst v31  }
0x1db: {  	v9 =	vperm.xlane v3, v9;
	[tilespmem:s28+$0xCB40] =	vst v32  }
0x1dc: {  	[tilespmem:s28+$0xCBC0] =	vst v33  }
0x1dd: {  	[tilespmem:s28+$0xCC40] =	vst v9  }
0x1de: {  	v9 =	vld [tilespmem:s29+$0x1B0];
	_ =	sdelay $0x4  }
0x1df: {  	v34 =	vperm.xlane v1, v9  }
0x1e0: {  	v35 =	vperm.xlane v4, v9  }
0x1e1: {  	v36 =	vperm.xlane v7, v9;
	[tilespmem:s28+$0xC8D0] =	vst v34  }
0x1e2: {  	v37 =	vperm.xlane v62, v9;
	[tilespmem:s28+$0xC950] =	vst v35  }
0x1e3: {  	v38 =	vperm.xlane v6, v9;
	[tilespmem:s28+$0xC9D0] =	vst v36  }
0x1e4: {  	v39 =	vperm.xlane v5, v9;
	[tilespmem:s28+$0xCA50] =	vst v37  }
0x1e5: {  	v40 =	vperm.xlane v2, v9;
	[tilespmem:s28+$0xCAD0] =	vst v38  }
0x1e6: {  	v9 =	vperm.xlane v3, v9;
	[tilespmem:s28+$0xCB50] =	vst v39  }
0x1e7: {  	[tilespmem:s28+$0xCBD0] =	vst v40  }
0x1e8: {  	[tilespmem:s28+$0xCC50] =	vst v9  }
0x1e9: {  	v9 =	vld [tilespmem:s29+$0x1C0];
	_ =	sdelay $0x4  }
0x1ea: {  	v41 =	vperm.xlane v1, v9  }
0x1eb: {  	v42 =	vperm.xlane v4, v9  }
0x1ec: {  	v43 =	vperm.xlane v7, v9;
	[tilespmem:s28+$0xC8E0] =	vst v41  }
0x1ed: {  	v44 =	vperm.xlane v62, v9;
	[tilespmem:s28+$0xC960] =	vst v42  }
0x1ee: {  	v45 =	vperm.xlane v6, v9;
	[tilespmem:s28+$0xC9E0] =	vst v43  }
0x1ef: {  	v46 =	vperm.xlane v5, v9;
	[tilespmem:s28+$0xCA60] =	vst v44  }
0x1f0: {  	v47 =	vperm.xlane v2, v9;
	[tilespmem:s28+$0xCAE0] =	vst v45  }
0x1f1: {  	v9 =	vperm.xlane v3, v9;
	[tilespmem:s28+$0xCB60] =	vst v46  }
0x1f2: {  	[tilespmem:s28+$0xCBE0] =	vst v47  }
0x1f3: {  	[tilespmem:s28+$0xCC60] =	vst v9  }
0x1f4: {  	v9 =	vld [tilespmem:s29+$0x1D0];
	_ =	sdelay $0x4  }
0x1f5: {  	v48 =	vperm.xlane v1, v9  }
0x1f6: {  	v49 =	vperm.xlane v4, v9  }
0x1f7: {  	v50 =	vperm.xlane v7, v9;
	[tilespmem:s28+$0xC8F0] =	vst v48  }
0x1f8: {  	v51 =	vperm.xlane v62, v9;
	[tilespmem:s28+$0xC970] =	vst v49  }
0x1f9: {  	v52 =	vperm.xlane v6, v9;
	[tilespmem:s28+$0xC9F0] =	vst v50  }
0x1fa: {  	v53 =	vperm.xlane v5, v9;
	[tilespmem:s28+$0xCA70] =	vst v51  }
0x1fb: {  	v54 =	vperm.xlane v2, v9;
	[tilespmem:s28+$0xCAF0] =	vst v52  }
0x1fc: {  	v9 =	vperm.xlane v3, v9;
	[tilespmem:s28+$0xCB70] =	vst v53  }
0x1fd: {  	[tilespmem:s28+$0xCBF0] =	vst v54  }
0x1fe: {  	[tilespmem:s28+$0xCC70] =	vst v9  }
0x1ff: {  	v9 =	vld [tilespmem:s29+$0x1E0];
	_ =	sdelay $0x4  }
0x200: {  	v55 =	vperm.xlane v1, v9  }
0x201: {  	v56 =	vperm.xlane v4, v9  }
0x202: {  	v57 =	vperm.xlane v7, v9;
	[tilespmem:s28+$0xC900] =	vst v55  }
0x203: {  	v58 =	vperm.xlane v62, v9;
	[tilespmem:s28+$0xC980] =	vst v56  }
0x204: {  	v59 =	vperm.xlane v6, v9;
	[tilespmem:s28+$0xCA00] =	vst v57  }
0x205: {  	v60 =	vperm.xlane v5, v9;
	[tilespmem:s28+$0xCA80] =	vst v58  }
0x206: {  	v61 =	vperm.xlane v2, v9;
	[tilespmem:s28+$0xCB00] =	vst v59  }
0x207: {  	v9 =	vperm.xlane v3, v9;
	[tilespmem:s28+$0xCB80] =	vst v60  }
0x208: {  	[tilespmem:s28+$0xCC00] =	vst v61  }
0x209: {  	[tilespmem:s28+$0xCC80] =	vst v9  }
0x20a: {  	v9 =	vld [tilespmem:s29+$0x1F0];
	_ =	sdelay $0x4  }
0x20b: {  	v1 =	vperm.xlane v1, v9  }
0x20c: {  	v4 =	vperm.xlane v4, v9  }
0x20d: {  	[tilespmem:s28+$0xC910] =	vst v1;
	v1 =	vperm.xlane v7, v9  }
0x20e: {  	v62 =	vperm.xlane v62, v9;
	[tilespmem:s28+$0xC990] =	vst v4  }
0x20f: {  	[tilespmem:s28+$0xCA10] =	vst v1;
	v1 =	vperm.xlane v6, v9  }
0x210: {  	p0 =	slt.u32 s24, $0x33C;
	v63 =	vperm.xlane v5, v9;
	[tilespmem:s28+$0xCA90] =	vst v62  }
.Ltmp1:
0x211: {  	[tilespmem:s28+$0xCB10] =	vst v1;
	v1 =	vperm.xlane v2, v9;
	(pc) =	sbr.rel @p0 .LBB2_4-.Ltmp1, $4  }
0x212: {  	[tilespmem:s28+$0xCB90] =	vst v63;
	v2 =	vperm.xlane v3, v9  }
0x213: {  	s25 =	sadd.s32 $0x1, s25;
	[tilespmem:s28+$0xCC10] =	vst v1  }
0x214: {  	s26 =	sadd.s32 $0x1000, s26;
	s31 =	sadd.s32 s30, s10;
	s29 =	sadd.s32 $0xC8A0, s28;
	[tilespmem:s28+$0xCC90] =	vst v2  }
0x215: {  	[hbm4b:s31+s4] =	stream.linear.scatter [tilespmem:s29], [sflag:$0x3], $0x400, $0x38;
	[tilespmem:$0xDCA0] =	vst v63  }
0x216: {  	_ =	swait.ge [sflag:s21], $0x400  }
0x217: {  	[sflag:s21] =	ssyncset.done $0x0  }
0x218: {  	[sflag:s21] =	ssyncadd.s32 $0xFFFFFC00  }
0x219: {  	_ =	swait.ge [sflag:s21], $0x400  }
0x21a: {  	[sflag:s21] =	ssyncset.done $0x0  }
0x21b: {  	[sflag:s21] =	ssyncadd.s32 $0xFFFFFC00  }
0x21c: {  	_ =	swait.ge [sflag:s21], $0x400  }
0x21d: {  	[sflag:s21] =	ssyncset.done $0x0  }
0x21e: {  	[sflag:s21] =	ssyncadd.s32 $0xFFFFFC00  }
0x21f: {  	_ =	swait.ge [sflag:s21], $0x400  }
0x220: {  	[sflag:s21] =	ssyncset.done $0x0  }
0x221: {  	[sflag:s21] =	ssyncadd.s32 $0xFFFFFC00  }
0x222: {  	_ =	swait.ge [sflag:s22], $0x400  }
0x223: {  	[sflag:s22] =	ssyncset.done $0x0  }
0x224: {  	[sflag:s22] =	ssyncadd.s32 $0xFFFFFC00  }
0x225: {  	_ =	swait.ge [sflag:s22], $0x400  }
0x226: {  	[sflag:s22] =	ssyncset.done $0x0  }
0x227: {  	s23 =	sadd.s32 $0x1, s23;
	[sflag:s22] =	ssyncadd.s32 $0xFFFFFC00  }
0x228: {  	p0 =	sne.s32 s23, s11;
	_ =	swait.ge [sflag:s22], $0x400  }
.Ltmp2:
0x229: {  	[sflag:s22] =	ssyncset.done $0x0;
	(pc) =	sbr.rel @p0 .LBB2_1-.Ltmp2, $4  }
0x22a: {  	[sflag:s22] =	ssyncadd.s32 $0xFFFFFC00  }
0x22b: {  	_ =	swait.ge [sflag:s22], $0x400  }
0x22c: {  	[sflag:s22] =	ssyncset.done $0x0  }
0x22d: {  	[sflag:s22] =	ssyncadd.s32 $0xFFFFFC00  }
0x22e: {  	_ =	sfence.sel $0x180000  }
0x22f: {  	[bflag:$0x0] =	sbarrier.arrive $0xFFFF  }
0x230: {  	_ =	strace $0x90000047  }
0x231: {  	s0 =	stileid.u32;
	[bflag:$0x2] =	sbarrier.arrive $0xFFFF  }
0x232: {  	p0 =	sne.s32 s0, $0x0;
	s0 =	rddreg [dreg:$0x4]  }
0x233: {  	s0 =	sadd.s32 @!p0 $0x100000, s0  }
0x234: {  	[sflag:s0] =	ssyncadd.tile.s32 @!p0 $0x1;
	_ =	shalt  }
.Lfunc_end2:
_tile_overlayer_lowered:
.L_overlay_start_2:
0x235: {  	(tag) =	ssettag $0x2  }
0x236: {  	s0 =	rddreg [dreg:$0x0];
	s2 =	stileid.u32  }
0x237: {  	s1 =	rddreg [dreg:$0x1];
	p0 =	sne.s32 s2, $0x0  }
0x238: {  	s3 =	rddreg [dreg:$0x2];
	[bflag:$0x3] =	sbarrier.arrive $0xFFFF;
	s2 =	simm.s32 @!p0 $0x1C04  }
0x239: {  	[timem:s3], [sflag:s2] =	dma.local @!p0 [hbm:s0], s1  }
0x23a: {  	s0 =	simm.s32 @!p0 $0x4  }
0x23b: {  	_ =	swait.ge @!p0 [sflag:s0], s1  }
0x23c: {  	s1 =	ssub.s32 @!p0 $0x0, s1;
	[sflag:s0] =	ssyncset.done @!p0 $0x0  }
0x23d: {  	[sflag:s0] =	ssyncadd.s32 @!p0 s1  }
0x23e: {  	[bflag:$0x3] =	sbarrier.arrive $0xFFFF  }
0x23f: {  	_ =	shalt  }

</sc_bundles>
